<compile_context>
chip_gen: v7x
topology: tpu7x:2x2x1
jax: 0.10.2.dev20260603
libtpu: 0.0.44.dev20260713+nightly
codegen_flags: <defaults>
</compile_context>

<pallas_src>
import functools

import jax
import jax.numpy as jnp
from jax import lax
from jax.experimental import pallas as pl
from jax.experimental.pallas import tpu as pltpu
from jax.experimental.pallas import tpu_sc as plsc

N = 10000
E = 320000
NP = 10240
F = 8
NC = 2
NS = 16
NW = NC * NS
EPT = E // NW
CH = 20
CHUNK = 512
DUMMY = N
RPS = NP // NS

_mesh = plsc.VectorSubcoreMesh(core_axis_name="c", subcore_axis_name="s")
_sc_params = pltpu.CompilerParams(use_tc_tiling_on_sc=False)


def _make_sc_prep():
    def body(erow_hbm, ecol_hbm, zeros_hbm, ones_hbm,
             rowp_hbm, colp_hbm, degp_hbm,
             row_v, col_v, rowp_v, colp_v, ones_v, deg_sh, dsem):
        cid = lax.axis_index("c")
        sid = lax.axis_index("s")
        wid = cid * NS + sid
        base = wid * EPT

        pltpu.sync_copy(zeros_hbm.at[pl.ds(sid * RPS, RPS)],
                        deg_sh.at[pl.ds(sid * RPS, RPS)])
        pltpu.sync_copy(ones_hbm, ones_v)
        plsc.subcore_barrier()

        pltpu.sync_copy(erow_hbm.at[pl.ds(base, EPT)],
                        row_v.at[pl.ds(0, EPT)])
        pltpu.sync_copy(ecol_hbm.at[pl.ds(base, EPT)],
                        col_v.at[pl.ds(0, EPT)])

        lane = lax.iota(jnp.int32, 16)

        def fill(ci, carry):
            for l in range(CHUNK // 16):
                off = ci * CHUNK + l * 16
                r = row_v[pl.ds(off, 16)]
                c = col_v[pl.ds(off, 16)]
                valid = (off + lane) < EPT
                rp = jnp.where(valid & (r != c), r, DUMMY)
                cp = jnp.where(valid, c, DUMMY)
                rowp_v[ci, pl.ds(l * 16, 16)] = rp
                colp_v[ci, pl.ds(l * 16, 16)] = cp
            pltpu.async_copy(ones_v, deg_sh.at[rowp_v.at[ci]], dsem,
                             add=True)
            return carry

        lax.fori_loop(0, CH, fill, 0)

        pltpu.sync_copy(rowp_v, rowp_hbm.at[wid])
        pltpu.sync_copy(colp_v, colp_hbm.at[wid])

        def drain(ci, carry):
            pltpu.make_async_copy(ones_v, deg_sh.at[rowp_v.at[ci]],
                                  dsem).wait()
            return carry

        lax.fori_loop(0, CH, drain, 0)
        plsc.subcore_barrier()
        pltpu.sync_copy(deg_sh.at[pl.ds(sid * RPS, RPS)],
                        degp_hbm.at[cid, pl.ds(sid * RPS, RPS)])

    return pl.kernel(
        body,
        out_type=[
            jax.ShapeDtypeStruct((NW, CH, CHUNK), jnp.int32),
            jax.ShapeDtypeStruct((NW, CH, CHUNK), jnp.int32),
            jax.ShapeDtypeStruct((NC, NP, F), jnp.float32),
        ],
        mesh=_mesh,
        scratch_types=[
            pltpu.VMEM((EPT + 240,), jnp.int32),
            pltpu.VMEM((EPT + 240,), jnp.int32),
            pltpu.VMEM((CH, CHUNK), jnp.int32),
            pltpu.VMEM((CH, CHUNK), jnp.int32),
            pltpu.VMEM((CHUNK, F), jnp.float32),
            pltpu.VMEM_SHARED((NP, F), jnp.float32),
            pltpu.SemaphoreType.DMA,
        ],
        compiler_params=_sc_params,
    )


_NBUF = 4


def _make_sc_prop():
    def body(rowp_hbm, colp_hbm, table_hbm, zeros_hbm, zp_hbm,
             rowp_v, colp_v, pay, z_shared, gsem, ssem):
        cid = lax.axis_index("c")
        sid = lax.axis_index("s")
        wid = cid * NS + sid

        pltpu.sync_copy(zeros_hbm.at[pl.ds(sid * RPS, RPS)],
                        z_shared.at[pl.ds(sid * RPS, RPS)])
        pltpu.sync_copy(rowp_hbm.at[wid], rowp_v)
        pltpu.sync_copy(colp_hbm.at[wid], colp_v)
        plsc.subcore_barrier()

        for b in range(_NBUF):
            pltpu.async_copy(table_hbm.at[rowp_v.at[b]], pay[b], gsem[b])

        def step(t, carry):
            for b in range(_NBUF):
                ci = t * _NBUF + b
                pltpu.make_async_copy(table_hbm.at[rowp_v.at[ci]],
                                      pay[b], gsem[b]).wait()
                pltpu.async_copy(pay[b], z_shared.at[colp_v.at[ci]],
                                 ssem[b], add=True)
            for b in range(_NBUF):
                ci = t * _NBUF + _NBUF + b
                pltpu.make_async_copy(pay[b],
                                      z_shared.at[colp_v.at[ci]],
                                      ssem[b]).wait()
                pltpu.async_copy(table_hbm.at[rowp_v.at[ci]],
                                 pay[b], gsem[b])
            return carry

        lax.fori_loop(0, CH // _NBUF - 1, step, 0)

        for b in range(_NBUF):
            ci = CH - _NBUF + b
            pltpu.make_async_copy(table_hbm.at[rowp_v.at[ci]],
                                  pay[b], gsem[b]).wait()
            pltpu.async_copy(pay[b], z_shared.at[colp_v.at[ci]],
                             ssem[b], add=True)
        for b in range(_NBUF):
            pltpu.make_async_copy(pay[b], z_shared.at[colp_v.at[b]],
                                  ssem[b]).wait()

        plsc.subcore_barrier()
        pltpu.sync_copy(z_shared.at[pl.ds(sid * RPS, RPS)],
                        zp_hbm.at[cid, pl.ds(sid * RPS, RPS)])

    return pl.kernel(
        body,
        out_type=jax.ShapeDtypeStruct((NC, NP, F), jnp.float32),
        mesh=_mesh,
        scratch_types=[
            pltpu.VMEM((CH, CHUNK), jnp.int32),
            pltpu.VMEM((CH, CHUNK), jnp.int32),
            [pltpu.VMEM((CHUNK, F), jnp.float32)] * _NBUF,
            pltpu.VMEM_SHARED((NP, F), jnp.float32),
            [pltpu.SemaphoreType.DMA] * _NBUF,
            [pltpu.SemaphoreType.DMA] * _NBUF,
        ],
        compiler_params=_sc_params,
    )


_R = 1024


def _tca_body(x_ref, degp_ref, w_ref, b_ref, a1_ref, y1s_ref, dinv_ref):
    deg = degp_ref[0, :, 0] + degp_ref[1, :, 0]
    dinv = jnp.where(deg > 0.0, lax.rsqrt(deg), 0.0)
    o8 = jnp.dot(x_ref[...], w_ref[...],
                 preferred_element_type=jnp.float32) + b_ref[...]
    a1_ref[...] = o8[:, 0:F]
    y1s_ref[...] = o8[:, F:2 * F] * dinv[:, None]
    dinv_ref[...] = jnp.broadcast_to(dinv[:, None], (_R, F))


def _tcb_body(a1_ref, zp_ref, dinv_ref, h1_ref, h1s_ref):
    i = pl.program_id(0)
    dinv = dinv_ref[...]
    z1 = -dinv * (zp_ref[0] + zp_ref[1])
    h1 = jnp.maximum(a1_ref[...] + z1, 0.0)
    h1_ref[...] = h1
    rows = i * _R + lax.broadcasted_iota(jnp.int32, (_R, F), 0)
    h1s_ref[...] = jnp.where(rows < N, dinv * h1, 0.0)


def _tcc_body(h1_ref, zp_ref, dinv_ref, w2_ref, b2_ref, wl_ref, bl_ref,
              out_ref):
    z2 = -dinv_ref[...] * (zp_ref[0] + zp_ref[1])
    g8 = jnp.concatenate([h1_ref[...], z2], axis=1)
    g = jnp.maximum(
        jnp.dot(g8, w2_ref[...], preferred_element_type=jnp.float32)
        + b2_ref[...], 0.0)
    out_ref[...] = (jnp.dot(g, wl_ref[...],
                            preferred_element_type=jnp.float32)
                    + bl_ref[...])


def _row_spec(feat):
    return pl.BlockSpec((_R, feat), lambda i: (i, 0))


def _part_spec(feat):
    return pl.BlockSpec((NC, _R, feat), lambda i: (0, i, 0))


def _full_spec(a, b):
    return pl.BlockSpec((a, b), lambda i: (0, 0))


_GRID = NP // _R

_tca = pl.pallas_call(
    _tca_body,
    grid=(_GRID,),
    in_specs=[_row_spec(128), _part_spec(F), _full_spec(128, 2 * F),
              _full_spec(1, 2 * F)],
    out_specs=[_row_spec(F), _row_spec(F), _row_spec(F)],
    out_shape=[jax.ShapeDtypeStruct((NP, F), jnp.float32)] * 3,
)

_tcb = pl.pallas_call(
    _tcb_body,
    grid=(_GRID,),
    in_specs=[_row_spec(F), _part_spec(F), _row_spec(F)],
    out_specs=[_row_spec(F), _row_spec(F)],
    out_shape=[jax.ShapeDtypeStruct((NP, F), jnp.float32)] * 2,
)

_tcc = pl.pallas_call(
    _tcc_body,
    grid=(_GRID,),
    in_specs=[_row_spec(F), _part_spec(F), _row_spec(F),
              _full_spec(2 * F, 128), _full_spec(1, 128),
              _full_spec(128, 128), _full_spec(1, 128)],
    out_specs=_row_spec(128),
    out_shape=jax.ShapeDtypeStruct((NP, 128), jnp.float32),
)


@jax.jit
def kernel(x, edge_index, W1_0, W1_1, b1, W2_0, W2_1, b2, Wl, bl):
    f32 = jnp.float32
    x_pad = jnp.zeros((NP, 128), f32).at[:N].set(x)

    wcat = jnp.zeros((128, 2 * F), f32)
    wcat = wcat.at[:, 0:3].set(W1_0).at[:, F:F + 3].set(W1_1)
    bcat = jnp.zeros((1, 2 * F), f32).at[0, 0:3].set(b1)

    w2cat = jnp.zeros((2 * F, 128), f32)
    w2cat = w2cat.at[0:3].set(W2_0).at[F:F + 3].set(W2_1)
    b2r = jnp.reshape(b2, (1, 128))
    blr = jnp.reshape(bl, (1, 128))

    zeros_np = jnp.zeros((NP, F), f32)
    ones_ch = jnp.ones((CHUNK, F), f32)

    sc_prep = _make_sc_prep()
    sc_prop = _make_sc_prop()

    rowp, colp, degp = sc_prep(edge_index[0], edge_index[1],
                               zeros_np, ones_ch)
    a1, y1s, dinv = _tca(x_pad, degp, wcat, bcat)
    zp1 = sc_prop(rowp, colp, y1s, zeros_np)
    h1, h1s = _tcb(a1, zp1, dinv)
    zp2 = sc_prop(rowp, colp, h1s, zeros_np)
    out = _tcc(h1, zp2, dinv, w2cat, b2r, Wl, blr)
    return out[:N]

# --- scband reference (transcript-rebuilt; emitter-appended) ---
"""Pipeline reference for scband-gcn-33036888441456 (READ-ONLY COPY).

The authoritative reference and input builder live on the scoring server;
editing this copy changes nothing except your own understanding.
"""

import jax, jax.numpy as jnp
import numpy as np

N = 10000
E = 320000
D_IN = 128
D_HID = 3
D_OUT = 128
D_TR = 128


def cheb_prop(x, row, col, w, n):
    # L_hat = (2/lambda_max)*L - I with lambda_max=2 and sym-normalized Laplacian
    # reduces to L_hat = -D^{-1/2} A D^{-1/2} (zero diagonal), self-loops removed via w
    deg = jax.ops.segment_sum(w, row, num_segments=n)
    dinv = jnp.where(deg > 0, 1.0 / jnp.sqrt(deg), 0.0)
    norm = -dinv[row] * w * dinv[col]
    return jax.ops.segment_sum(norm[:, None] * x[row], col, num_segments=n)


def cheb_conv(x, row, col, w, W0, W1, b):
    # K=2 Chebyshev: out = Tx_0 @ W0 + Tx_1 @ W1 + b, Tx_0 = x, Tx_1 = L_hat x
    tx0 = x
    tx1 = cheb_prop(x, row, col, w, x.shape[0])
    return tx0 @ W0 + tx1 @ W1 + b


def setup_inputs(seed: int = 0) -> dict:
    key = jax.random.key(seed)
    ks = jax.random.split(key, 12)
    x = jax.random.normal(ks[0], (N, D_IN), dtype=jnp.float32)
    edge_index = jax.random.randint(ks[1], (2, E), 0, N, dtype=jnp.int32)
    W1_0 = jax.random.normal(ks[2], (D_IN, D_HID), dtype=jnp.float32) * (1.0 / np.sqrt(D_IN))
    W1_1 = jax.random.normal(ks[3], (D_IN, D_HID), dtype=jnp.float32) * (1.0 / np.sqrt(D_IN))
    b1 = jnp.zeros((D_HID,), dtype=jnp.float32)
    W2_0 = jax.random.normal(ks[4], (D_HID, D_OUT), dtype=jnp.float32) * (1.0 / np.sqrt(D_HID))
    W2_1 = jax.random.normal(ks[5], (D_HID, D_OUT), dtype=jnp.float32) * (1.0 / np.sqrt(D_HID))
    b2 = jnp.zeros((D_OUT,), dtype=jnp.float32)
    Wl = jax.random.normal(ks[6], (D_OUT, D_TR), dtype=jnp.float32) * (1.0 / np.sqrt(D_OUT))
    bl = jnp.zeros((D_TR,), dtype=jnp.float32)
    return {"x": x, "edge_index": edge_index, "W1_0": W1_0, "W1_1": W1_1, "b1": b1,
            "W2_0": W2_0, "W2_1": W2_1, "b2": b2, "Wl": Wl, "bl": bl}


def reference(x, edge_index, W1_0, W1_1, b1, W2_0, W2_1, b2, Wl, bl):
    row, col = edge_index[0], edge_index[1]
    # remove_self_loops: zero out self-loop edges (excluded from degree and messages)
    w = jnp.where(row != col, 1.0, 0.0).astype(x.dtype)
    h = jax.nn.relu(cheb_conv(x, row, col, w, W1_0, W1_1, b1))
    h = jax.nn.relu(cheb_conv(h, row, col, w, W2_0, W2_1, b2))
    return h @ Wl + bl

if __name__ == "__main__":
    import jax
    _d = setup_inputs()
    print(jax.jit(kernel)(*tuple(_d.values())))

</pallas_src>

<mosaic_0001>
#map = affine_map<(d0, d1) -> (0, 0, 0)>
#map1 = affine_map<(d0, d1) -> (0, 0)>
module attributes {stable_mosaic.version = 14 : i64} {
  func.func @body(%arg0: i32, %arg1: i32, %arg2: memref<32x20x512xi32, #tpu.memory_space<hbm>>, %arg3: memref<32x20x512xi32, #tpu.memory_space<hbm>>, %arg4: memref<10240x8xf32, #tpu.memory_space<hbm>>, %arg5: memref<10240x8xf32, #tpu.memory_space<hbm>>, %arg6: memref<2x10240x8xf32, #tpu.memory_space<hbm>>, %arg7: memref<20x512xi32, #tpu.memory_space<vmem>>, %arg8: memref<20x512xi32, #tpu.memory_space<vmem>>, %arg9: memref<512x8xf32, #tpu.memory_space<vmem>>, %arg10: memref<512x8xf32, #tpu.memory_space<vmem>>, %arg11: memref<512x8xf32, #tpu.memory_space<vmem>>, %arg12: memref<512x8xf32, #tpu.memory_space<vmem>>, %arg13: memref<10240x8xf32, #tpu.memory_space<vmem_shared>>, %arg14: memref<!tpu.dma_semaphore, #tpu.memory_space<semaphore_mem>>, %arg15: memref<!tpu.dma_semaphore, #tpu.memory_space<semaphore_mem>>, %arg16: memref<!tpu.dma_semaphore, #tpu.memory_space<semaphore_mem>>, %arg17: memref<!tpu.dma_semaphore, #tpu.memory_space<semaphore_mem>>, %arg18: memref<!tpu.dma_semaphore, #tpu.memory_space<semaphore_mem>>, %arg19: memref<!tpu.dma_semaphore, #tpu.memory_space<semaphore_mem>>, %arg20: memref<!tpu.dma_semaphore, #tpu.memory_space<semaphore_mem>>, %arg21: memref<!tpu.dma_semaphore, #tpu.memory_space<semaphore_mem>>) attributes {dimension_semantics = [#tpu.dimension_semantics<core_parallel>, #tpu.dimension_semantics<subcore_parallel>], iteration_bounds = array<i64: 2, 16>, scalar_prefetch = 0 : i64, scratch_operands = 15 : i64, tpu.core_type = #tpu.core_type<sc_vector_subcore>, window_params = [{transform_indices = #map}, {transform_indices = #map}, {transform_indices = #map1}, {transform_indices = #map1}, {transform_indices = #map}]} {
    %mul3A = arith.constant 16 : i32
    %mul3A_0 = arith.muli %arg0, %mul3A : i32
    %add3A = arith.addi %mul3A_0, %arg1 : i32
    %mul3A_1 = arith.constant 640 : i32
    %mul3A_2 = arith.muli %arg1, %mul3A_1 : i32
    %mul3A_3 = arith.constant 640 : i32
    %mul3A_4 = arith.muli %arg1, %mul3A_3 : i32
    "tpu.region"() ({
      %run_scoped3A = tpu.sem_alloc : memref<!tpu.dma_semaphore, #tpu.memory_space<semaphore_mem>>
      %dma_start3A_125 = arith.constant 0 : i32
      %dma_start3A_126 = tpu.memref_slice %arg13[%mul3A_4, %dma_start3A_125] : memref<10240x8xf32, #tpu.memory_space<vmem_shared>> -> memref<640x8xf32, #tpu.memory_space<vmem_shared>>
      %dma_start3A_127 = arith.constant 0 : i32
      %dma_start3A_128 = tpu.memref_slice %arg5[%mul3A_2, %dma_start3A_127] : memref<10240x8xf32, #tpu.memory_space<hbm>> -> memref<640x8xf32, #tpu.memory_space<hbm>>
      tpu.enqueue_dma source(%dma_start3A_128 : memref<640x8xf32, #tpu.memory_space<hbm>>) target(%dma_start3A_126 : memref<640x8xf32, #tpu.memory_space<vmem_shared>>) target_semaphore(%run_scoped3A : memref<!tpu.dma_semaphore, #tpu.memory_space<semaphore_mem>>)
      %dma_wait3A_129 = arith.constant 0 : i32
      %dma_wait3A_130 = tpu.memref_slice %arg13[%mul3A_4, %dma_wait3A_129] : memref<10240x8xf32, #tpu.memory_space<vmem_shared>> -> memref<640x8xf32, #tpu.memory_space<vmem_shared>>
      %dma_wait3A_131 = arith.constant 0 : i32
      %dma_wait3A_132 = tpu.memref_slice %arg5[%mul3A_2, %dma_wait3A_131] : memref<10240x8xf32, #tpu.memory_space<hbm>> -> memref<640x8xf32, #tpu.memory_space<hbm>>
      tpu.wait_dma2 semaphore(%run_scoped3A : memref<!tpu.dma_semaphore, #tpu.memory_space<semaphore_mem>>) src(%dma_wait3A_132 : memref<640x8xf32, #tpu.memory_space<hbm>>) dst(%dma_wait3A_130 : memref<640x8xf32, #tpu.memory_space<vmem_shared>>)
      tpu.yield
    }) : () -> ()
    "tpu.region"() ({
      %run_scoped3A = tpu.sem_alloc : memref<!tpu.dma_semaphore, #tpu.memory_space<semaphore_mem>>
      %dma_start3A_125 = arith.constant 0 : i32
      %dma_start3A_126 = arith.constant 0 : i32
      %dma_start3A_127 = tpu.memref_slice %arg2[%add3A, %dma_start3A_125, %dma_start3A_126] : memref<32x20x512xi32, #tpu.memory_space<hbm>> -> memref<1x20x512xi32, #tpu.memory_space<hbm>>
      %dma_start3A_128 = tpu.memref_squeeze %dma_start3A_127 : memref<1x20x512xi32, #tpu.memory_space<hbm>> -> memref<20x512xi32, #tpu.memory_space<hbm>>
      %dma_start3A_129 = arith.constant 0 : i32
      %dma_start3A_130 = arith.constant 0 : i32
      %dma_start3A_131 = tpu.memref_slice %arg2[%add3A, %dma_start3A_129, %dma_start3A_130] : memref<32x20x512xi32, #tpu.memory_space<hbm>> -> memref<1x20x512xi32, #tpu.memory_space<hbm>>
      %dma_start3A_132 = tpu.memref_squeeze %dma_start3A_131 : memref<1x20x512xi32, #tpu.memory_space<hbm>> -> memref<20x512xi32, #tpu.memory_space<hbm>>
      tpu.enqueue_dma source(%dma_start3A_132 : memref<20x512xi32, #tpu.memory_space<hbm>>) target(%arg7 : memref<20x512xi32, #tpu.memory_space<vmem>>) target_semaphore(%run_scoped3A : memref<!tpu.dma_semaphore, #tpu.memory_space<semaphore_mem>>)
      %dma_wait3A_133 = arith.constant 0 : i32
      %dma_wait3A_134 = arith.constant 0 : i32
      %dma_wait3A_135 = tpu.memref_slice %arg2[%add3A, %dma_wait3A_133, %dma_wait3A_134] : memref<32x20x512xi32, #tpu.memory_space<hbm>> -> memref<1x20x512xi32, #tpu.memory_space<hbm>>
      %dma_wait3A_136 = tpu.memref_squeeze %dma_wait3A_135 : memref<1x20x512xi32, #tpu.memory_space<hbm>> -> memref<20x512xi32, #tpu.memory_space<hbm>>
      %dma_wait3A_137 = arith.constant 0 : i32
      %dma_wait3A_138 = arith.constant 0 : i32
      %dma_wait3A_139 = tpu.memref_slice %arg2[%add3A, %dma_wait3A_137, %dma_wait3A_138] : memref<32x20x512xi32, #tpu.memory_space<hbm>> -> memref<1x20x512xi32, #tpu.memory_space<hbm>>
      %dma_wait3A_140 = tpu.memref_squeeze %dma_wait3A_139 : memref<1x20x512xi32, #tpu.memory_space<hbm>> -> memref<20x512xi32, #tpu.memory_space<hbm>>
      tpu.wait_dma2 semaphore(%run_scoped3A : memref<!tpu.dma_semaphore, #tpu.memory_space<semaphore_mem>>) src(%dma_wait3A_140 : memref<20x512xi32, #tpu.memory_space<hbm>>) dst(%arg7 : memref<20x512xi32, #tpu.memory_space<vmem>>)
      tpu.yield
    }) : () -> ()
    "tpu.region"() ({
      %run_scoped3A = tpu.sem_alloc : memref<!tpu.dma_semaphore, #tpu.memory_space<semaphore_mem>>
      %dma_start3A_125 = arith.constant 0 : i32
      %dma_start3A_126 = arith.constant 0 : i32
      %dma_start3A_127 = tpu.memref_slice %arg3[%add3A, %dma_start3A_125, %dma_start3A_126] : memref<32x20x512xi32, #tpu.memory_space<hbm>> -> memref<1x20x512xi32, #tpu.memory_space<hbm>>
      %dma_start3A_128 = tpu.memref_squeeze %dma_start3A_127 : memref<1x20x512xi32, #tpu.memory_space<hbm>> -> memref<20x512xi32, #tpu.memory_space<hbm>>
      %dma_start3A_129 = arith.constant 0 : i32
      %dma_start3A_130 = arith.constant 0 : i32
      %dma_start3A_131 = tpu.memref_slice %arg3[%add3A, %dma_start3A_129, %dma_start3A_130] : memref<32x20x512xi32, #tpu.memory_space<hbm>> -> memref<1x20x512xi32, #tpu.memory_space<hbm>>
      %dma_start3A_132 = tpu.memref_squeeze %dma_start3A_131 : memref<1x20x512xi32, #tpu.memory_space<hbm>> -> memref<20x512xi32, #tpu.memory_space<hbm>>
      tpu.enqueue_dma source(%dma_start3A_132 : memref<20x512xi32, #tpu.memory_space<hbm>>) target(%arg8 : memref<20x512xi32, #tpu.memory_space<vmem>>) target_semaphore(%run_scoped3A : memref<!tpu.dma_semaphore, #tpu.memory_space<semaphore_mem>>)
      %dma_wait3A_133 = arith.constant 0 : i32
      %dma_wait3A_134 = arith.constant 0 : i32
      %dma_wait3A_135 = tpu.memref_slice %arg3[%add3A, %dma_wait3A_133, %dma_wait3A_134] : memref<32x20x512xi32, #tpu.memory_space<hbm>> -> memref<1x20x512xi32, #tpu.memory_space<hbm>>
      %dma_wait3A_136 = tpu.memref_squeeze %dma_wait3A_135 : memref<1x20x512xi32, #tpu.memory_space<hbm>> -> memref<20x512xi32, #tpu.memory_space<hbm>>
      %dma_wait3A_137 = arith.constant 0 : i32
      %dma_wait3A_138 = arith.constant 0 : i32
      %dma_wait3A_139 = tpu.memref_slice %arg3[%add3A, %dma_wait3A_137, %dma_wait3A_138] : memref<32x20x512xi32, #tpu.memory_space<hbm>> -> memref<1x20x512xi32, #tpu.memory_space<hbm>>
      %dma_wait3A_140 = tpu.memref_squeeze %dma_wait3A_139 : memref<1x20x512xi32, #tpu.memory_space<hbm>> -> memref<20x512xi32, #tpu.memory_space<hbm>>
      tpu.wait_dma2 semaphore(%run_scoped3A : memref<!tpu.dma_semaphore, #tpu.memory_space<semaphore_mem>>) src(%dma_wait3A_140 : memref<20x512xi32, #tpu.memory_space<hbm>>) dst(%arg8 : memref<20x512xi32, #tpu.memory_space<vmem>>)
      tpu.yield
    }) : () -> ()
    %barrier3A = arith.constant 0 : index
    tpu.barrier barrier_id(%barrier3A)
    %dma_start3A = arith.constant 0 : i32
    %dma_start3A_5 = arith.constant 0 : i32
    %dma_start3A_6 = tpu.memref_slice %arg7[%dma_start3A, %dma_start3A_5] : memref<20x512xi32, #tpu.memory_space<vmem>> -> memref<1x512xi32, #tpu.memory_space<vmem>>
    %dma_start3A_7 = tpu.memref_squeeze %dma_start3A_6 : memref<1x512xi32, #tpu.memory_space<vmem>> -> memref<512xi32, #tpu.memory_space<vmem>>
    %dma_start3A_8 = arith.constant 0 : i32
    %dma_start3A_9 = arith.constant 0 : i32
    %dma_start3A_10 = tpu.memref_slice %arg4[%dma_start3A_8, %dma_start3A_9] : memref<10240x8xf32, #tpu.memory_space<hbm>> -> memref<10240x8xf32, #tpu.memory_space<hbm>>
    tpu.enqueue_indirect_dma source(%dma_start3A_10 : memref<10240x8xf32, #tpu.memory_space<hbm>>) target(%arg9 : memref<512x8xf32, #tpu.memory_space<vmem>>) offsets(%dma_start3A_7 : memref<512xi32, #tpu.memory_space<vmem>>) semaphore(%arg14 : memref<!tpu.dma_semaphore, #tpu.memory_space<semaphore_mem>>)
    %dma_start3A_11 = arith.constant 1 : i32
    %dma_start3A_12 = arith.constant 0 : i32
    %dma_start3A_13 = tpu.memref_slice %arg7[%dma_start3A_11, %dma_start3A_12] : memref<20x512xi32, #tpu.memory_space<vmem>> -> memref<1x512xi32, #tpu.memory_space<vmem>>
    %dma_start3A_14 = tpu.memref_squeeze %dma_start3A_13 : memref<1x512xi32, #tpu.memory_space<vmem>> -> memref<512xi32, #tpu.memory_space<vmem>>
    %dma_start3A_15 = arith.constant 0 : i32
    %dma_start3A_16 = arith.constant 0 : i32
    %dma_start3A_17 = tpu.memref_slice %arg4[%dma_start3A_15, %dma_start3A_16] : memref<10240x8xf32, #tpu.memory_space<hbm>> -> memref<10240x8xf32, #tpu.memory_space<hbm>>
    tpu.enqueue_indirect_dma source(%dma_start3A_17 : memref<10240x8xf32, #tpu.memory_space<hbm>>) target(%arg10 : memref<512x8xf32, #tpu.memory_space<vmem>>) offsets(%dma_start3A_14 : memref<512xi32, #tpu.memory_space<vmem>>) semaphore(%arg15 : memref<!tpu.dma_semaphore, #tpu.memory_space<semaphore_mem>>)
    %dma_start3A_18 = arith.constant 2 : i32
    %dma_start3A_19 = arith.constant 0 : i32
    %dma_start3A_20 = tpu.memref_slice %arg7[%dma_start3A_18, %dma_start3A_19] : memref<20x512xi32, #tpu.memory_space<vmem>> -> memref<1x512xi32, #tpu.memory_space<vmem>>
    %dma_start3A_21 = tpu.memref_squeeze %dma_start3A_20 : memref<1x512xi32, #tpu.memory_space<vmem>> -> memref<512xi32, #tpu.memory_space<vmem>>
    %dma_start3A_22 = arith.constant 0 : i32
    %dma_start3A_23 = arith.constant 0 : i32
    %dma_start3A_24 = tpu.memref_slice %arg4[%dma_start3A_22, %dma_start3A_23] : memref<10240x8xf32, #tpu.memory_space<hbm>> -> memref<10240x8xf32, #tpu.memory_space<hbm>>
    tpu.enqueue_indirect_dma source(%dma_start3A_24 : memref<10240x8xf32, #tpu.memory_space<hbm>>) target(%arg11 : memref<512x8xf32, #tpu.memory_space<vmem>>) offsets(%dma_start3A_21 : memref<512xi32, #tpu.memory_space<vmem>>) semaphore(%arg16 : memref<!tpu.dma_semaphore, #tpu.memory_space<semaphore_mem>>)
    %dma_start3A_25 = arith.constant 3 : i32
    %dma_start3A_26 = arith.constant 0 : i32
    %dma_start3A_27 = tpu.memref_slice %arg7[%dma_start3A_25, %dma_start3A_26] : memref<20x512xi32, #tpu.memory_space<vmem>> -> memref<1x512xi32, #tpu.memory_space<vmem>>
    %dma_start3A_28 = tpu.memref_squeeze %dma_start3A_27 : memref<1x512xi32, #tpu.memory_space<vmem>> -> memref<512xi32, #tpu.memory_space<vmem>>
    %dma_start3A_29 = arith.constant 0 : i32
    %dma_start3A_30 = arith.constant 0 : i32
    %dma_start3A_31 = tpu.memref_slice %arg4[%dma_start3A_29, %dma_start3A_30] : memref<10240x8xf32, #tpu.memory_space<hbm>> -> memref<10240x8xf32, #tpu.memory_space<hbm>>
    tpu.enqueue_indirect_dma source(%dma_start3A_31 : memref<10240x8xf32, #tpu.memory_space<hbm>>) target(%arg12 : memref<512x8xf32, #tpu.memory_space<vmem>>) offsets(%dma_start3A_28 : memref<512xi32, #tpu.memory_space<vmem>>) semaphore(%arg17 : memref<!tpu.dma_semaphore, #tpu.memory_space<semaphore_mem>>)
    %scan3A = arith.constant 0 : i32
    %scan3A_32 = arith.constant 0 : i32
    %scan3A_33 = arith.constant 4 : i32
    %scan3A_34 = arith.addi %scan3A_32, %scan3A_33 : i32
    %scan3A_35 = arith.constant 1 : i32
    scf.for %scan3A_125 = %scan3A_32 to %scan3A_34 step %scan3A_35  : i32 {
      %mul3A_126 = arith.constant 4 : i32
      %mul3A_127 = arith.muli %scan3A_125, %mul3A_126 : i32
      %add3A_128 = arith.constant 0 : i32
      %add3A_129 = arith.addi %mul3A_127, %add3A_128 : i32
      %dma_wait3A_130 = arith.constant 0 : i32
      %dma_wait3A_131 = tpu.memref_slice %arg7[%add3A_129, %dma_wait3A_130] : memref<20x512xi32, #tpu.memory_space<vmem>> -> memref<1x512xi32, #tpu.memory_space<vmem>>
      %dma_wait3A_132 = tpu.memref_squeeze %dma_wait3A_131 : memref<1x512xi32, #tpu.memory_space<vmem>> -> memref<512xi32, #tpu.memory_space<vmem>>
      %dma_wait3A_133 = arith.constant 0 : i32
      %dma_wait3A_134 = arith.constant 0 : i32
      %dma_wait3A_135 = tpu.memref_slice %arg4[%dma_wait3A_133, %dma_wait3A_134] : memref<10240x8xf32, #tpu.memory_space<hbm>> -> memref<10240x8xf32, #tpu.memory_space<hbm>>
      tpu.wait_indirect_dma semaphore(%arg14 : memref<!tpu.dma_semaphore, #tpu.memory_space<semaphore_mem>>) src(%dma_wait3A_135 : memref<10240x8xf32, #tpu.memory_space<hbm>>) dst(%arg9 : memref<512x8xf32, #tpu.memory_space<vmem>>)
      %dma_start3A_136 = arith.constant 0 : i32
      %dma_start3A_137 = tpu.memref_slice %arg8[%add3A_129, %dma_start3A_136] : memref<20x512xi32, #tpu.memory_space<vmem>> -> memref<1x512xi32, #tpu.memory_space<vmem>>
      %dma_start3A_138 = tpu.memref_squeeze %dma_start3A_137 : memref<1x512xi32, #tpu.memory_space<vmem>> -> memref<512xi32, #tpu.memory_space<vmem>>
      %dma_start3A_139 = arith.constant 0 : i32
      %dma_start3A_140 = arith.constant 0 : i32
      %dma_start3A_141 = tpu.memref_slice %arg13[%dma_start3A_139, %dma_start3A_140] : memref<10240x8xf32, #tpu.memory_space<vmem_shared>> -> memref<10240x8xf32, #tpu.memory_space<vmem_shared>>
      tpu.enqueue_indirect_dma source(%arg9 : memref<512x8xf32, #tpu.memory_space<vmem>>) target(%dma_start3A_141 : memref<10240x8xf32, #tpu.memory_space<vmem_shared>>) offsets(%dma_start3A_138 : memref<512xi32, #tpu.memory_space<vmem>>) semaphore(%arg18 : memref<!tpu.dma_semaphore, #tpu.memory_space<semaphore_mem>>) {add = true}
      %mul3A_142 = arith.constant 4 : i32
      %mul3A_143 = arith.muli %scan3A_125, %mul3A_142 : i32
      %add3A_144 = arith.constant 1 : i32
      %add3A_145 = arith.addi %mul3A_143, %add3A_144 : i32
      %dma_wait3A_146 = arith.constant 0 : i32
      %dma_wait3A_147 = tpu.memref_slice %arg7[%add3A_145, %dma_wait3A_146] : memref<20x512xi32, #tpu.memory_space<vmem>> -> memref<1x512xi32, #tpu.memory_space<vmem>>
      %dma_wait3A_148 = tpu.memref_squeeze %dma_wait3A_147 : memref<1x512xi32, #tpu.memory_space<vmem>> -> memref<512xi32, #tpu.memory_space<vmem>>
      %dma_wait3A_149 = arith.constant 0 : i32
      %dma_wait3A_150 = arith.constant 0 : i32
      %dma_wait3A_151 = tpu.memref_slice %arg4[%dma_wait3A_149, %dma_wait3A_150] : memref<10240x8xf32, #tpu.memory_space<hbm>> -> memref<10240x8xf32, #tpu.memory_space<hbm>>
      tpu.wait_indirect_dma semaphore(%arg15 : memref<!tpu.dma_semaphore, #tpu.memory_space<semaphore_mem>>) src(%dma_wait3A_151 : memref<10240x8xf32, #tpu.memory_space<hbm>>) dst(%arg10 : memref<512x8xf32, #tpu.memory_space<vmem>>)
      %dma_start3A_152 = arith.constant 0 : i32
      %dma_start3A_153 = tpu.memref_slice %arg8[%add3A_145, %dma_start3A_152] : memref<20x512xi32, #tpu.memory_space<vmem>> -> memref<1x512xi32, #tpu.memory_space<vmem>>
      %dma_start3A_154 = tpu.memref_squeeze %dma_start3A_153 : memref<1x512xi32, #tpu.memory_space<vmem>> -> memref<512xi32, #tpu.memory_space<vmem>>
      %dma_start3A_155 = arith.constant 0 : i32
      %dma_start3A_156 = arith.constant 0 : i32
      %dma_start3A_157 = tpu.memref_slice %arg13[%dma_start3A_155, %dma_start3A_156] : memref<10240x8xf32, #tpu.memory_space<vmem_shared>> -> memref<10240x8xf32, #tpu.memory_space<vmem_shared>>
      tpu.enqueue_indirect_dma source(%arg10 : memref<512x8xf32, #tpu.memory_space<vmem>>) target(%dma_start3A_157 : memref<10240x8xf32, #tpu.memory_space<vmem_shared>>) offsets(%dma_start3A_154 : memref<512xi32, #tpu.memory_space<vmem>>) semaphore(%arg19 : memref<!tpu.dma_semaphore, #tpu.memory_space<semaphore_mem>>) {add = true}
      %mul3A_158 = arith.constant 4 : i32
      %mul3A_159 = arith.muli %scan3A_125, %mul3A_158 : i32
      %add3A_160 = arith.constant 2 : i32
      %add3A_161 = arith.addi %mul3A_159, %add3A_160 : i32
      %dma_wait3A_162 = arith.constant 0 : i32
      %dma_wait3A_163 = tpu.memref_slice %arg7[%add3A_161, %dma_wait3A_162] : memref<20x512xi32, #tpu.memory_space<vmem>> -> memref<1x512xi32, #tpu.memory_space<vmem>>
      %dma_wait3A_164 = tpu.memref_squeeze %dma_wait3A_163 : memref<1x512xi32, #tpu.memory_space<vmem>> -> memref<512xi32, #tpu.memory_space<vmem>>
      %dma_wait3A_165 = arith.constant 0 : i32
      %dma_wait3A_166 = arith.constant 0 : i32
      %dma_wait3A_167 = tpu.memref_slice %arg4[%dma_wait3A_165, %dma_wait3A_166] : memref<10240x8xf32, #tpu.memory_space<hbm>> -> memref<10240x8xf32, #tpu.memory_space<hbm>>
      tpu.wait_indirect_dma semaphore(%arg16 : memref<!tpu.dma_semaphore, #tpu.memory_space<semaphore_mem>>) src(%dma_wait3A_167 : memref<10240x8xf32, #tpu.memory_space<hbm>>) dst(%arg11 : memref<512x8xf32, #tpu.memory_space<vmem>>)
      %dma_start3A_168 = arith.constant 0 : i32
      %dma_start3A_169 = tpu.memref_slice %arg8[%add3A_161, %dma_start3A_168] : memref<20x512xi32, #tpu.memory_space<vmem>> -> memref<1x512xi32, #tpu.memory_space<vmem>>
      %dma_start3A_170 = tpu.memref_squeeze %dma_start3A_169 : memref<1x512xi32, #tpu.memory_space<vmem>> -> memref<512xi32, #tpu.memory_space<vmem>>
      %dma_start3A_171 = arith.constant 0 : i32
      %dma_start3A_172 = arith.constant 0 : i32
      %dma_start3A_173 = tpu.memref_slice %arg13[%dma_start3A_171, %dma_start3A_172] : memref<10240x8xf32, #tpu.memory_space<vmem_shared>> -> memref<10240x8xf32, #tpu.memory_space<vmem_shared>>
      tpu.enqueue_indirect_dma source(%arg11 : memref<512x8xf32, #tpu.memory_space<vmem>>) target(%dma_start3A_173 : memref<10240x8xf32, #tpu.memory_space<vmem_shared>>) offsets(%dma_start3A_170 : memref<512xi32, #tpu.memory_space<vmem>>) semaphore(%arg20 : memref<!tpu.dma_semaphore, #tpu.memory_space<semaphore_mem>>) {add = true}
      %mul3A_174 = arith.constant 4 : i32
      %mul3A_175 = arith.muli %scan3A_125, %mul3A_174 : i32
      %add3A_176 = arith.constant 3 : i32
      %add3A_177 = arith.addi %mul3A_175, %add3A_176 : i32
      %dma_wait3A_178 = arith.constant 0 : i32
      %dma_wait3A_179 = tpu.memref_slice %arg7[%add3A_177, %dma_wait3A_178] : memref<20x512xi32, #tpu.memory_space<vmem>> -> memref<1x512xi32, #tpu.memory_space<vmem>>
      %dma_wait3A_180 = tpu.memref_squeeze %dma_wait3A_179 : memref<1x512xi32, #tpu.memory_space<vmem>> -> memref<512xi32, #tpu.memory_space<vmem>>
      %dma_wait3A_181 = arith.constant 0 : i32
      %dma_wait3A_182 = arith.constant 0 : i32
      %dma_wait3A_183 = tpu.memref_slice %arg4[%dma_wait3A_181, %dma_wait3A_182] : memref<10240x8xf32, #tpu.memory_space<hbm>> -> memref<10240x8xf32, #tpu.memory_space<hbm>>
      tpu.wait_indirect_dma semaphore(%arg17 : memref<!tpu.dma_semaphore, #tpu.memory_space<semaphore_mem>>) src(%dma_wait3A_183 : memref<10240x8xf32, #tpu.memory_space<hbm>>) dst(%arg12 : memref<512x8xf32, #tpu.memory_space<vmem>>)
      %dma_start3A_184 = arith.constant 0 : i32
      %dma_start3A_185 = tpu.memref_slice %arg8[%add3A_177, %dma_start3A_184] : memref<20x512xi32, #tpu.memory_space<vmem>> -> memref<1x512xi32, #tpu.memory_space<vmem>>
      %dma_start3A_186 = tpu.memref_squeeze %dma_start3A_185 : memref<1x512xi32, #tpu.memory_space<vmem>> -> memref<512xi32, #tpu.memory_space<vmem>>
      %dma_start3A_187 = arith.constant 0 : i32
      %dma_start3A_188 = arith.constant 0 : i32
      %dma_start3A_189 = tpu.memref_slice %arg13[%dma_start3A_187, %dma_start3A_188] : memref<10240x8xf32, #tpu.memory_space<vmem_shared>> -> memref<10240x8xf32, #tpu.memory_space<vmem_shared>>
      tpu.enqueue_indirect_dma source(%arg12 : memref<512x8xf32, #tpu.memory_space<vmem>>) target(%dma_start3A_189 : memref<10240x8xf32, #tpu.memory_space<vmem_shared>>) offsets(%dma_start3A_186 : memref<512xi32, #tpu.memory_space<vmem>>) semaphore(%arg21 : memref<!tpu.dma_semaphore, #tpu.memory_space<semaphore_mem>>) {add = true}
      %mul3A_190 = arith.constant 4 : i32
      %mul3A_191 = arith.muli %scan3A_125, %mul3A_190 : i32
      %add3A_192 = arith.constant 4 : i32
      %add3A_193 = arith.addi %mul3A_191, %add3A_192 : i32
      %add3A_194 = arith.constant 0 : i32
      %add3A_195 = arith.addi %add3A_193, %add3A_194 : i32
      %dma_wait3A_196 = arith.constant 0 : i32
      %dma_wait3A_197 = tpu.memref_slice %arg8[%add3A_195, %dma_wait3A_196] : memref<20x512xi32, #tpu.memory_space<vmem>> -> memref<1x512xi32, #tpu.memory_space<vmem>>
      %dma_wait3A_198 = tpu.memref_squeeze %dma_wait3A_197 : memref<1x512xi32, #tpu.memory_space<vmem>> -> memref<512xi32, #tpu.memory_space<vmem>>
      %dma_wait3A_199 = arith.constant 0 : i32
      %dma_wait3A_200 = arith.constant 0 : i32
      %dma_wait3A_201 = tpu.memref_slice %arg13[%dma_wait3A_199, %dma_wait3A_200] : memref<10240x8xf32, #tpu.memory_space<vmem_shared>> -> memref<10240x8xf32, #tpu.memory_space<vmem_shared>>
      tpu.wait_indirect_dma semaphore(%arg18 : memref<!tpu.dma_semaphore, #tpu.memory_space<semaphore_mem>>) src(%arg9 : memref<512x8xf32, #tpu.memory_space<vmem>>) dst(%dma_wait3A_201 : memref<10240x8xf32, #tpu.memory_space<vmem_shared>>)
      %dma_start3A_202 = arith.constant 0 : i32
      %dma_start3A_203 = tpu.memref_slice %arg7[%add3A_195, %dma_start3A_202] : memref<20x512xi32, #tpu.memory_space<vmem>> -> memref<1x512xi32, #tpu.memory_space<vmem>>
      %dma_start3A_204 = tpu.memref_squeeze %dma_start3A_203 : memref<1x512xi32, #tpu.memory_space<vmem>> -> memref<512xi32, #tpu.memory_space<vmem>>
      %dma_start3A_205 = arith.constant 0 : i32
      %dma_start3A_206 = arith.constant 0 : i32
      %dma_start3A_207 = tpu.memref_slice %arg4[%dma_start3A_205, %dma_start3A_206] : memref<10240x8xf32, #tpu.memory_space<hbm>> -> memref<10240x8xf32, #tpu.memory_space<hbm>>
      tpu.enqueue_indirect_dma source(%dma_start3A_207 : memref<10240x8xf32, #tpu.memory_space<hbm>>) target(%arg9 : memref<512x8xf32, #tpu.memory_space<vmem>>) offsets(%dma_start3A_204 : memref<512xi32, #tpu.memory_space<vmem>>) semaphore(%arg14 : memref<!tpu.dma_semaphore, #tpu.memory_space<semaphore_mem>>)
      %mul3A_208 = arith.constant 4 : i32
      %mul3A_209 = arith.muli %scan3A_125, %mul3A_208 : i32
      %add3A_210 = arith.constant 4 : i32
      %add3A_211 = arith.addi %mul3A_209, %add3A_210 : i32
      %add3A_212 = arith.constant 1 : i32
      %add3A_213 = arith.addi %add3A_211, %add3A_212 : i32
      %dma_wait3A_214 = arith.constant 0 : i32
      %dma_wait3A_215 = tpu.memref_slice %arg8[%add3A_213, %dma_wait3A_214] : memref<20x512xi32, #tpu.memory_space<vmem>> -> memref<1x512xi32, #tpu.memory_space<vmem>>
      %dma_wait3A_216 = tpu.memref_squeeze %dma_wait3A_215 : memref<1x512xi32, #tpu.memory_space<vmem>> -> memref<512xi32, #tpu.memory_space<vmem>>
      %dma_wait3A_217 = arith.constant 0 : i32
      %dma_wait3A_218 = arith.constant 0 : i32
      %dma_wait3A_219 = tpu.memref_slice %arg13[%dma_wait3A_217, %dma_wait3A_218] : memref<10240x8xf32, #tpu.memory_space<vmem_shared>> -> memref<10240x8xf32, #tpu.memory_space<vmem_shared>>
      tpu.wait_indirect_dma semaphore(%arg19 : memref<!tpu.dma_semaphore, #tpu.memory_space<semaphore_mem>>) src(%arg10 : memref<512x8xf32, #tpu.memory_space<vmem>>) dst(%dma_wait3A_219 : memref<10240x8xf32, #tpu.memory_space<vmem_shared>>)
      %dma_start3A_220 = arith.constant 0 : i32
      %dma_start3A_221 = tpu.memref_slice %arg7[%add3A_213, %dma_start3A_220] : memref<20x512xi32, #tpu.memory_space<vmem>> -> memref<1x512xi32, #tpu.memory_space<vmem>>
      %dma_start3A_222 = tpu.memref_squeeze %dma_start3A_221 : memref<1x512xi32, #tpu.memory_space<vmem>> -> memref<512xi32, #tpu.memory_space<vmem>>
      %dma_start3A_223 = arith.constant 0 : i32
      %dma_start3A_224 = arith.constant 0 : i32
      %dma_start3A_225 = tpu.memref_slice %arg4[%dma_start3A_223, %dma_start3A_224] : memref<10240x8xf32, #tpu.memory_space<hbm>> -> memref<10240x8xf32, #tpu.memory_space<hbm>>
      tpu.enqueue_indirect_dma source(%dma_start3A_225 : memref<10240x8xf32, #tpu.memory_space<hbm>>) target(%arg10 : memref<512x8xf32, #tpu.memory_space<vmem>>) offsets(%dma_start3A_222 : memref<512xi32, #tpu.memory_space<vmem>>) semaphore(%arg15 : memref<!tpu.dma_semaphore, #tpu.memory_space<semaphore_mem>>)
      %mul3A_226 = arith.constant 4 : i32
      %mul3A_227 = arith.muli %scan3A_125, %mul3A_226 : i32
      %add3A_228 = arith.constant 4 : i32
      %add3A_229 = arith.addi %mul3A_227, %add3A_228 : i32
      %add3A_230 = arith.constant 2 : i32
      %add3A_231 = arith.addi %add3A_229, %add3A_230 : i32
      %dma_wait3A_232 = arith.constant 0 : i32
      %dma_wait3A_233 = tpu.memref_slice %arg8[%add3A_231, %dma_wait3A_232] : memref<20x512xi32, #tpu.memory_space<vmem>> -> memref<1x512xi32, #tpu.memory_space<vmem>>
      %dma_wait3A_234 = tpu.memref_squeeze %dma_wait3A_233 : memref<1x512xi32, #tpu.memory_space<vmem>> -> memref<512xi32, #tpu.memory_space<vmem>>
      %dma_wait3A_235 = arith.constant 0 : i32
      %dma_wait3A_236 = arith.constant 0 : i32
      %dma_wait3A_237 = tpu.memref_slice %arg13[%dma_wait3A_235, %dma_wait3A_236] : memref<10240x8xf32, #tpu.memory_space<vmem_shared>> -> memref<10240x8xf32, #tpu.memory_space<vmem_shared>>
      tpu.wait_indirect_dma semaphore(%arg20 : memref<!tpu.dma_semaphore, #tpu.memory_space<semaphore_mem>>) src(%arg11 : memref<512x8xf32, #tpu.memory_space<vmem>>) dst(%dma_wait3A_237 : memref<10240x8xf32, #tpu.memory_space<vmem_shared>>)
      %dma_start3A_238 = arith.constant 0 : i32
      %dma_start3A_239 = tpu.memref_slice %arg7[%add3A_231, %dma_start3A_238] : memref<20x512xi32, #tpu.memory_space<vmem>> -> memref<1x512xi32, #tpu.memory_space<vmem>>
      %dma_start3A_240 = tpu.memref_squeeze %dma_start3A_239 : memref<1x512xi32, #tpu.memory_space<vmem>> -> memref<512xi32, #tpu.memory_space<vmem>>
      %dma_start3A_241 = arith.constant 0 : i32
      %dma_start3A_242 = arith.constant 0 : i32
      %dma_start3A_243 = tpu.memref_slice %arg4[%dma_start3A_241, %dma_start3A_242] : memref<10240x8xf32, #tpu.memory_space<hbm>> -> memref<10240x8xf32, #tpu.memory_space<hbm>>
      tpu.enqueue_indirect_dma source(%dma_start3A_243 : memref<10240x8xf32, #tpu.memory_space<hbm>>) target(%arg11 : memref<512x8xf32, #tpu.memory_space<vmem>>) offsets(%dma_start3A_240 : memref<512xi32, #tpu.memory_space<vmem>>) semaphore(%arg16 : memref<!tpu.dma_semaphore, #tpu.memory_space<semaphore_mem>>)
      %mul3A_244 = arith.constant 4 : i32
      %mul3A_245 = arith.muli %scan3A_125, %mul3A_244 : i32
      %add3A_246 = arith.constant 4 : i32
      %add3A_247 = arith.addi %mul3A_245, %add3A_246 : i32
      %add3A_248 = arith.constant 3 : i32
      %add3A_249 = arith.addi %add3A_247, %add3A_248 : i32
      %dma_wait3A_250 = arith.constant 0 : i32
      %dma_wait3A_251 = tpu.memref_slice %arg8[%add3A_249, %dma_wait3A_250] : memref<20x512xi32, #tpu.memory_space<vmem>> -> memref<1x512xi32, #tpu.memory_space<vmem>>
      %dma_wait3A_252 = tpu.memref_squeeze %dma_wait3A_251 : memref<1x512xi32, #tpu.memory_space<vmem>> -> memref<512xi32, #tpu.memory_space<vmem>>
      %dma_wait3A_253 = arith.constant 0 : i32
      %dma_wait3A_254 = arith.constant 0 : i32
      %dma_wait3A_255 = tpu.memref_slice %arg13[%dma_wait3A_253, %dma_wait3A_254] : memref<10240x8xf32, #tpu.memory_space<vmem_shared>> -> memref<10240x8xf32, #tpu.memory_space<vmem_shared>>
      tpu.wait_indirect_dma semaphore(%arg21 : memref<!tpu.dma_semaphore, #tpu.memory_space<semaphore_mem>>) src(%arg12 : memref<512x8xf32, #tpu.memory_space<vmem>>) dst(%dma_wait3A_255 : memref<10240x8xf32, #tpu.memory_space<vmem_shared>>)
      %dma_start3A_256 = arith.constant 0 : i32
      %dma_start3A_257 = tpu.memref_slice %arg7[%add3A_249, %dma_start3A_256] : memref<20x512xi32, #tpu.memory_space<vmem>> -> memref<1x512xi32, #tpu.memory_space<vmem>>
      %dma_start3A_258 = tpu.memref_squeeze %dma_start3A_257 : memref<1x512xi32, #tpu.memory_space<vmem>> -> memref<512xi32, #tpu.memory_space<vmem>>
      %dma_start3A_259 = arith.constant 0 : i32
      %dma_start3A_260 = arith.constant 0 : i32
      %dma_start3A_261 = tpu.memref_slice %arg4[%dma_start3A_259, %dma_start3A_260] : memref<10240x8xf32, #tpu.memory_space<hbm>> -> memref<10240x8xf32, #tpu.memory_space<hbm>>
      tpu.enqueue_indirect_dma source(%dma_start3A_261 : memref<10240x8xf32, #tpu.memory_space<hbm>>) target(%arg12 : memref<512x8xf32, #tpu.memory_space<vmem>>) offsets(%dma_start3A_258 : memref<512xi32, #tpu.memory_space<vmem>>) semaphore(%arg17 : memref<!tpu.dma_semaphore, #tpu.memory_space<semaphore_mem>>)
    }
    %scan3A_36 = arith.constant 4 : i32
    %dma_wait3A = arith.constant 16 : i32
    %dma_wait3A_37 = arith.constant 0 : i32
    %dma_wait3A_38 = tpu.memref_slice %arg7[%dma_wait3A, %dma_wait3A_37] : memref<20x512xi32, #tpu.memory_space<vmem>> -> memref<1x512xi32, #tpu.memory_space<vmem>>
    %dma_wait3A_39 = tpu.memref_squeeze %dma_wait3A_38 : memref<1x512xi32, #tpu.memory_space<vmem>> -> memref<512xi32, #tpu.memory_space<vmem>>
    %dma_wait3A_40 = arith.constant 0 : i32
    %dma_wait3A_41 = arith.constant 0 : i32
    %dma_wait3A_42 = tpu.memref_slice %arg4[%dma_wait3A_40, %dma_wait3A_41] : memref<10240x8xf32, #tpu.memory_space<hbm>> -> memref<10240x8xf32, #tpu.memory_space<hbm>>
    tpu.wait_indirect_dma semaphore(%arg14 : memref<!tpu.dma_semaphore, #tpu.memory_space<semaphore_mem>>) src(%dma_wait3A_42 : memref<10240x8xf32, #tpu.memory_space<hbm>>) dst(%arg9 : memref<512x8xf32, #tpu.memory_space<vmem>>)
    %dma_start3A_43 = arith.constant 16 : i32
    %dma_start3A_44 = arith.constant 0 : i32
    %dma_start3A_45 = tpu.memref_slice %arg8[%dma_start3A_43, %dma_start3A_44] : memref<20x512xi32, #tpu.memory_space<vmem>> -> memref<1x512xi32, #tpu.memory_space<vmem>>
    %dma_start3A_46 = tpu.memref_squeeze %dma_start3A_45 : memref<1x512xi32, #tpu.memory_space<vmem>> -> memref<512xi32, #tpu.memory_space<vmem>>
    %dma_start3A_47 = arith.constant 0 : i32
    %dma_start3A_48 = arith.constant 0 : i32
    %dma_start3A_49 = tpu.memref_slice %arg13[%dma_start3A_47, %dma_start3A_48] : memref<10240x8xf32, #tpu.memory_space<vmem_shared>> -> memref<10240x8xf32, #tpu.memory_space<vmem_shared>>
    tpu.enqueue_indirect_dma source(%arg9 : memref<512x8xf32, #tpu.memory_space<vmem>>) target(%dma_start3A_49 : memref<10240x8xf32, #tpu.memory_space<vmem_shared>>) offsets(%dma_start3A_46 : memref<512xi32, #tpu.memory_space<vmem>>) semaphore(%arg18 : memref<!tpu.dma_semaphore, #tpu.memory_space<semaphore_mem>>) {add = true}
    %dma_wait3A_50 = arith.constant 17 : i32
    %dma_wait3A_51 = arith.constant 0 : i32
    %dma_wait3A_52 = tpu.memref_slice %arg7[%dma_wait3A_50, %dma_wait3A_51] : memref<20x512xi32, #tpu.memory_space<vmem>> -> memref<1x512xi32, #tpu.memory_space<vmem>>
    %dma_wait3A_53 = tpu.memref_squeeze %dma_wait3A_52 : memref<1x512xi32, #tpu.memory_space<vmem>> -> memref<512xi32, #tpu.memory_space<vmem>>
    %dma_wait3A_54 = arith.constant 0 : i32
    %dma_wait3A_55 = arith.constant 0 : i32
    %dma_wait3A_56 = tpu.memref_slice %arg4[%dma_wait3A_54, %dma_wait3A_55] : memref<10240x8xf32, #tpu.memory_space<hbm>> -> memref<10240x8xf32, #tpu.memory_space<hbm>>
    tpu.wait_indirect_dma semaphore(%arg15 : memref<!tpu.dma_semaphore, #tpu.memory_space<semaphore_mem>>) src(%dma_wait3A_56 : memref<10240x8xf32, #tpu.memory_space<hbm>>) dst(%arg10 : memref<512x8xf32, #tpu.memory_space<vmem>>)
    %dma_start3A_57 = arith.constant 17 : i32
    %dma_start3A_58 = arith.constant 0 : i32
    %dma_start3A_59 = tpu.memref_slice %arg8[%dma_start3A_57, %dma_start3A_58] : memref<20x512xi32, #tpu.memory_space<vmem>> -> memref<1x512xi32, #tpu.memory_space<vmem>>
    %dma_start3A_60 = tpu.memref_squeeze %dma_start3A_59 : memref<1x512xi32, #tpu.memory_space<vmem>> -> memref<512xi32, #tpu.memory_space<vmem>>
    %dma_start3A_61 = arith.constant 0 : i32
    %dma_start3A_62 = arith.constant 0 : i32
    %dma_start3A_63 = tpu.memref_slice %arg13[%dma_start3A_61, %dma_start3A_62] : memref<10240x8xf32, #tpu.memory_space<vmem_shared>> -> memref<10240x8xf32, #tpu.memory_space<vmem_shared>>
    tpu.enqueue_indirect_dma source(%arg10 : memref<512x8xf32, #tpu.memory_space<vmem>>) target(%dma_start3A_63 : memref<10240x8xf32, #tpu.memory_space<vmem_shared>>) offsets(%dma_start3A_60 : memref<512xi32, #tpu.memory_space<vmem>>) semaphore(%arg19 : memref<!tpu.dma_semaphore, #tpu.memory_space<semaphore_mem>>) {add = true}
    %dma_wait3A_64 = arith.constant 18 : i32
    %dma_wait3A_65 = arith.constant 0 : i32
    %dma_wait3A_66 = tpu.memref_slice %arg7[%dma_wait3A_64, %dma_wait3A_65] : memref<20x512xi32, #tpu.memory_space<vmem>> -> memref<1x512xi32, #tpu.memory_space<vmem>>
    %dma_wait3A_67 = tpu.memref_squeeze %dma_wait3A_66 : memref<1x512xi32, #tpu.memory_space<vmem>> -> memref<512xi32, #tpu.memory_space<vmem>>
    %dma_wait3A_68 = arith.constant 0 : i32
    %dma_wait3A_69 = arith.constant 0 : i32
    %dma_wait3A_70 = tpu.memref_slice %arg4[%dma_wait3A_68, %dma_wait3A_69] : memref<10240x8xf32, #tpu.memory_space<hbm>> -> memref<10240x8xf32, #tpu.memory_space<hbm>>
    tpu.wait_indirect_dma semaphore(%arg16 : memref<!tpu.dma_semaphore, #tpu.memory_space<semaphore_mem>>) src(%dma_wait3A_70 : memref<10240x8xf32, #tpu.memory_space<hbm>>) dst(%arg11 : memref<512x8xf32, #tpu.memory_space<vmem>>)
    %dma_start3A_71 = arith.constant 18 : i32
    %dma_start3A_72 = arith.constant 0 : i32
    %dma_start3A_73 = tpu.memref_slice %arg8[%dma_start3A_71, %dma_start3A_72] : memref<20x512xi32, #tpu.memory_space<vmem>> -> memref<1x512xi32, #tpu.memory_space<vmem>>
    %dma_start3A_74 = tpu.memref_squeeze %dma_start3A_73 : memref<1x512xi32, #tpu.memory_space<vmem>> -> memref<512xi32, #tpu.memory_space<vmem>>
    %dma_start3A_75 = arith.constant 0 : i32
    %dma_start3A_76 = arith.constant 0 : i32
    %dma_start3A_77 = tpu.memref_slice %arg13[%dma_start3A_75, %dma_start3A_76] : memref<10240x8xf32, #tpu.memory_space<vmem_shared>> -> memref<10240x8xf32, #tpu.memory_space<vmem_shared>>
    tpu.enqueue_indirect_dma source(%arg11 : memref<512x8xf32, #tpu.memory_space<vmem>>) target(%dma_start3A_77 : memref<10240x8xf32, #tpu.memory_space<vmem_shared>>) offsets(%dma_start3A_74 : memref<512xi32, #tpu.memory_space<vmem>>) semaphore(%arg20 : memref<!tpu.dma_semaphore, #tpu.memory_space<semaphore_mem>>) {add = true}
    %dma_wait3A_78 = arith.constant 19 : i32
    %dma_wait3A_79 = arith.constant 0 : i32
    %dma_wait3A_80 = tpu.memref_slice %arg7[%dma_wait3A_78, %dma_wait3A_79] : memref<20x512xi32, #tpu.memory_space<vmem>> -> memref<1x512xi32, #tpu.memory_space<vmem>>
    %dma_wait3A_81 = tpu.memref_squeeze %dma_wait3A_80 : memref<1x512xi32, #tpu.memory_space<vmem>> -> memref<512xi32, #tpu.memory_space<vmem>>
    %dma_wait3A_82 = arith.constant 0 : i32
    %dma_wait3A_83 = arith.constant 0 : i32
    %dma_wait3A_84 = tpu.memref_slice %arg4[%dma_wait3A_82, %dma_wait3A_83] : memref<10240x8xf32, #tpu.memory_space<hbm>> -> memref<10240x8xf32, #tpu.memory_space<hbm>>
    tpu.wait_indirect_dma semaphore(%arg17 : memref<!tpu.dma_semaphore, #tpu.memory_space<semaphore_mem>>) src(%dma_wait3A_84 : memref<10240x8xf32, #tpu.memory_space<hbm>>) dst(%arg12 : memref<512x8xf32, #tpu.memory_space<vmem>>)
    %dma_start3A_85 = arith.constant 19 : i32
    %dma_start3A_86 = arith.constant 0 : i32
    %dma_start3A_87 = tpu.memref_slice %arg8[%dma_start3A_85, %dma_start3A_86] : memref<20x512xi32, #tpu.memory_space<vmem>> -> memref<1x512xi32, #tpu.memory_space<vmem>>
    %dma_start3A_88 = tpu.memref_squeeze %dma_start3A_87 : memref<1x512xi32, #tpu.memory_space<vmem>> -> memref<512xi32, #tpu.memory_space<vmem>>
    %dma_start3A_89 = arith.constant 0 : i32
    %dma_start3A_90 = arith.constant 0 : i32
    %dma_start3A_91 = tpu.memref_slice %arg13[%dma_start3A_89, %dma_start3A_90] : memref<10240x8xf32, #tpu.memory_space<vmem_shared>> -> memref<10240x8xf32, #tpu.memory_space<vmem_shared>>
    tpu.enqueue_indirect_dma source(%arg12 : memref<512x8xf32, #tpu.memory_space<vmem>>) target(%dma_start3A_91 : memref<10240x8xf32, #tpu.memory_space<vmem_shared>>) offsets(%dma_start3A_88 : memref<512xi32, #tpu.memory_space<vmem>>) semaphore(%arg21 : memref<!tpu.dma_semaphore, #tpu.memory_space<semaphore_mem>>) {add = true}
    %dma_wait3A_92 = arith.constant 0 : i32
    %dma_wait3A_93 = arith.constant 0 : i32
    %dma_wait3A_94 = tpu.memref_slice %arg8[%dma_wait3A_92, %dma_wait3A_93] : memref<20x512xi32, #tpu.memory_space<vmem>> -> memref<1x512xi32, #tpu.memory_space<vmem>>
    %dma_wait3A_95 = tpu.memref_squeeze %dma_wait3A_94 : memref<1x512xi32, #tpu.memory_space<vmem>> -> memref<512xi32, #tpu.memory_space<vmem>>
    %dma_wait3A_96 = arith.constant 0 : i32
    %dma_wait3A_97 = arith.constant 0 : i32
    %dma_wait3A_98 = tpu.memref_slice %arg13[%dma_wait3A_96, %dma_wait3A_97] : memref<10240x8xf32, #tpu.memory_space<vmem_shared>> -> memref<10240x8xf32, #tpu.memory_space<vmem_shared>>
    tpu.wait_indirect_dma semaphore(%arg18 : memref<!tpu.dma_semaphore, #tpu.memory_space<semaphore_mem>>) src(%arg9 : memref<512x8xf32, #tpu.memory_space<vmem>>) dst(%dma_wait3A_98 : memref<10240x8xf32, #tpu.memory_space<vmem_shared>>)
    %dma_wait3A_99 = arith.constant 1 : i32
    %dma_wait3A_100 = arith.constant 0 : i32
    %dma_wait3A_101 = tpu.memref_slice %arg8[%dma_wait3A_99, %dma_wait3A_100] : memref<20x512xi32, #tpu.memory_space<vmem>> -> memref<1x512xi32, #tpu.memory_space<vmem>>
    %dma_wait3A_102 = tpu.memref_squeeze %dma_wait3A_101 : memref<1x512xi32, #tpu.memory_space<vmem>> -> memref<512xi32, #tpu.memory_space<vmem>>
    %dma_wait3A_103 = arith.constant 0 : i32
    %dma_wait3A_104 = arith.constant 0 : i32
    %dma_wait3A_105 = tpu.memref_slice %arg13[%dma_wait3A_103, %dma_wait3A_104] : memref<10240x8xf32, #tpu.memory_space<vmem_shared>> -> memref<10240x8xf32, #tpu.memory_space<vmem_shared>>
    tpu.wait_indirect_dma semaphore(%arg19 : memref<!tpu.dma_semaphore, #tpu.memory_space<semaphore_mem>>) src(%arg10 : memref<512x8xf32, #tpu.memory_space<vmem>>) dst(%dma_wait3A_105 : memref<10240x8xf32, #tpu.memory_space<vmem_shared>>)
    %dma_wait3A_106 = arith.constant 2 : i32
    %dma_wait3A_107 = arith.constant 0 : i32
    %dma_wait3A_108 = tpu.memref_slice %arg8[%dma_wait3A_106, %dma_wait3A_107] : memref<20x512xi32, #tpu.memory_space<vmem>> -> memref<1x512xi32, #tpu.memory_space<vmem>>
    %dma_wait3A_109 = tpu.memref_squeeze %dma_wait3A_108 : memref<1x512xi32, #tpu.memory_space<vmem>> -> memref<512xi32, #tpu.memory_space<vmem>>
    %dma_wait3A_110 = arith.constant 0 : i32
    %dma_wait3A_111 = arith.constant 0 : i32
    %dma_wait3A_112 = tpu.memref_slice %arg13[%dma_wait3A_110, %dma_wait3A_111] : memref<10240x8xf32, #tpu.memory_space<vmem_shared>> -> memref<10240x8xf32, #tpu.memory_space<vmem_shared>>
    tpu.wait_indirect_dma semaphore(%arg20 : memref<!tpu.dma_semaphore, #tpu.memory_space<semaphore_mem>>) src(%arg11 : memref<512x8xf32, #tpu.memory_space<vmem>>) dst(%dma_wait3A_112 : memref<10240x8xf32, #tpu.memory_space<vmem_shared>>)
    %dma_wait3A_113 = arith.constant 3 : i32
    %dma_wait3A_114 = arith.constant 0 : i32
    %dma_wait3A_115 = tpu.memref_slice %arg8[%dma_wait3A_113, %dma_wait3A_114] : memref<20x512xi32, #tpu.memory_space<vmem>> -> memref<1x512xi32, #tpu.memory_space<vmem>>
    %dma_wait3A_116 = tpu.memref_squeeze %dma_wait3A_115 : memref<1x512xi32, #tpu.memory_space<vmem>> -> memref<512xi32, #tpu.memory_space<vmem>>
    %dma_wait3A_117 = arith.constant 0 : i32
    %dma_wait3A_118 = arith.constant 0 : i32
    %dma_wait3A_119 = tpu.memref_slice %arg13[%dma_wait3A_117, %dma_wait3A_118] : memref<10240x8xf32, #tpu.memory_space<vmem_shared>> -> memref<10240x8xf32, #tpu.memory_space<vmem_shared>>
    tpu.wait_indirect_dma semaphore(%arg21 : memref<!tpu.dma_semaphore, #tpu.memory_space<semaphore_mem>>) src(%arg12 : memref<512x8xf32, #tpu.memory_space<vmem>>) dst(%dma_wait3A_119 : memref<10240x8xf32, #tpu.memory_space<vmem_shared>>)
    %barrier3A_120 = arith.constant 0 : index
    tpu.barrier barrier_id(%barrier3A_120)
    %mul3A_121 = arith.constant 640 : i32
    %mul3A_122 = arith.muli %arg1, %mul3A_121 : i32
    %mul3A_123 = arith.constant 640 : i32
    %mul3A_124 = arith.muli %arg1, %mul3A_123 : i32
    "tpu.region"() ({
      %run_scoped3A = tpu.sem_alloc : memref<!tpu.dma_semaphore, #tpu.memory_space<semaphore_mem>>
      %dma_start3A_125 = arith.constant 0 : i32
      %dma_start3A_126 = tpu.memref_slice %arg6[%arg0, %mul3A_124, %dma_start3A_125] : memref<2x10240x8xf32, #tpu.memory_space<hbm>> -> memref<1x640x8xf32, #tpu.memory_space<hbm>>
      %dma_start3A_127 = tpu.memref_squeeze %dma_start3A_126 : memref<1x640x8xf32, #tpu.memory_space<hbm>> -> memref<640x8xf32, #tpu.memory_space<hbm>>
      %dma_start3A_128 = arith.constant 0 : i32
      %dma_start3A_129 = tpu.memref_slice %arg13[%mul3A_122, %dma_start3A_128] : memref<10240x8xf32, #tpu.memory_space<vmem_shared>> -> memref<640x8xf32, #tpu.memory_space<vmem_shared>>
      tpu.enqueue_dma source(%dma_start3A_129 : memref<640x8xf32, #tpu.memory_space<vmem_shared>>) target(%dma_start3A_127 : memref<640x8xf32, #tpu.memory_space<hbm>>) target_semaphore(%run_scoped3A : memref<!tpu.dma_semaphore, #tpu.memory_space<semaphore_mem>>)
      %dma_wait3A_130 = arith.constant 0 : i32
      %dma_wait3A_131 = tpu.memref_slice %arg6[%arg0, %mul3A_124, %dma_wait3A_130] : memref<2x10240x8xf32, #tpu.memory_space<hbm>> -> memref<1x640x8xf32, #tpu.memory_space<hbm>>
      %dma_wait3A_132 = tpu.memref_squeeze %dma_wait3A_131 : memref<1x640x8xf32, #tpu.memory_space<hbm>> -> memref<640x8xf32, #tpu.memory_space<hbm>>
      %dma_wait3A_133 = arith.constant 0 : i32
      %dma_wait3A_134 = tpu.memref_slice %arg13[%mul3A_122, %dma_wait3A_133] : memref<10240x8xf32, #tpu.memory_space<vmem_shared>> -> memref<640x8xf32, #tpu.memory_space<vmem_shared>>
      tpu.wait_dma2 semaphore(%run_scoped3A : memref<!tpu.dma_semaphore, #tpu.memory_space<semaphore_mem>>) src(%dma_wait3A_134 : memref<640x8xf32, #tpu.memory_space<vmem_shared>>) dst(%dma_wait3A_132 : memref<640x8xf32, #tpu.memory_space<hbm>>)
      tpu.yield
    }) : () -> ()
    return
  }
}

#map = affine_map<(d0, d1) -> (0)>
#map1 = affine_map<(d0, d1) -> (0, 0)>
#map2 = affine_map<(d0, d1) -> (0, 0, 0)>
module attributes {stable_mosaic.version = 14 : i64} {
  func.func @body(%arg0: i32, %arg1: i32, %arg2: memref<320000xi32, #tpu.memory_space<hbm>>, %arg3: memref<320000xi32, #tpu.memory_space<hbm>>, %arg4: memref<10240x8xf32, #tpu.memory_space<hbm>>, %arg5: memref<512x8xf32, #tpu.memory_space<hbm>>, %arg6: memref<32x20x512xi32, #tpu.memory_space<hbm>>, %arg7: memref<32x20x512xi32, #tpu.memory_space<hbm>>, %arg8: memref<2x10240x8xf32, #tpu.memory_space<hbm>>, %arg9: memref<10240xi32, #tpu.memory_space<vmem>>, %arg10: memref<10240xi32, #tpu.memory_space<vmem>>, %arg11: memref<20x512xi32, #tpu.memory_space<vmem>>, %arg12: memref<20x512xi32, #tpu.memory_space<vmem>>, %arg13: memref<512x8xf32, #tpu.memory_space<vmem>>, %arg14: memref<10240x8xf32, #tpu.memory_space<vmem_shared>>, %arg15: memref<!tpu.dma_semaphore, #tpu.memory_space<semaphore_mem>>) attributes {dimension_semantics = [#tpu.dimension_semantics<core_parallel>, #tpu.dimension_semantics<subcore_parallel>], iteration_bounds = array<i64: 2, 16>, scalar_prefetch = 0 : i64, scratch_operands = 7 : i64, tpu.core_type = #tpu.core_type<sc_vector_subcore>, window_params = [{transform_indices = #map}, {transform_indices = #map}, {transform_indices = #map1}, {transform_indices = #map1}, {transform_indices = #map2}, {transform_indices = #map2}, {transform_indices = #map2}]} {
    %mul3A = arith.constant 16 : i32
    %mul3A_0 = arith.muli %arg0, %mul3A : i32
    %add3A = arith.addi %mul3A_0, %arg1 : i32
    %mul3A_1 = arith.constant 10000 : i32
    %mul3A_2 = arith.muli %add3A, %mul3A_1 : i32
    %mul3A_3 = arith.constant 640 : i32
    %mul3A_4 = arith.muli %arg1, %mul3A_3 : i32
    %mul3A_5 = arith.constant 640 : i32
    %mul3A_6 = arith.muli %arg1, %mul3A_5 : i32
    "tpu.region"() ({
      %run_scoped3A = tpu.sem_alloc : memref<!tpu.dma_semaphore, #tpu.memory_space<semaphore_mem>>
      %dma_start3A = arith.constant 0 : i32
      %dma_start3A_23 = tpu.memref_slice %arg14[%mul3A_6, %dma_start3A] : memref<10240x8xf32, #tpu.memory_space<vmem_shared>> -> memref<640x8xf32, #tpu.memory_space<vmem_shared>>
      %dma_start3A_24 = arith.constant 0 : i32
      %dma_start3A_25 = tpu.memref_slice %arg4[%mul3A_4, %dma_start3A_24] : memref<10240x8xf32, #tpu.memory_space<hbm>> -> memref<640x8xf32, #tpu.memory_space<hbm>>
      tpu.enqueue_dma source(%dma_start3A_25 : memref<640x8xf32, #tpu.memory_space<hbm>>) target(%dma_start3A_23 : memref<640x8xf32, #tpu.memory_space<vmem_shared>>) target_semaphore(%run_scoped3A : memref<!tpu.dma_semaphore, #tpu.memory_space<semaphore_mem>>)
      %dma_wait3A = arith.constant 0 : i32
      %dma_wait3A_26 = tpu.memref_slice %arg14[%mul3A_6, %dma_wait3A] : memref<10240x8xf32, #tpu.memory_space<vmem_shared>> -> memref<640x8xf32, #tpu.memory_space<vmem_shared>>
      %dma_wait3A_27 = arith.constant 0 : i32
      %dma_wait3A_28 = tpu.memref_slice %arg4[%mul3A_4, %dma_wait3A_27] : memref<10240x8xf32, #tpu.memory_space<hbm>> -> memref<640x8xf32, #tpu.memory_space<hbm>>
      tpu.wait_dma2 semaphore(%run_scoped3A : memref<!tpu.dma_semaphore, #tpu.memory_space<semaphore_mem>>) src(%dma_wait3A_28 : memref<640x8xf32, #tpu.memory_space<hbm>>) dst(%dma_wait3A_26 : memref<640x8xf32, #tpu.memory_space<vmem_shared>>)
      tpu.yield
    }) : () -> ()
    "tpu.region"() ({
      %run_scoped3A = tpu.sem_alloc : memref<!tpu.dma_semaphore, #tpu.memory_space<semaphore_mem>>
      tpu.enqueue_dma source(%arg5 : memref<512x8xf32, #tpu.memory_space<hbm>>) target(%arg13 : memref<512x8xf32, #tpu.memory_space<vmem>>) target_semaphore(%run_scoped3A : memref<!tpu.dma_semaphore, #tpu.memory_space<semaphore_mem>>)
      tpu.wait_dma2 semaphore(%run_scoped3A : memref<!tpu.dma_semaphore, #tpu.memory_space<semaphore_mem>>) src(%arg5 : memref<512x8xf32, #tpu.memory_space<hbm>>) dst(%arg13 : memref<512x8xf32, #tpu.memory_space<vmem>>)
      tpu.yield
    }) : () -> ()
    %barrier3A = arith.constant 0 : index
    tpu.barrier barrier_id(%barrier3A)
    "tpu.region"() ({
      %run_scoped3A = tpu.sem_alloc : memref<!tpu.dma_semaphore, #tpu.memory_space<semaphore_mem>>
      %dma_start3A = arith.constant 0 : i32
      %dma_start3A_23 = tpu.memref_slice %arg9[%dma_start3A] : memref<10240xi32, #tpu.memory_space<vmem>> -> memref<10000xi32, #tpu.memory_space<vmem>>
      %dma_start3A_24 = tpu.memref_slice %arg2[%mul3A_2] : memref<320000xi32, #tpu.memory_space<hbm>> -> memref<10000xi32, #tpu.memory_space<hbm>>
      %dma_start3A_25 = arith.constant 0 : i32
      %dma_start3A_26 = tpu.memref_slice %arg9[%dma_start3A_25] : memref<10240xi32, #tpu.memory_space<vmem>> -> memref<10000xi32, #tpu.memory_space<vmem>>
      %dma_start3A_27 = tpu.memref_slice %arg2[%mul3A_2] : memref<320000xi32, #tpu.memory_space<hbm>> -> memref<10000xi32, #tpu.memory_space<hbm>>
      tpu.enqueue_dma source(%dma_start3A_27 : memref<10000xi32, #tpu.memory_space<hbm>>) target(%dma_start3A_26 : memref<10000xi32, #tpu.memory_space<vmem>>) target_semaphore(%run_scoped3A : memref<!tpu.dma_semaphore, #tpu.memory_space<semaphore_mem>>)
      %dma_wait3A = arith.constant 0 : i32
      %dma_wait3A_28 = tpu.memref_slice %arg9[%dma_wait3A] : memref<10240xi32, #tpu.memory_space<vmem>> -> memref<10000xi32, #tpu.memory_space<vmem>>
      %dma_wait3A_29 = tpu.memref_slice %arg2[%mul3A_2] : memref<320000xi32, #tpu.memory_space<hbm>> -> memref<10000xi32, #tpu.memory_space<hbm>>
      %dma_wait3A_30 = arith.constant 0 : i32
      %dma_wait3A_31 = tpu.memref_slice %arg9[%dma_wait3A_30] : memref<10240xi32, #tpu.memory_space<vmem>> -> memref<10000xi32, #tpu.memory_space<vmem>>
      %dma_wait3A_32 = tpu.memref_slice %arg2[%mul3A_2] : memref<320000xi32, #tpu.memory_space<hbm>> -> memref<10000xi32, #tpu.memory_space<hbm>>
      tpu.wait_dma2 semaphore(%run_scoped3A : memref<!tpu.dma_semaphore, #tpu.memory_space<semaphore_mem>>) src(%dma_wait3A_32 : memref<10000xi32, #tpu.memory_space<hbm>>) dst(%dma_wait3A_31 : memref<10000xi32, #tpu.memory_space<vmem>>)
      tpu.yield
    }) : () -> ()
    "tpu.region"() ({
      %run_scoped3A = tpu.sem_alloc : memref<!tpu.dma_semaphore, #tpu.memory_space<semaphore_mem>>
      %dma_start3A = arith.constant 0 : i32
      %dma_start3A_23 = tpu.memref_slice %arg10[%dma_start3A] : memref<10240xi32, #tpu.memory_space<vmem>> -> memref<10000xi32, #tpu.memory_space<vmem>>
      %dma_start3A_24 = tpu.memref_slice %arg3[%mul3A_2] : memref<320000xi32, #tpu.memory_space<hbm>> -> memref<10000xi32, #tpu.memory_space<hbm>>
      %dma_start3A_25 = arith.constant 0 : i32
      %dma_start3A_26 = tpu.memref_slice %arg10[%dma_start3A_25] : memref<10240xi32, #tpu.memory_space<vmem>> -> memref<10000xi32, #tpu.memory_space<vmem>>
      %dma_start3A_27 = tpu.memref_slice %arg3[%mul3A_2] : memref<320000xi32, #tpu.memory_space<hbm>> -> memref<10000xi32, #tpu.memory_space<hbm>>
      tpu.enqueue_dma source(%dma_start3A_27 : memref<10000xi32, #tpu.memory_space<hbm>>) target(%dma_start3A_26 : memref<10000xi32, #tpu.memory_space<vmem>>) target_semaphore(%run_scoped3A : memref<!tpu.dma_semaphore, #tpu.memory_space<semaphore_mem>>)
      %dma_wait3A = arith.constant 0 : i32
      %dma_wait3A_28 = tpu.memref_slice %arg10[%dma_wait3A] : memref<10240xi32, #tpu.memory_space<vmem>> -> memref<10000xi32, #tpu.memory_space<vmem>>
      %dma_wait3A_29 = tpu.memref_slice %arg3[%mul3A_2] : memref<320000xi32, #tpu.memory_space<hbm>> -> memref<10000xi32, #tpu.memory_space<hbm>>
      %dma_wait3A_30 = arith.constant 0 : i32
      %dma_wait3A_31 = tpu.memref_slice %arg10[%dma_wait3A_30] : memref<10240xi32, #tpu.memory_space<vmem>> -> memref<10000xi32, #tpu.memory_space<vmem>>
      %dma_wait3A_32 = tpu.memref_slice %arg3[%mul3A_2] : memref<320000xi32, #tpu.memory_space<hbm>> -> memref<10000xi32, #tpu.memory_space<hbm>>
      tpu.wait_dma2 semaphore(%run_scoped3A : memref<!tpu.dma_semaphore, #tpu.memory_space<semaphore_mem>>) src(%dma_wait3A_32 : memref<10000xi32, #tpu.memory_space<hbm>>) dst(%dma_wait3A_31 : memref<10000xi32, #tpu.memory_space<vmem>>)
      tpu.yield
    }) : () -> ()
    %iota3A = tpu.iota {dimensions = array<i32: 0>} : vector<16xi32>
    %scan3A = arith.constant 0 : i32
    %scan3A_7 = arith.constant 0 : i32
    %scan3A_8 = arith.constant 20 : i32
    %scan3A_9 = arith.addi %scan3A_7, %scan3A_8 : i32
    %scan3A_10 = arith.constant 1 : i32
    scf.for %scan3A_23 = %scan3A_7 to %scan3A_9 step %scan3A_10  : i32 {
      %mul3A_24 = arith.constant 512 : i32
      %mul3A_25 = arith.muli %scan3A_23, %mul3A_24 : i32
      %add3A_26 = arith.constant 0 : i32
      %add3A_27 = arith.addi %mul3A_25, %add3A_26 : i32
      %get3A = arith.index_cast %add3A_27 : i32 to index
      %get3A_28 = tpu.vector_load %arg9[%get3A] {strides = array<i32>} : memref<10240xi32, #tpu.memory_space<vmem>>, vector<16xi32>,
      %get3A_29 = vector.shape_cast %get3A_28 : vector<16xi32> to vector<16xi32>
      %get3A_30 = arith.index_cast %add3A_27 : i32 to index
      %get3A_31 = tpu.vector_load %arg10[%get3A_30] {strides = array<i32>} : memref<10240xi32, #tpu.memory_space<vmem>>, vector<16xi32>,
      %get3A_32 = vector.shape_cast %get3A_31 : vector<16xi32> to vector<16xi32>
      %add3A_33 = vector.broadcast %add3A_27 : i32 to vector<16xi32>
      %add3A_34 = arith.addi %add3A_33, %iota3A : vector<16xi32>
      %lt3A = arith.constant 10000 : i32
      %lt3A_35 = vector.broadcast %lt3A : i32 to vector<16xi32>
      %lt3A_36 = arith.cmpi slt, %add3A_34, %lt3A_35 : vector<16xi32>
      %ne3A = arith.cmpi ne, %get3A_29, %get3A_32 : vector<16xi32>
      %and3A = arith.andi %lt3A_36, %ne3A : vector<16xi1>
      %jit3A = arith.constant 10000 : i32
      %broadcast_in_dim3A = vector.broadcast %jit3A : i32 to vector<16xi32>
      %select_n3A = arith.select %and3A, %get3A_29, %broadcast_in_dim3A : vector<16xi1>, vector<16xi32>
      %jit3A_37 = arith.constant 10000 : i32
      %broadcast_in_dim3A_38 = vector.broadcast %jit3A_37 : i32 to vector<16xi32>
      %select_n3A_39 = arith.select %lt3A_36, %get3A_32, %broadcast_in_dim3A_38 : vector<16xi1>, vector<16xi32>
      %swap3A = arith.index_cast %scan3A_23 : i32 to index
      %swap3A_40 = arith.constant 0 : index
      %swap3A_41 = tpu.vector_load %arg11[%swap3A, %swap3A_40] {strides = array<i32>} : memref<20x512xi32, #tpu.memory_space<vmem>>, vector<1x16xi32>,
      %swap3A_42 = vector.shape_cast %swap3A_41 : vector<1x16xi32> to vector<16xi32>
      %swap3A_43 = vector.shape_cast %select_n3A : vector<16xi32> to vector<1x16xi32>
      tpu.vector_store %arg11[%swap3A, %swap3A_40], %swap3A_43 {strides = array<i32>} : memref<20x512xi32, #tpu.memory_space<vmem>>, vector<1x16xi32>,
      %swap3A_44 = arith.index_cast %scan3A_23 : i32 to index
      %swap3A_45 = arith.constant 0 : index
      %swap3A_46 = tpu.vector_load %arg12[%swap3A_44, %swap3A_45] {strides = array<i32>} : memref<20x512xi32, #tpu.memory_space<vmem>>, vector<1x16xi32>,
      %swap3A_47 = vector.shape_cast %swap3A_46 : vector<1x16xi32> to vector<16xi32>
      %swap3A_48 = vector.shape_cast %select_n3A_39 : vector<16xi32> to vector<1x16xi32>
      tpu.vector_store %arg12[%swap3A_44, %swap3A_45], %swap3A_48 {strides = array<i32>} : memref<20x512xi32, #tpu.memory_space<vmem>>, vector<1x16xi32>,
      %mul3A_49 = arith.constant 512 : i32
      %mul3A_50 = arith.muli %scan3A_23, %mul3A_49 : i32
      %add3A_51 = arith.constant 16 : i32
      %add3A_52 = arith.addi %mul3A_50, %add3A_51 : i32
      %get3A_53 = arith.index_cast %add3A_52 : i32 to index
      %get3A_54 = tpu.vector_load %arg9[%get3A_53] {strides = array<i32>} : memref<10240xi32, #tpu.memory_space<vmem>>, vector<16xi32>,
      %get3A_55 = vector.shape_cast %get3A_54 : vector<16xi32> to vector<16xi32>
      %get3A_56 = arith.index_cast %add3A_52 : i32 to index
      %get3A_57 = tpu.vector_load %arg10[%get3A_56] {strides = array<i32>} : memref<10240xi32, #tpu.memory_space<vmem>>, vector<16xi32>,
      %get3A_58 = vector.shape_cast %get3A_57 : vector<16xi32> to vector<16xi32>
      %add3A_59 = vector.broadcast %add3A_52 : i32 to vector<16xi32>
      %add3A_60 = arith.addi %add3A_59, %iota3A : vector<16xi32>
      %lt3A_61 = arith.constant 10000 : i32
      %lt3A_62 = vector.broadcast %lt3A_61 : i32 to vector<16xi32>
      %lt3A_63 = arith.cmpi slt, %add3A_60, %lt3A_62 : vector<16xi32>
      %ne3A_64 = arith.cmpi ne, %get3A_55, %get3A_58 : vector<16xi32>
      %and3A_65 = arith.andi %lt3A_63, %ne3A_64 : vector<16xi1>
      %jit3A_66 = arith.constant 10000 : i32
      %broadcast_in_dim3A_67 = vector.broadcast %jit3A_66 : i32 to vector<16xi32>
      %select_n3A_68 = arith.select %and3A_65, %get3A_55, %broadcast_in_dim3A_67 : vector<16xi1>, vector<16xi32>
      %jit3A_69 = arith.constant 10000 : i32
      %broadcast_in_dim3A_70 = vector.broadcast %jit3A_69 : i32 to vector<16xi32>
      %select_n3A_71 = arith.select %lt3A_63, %get3A_58, %broadcast_in_dim3A_70 : vector<16xi1>, vector<16xi32>
      %swap3A_72 = arith.index_cast %scan3A_23 : i32 to index
      %swap3A_73 = arith.constant 16 : index
      %swap3A_74 = tpu.vector_load %arg11[%swap3A_72, %swap3A_73] {strides = array<i32>} : memref<20x512xi32, #tpu.memory_space<vmem>>, vector<1x16xi32>,
      %swap3A_75 = vector.shape_cast %swap3A_74 : vector<1x16xi32> to vector<16xi32>
      %swap3A_76 = vector.shape_cast %select_n3A_68 : vector<16xi32> to vector<1x16xi32>
      tpu.vector_store %arg11[%swap3A_72, %swap3A_73], %swap3A_76 {strides = array<i32>} : memref<20x512xi32, #tpu.memory_space<vmem>>, vector<1x16xi32>,
      %swap3A_77 = arith.index_cast %scan3A_23 : i32 to index
      %swap3A_78 = arith.constant 16 : index
      %swap3A_79 = tpu.vector_load %arg12[%swap3A_77, %swap3A_78] {strides = array<i32>} : memref<20x512xi32, #tpu.memory_space<vmem>>, vector<1x16xi32>,
      %swap3A_80 = vector.shape_cast %swap3A_79 : vector<1x16xi32> to vector<16xi32>
      %swap3A_81 = vector.shape_cast %select_n3A_71 : vector<16xi32> to vector<1x16xi32>
      tpu.vector_store %arg12[%swap3A_77, %swap3A_78], %swap3A_81 {strides = array<i32>} : memref<20x512xi32, #tpu.memory_space<vmem>>, vector<1x16xi32>,
      %mul3A_82 = arith.constant 512 : i32
      %mul3A_83 = arith.muli %scan3A_23, %mul3A_82 : i32
      %add3A_84 = arith.constant 32 : i32
      %add3A_85 = arith.addi %mul3A_83, %add3A_84 : i32
      %get3A_86 = arith.index_cast %add3A_85 : i32 to index
      %get3A_87 = tpu.vector_load %arg9[%get3A_86] {strides = array<i32>} : memref<10240xi32, #tpu.memory_space<vmem>>, vector<16xi32>,
      %get3A_88 = vector.shape_cast %get3A_87 : vector<16xi32> to vector<16xi32>
      %get3A_89 = arith.index_cast %add3A_85 : i32 to index
      %get3A_90 = tpu.vector_load %arg10[%get3A_89] {strides = array<i32>} : memref<10240xi32, #tpu.memory_space<vmem>>, vector<16xi32>,
      %get3A_91 = vector.shape_cast %get3A_90 : vector<16xi32> to vector<16xi32>
      %add3A_92 = vector.broadcast %add3A_85 : i32 to vector<16xi32>
      %add3A_93 = arith.addi %add3A_92, %iota3A : vector<16xi32>
      %lt3A_94 = arith.constant 10000 : i32
      %lt3A_95 = vector.broadcast %lt3A_94 : i32 to vector<16xi32>
      %lt3A_96 = arith.cmpi slt, %add3A_93, %lt3A_95 : vector<16xi32>
      %ne3A_97 = arith.cmpi ne, %get3A_88, %get3A_91 : vector<16xi32>
      %and3A_98 = arith.andi %lt3A_96, %ne3A_97 : vector<16xi1>
      %jit3A_99 = arith.constant 10000 : i32
      %broadcast_in_dim3A_100 = vector.broadcast %jit3A_99 : i32 to vector<16xi32>
      %select_n3A_101 = arith.select %and3A_98, %get3A_88, %broadcast_in_dim3A_100 : vector<16xi1>, vector<16xi32>
      %jit3A_102 = arith.constant 10000 : i32
      %broadcast_in_dim3A_103 = vector.broadcast %jit3A_102 : i32 to vector<16xi32>
      %select_n3A_104 = arith.select %lt3A_96, %get3A_91, %broadcast_in_dim3A_103 : vector<16xi1>, vector<16xi32>
      %swap3A_105 = arith.index_cast %scan3A_23 : i32 to index
      %swap3A_106 = arith.constant 32 : index
      %swap3A_107 = tpu.vector_load %arg11[%swap3A_105, %swap3A_106] {strides = array<i32>} : memref<20x512xi32, #tpu.memory_space<vmem>>, vector<1x16xi32>,
      %swap3A_108 = vector.shape_cast %swap3A_107 : vector<1x16xi32> to vector<16xi32>
      %swap3A_109 = vector.shape_cast %select_n3A_101 : vector<16xi32> to vector<1x16xi32>
      tpu.vector_store %arg11[%swap3A_105, %swap3A_106], %swap3A_109 {strides = array<i32>} : memref<20x512xi32, #tpu.memory_space<vmem>>, vector<1x16xi32>,
      %swap3A_110 = arith.index_cast %scan3A_23 : i32 to index
      %swap3A_111 = arith.constant 32 : index
      %swap3A_112 = tpu.vector_load %arg12[%swap3A_110, %swap3A_111] {strides = array<i32>} : memref<20x512xi32, #tpu.memory_space<vmem>>, vector<1x16xi32>,
      %swap3A_113 = vector.shape_cast %swap3A_112 : vector<1x16xi32> to vector<16xi32>
      %swap3A_114 = vector.shape_cast %select_n3A_104 : vector<16xi32> to vector<1x16xi32>
      tpu.vector_store %arg12[%swap3A_110, %swap3A_111], %swap3A_114 {strides = array<i32>} : memref<20x512xi32, #tpu.memory_space<vmem>>, vector<1x16xi32>,
      %mul3A_115 = arith.constant 512 : i32
      %mul3A_116 = arith.muli %scan3A_23, %mul3A_115 : i32
      %add3A_117 = arith.constant 48 : i32
      %add3A_118 = arith.addi %mul3A_116, %add3A_117 : i32
      %get3A_119 = arith.index_cast %add3A_118 : i32 to index
      %get3A_120 = tpu.vector_load %arg9[%get3A_119] {strides = array<i32>} : memref<10240xi32, #tpu.memory_space<vmem>>, vector<16xi32>,
      %get3A_121 = vector.shape_cast %get3A_120 : vector<16xi32> to vector<16xi32>
      %get3A_122 = arith.index_cast %add3A_118 : i32 to index
      %get3A_123 = tpu.vector_load %arg10[%get3A_122] {strides = array<i32>} : memref<10240xi32, #tpu.memory_space<vmem>>, vector<16xi32>,
      %get3A_124 = vector.shape_cast %get3A_123 : vector<16xi32> to vector<16xi32>
      %add3A_125 = vector.broadcast %add3A_118 : i32 to vector<16xi32>
      %add3A_126 = arith.addi %add3A_125, %iota3A : vector<16xi32>
      %lt3A_127 = arith.constant 10000 : i32
      %lt3A_128 = vector.broadcast %lt3A_127 : i32 to vector<16xi32>
      %lt3A_129 = arith.cmpi slt, %add3A_126, %lt3A_128 : vector<16xi32>
      %ne3A_130 = arith.cmpi ne, %get3A_121, %get3A_124 : vector<16xi32>
      %and3A_131 = arith.andi %lt3A_129, %ne3A_130 : vector<16xi1>
      %jit3A_132 = arith.constant 10000 : i32
      %broadcast_in_dim3A_133 = vector.broadcast %jit3A_132 : i32 to vector<16xi32>
      %select_n3A_134 = arith.select %and3A_131, %get3A_121, %broadcast_in_dim3A_133 : vector<16xi1>, vector<16xi32>
      %jit3A_135 = arith.constant 10000 : i32
      %broadcast_in_dim3A_136 = vector.broadcast %jit3A_135 : i32 to vector<16xi32>
      %select_n3A_137 = arith.select %lt3A_129, %get3A_124, %broadcast_in_dim3A_136 : vector<16xi1>, vector<16xi32>
      %swap3A_138 = arith.index_cast %scan3A_23 : i32 to index
      %swap3A_139 = arith.constant 48 : index
      %swap3A_140 = tpu.vector_load %arg11[%swap3A_138, %swap3A_139] {strides = array<i32>} : memref<20x512xi32, #tpu.memory_space<vmem>>, vector<1x16xi32>,
      %swap3A_141 = vector.shape_cast %swap3A_140 : vector<1x16xi32> to vector<16xi32>
      %swap3A_142 = vector.shape_cast %select_n3A_134 : vector<16xi32> to vector<1x16xi32>
      tpu.vector_store %arg11[%swap3A_138, %swap3A_139], %swap3A_142 {strides = array<i32>} : memref<20x512xi32, #tpu.memory_space<vmem>>, vector<1x16xi32>,
      %swap3A_143 = arith.index_cast %scan3A_23 : i32 to index
      %swap3A_144 = arith.constant 48 : index
      %swap3A_145 = tpu.vector_load %arg12[%swap3A_143, %swap3A_144] {strides = array<i32>} : memref<20x512xi32, #tpu.memory_space<vmem>>, vector<1x16xi32>,
      %swap3A_146 = vector.shape_cast %swap3A_145 : vector<1x16xi32> to vector<16xi32>
      %swap3A_147 = vector.shape_cast %select_n3A_137 : vector<16xi32> to vector<1x16xi32>
      tpu.vector_store %arg12[%swap3A_143, %swap3A_144], %swap3A_147 {strides = array<i32>} : memref<20x512xi32, #tpu.memory_space<vmem>>, vector<1x16xi32>,
      %mul3A_148 = arith.constant 512 : i32
      %mul3A_149 = arith.muli %scan3A_23, %mul3A_148 : i32
      %add3A_150 = arith.constant 64 : i32
      %add3A_151 = arith.addi %mul3A_149, %add3A_150 : i32
      %get3A_152 = arith.index_cast %add3A_151 : i32 to index
      %get3A_153 = tpu.vector_load %arg9[%get3A_152] {strides = array<i32>} : memref<10240xi32, #tpu.memory_space<vmem>>, vector<16xi32>,
      %get3A_154 = vector.shape_cast %get3A_153 : vector<16xi32> to vector<16xi32>
      %get3A_155 = arith.index_cast %add3A_151 : i32 to index
      %get3A_156 = tpu.vector_load %arg10[%get3A_155] {strides = array<i32>} : memref<10240xi32, #tpu.memory_space<vmem>>, vector<16xi32>,
      %get3A_157 = vector.shape_cast %get3A_156 : vector<16xi32> to vector<16xi32>
      %add3A_158 = vector.broadcast %add3A_151 : i32 to vector<16xi32>
      %add3A_159 = arith.addi %add3A_158, %iota3A : vector<16xi32>
      %lt3A_160 = arith.constant 10000 : i32
      %lt3A_161 = vector.broadcast %lt3A_160 : i32 to vector<16xi32>
      %lt3A_162 = arith.cmpi slt, %add3A_159, %lt3A_161 : vector<16xi32>
      %ne3A_163 = arith.cmpi ne, %get3A_154, %get3A_157 : vector<16xi32>
      %and3A_164 = arith.andi %lt3A_162, %ne3A_163 : vector<16xi1>
      %jit3A_165 = arith.constant 10000 : i32
      %broadcast_in_dim3A_166 = vector.broadcast %jit3A_165 : i32 to vector<16xi32>
      %select_n3A_167 = arith.select %and3A_164, %get3A_154, %broadcast_in_dim3A_166 : vector<16xi1>, vector<16xi32>
      %jit3A_168 = arith.constant 10000 : i32
      %broadcast_in_dim3A_169 = vector.broadcast %jit3A_168 : i32 to vector<16xi32>
      %select_n3A_170 = arith.select %lt3A_162, %get3A_157, %broadcast_in_dim3A_169 : vector<16xi1>, vector<16xi32>
      %swap3A_171 = arith.index_cast %scan3A_23 : i32 to index
      %swap3A_172 = arith.constant 64 : index
      %swap3A_173 = tpu.vector_load %arg11[%swap3A_171, %swap3A_172] {strides = array<i32>} : memref<20x512xi32, #tpu.memory_space<vmem>>, vector<1x16xi32>,
      %swap3A_174 = vector.shape_cast %swap3A_173 : vector<1x16xi32> to vector<16xi32>
      %swap3A_175 = vector.shape_cast %select_n3A_167 : vector<16xi32> to vector<1x16xi32>
      tpu.vector_store %arg11[%swap3A_171, %swap3A_172], %swap3A_175 {strides = array<i32>} : memref<20x512xi32, #tpu.memory_space<vmem>>, vector<1x16xi32>,
      %swap3A_176 = arith.index_cast %scan3A_23 : i32 to index
      %swap3A_177 = arith.constant 64 : index
      %swap3A_178 = tpu.vector_load %arg12[%swap3A_176, %swap3A_177] {strides = array<i32>} : memref<20x512xi32, #tpu.memory_space<vmem>>, vector<1x16xi32>,
      %swap3A_179 = vector.shape_cast %swap3A_178 : vector<1x16xi32> to vector<16xi32>
      %swap3A_180 = vector.shape_cast %select_n3A_170 : vector<16xi32> to vector<1x16xi32>
      tpu.vector_store %arg12[%swap3A_176, %swap3A_177], %swap3A_180 {strides = array<i32>} : memref<20x512xi32, #tpu.memory_space<vmem>>, vector<1x16xi32>,
      %mul3A_181 = arith.constant 512 : i32
      %mul3A_182 = arith.muli %scan3A_23, %mul3A_181 : i32
      %add3A_183 = arith.constant 80 : i32
      %add3A_184 = arith.addi %mul3A_182, %add3A_183 : i32
      %get3A_185 = arith.index_cast %add3A_184 : i32 to index
      %get3A_186 = tpu.vector_load %arg9[%get3A_185] {strides = array<i32>} : memref<10240xi32, #tpu.memory_space<vmem>>, vector<16xi32>,
      %get3A_187 = vector.shape_cast %get3A_186 : vector<16xi32> to vector<16xi32>
      %get3A_188 = arith.index_cast %add3A_184 : i32 to index
      %get3A_189 = tpu.vector_load %arg10[%get3A_188] {strides = array<i32>} : memref<10240xi32, #tpu.memory_space<vmem>>, vector<16xi32>,
      %get3A_190 = vector.shape_cast %get3A_189 : vector<16xi32> to vector<16xi32>
      %add3A_191 = vector.broadcast %add3A_184 : i32 to vector<16xi32>
      %add3A_192 = arith.addi %add3A_191, %iota3A : vector<16xi32>
      %lt3A_193 = arith.constant 10000 : i32
      %lt3A_194 = vector.broadcast %lt3A_193 : i32 to vector<16xi32>
      %lt3A_195 = arith.cmpi slt, %add3A_192, %lt3A_194 : vector<16xi32>
      %ne3A_196 = arith.cmpi ne, %get3A_187, %get3A_190 : vector<16xi32>
      %and3A_197 = arith.andi %lt3A_195, %ne3A_196 : vector<16xi1>
      %jit3A_198 = arith.constant 10000 : i32
      %broadcast_in_dim3A_199 = vector.broadcast %jit3A_198 : i32 to vector<16xi32>
      %select_n3A_200 = arith.select %and3A_197, %get3A_187, %broadcast_in_dim3A_199 : vector<16xi1>, vector<16xi32>
      %jit3A_201 = arith.constant 10000 : i32
      %broadcast_in_dim3A_202 = vector.broadcast %jit3A_201 : i32 to vector<16xi32>
      %select_n3A_203 = arith.select %lt3A_195, %get3A_190, %broadcast_in_dim3A_202 : vector<16xi1>, vector<16xi32>
      %swap3A_204 = arith.index_cast %scan3A_23 : i32 to index
      %swap3A_205 = arith.constant 80 : index
      %swap3A_206 = tpu.vector_load %arg11[%swap3A_204, %swap3A_205] {strides = array<i32>} : memref<20x512xi32, #tpu.memory_space<vmem>>, vector<1x16xi32>,
      %swap3A_207 = vector.shape_cast %swap3A_206 : vector<1x16xi32> to vector<16xi32>
      %swap3A_208 = vector.shape_cast %select_n3A_200 : vector<16xi32> to vector<1x16xi32>
      tpu.vector_store %arg11[%swap3A_204, %swap3A_205], %swap3A_208 {strides = array<i32>} : memref<20x512xi32, #tpu.memory_space<vmem>>, vector<1x16xi32>,
      %swap3A_209 = arith.index_cast %scan3A_23 : i32 to index
      %swap3A_210 = arith.constant 80 : index
      %swap3A_211 = tpu.vector_load %arg12[%swap3A_209, %swap3A_210] {strides = array<i32>} : memref<20x512xi32, #tpu.memory_space<vmem>>, vector<1x16xi32>,
      %swap3A_212 = vector.shape_cast %swap3A_211 : vector<1x16xi32> to vector<16xi32>
      %swap3A_213 = vector.shape_cast %select_n3A_203 : vector<16xi32> to vector<1x16xi32>
      tpu.vector_store %arg12[%swap3A_209, %swap3A_210], %swap3A_213 {strides = array<i32>} : memref<20x512xi32, #tpu.memory_space<vmem>>, vector<1x16xi32>,
      %mul3A_214 = arith.constant 512 : i32
      %mul3A_215 = arith.muli %scan3A_23, %mul3A_214 : i32
      %add3A_216 = arith.constant 96 : i32
      %add3A_217 = arith.addi %mul3A_215, %add3A_216 : i32
      %get3A_218 = arith.index_cast %add3A_217 : i32 to index
      %get3A_219 = tpu.vector_load %arg9[%get3A_218] {strides = array<i32>} : memref<10240xi32, #tpu.memory_space<vmem>>, vector<16xi32>,
      %get3A_220 = vector.shape_cast %get3A_219 : vector<16xi32> to vector<16xi32>
      %get3A_221 = arith.index_cast %add3A_217 : i32 to index
      %get3A_222 = tpu.vector_load %arg10[%get3A_221] {strides = array<i32>} : memref<10240xi32, #tpu.memory_space<vmem>>, vector<16xi32>,
      %get3A_223 = vector.shape_cast %get3A_222 : vector<16xi32> to vector<16xi32>
      %add3A_224 = vector.broadcast %add3A_217 : i32 to vector<16xi32>
      %add3A_225 = arith.addi %add3A_224, %iota3A : vector<16xi32>
      %lt3A_226 = arith.constant 10000 : i32
      %lt3A_227 = vector.broadcast %lt3A_226 : i32 to vector<16xi32>
      %lt3A_228 = arith.cmpi slt, %add3A_225, %lt3A_227 : vector<16xi32>
      %ne3A_229 = arith.cmpi ne, %get3A_220, %get3A_223 : vector<16xi32>
      %and3A_230 = arith.andi %lt3A_228, %ne3A_229 : vector<16xi1>
      %jit3A_231 = arith.constant 10000 : i32
      %broadcast_in_dim3A_232 = vector.broadcast %jit3A_231 : i32 to vector<16xi32>
      %select_n3A_233 = arith.select %and3A_230, %get3A_220, %broadcast_in_dim3A_232 : vector<16xi1>, vector<16xi32>
      %jit3A_234 = arith.constant 10000 : i32
      %broadcast_in_dim3A_235 = vector.broadcast %jit3A_234 : i32 to vector<16xi32>
      %select_n3A_236 = arith.select %lt3A_228, %get3A_223, %broadcast_in_dim3A_235 : vector<16xi1>, vector<16xi32>
      %swap3A_237 = arith.index_cast %scan3A_23 : i32 to index
      %swap3A_238 = arith.constant 96 : index
      %swap3A_239 = tpu.vector_load %arg11[%swap3A_237, %swap3A_238] {strides = array<i32>} : memref<20x512xi32, #tpu.memory_space<vmem>>, vector<1x16xi32>,
      %swap3A_240 = vector.shape_cast %swap3A_239 : vector<1x16xi32> to vector<16xi32>
      %swap3A_241 = vector.shape_cast %select_n3A_233 : vector<16xi32> to vector<1x16xi32>
      tpu.vector_store %arg11[%swap3A_237, %swap3A_238], %swap3A_241 {strides = array<i32>} : memref<20x512xi32, #tpu.memory_space<vmem>>, vector<1x16xi32>,
      %swap3A_242 = arith.index_cast %scan3A_23 : i32 to index
      %swap3A_243 = arith.constant 96 : index
      %swap3A_244 = tpu.vector_load %arg12[%swap3A_242, %swap3A_243] {strides = array<i32>} : memref<20x512xi32, #tpu.memory_space<vmem>>, vector<1x16xi32>,
      %swap3A_245 = vector.shape_cast %swap3A_244 : vector<1x16xi32> to vector<16xi32>
      %swap3A_246 = vector.shape_cast %select_n3A_236 : vector<16xi32> to vector<1x16xi32>
      tpu.vector_store %arg12[%swap3A_242, %swap3A_243], %swap3A_246 {strides = array<i32>} : memref<20x512xi32, #tpu.memory_space<vmem>>, vector<1x16xi32>,
      %mul3A_247 = arith.constant 512 : i32
      %mul3A_248 = arith.muli %scan3A_23, %mul3A_247 : i32
      %add3A_249 = arith.constant 112 : i32
      %add3A_250 = arith.addi %mul3A_248, %add3A_249 : i32
      %get3A_251 = arith.index_cast %add3A_250 : i32 to index
      %get3A_252 = tpu.vector_load %arg9[%get3A_251] {strides = array<i32>} : memref<10240xi32, #tpu.memory_space<vmem>>, vector<16xi32>,
      %get3A_253 = vector.shape_cast %get3A_252 : vector<16xi32> to vector<16xi32>
      %get3A_254 = arith.index_cast %add3A_250 : i32 to index
      %get3A_255 = tpu.vector_load %arg10[%get3A_254] {strides = array<i32>} : memref<10240xi32, #tpu.memory_space<vmem>>, vector<16xi32>,
      %get3A_256 = vector.shape_cast %get3A_255 : vector<16xi32> to vector<16xi32>
      %add3A_257 = vector.broadcast %add3A_250 : i32 to vector<16xi32>
      %add3A_258 = arith.addi %add3A_257, %iota3A : vector<16xi32>
      %lt3A_259 = arith.constant 10000 : i32
      %lt3A_260 = vector.broadcast %lt3A_259 : i32 to vector<16xi32>
      %lt3A_261 = arith.cmpi slt, %add3A_258, %lt3A_260 : vector<16xi32>
      %ne3A_262 = arith.cmpi ne, %get3A_253, %get3A_256 : vector<16xi32>
      %and3A_263 = arith.andi %lt3A_261, %ne3A_262 : vector<16xi1>
      %jit3A_264 = arith.constant 10000 : i32
      %broadcast_in_dim3A_265 = vector.broadcast %jit3A_264 : i32 to vector<16xi32>
      %select_n3A_266 = arith.select %and3A_263, %get3A_253, %broadcast_in_dim3A_265 : vector<16xi1>, vector<16xi32>
      %jit3A_267 = arith.constant 10000 : i32
      %broadcast_in_dim3A_268 = vector.broadcast %jit3A_267 : i32 to vector<16xi32>
      %select_n3A_269 = arith.select %lt3A_261, %get3A_256, %broadcast_in_dim3A_268 : vector<16xi1>, vector<16xi32>
      %swap3A_270 = arith.index_cast %scan3A_23 : i32 to index
      %swap3A_271 = arith.constant 112 : index
      %swap3A_272 = tpu.vector_load %arg11[%swap3A_270, %swap3A_271] {strides = array<i32>} : memref<20x512xi32, #tpu.memory_space<vmem>>, vector<1x16xi32>,
      %swap3A_273 = vector.shape_cast %swap3A_272 : vector<1x16xi32> to vector<16xi32>
      %swap3A_274 = vector.shape_cast %select_n3A_266 : vector<16xi32> to vector<1x16xi32>
      tpu.vector_store %arg11[%swap3A_270, %swap3A_271], %swap3A_274 {strides = array<i32>} : memref<20x512xi32, #tpu.memory_space<vmem>>, vector<1x16xi32>,
      %swap3A_275 = arith.index_cast %scan3A_23 : i32 to index
      %swap3A_276 = arith.constant 112 : index
      %swap3A_277 = tpu.vector_load %arg12[%swap3A_275, %swap3A_276] {strides = array<i32>} : memref<20x512xi32, #tpu.memory_space<vmem>>, vector<1x16xi32>,
      %swap3A_278 = vector.shape_cast %swap3A_277 : vector<1x16xi32> to vector<16xi32>
      %swap3A_279 = vector.shape_cast %select_n3A_269 : vector<16xi32> to vector<1x16xi32>
      tpu.vector_store %arg12[%swap3A_275, %swap3A_276], %swap3A_279 {strides = array<i32>} : memref<20x512xi32, #tpu.memory_space<vmem>>, vector<1x16xi32>,
      %mul3A_280 = arith.constant 512 : i32
      %mul3A_281 = arith.muli %scan3A_23, %mul3A_280 : i32
      %add3A_282 = arith.constant 128 : i32
      %add3A_283 = arith.addi %mul3A_281, %add3A_282 : i32
      %get3A_284 = arith.index_cast %add3A_283 : i32 to index
      %get3A_285 = tpu.vector_load %arg9[%get3A_284] {strides = array<i32>} : memref<10240xi32, #tpu.memory_space<vmem>>, vector<16xi32>,
      %get3A_286 = vector.shape_cast %get3A_285 : vector<16xi32> to vector<16xi32>
      %get3A_287 = arith.index_cast %add3A_283 : i32 to index
      %get3A_288 = tpu.vector_load %arg10[%get3A_287] {strides = array<i32>} : memref<10240xi32, #tpu.memory_space<vmem>>, vector<16xi32>,
      %get3A_289 = vector.shape_cast %get3A_288 : vector<16xi32> to vector<16xi32>
      %add3A_290 = vector.broadcast %add3A_283 : i32 to vector<16xi32>
      %add3A_291 = arith.addi %add3A_290, %iota3A : vector<16xi32>
      %lt3A_292 = arith.constant 10000 : i32
      %lt3A_293 = vector.broadcast %lt3A_292 : i32 to vector<16xi32>
      %lt3A_294 = arith.cmpi slt, %add3A_291, %lt3A_293 : vector<16xi32>
      %ne3A_295 = arith.cmpi ne, %get3A_286, %get3A_289 : vector<16xi32>
      %and3A_296 = arith.andi %lt3A_294, %ne3A_295 : vector<16xi1>
      %jit3A_297 = arith.constant 10000 : i32
      %broadcast_in_dim3A_298 = vector.broadcast %jit3A_297 : i32 to vector<16xi32>
      %select_n3A_299 = arith.select %and3A_296, %get3A_286, %broadcast_in_dim3A_298 : vector<16xi1>, vector<16xi32>
      %jit3A_300 = arith.constant 10000 : i32
      %broadcast_in_dim3A_301 = vector.broadcast %jit3A_300 : i32 to vector<16xi32>
      %select_n3A_302 = arith.select %lt3A_294, %get3A_289, %broadcast_in_dim3A_301 : vector<16xi1>, vector<16xi32>
      %swap3A_303 = arith.index_cast %scan3A_23 : i32 to index
      %swap3A_304 = arith.constant 128 : index
      %swap3A_305 = tpu.vector_load %arg11[%swap3A_303, %swap3A_304] {strides = array<i32>} : memref<20x512xi32, #tpu.memory_space<vmem>>, vector<1x16xi32>,
      %swap3A_306 = vector.shape_cast %swap3A_305 : vector<1x16xi32> to vector<16xi32>
      %swap3A_307 = vector.shape_cast %select_n3A_299 : vector<16xi32> to vector<1x16xi32>
      tpu.vector_store %arg11[%swap3A_303, %swap3A_304], %swap3A_307 {strides = array<i32>} : memref<20x512xi32, #tpu.memory_space<vmem>>, vector<1x16xi32>,
      %swap3A_308 = arith.index_cast %scan3A_23 : i32 to index
      %swap3A_309 = arith.constant 128 : index
      %swap3A_310 = tpu.vector_load %arg12[%swap3A_308, %swap3A_309] {strides = array<i32>} : memref<20x512xi32, #tpu.memory_space<vmem>>, vector<1x16xi32>,
      %swap3A_311 = vector.shape_cast %swap3A_310 : vector<1x16xi32> to vector<16xi32>
      %swap3A_312 = vector.shape_cast %select_n3A_302 : vector<16xi32> to vector<1x16xi32>
      tpu.vector_store %arg12[%swap3A_308, %swap3A_309], %swap3A_312 {strides = array<i32>} : memref<20x512xi32, #tpu.memory_space<vmem>>, vector<1x16xi32>,
      %mul3A_313 = arith.constant 512 : i32
      %mul3A_314 = arith.muli %scan3A_23, %mul3A_313 : i32
      %add3A_315 = arith.constant 144 : i32
      %add3A_316 = arith.addi %mul3A_314, %add3A_315 : i32
      %get3A_317 = arith.index_cast %add3A_316 : i32 to index
      %get3A_318 = tpu.vector_load %arg9[%get3A_317] {strides = array<i32>} : memref<10240xi32, #tpu.memory_space<vmem>>, vector<16xi32>,
      %get3A_319 = vector.shape_cast %get3A_318 : vector<16xi32> to vector<16xi32>
      %get3A_320 = arith.index_cast %add3A_316 : i32 to index
      %get3A_321 = tpu.vector_load %arg10[%get3A_320] {strides = array<i32>} : memref<10240xi32, #tpu.memory_space<vmem>>, vector<16xi32>,
      %get3A_322 = vector.shape_cast %get3A_321 : vector<16xi32> to vector<16xi32>
      %add3A_323 = vector.broadcast %add3A_316 : i32 to vector<16xi32>
      %add3A_324 = arith.addi %add3A_323, %iota3A : vector<16xi32>
      %lt3A_325 = arith.constant 10000 : i32
      %lt3A_326 = vector.broadcast %lt3A_325 : i32 to vector<16xi32>
      %lt3A_327 = arith.cmpi slt, %add3A_324, %lt3A_326 : vector<16xi32>
      %ne3A_328 = arith.cmpi ne, %get3A_319, %get3A_322 : vector<16xi32>
      %and3A_329 = arith.andi %lt3A_327, %ne3A_328 : vector<16xi1>
      %jit3A_330 = arith.constant 10000 : i32
      %broadcast_in_dim3A_331 = vector.broadcast %jit3A_330 : i32 to vector<16xi32>
      %select_n3A_332 = arith.select %and3A_329, %get3A_319, %broadcast_in_dim3A_331 : vector<16xi1>, vector<16xi32>
      %jit3A_333 = arith.constant 10000 : i32
      %broadcast_in_dim3A_334 = vector.broadcast %jit3A_333 : i32 to vector<16xi32>
      %select_n3A_335 = arith.select %lt3A_327, %get3A_322, %broadcast_in_dim3A_334 : vector<16xi1>, vector<16xi32>
      %swap3A_336 = arith.index_cast %scan3A_23 : i32 to index
      %swap3A_337 = arith.constant 144 : index
      %swap3A_338 = tpu.vector_load %arg11[%swap3A_336, %swap3A_337] {strides = array<i32>} : memref<20x512xi32, #tpu.memory_space<vmem>>, vector<1x16xi32>,
      %swap3A_339 = vector.shape_cast %swap3A_338 : vector<1x16xi32> to vector<16xi32>
      %swap3A_340 = vector.shape_cast %select_n3A_332 : vector<16xi32> to vector<1x16xi32>
      tpu.vector_store %arg11[%swap3A_336, %swap3A_337], %swap3A_340 {strides = array<i32>} : memref<20x512xi32, #tpu.memory_space<vmem>>, vector<1x16xi32>,
      %swap3A_341 = arith.index_cast %scan3A_23 : i32 to index
      %swap3A_342 = arith.constant 144 : index
      %swap3A_343 = tpu.vector_load %arg12[%swap3A_341, %swap3A_342] {strides = array<i32>} : memref<20x512xi32, #tpu.memory_space<vmem>>, vector<1x16xi32>,
      %swap3A_344 = vector.shape_cast %swap3A_343 : vector<1x16xi32> to vector<16xi32>
      %swap3A_345 = vector.shape_cast %select_n3A_335 : vector<16xi32> to vector<1x16xi32>
      tpu.vector_store %arg12[%swap3A_341, %swap3A_342], %swap3A_345 {strides = array<i32>} : memref<20x512xi32, #tpu.memory_space<vmem>>, vector<1x16xi32>,
      %mul3A_346 = arith.constant 512 : i32
      %mul3A_347 = arith.muli %scan3A_23, %mul3A_346 : i32
      %add3A_348 = arith.constant 160 : i32
      %add3A_349 = arith.addi %mul3A_347, %add3A_348 : i32
      %get3A_350 = arith.index_cast %add3A_349 : i32 to index
      %get3A_351 = tpu.vector_load %arg9[%get3A_350] {strides = array<i32>} : memref<10240xi32, #tpu.memory_space<vmem>>, vector<16xi32>,
      %get3A_352 = vector.shape_cast %get3A_351 : vector<16xi32> to vector<16xi32>
      %get3A_353 = arith.index_cast %add3A_349 : i32 to index
      %get3A_354 = tpu.vector_load %arg10[%get3A_353] {strides = array<i32>} : memref<10240xi32, #tpu.memory_space<vmem>>, vector<16xi32>,
      %get3A_355 = vector.shape_cast %get3A_354 : vector<16xi32> to vector<16xi32>
      %add3A_356 = vector.broadcast %add3A_349 : i32 to vector<16xi32>
      %add3A_357 = arith.addi %add3A_356, %iota3A : vector<16xi32>
      %lt3A_358 = arith.constant 10000 : i32
      %lt3A_359 = vector.broadcast %lt3A_358 : i32 to vector<16xi32>
      %lt3A_360 = arith.cmpi slt, %add3A_357, %lt3A_359 : vector<16xi32>
      %ne3A_361 = arith.cmpi ne, %get3A_352, %get3A_355 : vector<16xi32>
      %and3A_362 = arith.andi %lt3A_360, %ne3A_361 : vector<16xi1>
      %jit3A_363 = arith.constant 10000 : i32
      %broadcast_in_dim3A_364 = vector.broadcast %jit3A_363 : i32 to vector<16xi32>
      %select_n3A_365 = arith.select %and3A_362, %get3A_352, %broadcast_in_dim3A_364 : vector<16xi1>, vector<16xi32>
      %jit3A_366 = arith.constant 10000 : i32
      %broadcast_in_dim3A_367 = vector.broadcast %jit3A_366 : i32 to vector<16xi32>
      %select_n3A_368 = arith.select %lt3A_360, %get3A_355, %broadcast_in_dim3A_367 : vector<16xi1>, vector<16xi32>
      %swap3A_369 = arith.index_cast %scan3A_23 : i32 to index
      %swap3A_370 = arith.constant 160 : index
      %swap3A_371 = tpu.vector_load %arg11[%swap3A_369, %swap3A_370] {strides = array<i32>} : memref<20x512xi32, #tpu.memory_space<vmem>>, vector<1x16xi32>,
      %swap3A_372 = vector.shape_cast %swap3A_371 : vector<1x16xi32> to vector<16xi32>
      %swap3A_373 = vector.shape_cast %select_n3A_365 : vector<16xi32> to vector<1x16xi32>
      tpu.vector_store %arg11[%swap3A_369, %swap3A_370], %swap3A_373 {strides = array<i32>} : memref<20x512xi32, #tpu.memory_space<vmem>>, vector<1x16xi32>,
      %swap3A_374 = arith.index_cast %scan3A_23 : i32 to index
      %swap3A_375 = arith.constant 160 : index
      %swap3A_376 = tpu.vector_load %arg12[%swap3A_374, %swap3A_375] {strides = array<i32>} : memref<20x512xi32, #tpu.memory_space<vmem>>, vector<1x16xi32>,
      %swap3A_377 = vector.shape_cast %swap3A_376 : vector<1x16xi32> to vector<16xi32>
      %swap3A_378 = vector.shape_cast %select_n3A_368 : vector<16xi32> to vector<1x16xi32>
      tpu.vector_store %arg12[%swap3A_374, %swap3A_375], %swap3A_378 {strides = array<i32>} : memref<20x512xi32, #tpu.memory_space<vmem>>, vector<1x16xi32>,
      %mul3A_379 = arith.constant 512 : i32
      %mul3A_380 = arith.muli %scan3A_23, %mul3A_379 : i32
      %add3A_381 = arith.constant 176 : i32
      %add3A_382 = arith.addi %mul3A_380, %add3A_381 : i32
      %get3A_383 = arith.index_cast %add3A_382 : i32 to index
      %get3A_384 = tpu.vector_load %arg9[%get3A_383] {strides = array<i32>} : memref<10240xi32, #tpu.memory_space<vmem>>, vector<16xi32>,
      %get3A_385 = vector.shape_cast %get3A_384 : vector<16xi32> to vector<16xi32>
      %get3A_386 = arith.index_cast %add3A_382 : i32 to index
      %get3A_387 = tpu.vector_load %arg10[%get3A_386] {strides = array<i32>} : memref<10240xi32, #tpu.memory_space<vmem>>, vector<16xi32>,
      %get3A_388 = vector.shape_cast %get3A_387 : vector<16xi32> to vector<16xi32>
      %add3A_389 = vector.broadcast %add3A_382 : i32 to vector<16xi32>
      %add3A_390 = arith.addi %add3A_389, %iota3A : vector<16xi32>
      %lt3A_391 = arith.constant 10000 : i32
      %lt3A_392 = vector.broadcast %lt3A_391 : i32 to vector<16xi32>
      %lt3A_393 = arith.cmpi slt, %add3A_390, %lt3A_392 : vector<16xi32>
      %ne3A_394 = arith.cmpi ne, %get3A_385, %get3A_388 : vector<16xi32>
      %and3A_395 = arith.andi %lt3A_393, %ne3A_394 : vector<16xi1>
      %jit3A_396 = arith.constant 10000 : i32
      %broadcast_in_dim3A_397 = vector.broadcast %jit3A_396 : i32 to vector<16xi32>
      %select_n3A_398 = arith.select %and3A_395, %get3A_385, %broadcast_in_dim3A_397 : vector<16xi1>, vector<16xi32>
      %jit3A_399 = arith.constant 10000 : i32
      %broadcast_in_dim3A_400 = vector.broadcast %jit3A_399 : i32 to vector<16xi32>
      %select_n3A_401 = arith.select %lt3A_393, %get3A_388, %broadcast_in_dim3A_400 : vector<16xi1>, vector<16xi32>
      %swap3A_402 = arith.index_cast %scan3A_23 : i32 to index
      %swap3A_403 = arith.constant 176 : index
      %swap3A_404 = tpu.vector_load %arg11[%swap3A_402, %swap3A_403] {strides = array<i32>} : memref<20x512xi32, #tpu.memory_space<vmem>>, vector<1x16xi32>,
      %swap3A_405 = vector.shape_cast %swap3A_404 : vector<1x16xi32> to vector<16xi32>
      %swap3A_406 = vector.shape_cast %select_n3A_398 : vector<16xi32> to vector<1x16xi32>
      tpu.vector_store %arg11[%swap3A_402, %swap3A_403], %swap3A_406 {strides = array<i32>} : memref<20x512xi32, #tpu.memory_space<vmem>>, vector<1x16xi32>,
      %swap3A_407 = arith.index_cast %scan3A_23 : i32 to index
      %swap3A_408 = arith.constant 176 : index
      %swap3A_409 = tpu.vector_load %arg12[%swap3A_407, %swap3A_408] {strides = array<i32>} : memref<20x512xi32, #tpu.memory_space<vmem>>, vector<1x16xi32>,
      %swap3A_410 = vector.shape_cast %swap3A_409 : vector<1x16xi32> to vector<16xi32>
      %swap3A_411 = vector.shape_cast %select_n3A_401 : vector<16xi32> to vector<1x16xi32>
      tpu.vector_store %arg12[%swap3A_407, %swap3A_408], %swap3A_411 {strides = array<i32>} : memref<20x512xi32, #tpu.memory_space<vmem>>, vector<1x16xi32>,
      %mul3A_412 = arith.constant 512 : i32
      %mul3A_413 = arith.muli %scan3A_23, %mul3A_412 : i32
      %add3A_414 = arith.constant 192 : i32
      %add3A_415 = arith.addi %mul3A_413, %add3A_414 : i32
      %get3A_416 = arith.index_cast %add3A_415 : i32 to index
      %get3A_417 = tpu.vector_load %arg9[%get3A_416] {strides = array<i32>} : memref<10240xi32, #tpu.memory_space<vmem>>, vector<16xi32>,
      %get3A_418 = vector.shape_cast %get3A_417 : vector<16xi32> to vector<16xi32>
      %get3A_419 = arith.index_cast %add3A_415 : i32 to index
      %get3A_420 = tpu.vector_load %arg10[%get3A_419] {strides = array<i32>} : memref<10240xi32, #tpu.memory_space<vmem>>, vector<16xi32>,
      %get3A_421 = vector.shape_cast %get3A_420 : vector<16xi32> to vector<16xi32>
      %add3A_422 = vector.broadcast %add3A_415 : i32 to vector<16xi32>
      %add3A_423 = arith.addi %add3A_422, %iota3A : vector<16xi32>
      %lt3A_424 = arith.constant 10000 : i32
      %lt3A_425 = vector.broadcast %lt3A_424 : i32 to vector<16xi32>
      %lt3A_426 = arith.cmpi slt, %add3A_423, %lt3A_425 : vector<16xi32>
      %ne3A_427 = arith.cmpi ne, %get3A_418, %get3A_421 : vector<16xi32>
      %and3A_428 = arith.andi %lt3A_426, %ne3A_427 : vector<16xi1>
      %jit3A_429 = arith.constant 10000 : i32
      %broadcast_in_dim3A_430 = vector.broadcast %jit3A_429 : i32 to vector<16xi32>
      %select_n3A_431 = arith.select %and3A_428, %get3A_418, %broadcast_in_dim3A_430 : vector<16xi1>, vector<16xi32>
      %jit3A_432 = arith.constant 10000 : i32
      %broadcast_in_dim3A_433 = vector.broadcast %jit3A_432 : i32 to vector<16xi32>
      %select_n3A_434 = arith.select %lt3A_426, %get3A_421, %broadcast_in_dim3A_433 : vector<16xi1>, vector<16xi32>
      %swap3A_435 = arith.index_cast %scan3A_23 : i32 to index
      %swap3A_436 = arith.constant 192 : index
      %swap3A_437 = tpu.vector_load %arg11[%swap3A_435, %swap3A_436] {strides = array<i32>} : memref<20x512xi32, #tpu.memory_space<vmem>>, vector<1x16xi32>,
      %swap3A_438 = vector.shape_cast %swap3A_437 : vector<1x16xi32> to vector<16xi32>
      %swap3A_439 = vector.shape_cast %select_n3A_431 : vector<16xi32> to vector<1x16xi32>
      tpu.vector_store %arg11[%swap3A_435, %swap3A_436], %swap3A_439 {strides = array<i32>} : memref<20x512xi32, #tpu.memory_space<vmem>>, vector<1x16xi32>,
      %swap3A_440 = arith.index_cast %scan3A_23 : i32 to index
      %swap3A_441 = arith.constant 192 : index
      %swap3A_442 = tpu.vector_load %arg12[%swap3A_440, %swap3A_441] {strides = array<i32>} : memref<20x512xi32, #tpu.memory_space<vmem>>, vector<1x16xi32>,
      %swap3A_443 = vector.shape_cast %swap3A_442 : vector<1x16xi32> to vector<16xi32>
      %swap3A_444 = vector.shape_cast %select_n3A_434 : vector<16xi32> to vector<1x16xi32>
      tpu.vector_store %arg12[%swap3A_440, %swap3A_441], %swap3A_444 {strides = array<i32>} : memref<20x512xi32, #tpu.memory_space<vmem>>, vector<1x16xi32>,
      %mul3A_445 = arith.constant 512 : i32
      %mul3A_446 = arith.muli %scan3A_23, %mul3A_445 : i32
      %add3A_447 = arith.constant 208 : i32
      %add3A_448 = arith.addi %mul3A_446, %add3A_447 : i32
      %get3A_449 = arith.index_cast %add3A_448 : i32 to index
      %get3A_450 = tpu.vector_load %arg9[%get3A_449] {strides = array<i32>} : memref<10240xi32, #tpu.memory_space<vmem>>, vector<16xi32>,
      %get3A_451 = vector.shape_cast %get3A_450 : vector<16xi32> to vector<16xi32>
      %get3A_452 = arith.index_cast %add3A_448 : i32 to index
      %get3A_453 = tpu.vector_load %arg10[%get3A_452] {strides = array<i32>} : memref<10240xi32, #tpu.memory_space<vmem>>, vector<16xi32>,
      %get3A_454 = vector.shape_cast %get3A_453 : vector<16xi32> to vector<16xi32>
      %add3A_455 = vector.broadcast %add3A_448 : i32 to vector<16xi32>
      %add3A_456 = arith.addi %add3A_455, %iota3A : vector<16xi32>
      %lt3A_457 = arith.constant 10000 : i32
      %lt3A_458 = vector.broadcast %lt3A_457 : i32 to vector<16xi32>
      %lt3A_459 = arith.cmpi slt, %add3A_456, %lt3A_458 : vector<16xi32>
      %ne3A_460 = arith.cmpi ne, %get3A_451, %get3A_454 : vector<16xi32>
      %and3A_461 = arith.andi %lt3A_459, %ne3A_460 : vector<16xi1>
      %jit3A_462 = arith.constant 10000 : i32
      %broadcast_in_dim3A_463 = vector.broadcast %jit3A_462 : i32 to vector<16xi32>
      %select_n3A_464 = arith.select %and3A_461, %get3A_451, %broadcast_in_dim3A_463 : vector<16xi1>, vector<16xi32>
      %jit3A_465 = arith.constant 10000 : i32
      %broadcast_in_dim3A_466 = vector.broadcast %jit3A_465 : i32 to vector<16xi32>
      %select_n3A_467 = arith.select %lt3A_459, %get3A_454, %broadcast_in_dim3A_466 : vector<16xi1>, vector<16xi32>
      %swap3A_468 = arith.index_cast %scan3A_23 : i32 to index
      %swap3A_469 = arith.constant 208 : index
      %swap3A_470 = tpu.vector_load %arg11[%swap3A_468, %swap3A_469] {strides = array<i32>} : memref<20x512xi32, #tpu.memory_space<vmem>>, vector<1x16xi32>,
      %swap3A_471 = vector.shape_cast %swap3A_470 : vector<1x16xi32> to vector<16xi32>
      %swap3A_472 = vector.shape_cast %select_n3A_464 : vector<16xi32> to vector<1x16xi32>
      tpu.vector_store %arg11[%swap3A_468, %swap3A_469], %swap3A_472 {strides = array<i32>} : memref<20x512xi32, #tpu.memory_space<vmem>>, vector<1x16xi32>,
      %swap3A_473 = arith.index_cast %scan3A_23 : i32 to index
      %swap3A_474 = arith.constant 208 : index
      %swap3A_475 = tpu.vector_load %arg12[%swap3A_473, %swap3A_474] {strides = array<i32>} : memref<20x512xi32, #tpu.memory_space<vmem>>, vector<1x16xi32>,
      %swap3A_476 = vector.shape_cast %swap3A_475 : vector<1x16xi32> to vector<16xi32>
      %swap3A_477 = vector.shape_cast %select_n3A_467 : vector<16xi32> to vector<1x16xi32>
      tpu.vector_store %arg12[%swap3A_473, %swap3A_474], %swap3A_477 {strides = array<i32>} : memref<20x512xi32, #tpu.memory_space<vmem>>, vector<1x16xi32>,
      %mul3A_478 = arith.constant 512 : i32
      %mul3A_479 = arith.muli %scan3A_23, %mul3A_478 : i32
      %add3A_480 = arith.constant 224 : i32
      %add3A_481 = arith.addi %mul3A_479, %add3A_480 : i32
      %get3A_482 = arith.index_cast %add3A_481 : i32 to index
      %get3A_483 = tpu.vector_load %arg9[%get3A_482] {strides = array<i32>} : memref<10240xi32, #tpu.memory_space<vmem>>, vector<16xi32>,
      %get3A_484 = vector.shape_cast %get3A_483 : vector<16xi32> to vector<16xi32>
      %get3A_485 = arith.index_cast %add3A_481 : i32 to index
      %get3A_486 = tpu.vector_load %arg10[%get3A_485] {strides = array<i32>} : memref<10240xi32, #tpu.memory_space<vmem>>, vector<16xi32>,
      %get3A_487 = vector.shape_cast %get3A_486 : vector<16xi32> to vector<16xi32>
      %add3A_488 = vector.broadcast %add3A_481 : i32 to vector<16xi32>
      %add3A_489 = arith.addi %add3A_488, %iota3A : vector<16xi32>
      %lt3A_490 = arith.constant 10000 : i32
      %lt3A_491 = vector.broadcast %lt3A_490 : i32 to vector<16xi32>
      %lt3A_492 = arith.cmpi slt, %add3A_489, %lt3A_491 : vector<16xi32>
      %ne3A_493 = arith.cmpi ne, %get3A_484, %get3A_487 : vector<16xi32>
      %and3A_494 = arith.andi %lt3A_492, %ne3A_493 : vector<16xi1>
      %jit3A_495 = arith.constant 10000 : i32
      %broadcast_in_dim3A_496 = vector.broadcast %jit3A_495 : i32 to vector<16xi32>
      %select_n3A_497 = arith.select %and3A_494, %get3A_484, %broadcast_in_dim3A_496 : vector<16xi1>, vector<16xi32>
      %jit3A_498 = arith.constant 10000 : i32
      %broadcast_in_dim3A_499 = vector.broadcast %jit3A_498 : i32 to vector<16xi32>
      %select_n3A_500 = arith.select %lt3A_492, %get3A_487, %broadcast_in_dim3A_499 : vector<16xi1>, vector<16xi32>
      %swap3A_501 = arith.index_cast %scan3A_23 : i32 to index
      %swap3A_502 = arith.constant 224 : index
      %swap3A_503 = tpu.vector_load %arg11[%swap3A_501, %swap3A_502] {strides = array<i32>} : memref<20x512xi32, #tpu.memory_space<vmem>>, vector<1x16xi32>,
      %swap3A_504 = vector.shape_cast %swap3A_503 : vector<1x16xi32> to vector<16xi32>
      %swap3A_505 = vector.shape_cast %select_n3A_497 : vector<16xi32> to vector<1x16xi32>
      tpu.vector_store %arg11[%swap3A_501, %swap3A_502], %swap3A_505 {strides = array<i32>} : memref<20x512xi32, #tpu.memory_space<vmem>>, vector<1x16xi32>,
      %swap3A_506 = arith.index_cast %scan3A_23 : i32 to index
      %swap3A_507 = arith.constant 224 : index
      %swap3A_508 = tpu.vector_load %arg12[%swap3A_506, %swap3A_507] {strides = array<i32>} : memref<20x512xi32, #tpu.memory_space<vmem>>, vector<1x16xi32>,
      %swap3A_509 = vector.shape_cast %swap3A_508 : vector<1x16xi32> to vector<16xi32>
      %swap3A_510 = vector.shape_cast %select_n3A_500 : vector<16xi32> to vector<1x16xi32>
      tpu.vector_store %arg12[%swap3A_506, %swap3A_507], %swap3A_510 {strides = array<i32>} : memref<20x512xi32, #tpu.memory_space<vmem>>, vector<1x16xi32>,
      %mul3A_511 = arith.constant 512 : i32
      %mul3A_512 = arith.muli %scan3A_23, %mul3A_511 : i32
      %add3A_513 = arith.constant 240 : i32
      %add3A_514 = arith.addi %mul3A_512, %add3A_513 : i32
      %get3A_515 = arith.index_cast %add3A_514 : i32 to index
      %get3A_516 = tpu.vector_load %arg9[%get3A_515] {strides = array<i32>} : memref<10240xi32, #tpu.memory_space<vmem>>, vector<16xi32>,
      %get3A_517 = vector.shape_cast %get3A_516 : vector<16xi32> to vector<16xi32>
      %get3A_518 = arith.index_cast %add3A_514 : i32 to index
      %get3A_519 = tpu.vector_load %arg10[%get3A_518] {strides = array<i32>} : memref<10240xi32, #tpu.memory_space<vmem>>, vector<16xi32>,
      %get3A_520 = vector.shape_cast %get3A_519 : vector<16xi32> to vector<16xi32>
      %add3A_521 = vector.broadcast %add3A_514 : i32 to vector<16xi32>
      %add3A_522 = arith.addi %add3A_521, %iota3A : vector<16xi32>
      %lt3A_523 = arith.constant 10000 : i32
      %lt3A_524 = vector.broadcast %lt3A_523 : i32 to vector<16xi32>
      %lt3A_525 = arith.cmpi slt, %add3A_522, %lt3A_524 : vector<16xi32>
      %ne3A_526 = arith.cmpi ne, %get3A_517, %get3A_520 : vector<16xi32>
      %and3A_527 = arith.andi %lt3A_525, %ne3A_526 : vector<16xi1>
      %jit3A_528 = arith.constant 10000 : i32
      %broadcast_in_dim3A_529 = vector.broadcast %jit3A_528 : i32 to vector<16xi32>
      %select_n3A_530 = arith.select %and3A_527, %get3A_517, %broadcast_in_dim3A_529 : vector<16xi1>, vector<16xi32>
      %jit3A_531 = arith.constant 10000 : i32
      %broadcast_in_dim3A_532 = vector.broadcast %jit3A_531 : i32 to vector<16xi32>
      %select_n3A_533 = arith.select %lt3A_525, %get3A_520, %broadcast_in_dim3A_532 : vector<16xi1>, vector<16xi32>
      %swap3A_534 = arith.index_cast %scan3A_23 : i32 to index
      %swap3A_535 = arith.constant 240 : index
      %swap3A_536 = tpu.vector_load %arg11[%swap3A_534, %swap3A_535] {strides = array<i32>} : memref<20x512xi32, #tpu.memory_space<vmem>>, vector<1x16xi32>,
      %swap3A_537 = vector.shape_cast %swap3A_536 : vector<1x16xi32> to vector<16xi32>
      %swap3A_538 = vector.shape_cast %select_n3A_530 : vector<16xi32> to vector<1x16xi32>
      tpu.vector_store %arg11[%swap3A_534, %swap3A_535], %swap3A_538 {strides = array<i32>} : memref<20x512xi32, #tpu.memory_space<vmem>>, vector<1x16xi32>,
      %swap3A_539 = arith.index_cast %scan3A_23 : i32 to index
      %swap3A_540 = arith.constant 240 : index
      %swap3A_541 = tpu.vector_load %arg12[%swap3A_539, %swap3A_540] {strides = array<i32>} : memref<20x512xi32, #tpu.memory_space<vmem>>, vector<1x16xi32>,
      %swap3A_542 = vector.shape_cast %swap3A_541 : vector<1x16xi32> to vector<16xi32>
      %swap3A_543 = vector.shape_cast %select_n3A_533 : vector<16xi32> to vector<1x16xi32>
      tpu.vector_store %arg12[%swap3A_539, %swap3A_540], %swap3A_543 {strides = array<i32>} : memref<20x512xi32, #tpu.memory_space<vmem>>, vector<1x16xi32>,
      %mul3A_544 = arith.constant 512 : i32
      %mul3A_545 = arith.muli %scan3A_23, %mul3A_544 : i32
      %add3A_546 = arith.constant 256 : i32
      %add3A_547 = arith.addi %mul3A_545, %add3A_546 : i32
      %get3A_548 = arith.index_cast %add3A_547 : i32 to index
      %get3A_549 = tpu.vector_load %arg9[%get3A_548] {strides = array<i32>} : memref<10240xi32, #tpu.memory_space<vmem>>, vector<16xi32>,
      %get3A_550 = vector.shape_cast %get3A_549 : vector<16xi32> to vector<16xi32>
      %get3A_551 = arith.index_cast %add3A_547 : i32 to index
      %get3A_552 = tpu.vector_load %arg10[%get3A_551] {strides = array<i32>} : memref<10240xi32, #tpu.memory_space<vmem>>, vector<16xi32>,
      %get3A_553 = vector.shape_cast %get3A_552 : vector<16xi32> to vector<16xi32>
      %add3A_554 = vector.broadcast %add3A_547 : i32 to vector<16xi32>
      %add3A_555 = arith.addi %add3A_554, %iota3A : vector<16xi32>
      %lt3A_556 = arith.constant 10000 : i32
      %lt3A_557 = vector.broadcast %lt3A_556 : i32 to vector<16xi32>
      %lt3A_558 = arith.cmpi slt, %add3A_555, %lt3A_557 : vector<16xi32>
      %ne3A_559 = arith.cmpi ne, %get3A_550, %get3A_553 : vector<16xi32>
      %and3A_560 = arith.andi %lt3A_558, %ne3A_559 : vector<16xi1>
      %jit3A_561 = arith.constant 10000 : i32
      %broadcast_in_dim3A_562 = vector.broadcast %jit3A_561 : i32 to vector<16xi32>
      %select_n3A_563 = arith.select %and3A_560, %get3A_550, %broadcast_in_dim3A_562 : vector<16xi1>, vector<16xi32>
      %jit3A_564 = arith.constant 10000 : i32
      %broadcast_in_dim3A_565 = vector.broadcast %jit3A_564 : i32 to vector<16xi32>
      %select_n3A_566 = arith.select %lt3A_558, %get3A_553, %broadcast_in_dim3A_565 : vector<16xi1>, vector<16xi32>
      %swap3A_567 = arith.index_cast %scan3A_23 : i32 to index
      %swap3A_568 = arith.constant 256 : index
      %swap3A_569 = tpu.vector_load %arg11[%swap3A_567, %swap3A_568] {strides = array<i32>} : memref<20x512xi32, #tpu.memory_space<vmem>>, vector<1x16xi32>,
      %swap3A_570 = vector.shape_cast %swap3A_569 : vector<1x16xi32> to vector<16xi32>
      %swap3A_571 = vector.shape_cast %select_n3A_563 : vector<16xi32> to vector<1x16xi32>
      tpu.vector_store %arg11[%swap3A_567, %swap3A_568], %swap3A_571 {strides = array<i32>} : memref<20x512xi32, #tpu.memory_space<vmem>>, vector<1x16xi32>,
      %swap3A_572 = arith.index_cast %scan3A_23 : i32 to index
      %swap3A_573 = arith.constant 256 : index
      %swap3A_574 = tpu.vector_load %arg12[%swap3A_572, %swap3A_573] {strides = array<i32>} : memref<20x512xi32, #tpu.memory_space<vmem>>, vector<1x16xi32>,
      %swap3A_575 = vector.shape_cast %swap3A_574 : vector<1x16xi32> to vector<16xi32>
      %swap3A_576 = vector.shape_cast %select_n3A_566 : vector<16xi32> to vector<1x16xi32>
      tpu.vector_store %arg12[%swap3A_572, %swap3A_573], %swap3A_576 {strides = array<i32>} : memref<20x512xi32, #tpu.memory_space<vmem>>, vector<1x16xi32>,
      %mul3A_577 = arith.constant 512 : i32
      %mul3A_578 = arith.muli %scan3A_23, %mul3A_577 : i32
      %add3A_579 = arith.constant 272 : i32
      %add3A_580 = arith.addi %mul3A_578, %add3A_579 : i32
      %get3A_581 = arith.index_cast %add3A_580 : i32 to index
      %get3A_582 = tpu.vector_load %arg9[%get3A_581] {strides = array<i32>} : memref<10240xi32, #tpu.memory_space<vmem>>, vector<16xi32>,
      %get3A_583 = vector.shape_cast %get3A_582 : vector<16xi32> to vector<16xi32>
      %get3A_584 = arith.index_cast %add3A_580 : i32 to index
      %get3A_585 = tpu.vector_load %arg10[%get3A_584] {strides = array<i32>} : memref<10240xi32, #tpu.memory_space<vmem>>, vector<16xi32>,
      %get3A_586 = vector.shape_cast %get3A_585 : vector<16xi32> to vector<16xi32>
      %add3A_587 = vector.broadcast %add3A_580 : i32 to vector<16xi32>
      %add3A_588 = arith.addi %add3A_587, %iota3A : vector<16xi32>
      %lt3A_589 = arith.constant 10000 : i32
      %lt3A_590 = vector.broadcast %lt3A_589 : i32 to vector<16xi32>
      %lt3A_591 = arith.cmpi slt, %add3A_588, %lt3A_590 : vector<16xi32>
      %ne3A_592 = arith.cmpi ne, %get3A_583, %get3A_586 : vector<16xi32>
      %and3A_593 = arith.andi %lt3A_591, %ne3A_592 : vector<16xi1>
      %jit3A_594 = arith.constant 10000 : i32
      %broadcast_in_dim3A_595 = vector.broadcast %jit3A_594 : i32 to vector<16xi32>
      %select_n3A_596 = arith.select %and3A_593, %get3A_583, %broadcast_in_dim3A_595 : vector<16xi1>, vector<16xi32>
      %jit3A_597 = arith.constant 10000 : i32
      %broadcast_in_dim3A_598 = vector.broadcast %jit3A_597 : i32 to vector<16xi32>
      %select_n3A_599 = arith.select %lt3A_591, %get3A_586, %broadcast_in_dim3A_598 : vector<16xi1>, vector<16xi32>
      %swap3A_600 = arith.index_cast %scan3A_23 : i32 to index
      %swap3A_601 = arith.constant 272 : index
      %swap3A_602 = tpu.vector_load %arg11[%swap3A_600, %swap3A_601] {strides = array<i32>} : memref<20x512xi32, #tpu.memory_space<vmem>>, vector<1x16xi32>,
      %swap3A_603 = vector.shape_cast %swap3A_602 : vector<1x16xi32> to vector<16xi32>
      %swap3A_604 = vector.shape_cast %select_n3A_596 : vector<16xi32> to vector<1x16xi32>
      tpu.vector_store %arg11[%swap3A_600, %swap3A_601], %swap3A_604 {strides = array<i32>} : memref<20x512xi32, #tpu.memory_space<vmem>>, vector<1x16xi32>,
      %swap3A_605 = arith.index_cast %scan3A_23 : i32 to index
      %swap3A_606 = arith.constant 272 : index
      %swap3A_607 = tpu.vector_load %arg12[%swap3A_605, %swap3A_606] {strides = array<i32>} : memref<20x512xi32, #tpu.memory_space<vmem>>, vector<1x16xi32>,
      %swap3A_608 = vector.shape_cast %swap3A_607 : vector<1x16xi32> to vector<16xi32>
      %swap3A_609 = vector.shape_cast %select_n3A_599 : vector<16xi32> to vector<1x16xi32>
      tpu.vector_store %arg12[%swap3A_605, %swap3A_606], %swap3A_609 {strides = array<i32>} : memref<20x512xi32, #tpu.memory_space<vmem>>, vector<1x16xi32>,
      %mul3A_610 = arith.constant 512 : i32
      %mul3A_611 = arith.muli %scan3A_23, %mul3A_610 : i32
      %add3A_612 = arith.constant 288 : i32
      %add3A_613 = arith.addi %mul3A_611, %add3A_612 : i32
      %get3A_614 = arith.index_cast %add3A_613 : i32 to index
      %get3A_615 = tpu.vector_load %arg9[%get3A_614] {strides = array<i32>} : memref<10240xi32, #tpu.memory_space<vmem>>, vector<16xi32>,
      %get3A_616 = vector.shape_cast %get3A_615 : vector<16xi32> to vector<16xi32>
      %get3A_617 = arith.index_cast %add3A_613 : i32 to index
      %get3A_618 = tpu.vector_load %arg10[%get3A_617] {strides = array<i32>} : memref<10240xi32, #tpu.memory_space<vmem>>, vector<16xi32>,
      %get3A_619 = vector.shape_cast %get3A_618 : vector<16xi32> to vector<16xi32>
      %add3A_620 = vector.broadcast %add3A_613 : i32 to vector<16xi32>
      %add3A_621 = arith.addi %add3A_620, %iota3A : vector<16xi32>
      %lt3A_622 = arith.constant 10000 : i32
      %lt3A_623 = vector.broadcast %lt3A_622 : i32 to vector<16xi32>
      %lt3A_624 = arith.cmpi slt, %add3A_621, %lt3A_623 : vector<16xi32>
      %ne3A_625 = arith.cmpi ne, %get3A_616, %get3A_619 : vector<16xi32>
      %and3A_626 = arith.andi %lt3A_624, %ne3A_625 : vector<16xi1>
      %jit3A_627 = arith.constant 10000 : i32
      %broadcast_in_dim3A_628 = vector.broadcast %jit3A_627 : i32 to vector<16xi32>
      %select_n3A_629 = arith.select %and3A_626, %get3A_616, %broadcast_in_dim3A_628 : vector<16xi1>, vector<16xi32>
      %jit3A_630 = arith.constant 10000 : i32
      %broadcast_in_dim3A_631 = vector.broadcast %jit3A_630 : i32 to vector<16xi32>
      %select_n3A_632 = arith.select %lt3A_624, %get3A_619, %broadcast_in_dim3A_631 : vector<16xi1>, vector<16xi32>
      %swap3A_633 = arith.index_cast %scan3A_23 : i32 to index
      %swap3A_634 = arith.constant 288 : index
      %swap3A_635 = tpu.vector_load %arg11[%swap3A_633, %swap3A_634] {strides = array<i32>} : memref<20x512xi32, #tpu.memory_space<vmem>>, vector<1x16xi32>,
      %swap3A_636 = vector.shape_cast %swap3A_635 : vector<1x16xi32> to vector<16xi32>
      %swap3A_637 = vector.shape_cast %select_n3A_629 : vector<16xi32> to vector<1x16xi32>
      tpu.vector_store %arg11[%swap3A_633, %swap3A_634], %swap3A_637 {strides = array<i32>} : memref<20x512xi32, #tpu.memory_space<vmem>>, vector<1x16xi32>,
      %swap3A_638 = arith.index_cast %scan3A_23 : i32 to index
      %swap3A_639 = arith.constant 288 : index
      %swap3A_640 = tpu.vector_load %arg12[%swap3A_638, %swap3A_639] {strides = array<i32>} : memref<20x512xi32, #tpu.memory_space<vmem>>, vector<1x16xi32>,
      %swap3A_641 = vector.shape_cast %swap3A_640 : vector<1x16xi32> to vector<16xi32>
      %swap3A_642 = vector.shape_cast %select_n3A_632 : vector<16xi32> to vector<1x16xi32>
      tpu.vector_store %arg12[%swap3A_638, %swap3A_639], %swap3A_642 {strides = array<i32>} : memref<20x512xi32, #tpu.memory_space<vmem>>, vector<1x16xi32>,
      %mul3A_643 = arith.constant 512 : i32
      %mul3A_644 = arith.muli %scan3A_23, %mul3A_643 : i32
      %add3A_645 = arith.constant 304 : i32
      %add3A_646 = arith.addi %mul3A_644, %add3A_645 : i32
      %get3A_647 = arith.index_cast %add3A_646 : i32 to index
      %get3A_648 = tpu.vector_load %arg9[%get3A_647] {strides = array<i32>} : memref<10240xi32, #tpu.memory_space<vmem>>, vector<16xi32>,
      %get3A_649 = vector.shape_cast %get3A_648 : vector<16xi32> to vector<16xi32>
      %get3A_650 = arith.index_cast %add3A_646 : i32 to index
      %get3A_651 = tpu.vector_load %arg10[%get3A_650] {strides = array<i32>} : memref<10240xi32, #tpu.memory_space<vmem>>, vector<16xi32>,
      %get3A_652 = vector.shape_cast %get3A_651 : vector<16xi32> to vector<16xi32>
      %add3A_653 = vector.broadcast %add3A_646 : i32 to vector<16xi32>
      %add3A_654 = arith.addi %add3A_653, %iota3A : vector<16xi32>
      %lt3A_655 = arith.constant 10000 : i32
      %lt3A_656 = vector.broadcast %lt3A_655 : i32 to vector<16xi32>
      %lt3A_657 = arith.cmpi slt, %add3A_654, %lt3A_656 : vector<16xi32>
      %ne3A_658 = arith.cmpi ne, %get3A_649, %get3A_652 : vector<16xi32>
      %and3A_659 = arith.andi %lt3A_657, %ne3A_658 : vector<16xi1>
      %jit3A_660 = arith.constant 10000 : i32
      %broadcast_in_dim3A_661 = vector.broadcast %jit3A_660 : i32 to vector<16xi32>
      %select_n3A_662 = arith.select %and3A_659, %get3A_649, %broadcast_in_dim3A_661 : vector<16xi1>, vector<16xi32>
      %jit3A_663 = arith.constant 10000 : i32
      %broadcast_in_dim3A_664 = vector.broadcast %jit3A_663 : i32 to vector<16xi32>
      %select_n3A_665 = arith.select %lt3A_657, %get3A_652, %broadcast_in_dim3A_664 : vector<16xi1>, vector<16xi32>
      %swap3A_666 = arith.index_cast %scan3A_23 : i32 to index
      %swap3A_667 = arith.constant 304 : index
      %swap3A_668 = tpu.vector_load %arg11[%swap3A_666, %swap3A_667] {strides = array<i32>} : memref<20x512xi32, #tpu.memory_space<vmem>>, vector<1x16xi32>,
      %swap3A_669 = vector.shape_cast %swap3A_668 : vector<1x16xi32> to vector<16xi32>
      %swap3A_670 = vector.shape_cast %select_n3A_662 : vector<16xi32> to vector<1x16xi32>
      tpu.vector_store %arg11[%swap3A_666, %swap3A_667], %swap3A_670 {strides = array<i32>} : memref<20x512xi32, #tpu.memory_space<vmem>>, vector<1x16xi32>,
      %swap3A_671 = arith.index_cast %scan3A_23 : i32 to index
      %swap3A_672 = arith.constant 304 : index
      %swap3A_673 = tpu.vector_load %arg12[%swap3A_671, %swap3A_672] {strides = array<i32>} : memref<20x512xi32, #tpu.memory_space<vmem>>, vector<1x16xi32>,
      %swap3A_674 = vector.shape_cast %swap3A_673 : vector<1x16xi32> to vector<16xi32>
      %swap3A_675 = vector.shape_cast %select_n3A_665 : vector<16xi32> to vector<1x16xi32>
      tpu.vector_store %arg12[%swap3A_671, %swap3A_672], %swap3A_675 {strides = array<i32>} : memref<20x512xi32, #tpu.memory_space<vmem>>, vector<1x16xi32>,
      %mul3A_676 = arith.constant 512 : i32
      %mul3A_677 = arith.muli %scan3A_23, %mul3A_676 : i32
      %add3A_678 = arith.constant 320 : i32
      %add3A_679 = arith.addi %mul3A_677, %add3A_678 : i32
      %get3A_680 = arith.index_cast %add3A_679 : i32 to index
      %get3A_681 = tpu.vector_load %arg9[%get3A_680] {strides = array<i32>} : memref<10240xi32, #tpu.memory_space<vmem>>, vector<16xi32>,
      %get3A_682 = vector.shape_cast %get3A_681 : vector<16xi32> to vector<16xi32>
      %get3A_683 = arith.index_cast %add3A_679 : i32 to index
      %get3A_684 = tpu.vector_load %arg10[%get3A_683] {strides = array<i32>} : memref<10240xi32, #tpu.memory_space<vmem>>, vector<16xi32>,
      %get3A_685 = vector.shape_cast %get3A_684 : vector<16xi32> to vector<16xi32>
      %add3A_686 = vector.broadcast %add3A_679 : i32 to vector<16xi32>
      %add3A_687 = arith.addi %add3A_686, %iota3A : vector<16xi32>
      %lt3A_688 = arith.constant 10000 : i32
      %lt3A_689 = vector.broadcast %lt3A_688 : i32 to vector<16xi32>
      %lt3A_690 = arith.cmpi slt, %add3A_687, %lt3A_689 : vector<16xi32>
      %ne3A_691 = arith.cmpi ne, %get3A_682, %get3A_685 : vector<16xi32>
      %and3A_692 = arith.andi %lt3A_690, %ne3A_691 : vector<16xi1>
      %jit3A_693 = arith.constant 10000 : i32
      %broadcast_in_dim3A_694 = vector.broadcast %jit3A_693 : i32 to vector<16xi32>
      %select_n3A_695 = arith.select %and3A_692, %get3A_682, %broadcast_in_dim3A_694 : vector<16xi1>, vector<16xi32>
      %jit3A_696 = arith.constant 10000 : i32
      %broadcast_in_dim3A_697 = vector.broadcast %jit3A_696 : i32 to vector<16xi32>
      %select_n3A_698 = arith.select %lt3A_690, %get3A_685, %broadcast_in_dim3A_697 : vector<16xi1>, vector<16xi32>
      %swap3A_699 = arith.index_cast %scan3A_23 : i32 to index
      %swap3A_700 = arith.constant 320 : index
      %swap3A_701 = tpu.vector_load %arg11[%swap3A_699, %swap3A_700] {strides = array<i32>} : memref<20x512xi32, #tpu.memory_space<vmem>>, vector<1x16xi32>,
      %swap3A_702 = vector.shape_cast %swap3A_701 : vector<1x16xi32> to vector<16xi32>
      %swap3A_703 = vector.shape_cast %select_n3A_695 : vector<16xi32> to vector<1x16xi32>
      tpu.vector_store %arg11[%swap3A_699, %swap3A_700], %swap3A_703 {strides = array<i32>} : memref<20x512xi32, #tpu.memory_space<vmem>>, vector<1x16xi32>,
      %swap3A_704 = arith.index_cast %scan3A_23 : i32 to index
      %swap3A_705 = arith.constant 320 : index
      %swap3A_706 = tpu.vector_load %arg12[%swap3A_704, %swap3A_705] {strides = array<i32>} : memref<20x512xi32, #tpu.memory_space<vmem>>, vector<1x16xi32>,
      %swap3A_707 = vector.shape_cast %swap3A_706 : vector<1x16xi32> to vector<16xi32>
      %swap3A_708 = vector.shape_cast %select_n3A_698 : vector<16xi32> to vector<1x16xi32>
      tpu.vector_store %arg12[%swap3A_704, %swap3A_705], %swap3A_708 {strides = array<i32>} : memref<20x512xi32, #tpu.memory_space<vmem>>, vector<1x16xi32>,
      %mul3A_709 = arith.constant 512 : i32
      %mul3A_710 = arith.muli %scan3A_23, %mul3A_709 : i32
      %add3A_711 = arith.constant 336 : i32
      %add3A_712 = arith.addi %mul3A_710, %add3A_711 : i32
      %get3A_713 = arith.index_cast %add3A_712 : i32 to index
      %get3A_714 = tpu.vector_load %arg9[%get3A_713] {strides = array<i32>} : memref<10240xi32, #tpu.memory_space<vmem>>, vector<16xi32>,
      %get3A_715 = vector.shape_cast %get3A_714 : vector<16xi32> to vector<16xi32>
      %get3A_716 = arith.index_cast %add3A_712 : i32 to index
      %get3A_717 = tpu.vector_load %arg10[%get3A_716] {strides = array<i32>} : memref<10240xi32, #tpu.memory_space<vmem>>, vector<16xi32>,
      %get3A_718 = vector.shape_cast %get3A_717 : vector<16xi32> to vector<16xi32>
      %add3A_719 = vector.broadcast %add3A_712 : i32 to vector<16xi32>
      %add3A_720 = arith.addi %add3A_719, %iota3A : vector<16xi32>
      %lt3A_721 = arith.constant 10000 : i32
      %lt3A_722 = vector.broadcast %lt3A_721 : i32 to vector<16xi32>
      %lt3A_723 = arith.cmpi slt, %add3A_720, %lt3A_722 : vector<16xi32>
      %ne3A_724 = arith.cmpi ne, %get3A_715, %get3A_718 : vector<16xi32>
      %and3A_725 = arith.andi %lt3A_723, %ne3A_724 : vector<16xi1>
      %jit3A_726 = arith.constant 10000 : i32
      %broadcast_in_dim3A_727 = vector.broadcast %jit3A_726 : i32 to vector<16xi32>
      %select_n3A_728 = arith.select %and3A_725, %get3A_715, %broadcast_in_dim3A_727 : vector<16xi1>, vector<16xi32>
      %jit3A_729 = arith.constant 10000 : i32
      %broadcast_in_dim3A_730 = vector.broadcast %jit3A_729 : i32 to vector<16xi32>
      %select_n3A_731 = arith.select %lt3A_723, %get3A_718, %broadcast_in_dim3A_730 : vector<16xi1>, vector<16xi32>
      %swap3A_732 = arith.index_cast %scan3A_23 : i32 to index
      %swap3A_733 = arith.constant 336 : index
      %swap3A_734 = tpu.vector_load %arg11[%swap3A_732, %swap3A_733] {strides = array<i32>} : memref<20x512xi32, #tpu.memory_space<vmem>>, vector<1x16xi32>,
      %swap3A_735 = vector.shape_cast %swap3A_734 : vector<1x16xi32> to vector<16xi32>
      %swap3A_736 = vector.shape_cast %select_n3A_728 : vector<16xi32> to vector<1x16xi32>
      tpu.vector_store %arg11[%swap3A_732, %swap3A_733], %swap3A_736 {strides = array<i32>} : memref<20x512xi32, #tpu.memory_space<vmem>>, vector<1x16xi32>,
      %swap3A_737 = arith.index_cast %scan3A_23 : i32 to index
      %swap3A_738 = arith.constant 336 : index
      %swap3A_739 = tpu.vector_load %arg12[%swap3A_737, %swap3A_738] {strides = array<i32>} : memref<20x512xi32, #tpu.memory_space<vmem>>, vector<1x16xi32>,
      %swap3A_740 = vector.shape_cast %swap3A_739 : vector<1x16xi32> to vector<16xi32>
      %swap3A_741 = vector.shape_cast %select_n3A_731 : vector<16xi32> to vector<1x16xi32>
      tpu.vector_store %arg12[%swap3A_737, %swap3A_738], %swap3A_741 {strides = array<i32>} : memref<20x512xi32, #tpu.memory_space<vmem>>, vector<1x16xi32>,
      %mul3A_742 = arith.constant 512 : i32
      %mul3A_743 = arith.muli %scan3A_23, %mul3A_742 : i32
      %add3A_744 = arith.constant 352 : i32
      %add3A_745 = arith.addi %mul3A_743, %add3A_744 : i32
      %get3A_746 = arith.index_cast %add3A_745 : i32 to index
      %get3A_747 = tpu.vector_load %arg9[%get3A_746] {strides = array<i32>} : memref<10240xi32, #tpu.memory_space<vmem>>, vector<16xi32>,
      %get3A_748 = vector.shape_cast %get3A_747 : vector<16xi32> to vector<16xi32>
      %get3A_749 = arith.index_cast %add3A_745 : i32 to index
      %get3A_750 = tpu.vector_load %arg10[%get3A_749] {strides = array<i32>} : memref<10240xi32, #tpu.memory_space<vmem>>, vector<16xi32>,
      %get3A_751 = vector.shape_cast %get3A_750 : vector<16xi32> to vector<16xi32>
      %add3A_752 = vector.broadcast %add3A_745 : i32 to vector<16xi32>
      %add3A_753 = arith.addi %add3A_752, %iota3A : vector<16xi32>
      %lt3A_754 = arith.constant 10000 : i32
      %lt3A_755 = vector.broadcast %lt3A_754 : i32 to vector<16xi32>
      %lt3A_756 = arith.cmpi slt, %add3A_753, %lt3A_755 : vector<16xi32>
      %ne3A_757 = arith.cmpi ne, %get3A_748, %get3A_751 : vector<16xi32>
      %and3A_758 = arith.andi %lt3A_756, %ne3A_757 : vector<16xi1>
      %jit3A_759 = arith.constant 10000 : i32
      %broadcast_in_dim3A_760 = vector.broadcast %jit3A_759 : i32 to vector<16xi32>
      %select_n3A_761 = arith.select %and3A_758, %get3A_748, %broadcast_in_dim3A_760 : vector<16xi1>, vector<16xi32>
      %jit3A_762 = arith.constant 10000 : i32
      %broadcast_in_dim3A_763 = vector.broadcast %jit3A_762 : i32 to vector<16xi32>
      %select_n3A_764 = arith.select %lt3A_756, %get3A_751, %broadcast_in_dim3A_763 : vector<16xi1>, vector<16xi32>
      %swap3A_765 = arith.index_cast %scan3A_23 : i32 to index
      %swap3A_766 = arith.constant 352 : index
      %swap3A_767 = tpu.vector_load %arg11[%swap3A_765, %swap3A_766] {strides = array<i32>} : memref<20x512xi32, #tpu.memory_space<vmem>>, vector<1x16xi32>,
      %swap3A_768 = vector.shape_cast %swap3A_767 : vector<1x16xi32> to vector<16xi32>
      %swap3A_769 = vector.shape_cast %select_n3A_761 : vector<16xi32> to vector<1x16xi32>
      tpu.vector_store %arg11[%swap3A_765, %swap3A_766], %swap3A_769 {strides = array<i32>} : memref<20x512xi32, #tpu.memory_space<vmem>>, vector<1x16xi32>,
      %swap3A_770 = arith.index_cast %scan3A_23 : i32 to index
      %swap3A_771 = arith.constant 352 : index
      %swap3A_772 = tpu.vector_load %arg12[%swap3A_770, %swap3A_771] {strides = array<i32>} : memref<20x512xi32, #tpu.memory_space<vmem>>, vector<1x16xi32>,
      %swap3A_773 = vector.shape_cast %swap3A_772 : vector<1x16xi32> to vector<16xi32>
      %swap3A_774 = vector.shape_cast %select_n3A_764 : vector<16xi32> to vector<1x16xi32>
      tpu.vector_store %arg12[%swap3A_770, %swap3A_771], %swap3A_774 {strides = array<i32>} : memref<20x512xi32, #tpu.memory_space<vmem>>, vector<1x16xi32>,
      %mul3A_775 = arith.constant 512 : i32
      %mul3A_776 = arith.muli %scan3A_23, %mul3A_775 : i32
      %add3A_777 = arith.constant 368 : i32
      %add3A_778 = arith.addi %mul3A_776, %add3A_777 : i32
      %get3A_779 = arith.index_cast %add3A_778 : i32 to index
      %get3A_780 = tpu.vector_load %arg9[%get3A_779] {strides = array<i32>} : memref<10240xi32, #tpu.memory_space<vmem>>, vector<16xi32>,
      %get3A_781 = vector.shape_cast %get3A_780 : vector<16xi32> to vector<16xi32>
      %get3A_782 = arith.index_cast %add3A_778 : i32 to index
      %get3A_783 = tpu.vector_load %arg10[%get3A_782] {strides = array<i32>} : memref<10240xi32, #tpu.memory_space<vmem>>, vector<16xi32>,
      %get3A_784 = vector.shape_cast %get3A_783 : vector<16xi32> to vector<16xi32>
      %add3A_785 = vector.broadcast %add3A_778 : i32 to vector<16xi32>
      %add3A_786 = arith.addi %add3A_785, %iota3A : vector<16xi32>
      %lt3A_787 = arith.constant 10000 : i32
      %lt3A_788 = vector.broadcast %lt3A_787 : i32 to vector<16xi32>
      %lt3A_789 = arith.cmpi slt, %add3A_786, %lt3A_788 : vector<16xi32>
      %ne3A_790 = arith.cmpi ne, %get3A_781, %get3A_784 : vector<16xi32>
      %and3A_791 = arith.andi %lt3A_789, %ne3A_790 : vector<16xi1>
      %jit3A_792 = arith.constant 10000 : i32
      %broadcast_in_dim3A_793 = vector.broadcast %jit3A_792 : i32 to vector<16xi32>
      %select_n3A_794 = arith.select %and3A_791, %get3A_781, %broadcast_in_dim3A_793 : vector<16xi1>, vector<16xi32>
      %jit3A_795 = arith.constant 10000 : i32
      %broadcast_in_dim3A_796 = vector.broadcast %jit3A_795 : i32 to vector<16xi32>
      %select_n3A_797 = arith.select %lt3A_789, %get3A_784, %broadcast_in_dim3A_796 : vector<16xi1>, vector<16xi32>
      %swap3A_798 = arith.index_cast %scan3A_23 : i32 to index
      %swap3A_799 = arith.constant 368 : index
      %swap3A_800 = tpu.vector_load %arg11[%swap3A_798, %swap3A_799] {strides = array<i32>} : memref<20x512xi32, #tpu.memory_space<vmem>>, vector<1x16xi32>,
      %swap3A_801 = vector.shape_cast %swap3A_800 : vector<1x16xi32> to vector<16xi32>
      %swap3A_802 = vector.shape_cast %select_n3A_794 : vector<16xi32> to vector<1x16xi32>
      tpu.vector_store %arg11[%swap3A_798, %swap3A_799], %swap3A_802 {strides = array<i32>} : memref<20x512xi32, #tpu.memory_space<vmem>>, vector<1x16xi32>,
      %swap3A_803 = arith.index_cast %scan3A_23 : i32 to index
      %swap3A_804 = arith.constant 368 : index
      %swap3A_805 = tpu.vector_load %arg12[%swap3A_803, %swap3A_804] {strides = array<i32>} : memref<20x512xi32, #tpu.memory_space<vmem>>, vector<1x16xi32>,
      %swap3A_806 = vector.shape_cast %swap3A_805 : vector<1x16xi32> to vector<16xi32>
      %swap3A_807 = vector.shape_cast %select_n3A_797 : vector<16xi32> to vector<1x16xi32>
      tpu.vector_store %arg12[%swap3A_803, %swap3A_804], %swap3A_807 {strides = array<i32>} : memref<20x512xi32, #tpu.memory_space<vmem>>, vector<1x16xi32>,
      %mul3A_808 = arith.constant 512 : i32
      %mul3A_809 = arith.muli %scan3A_23, %mul3A_808 : i32
      %add3A_810 = arith.constant 384 : i32
      %add3A_811 = arith.addi %mul3A_809, %add3A_810 : i32
      %get3A_812 = arith.index_cast %add3A_811 : i32 to index
      %get3A_813 = tpu.vector_load %arg9[%get3A_812] {strides = array<i32>} : memref<10240xi32, #tpu.memory_space<vmem>>, vector<16xi32>,
      %get3A_814 = vector.shape_cast %get3A_813 : vector<16xi32> to vector<16xi32>
      %get3A_815 = arith.index_cast %add3A_811 : i32 to index
      %get3A_816 = tpu.vector_load %arg10[%get3A_815] {strides = array<i32>} : memref<10240xi32, #tpu.memory_space<vmem>>, vector<16xi32>,
      %get3A_817 = vector.shape_cast %get3A_816 : vector<16xi32> to vector<16xi32>
      %add3A_818 = vector.broadcast %add3A_811 : i32 to vector<16xi32>
      %add3A_819 = arith.addi %add3A_818, %iota3A : vector<16xi32>
      %lt3A_820 = arith.constant 10000 : i32
      %lt3A_821 = vector.broadcast %lt3A_820 : i32 to vector<16xi32>
      %lt3A_822 = arith.cmpi slt, %add3A_819, %lt3A_821 : vector<16xi32>
      %ne3A_823 = arith.cmpi ne, %get3A_814, %get3A_817 : vector<16xi32>
      %and3A_824 = arith.andi %lt3A_822, %ne3A_823 : vector<16xi1>
      %jit3A_825 = arith.constant 10000 : i32
      %broadcast_in_dim3A_826 = vector.broadcast %jit3A_825 : i32 to vector<16xi32>
      %select_n3A_827 = arith.select %and3A_824, %get3A_814, %broadcast_in_dim3A_826 : vector<16xi1>, vector<16xi32>
      %jit3A_828 = arith.constant 10000 : i32
      %broadcast_in_dim3A_829 = vector.broadcast %jit3A_828 : i32 to vector<16xi32>
      %select_n3A_830 = arith.select %lt3A_822, %get3A_817, %broadcast_in_dim3A_829 : vector<16xi1>, vector<16xi32>
      %swap3A_831 = arith.index_cast %scan3A_23 : i32 to index
      %swap3A_832 = arith.constant 384 : index
      %swap3A_833 = tpu.vector_load %arg11[%swap3A_831, %swap3A_832] {strides = array<i32>} : memref<20x512xi32, #tpu.memory_space<vmem>>, vector<1x16xi32>,
      %swap3A_834 = vector.shape_cast %swap3A_833 : vector<1x16xi32> to vector<16xi32>
      %swap3A_835 = vector.shape_cast %select_n3A_827 : vector<16xi32> to vector<1x16xi32>
      tpu.vector_store %arg11[%swap3A_831, %swap3A_832], %swap3A_835 {strides = array<i32>} : memref<20x512xi32, #tpu.memory_space<vmem>>, vector<1x16xi32>,
      %swap3A_836 = arith.index_cast %scan3A_23 : i32 to index
      %swap3A_837 = arith.constant 384 : index
      %swap3A_838 = tpu.vector_load %arg12[%swap3A_836, %swap3A_837] {strides = array<i32>} : memref<20x512xi32, #tpu.memory_space<vmem>>, vector<1x16xi32>,
      %swap3A_839 = vector.shape_cast %swap3A_838 : vector<1x16xi32> to vector<16xi32>
      %swap3A_840 = vector.shape_cast %select_n3A_830 : vector<16xi32> to vector<1x16xi32>
      tpu.vector_store %arg12[%swap3A_836, %swap3A_837], %swap3A_840 {strides = array<i32>} : memref<20x512xi32, #tpu.memory_space<vmem>>, vector<1x16xi32>,
      %mul3A_841 = arith.constant 512 : i32
      %mul3A_842 = arith.muli %scan3A_23, %mul3A_841 : i32
      %add3A_843 = arith.constant 400 : i32
      %add3A_844 = arith.addi %mul3A_842, %add3A_843 : i32
      %get3A_845 = arith.index_cast %add3A_844 : i32 to index
      %get3A_846 = tpu.vector_load %arg9[%get3A_845] {strides = array<i32>} : memref<10240xi32, #tpu.memory_space<vmem>>, vector<16xi32>,
      %get3A_847 = vector.shape_cast %get3A_846 : vector<16xi32> to vector<16xi32>
      %get3A_848 = arith.index_cast %add3A_844 : i32 to index
      %get3A_849 = tpu.vector_load %arg10[%get3A_848] {strides = array<i32>} : memref<10240xi32, #tpu.memory_space<vmem>>, vector<16xi32>,
      %get3A_850 = vector.shape_cast %get3A_849 : vector<16xi32> to vector<16xi32>
      %add3A_851 = vector.broadcast %add3A_844 : i32 to vector<16xi32>
      %add3A_852 = arith.addi %add3A_851, %iota3A : vector<16xi32>
      %lt3A_853 = arith.constant 10000 : i32
      %lt3A_854 = vector.broadcast %lt3A_853 : i32 to vector<16xi32>
      %lt3A_855 = arith.cmpi slt, %add3A_852, %lt3A_854 : vector<16xi32>
      %ne3A_856 = arith.cmpi ne, %get3A_847, %get3A_850 : vector<16xi32>
      %and3A_857 = arith.andi %lt3A_855, %ne3A_856 : vector<16xi1>
      %jit3A_858 = arith.constant 10000 : i32
      %broadcast_in_dim3A_859 = vector.broadcast %jit3A_858 : i32 to vector<16xi32>
      %select_n3A_860 = arith.select %and3A_857, %get3A_847, %broadcast_in_dim3A_859 : vector<16xi1>, vector<16xi32>
      %jit3A_861 = arith.constant 10000 : i32
      %broadcast_in_dim3A_862 = vector.broadcast %jit3A_861 : i32 to vector<16xi32>
      %select_n3A_863 = arith.select %lt3A_855, %get3A_850, %broadcast_in_dim3A_862 : vector<16xi1>, vector<16xi32>
      %swap3A_864 = arith.index_cast %scan3A_23 : i32 to index
      %swap3A_865 = arith.constant 400 : index
      %swap3A_866 = tpu.vector_load %arg11[%swap3A_864, %swap3A_865] {strides = array<i32>} : memref<20x512xi32, #tpu.memory_space<vmem>>, vector<1x16xi32>,
      %swap3A_867 = vector.shape_cast %swap3A_866 : vector<1x16xi32> to vector<16xi32>
      %swap3A_868 = vector.shape_cast %select_n3A_860 : vector<16xi32> to vector<1x16xi32>
      tpu.vector_store %arg11[%swap3A_864, %swap3A_865], %swap3A_868 {strides = array<i32>} : memref<20x512xi32, #tpu.memory_space<vmem>>, vector<1x16xi32>,
      %swap3A_869 = arith.index_cast %scan3A_23 : i32 to index
      %swap3A_870 = arith.constant 400 : index
      %swap3A_871 = tpu.vector_load %arg12[%swap3A_869, %swap3A_870] {strides = array<i32>} : memref<20x512xi32, #tpu.memory_space<vmem>>, vector<1x16xi32>,
      %swap3A_872 = vector.shape_cast %swap3A_871 : vector<1x16xi32> to vector<16xi32>
      %swap3A_873 = vector.shape_cast %select_n3A_863 : vector<16xi32> to vector<1x16xi32>
      tpu.vector_store %arg12[%swap3A_869, %swap3A_870], %swap3A_873 {strides = array<i32>} : memref<20x512xi32, #tpu.memory_space<vmem>>, vector<1x16xi32>,
      %mul3A_874 = arith.constant 512 : i32
      %mul3A_875 = arith.muli %scan3A_23, %mul3A_874 : i32
      %add3A_876 = arith.constant 416 : i32
      %add3A_877 = arith.addi %mul3A_875, %add3A_876 : i32
      %get3A_878 = arith.index_cast %add3A_877 : i32 to index
      %get3A_879 = tpu.vector_load %arg9[%get3A_878] {strides = array<i32>} : memref<10240xi32, #tpu.memory_space<vmem>>, vector<16xi32>,
      %get3A_880 = vector.shape_cast %get3A_879 : vector<16xi32> to vector<16xi32>
      %get3A_881 = arith.index_cast %add3A_877 : i32 to index
      %get3A_882 = tpu.vector_load %arg10[%get3A_881] {strides = array<i32>} : memref<10240xi32, #tpu.memory_space<vmem>>, vector<16xi32>,
      %get3A_883 = vector.shape_cast %get3A_882 : vector<16xi32> to vector<16xi32>
      %add3A_884 = vector.broadcast %add3A_877 : i32 to vector<16xi32>
      %add3A_885 = arith.addi %add3A_884, %iota3A : vector<16xi32>
      %lt3A_886 = arith.constant 10000 : i32
      %lt3A_887 = vector.broadcast %lt3A_886 : i32 to vector<16xi32>
      %lt3A_888 = arith.cmpi slt, %add3A_885, %lt3A_887 : vector<16xi32>
      %ne3A_889 = arith.cmpi ne, %get3A_880, %get3A_883 : vector<16xi32>
      %and3A_890 = arith.andi %lt3A_888, %ne3A_889 : vector<16xi1>
      %jit3A_891 = arith.constant 10000 : i32
      %broadcast_in_dim3A_892 = vector.broadcast %jit3A_891 : i32 to vector<16xi32>
      %select_n3A_893 = arith.select %and3A_890, %get3A_880, %broadcast_in_dim3A_892 : vector<16xi1>, vector<16xi32>
      %jit3A_894 = arith.constant 10000 : i32
      %broadcast_in_dim3A_895 = vector.broadcast %jit3A_894 : i32 to vector<16xi32>
      %select_n3A_896 = arith.select %lt3A_888, %get3A_883, %broadcast_in_dim3A_895 : vector<16xi1>, vector<16xi32>
      %swap3A_897 = arith.index_cast %scan3A_23 : i32 to index
      %swap3A_898 = arith.constant 416 : index
      %swap3A_899 = tpu.vector_load %arg11[%swap3A_897, %swap3A_898] {strides = array<i32>} : memref<20x512xi32, #tpu.memory_space<vmem>>, vector<1x16xi32>,
      %swap3A_900 = vector.shape_cast %swap3A_899 : vector<1x16xi32> to vector<16xi32>
      %swap3A_901 = vector.shape_cast %select_n3A_893 : vector<16xi32> to vector<1x16xi32>
      tpu.vector_store %arg11[%swap3A_897, %swap3A_898], %swap3A_901 {strides = array<i32>} : memref<20x512xi32, #tpu.memory_space<vmem>>, vector<1x16xi32>,
      %swap3A_902 = arith.index_cast %scan3A_23 : i32 to index
      %swap3A_903 = arith.constant 416 : index
      %swap3A_904 = tpu.vector_load %arg12[%swap3A_902, %swap3A_903] {strides = array<i32>} : memref<20x512xi32, #tpu.memory_space<vmem>>, vector<1x16xi32>,
      %swap3A_905 = vector.shape_cast %swap3A_904 : vector<1x16xi32> to vector<16xi32>
      %swap3A_906 = vector.shape_cast %select_n3A_896 : vector<16xi32> to vector<1x16xi32>
      tpu.vector_store %arg12[%swap3A_902, %swap3A_903], %swap3A_906 {strides = array<i32>} : memref<20x512xi32, #tpu.memory_space<vmem>>, vector<1x16xi32>,
      %mul3A_907 = arith.constant 512 : i32
      %mul3A_908 = arith.muli %scan3A_23, %mul3A_907 : i32
      %add3A_909 = arith.constant 432 : i32
      %add3A_910 = arith.addi %mul3A_908, %add3A_909 : i32
      %get3A_911 = arith.index_cast %add3A_910 : i32 to index
      %get3A_912 = tpu.vector_load %arg9[%get3A_911] {strides = array<i32>} : memref<10240xi32, #tpu.memory_space<vmem>>, vector<16xi32>,
      %get3A_913 = vector.shape_cast %get3A_912 : vector<16xi32> to vector<16xi32>
      %get3A_914 = arith.index_cast %add3A_910 : i32 to index
      %get3A_915 = tpu.vector_load %arg10[%get3A_914] {strides = array<i32>} : memref<10240xi32, #tpu.memory_space<vmem>>, vector<16xi32>,
      %get3A_916 = vector.shape_cast %get3A_915 : vector<16xi32> to vector<16xi32>
      %add3A_917 = vector.broadcast %add3A_910 : i32 to vector<16xi32>
      %add3A_918 = arith.addi %add3A_917, %iota3A : vector<16xi32>
      %lt3A_919 = arith.constant 10000 : i32
      %lt3A_920 = vector.broadcast %lt3A_919 : i32 to vector<16xi32>
      %lt3A_921 = arith.cmpi slt, %add3A_918, %lt3A_920 : vector<16xi32>
      %ne3A_922 = arith.cmpi ne, %get3A_913, %get3A_916 : vector<16xi32>
      %and3A_923 = arith.andi %lt3A_921, %ne3A_922 : vector<16xi1>
      %jit3A_924 = arith.constant 10000 : i32
      %broadcast_in_dim3A_925 = vector.broadcast %jit3A_924 : i32 to vector<16xi32>
      %select_n3A_926 = arith.select %and3A_923, %get3A_913, %broadcast_in_dim3A_925 : vector<16xi1>, vector<16xi32>
      %jit3A_927 = arith.constant 10000 : i32
      %broadcast_in_dim3A_928 = vector.broadcast %jit3A_927 : i32 to vector<16xi32>
      %select_n3A_929 = arith.select %lt3A_921, %get3A_916, %broadcast_in_dim3A_928 : vector<16xi1>, vector<16xi32>
      %swap3A_930 = arith.index_cast %scan3A_23 : i32 to index
      %swap3A_931 = arith.constant 432 : index
      %swap3A_932 = tpu.vector_load %arg11[%swap3A_930, %swap3A_931] {strides = array<i32>} : memref<20x512xi32, #tpu.memory_space<vmem>>, vector<1x16xi32>,
      %swap3A_933 = vector.shape_cast %swap3A_932 : vector<1x16xi32> to vector<16xi32>
      %swap3A_934 = vector.shape_cast %select_n3A_926 : vector<16xi32> to vector<1x16xi32>
      tpu.vector_store %arg11[%swap3A_930, %swap3A_931], %swap3A_934 {strides = array<i32>} : memref<20x512xi32, #tpu.memory_space<vmem>>, vector<1x16xi32>,
      %swap3A_935 = arith.index_cast %scan3A_23 : i32 to index
      %swap3A_936 = arith.constant 432 : index
      %swap3A_937 = tpu.vector_load %arg12[%swap3A_935, %swap3A_936] {strides = array<i32>} : memref<20x512xi32, #tpu.memory_space<vmem>>, vector<1x16xi32>,
      %swap3A_938 = vector.shape_cast %swap3A_937 : vector<1x16xi32> to vector<16xi32>
      %swap3A_939 = vector.shape_cast %select_n3A_929 : vector<16xi32> to vector<1x16xi32>
      tpu.vector_store %arg12[%swap3A_935, %swap3A_936], %swap3A_939 {strides = array<i32>} : memref<20x512xi32, #tpu.memory_space<vmem>>, vector<1x16xi32>,
      %mul3A_940 = arith.constant 512 : i32
      %mul3A_941 = arith.muli %scan3A_23, %mul3A_940 : i32
      %add3A_942 = arith.constant 448 : i32
      %add3A_943 = arith.addi %mul3A_941, %add3A_942 : i32
      %get3A_944 = arith.index_cast %add3A_943 : i32 to index
      %get3A_945 = tpu.vector_load %arg9[%get3A_944] {strides = array<i32>} : memref<10240xi32, #tpu.memory_space<vmem>>, vector<16xi32>,
      %get3A_946 = vector.shape_cast %get3A_945 : vector<16xi32> to vector<16xi32>
      %get3A_947 = arith.index_cast %add3A_943 : i32 to index
      %get3A_948 = tpu.vector_load %arg10[%get3A_947] {strides = array<i32>} : memref<10240xi32, #tpu.memory_space<vmem>>, vector<16xi32>,
      %get3A_949 = vector.shape_cast %get3A_948 : vector<16xi32> to vector<16xi32>
      %add3A_950 = vector.broadcast %add3A_943 : i32 to vector<16xi32>
      %add3A_951 = arith.addi %add3A_950, %iota3A : vector<16xi32>
      %lt3A_952 = arith.constant 10000 : i32
      %lt3A_953 = vector.broadcast %lt3A_952 : i32 to vector<16xi32>
      %lt3A_954 = arith.cmpi slt, %add3A_951, %lt3A_953 : vector<16xi32>
      %ne3A_955 = arith.cmpi ne, %get3A_946, %get3A_949 : vector<16xi32>
      %and3A_956 = arith.andi %lt3A_954, %ne3A_955 : vector<16xi1>
      %jit3A_957 = arith.constant 10000 : i32
      %broadcast_in_dim3A_958 = vector.broadcast %jit3A_957 : i32 to vector<16xi32>
      %select_n3A_959 = arith.select %and3A_956, %get3A_946, %broadcast_in_dim3A_958 : vector<16xi1>, vector<16xi32>
      %jit3A_960 = arith.constant 10000 : i32
      %broadcast_in_dim3A_961 = vector.broadcast %jit3A_960 : i32 to vector<16xi32>
      %select_n3A_962 = arith.select %lt3A_954, %get3A_949, %broadcast_in_dim3A_961 : vector<16xi1>, vector<16xi32>
      %swap3A_963 = arith.index_cast %scan3A_23 : i32 to index
      %swap3A_964 = arith.constant 448 : index
      %swap3A_965 = tpu.vector_load %arg11[%swap3A_963, %swap3A_964] {strides = array<i32>} : memref<20x512xi32, #tpu.memory_space<vmem>>, vector<1x16xi32>,
      %swap3A_966 = vector.shape_cast %swap3A_965 : vector<1x16xi32> to vector<16xi32>
      %swap3A_967 = vector.shape_cast %select_n3A_959 : vector<16xi32> to vector<1x16xi32>
      tpu.vector_store %arg11[%swap3A_963, %swap3A_964], %swap3A_967 {strides = array<i32>} : memref<20x512xi32, #tpu.memory_space<vmem>>, vector<1x16xi32>,
      %swap3A_968 = arith.index_cast %scan3A_23 : i32 to index
      %swap3A_969 = arith.constant 448 : index
      %swap3A_970 = tpu.vector_load %arg12[%swap3A_968, %swap3A_969] {strides = array<i32>} : memref<20x512xi32, #tpu.memory_space<vmem>>, vector<1x16xi32>,
      %swap3A_971 = vector.shape_cast %swap3A_970 : vector<1x16xi32> to vector<16xi32>
      %swap3A_972 = vector.shape_cast %select_n3A_962 : vector<16xi32> to vector<1x16xi32>
      tpu.vector_store %arg12[%swap3A_968, %swap3A_969], %swap3A_972 {strides = array<i32>} : memref<20x512xi32, #tpu.memory_space<vmem>>, vector<1x16xi32>,
      %mul3A_973 = arith.constant 512 : i32
      %mul3A_974 = arith.muli %scan3A_23, %mul3A_973 : i32
      %add3A_975 = arith.constant 464 : i32
      %add3A_976 = arith.addi %mul3A_974, %add3A_975 : i32
      %get3A_977 = arith.index_cast %add3A_976 : i32 to index
      %get3A_978 = tpu.vector_load %arg9[%get3A_977] {strides = array<i32>} : memref<10240xi32, #tpu.memory_space<vmem>>, vector<16xi32>,
      %get3A_979 = vector.shape_cast %get3A_978 : vector<16xi32> to vector<16xi32>
      %get3A_980 = arith.index_cast %add3A_976 : i32 to index
      %get3A_981 = tpu.vector_load %arg10[%get3A_980] {strides = array<i32>} : memref<10240xi32, #tpu.memory_space<vmem>>, vector<16xi32>,
      %get3A_982 = vector.shape_cast %get3A_981 : vector<16xi32> to vector<16xi32>
      %add3A_983 = vector.broadcast %add3A_976 : i32 to vector<16xi32>
      %add3A_984 = arith.addi %add3A_983, %iota3A : vector<16xi32>
      %lt3A_985 = arith.constant 10000 : i32
      %lt3A_986 = vector.broadcast %lt3A_985 : i32 to vector<16xi32>
      %lt3A_987 = arith.cmpi slt, %add3A_984, %lt3A_986 : vector<16xi32>
      %ne3A_988 = arith.cmpi ne, %get3A_979, %get3A_982 : vector<16xi32>
      %and3A_989 = arith.andi %lt3A_987, %ne3A_988 : vector<16xi1>
      %jit3A_990 = arith.constant 10000 : i32
      %broadcast_in_dim3A_991 = vector.broadcast %jit3A_990 : i32 to vector<16xi32>
      %select_n3A_992 = arith.select %and3A_989, %get3A_979, %broadcast_in_dim3A_991 : vector<16xi1>, vector<16xi32>
      %jit3A_993 = arith.constant 10000 : i32
      %broadcast_in_dim3A_994 = vector.broadcast %jit3A_993 : i32 to vector<16xi32>
      %select_n3A_995 = arith.select %lt3A_987, %get3A_982, %broadcast_in_dim3A_994 : vector<16xi1>, vector<16xi32>
      %swap3A_996 = arith.index_cast %scan3A_23 : i32 to index
      %swap3A_997 = arith.constant 464 : index
      %swap3A_998 = tpu.vector_load %arg11[%swap3A_996, %swap3A_997] {strides = array<i32>} : memref<20x512xi32, #tpu.memory_space<vmem>>, vector<1x16xi32>,
      %swap3A_999 = vector.shape_cast %swap3A_998 : vector<1x16xi32> to vector<16xi32>
      %swap3A_1000 = vector.shape_cast %select_n3A_992 : vector<16xi32> to vector<1x16xi32>
      tpu.vector_store %arg11[%swap3A_996, %swap3A_997], %swap3A_1000 {strides = array<i32>} : memref<20x512xi32, #tpu.memory_space<vmem>>, vector<1x16xi32>,
      %swap3A_1001 = arith.index_cast %scan3A_23 : i32 to index
      %swap3A_1002 = arith.constant 464 : index
      %swap3A_1003 = tpu.vector_load %arg12[%swap3A_1001, %swap3A_1002] {strides = array<i32>} : memref<20x512xi32, #tpu.memory_space<vmem>>, vector<1x16xi32>,
      %swap3A_1004 = vector.shape_cast %swap3A_1003 : vector<1x16xi32> to vector<16xi32>
      %swap3A_1005 = vector.shape_cast %select_n3A_995 : vector<16xi32> to vector<1x16xi32>
      tpu.vector_store %arg12[%swap3A_1001, %swap3A_1002], %swap3A_1005 {strides = array<i32>} : memref<20x512xi32, #tpu.memory_space<vmem>>, vector<1x16xi32>,
      %mul3A_1006 = arith.constant 512 : i32
      %mul3A_1007 = arith.muli %scan3A_23, %mul3A_1006 : i32
      %add3A_1008 = arith.constant 480 : i32
      %add3A_1009 = arith.addi %mul3A_1007, %add3A_1008 : i32
      %get3A_1010 = arith.index_cast %add3A_1009 : i32 to index
      %get3A_1011 = tpu.vector_load %arg9[%get3A_1010] {strides = array<i32>} : memref<10240xi32, #tpu.memory_space<vmem>>, vector<16xi32>,
      %get3A_1012 = vector.shape_cast %get3A_1011 : vector<16xi32> to vector<16xi32>
      %get3A_1013 = arith.index_cast %add3A_1009 : i32 to index
      %get3A_1014 = tpu.vector_load %arg10[%get3A_1013] {strides = array<i32>} : memref<10240xi32, #tpu.memory_space<vmem>>, vector<16xi32>,
      %get3A_1015 = vector.shape_cast %get3A_1014 : vector<16xi32> to vector<16xi32>
      %add3A_1016 = vector.broadcast %add3A_1009 : i32 to vector<16xi32>
      %add3A_1017 = arith.addi %add3A_1016, %iota3A : vector<16xi32>
      %lt3A_1018 = arith.constant 10000 : i32
      %lt3A_1019 = vector.broadcast %lt3A_1018 : i32 to vector<16xi32>
      %lt3A_1020 = arith.cmpi slt, %add3A_1017, %lt3A_1019 : vector<16xi32>
      %ne3A_1021 = arith.cmpi ne, %get3A_1012, %get3A_1015 : vector<16xi32>
      %and3A_1022 = arith.andi %lt3A_1020, %ne3A_1021 : vector<16xi1>
      %jit3A_1023 = arith.constant 10000 : i32
      %broadcast_in_dim3A_1024 = vector.broadcast %jit3A_1023 : i32 to vector<16xi32>
      %select_n3A_1025 = arith.select %and3A_1022, %get3A_1012, %broadcast_in_dim3A_1024 : vector<16xi1>, vector<16xi32>
      %jit3A_1026 = arith.constant 10000 : i32
      %broadcast_in_dim3A_1027 = vector.broadcast %jit3A_1026 : i32 to vector<16xi32>
      %select_n3A_1028 = arith.select %lt3A_1020, %get3A_1015, %broadcast_in_dim3A_1027 : vector<16xi1>, vector<16xi32>
      %swap3A_1029 = arith.index_cast %scan3A_23 : i32 to index
      %swap3A_1030 = arith.constant 480 : index
      %swap3A_1031 = tpu.vector_load %arg11[%swap3A_1029, %swap3A_1030] {strides = array<i32>} : memref<20x512xi32, #tpu.memory_space<vmem>>, vector<1x16xi32>,
      %swap3A_1032 = vector.shape_cast %swap3A_1031 : vector<1x16xi32> to vector<16xi32>
      %swap3A_1033 = vector.shape_cast %select_n3A_1025 : vector<16xi32> to vector<1x16xi32>
      tpu.vector_store %arg11[%swap3A_1029, %swap3A_1030], %swap3A_1033 {strides = array<i32>} : memref<20x512xi32, #tpu.memory_space<vmem>>, vector<1x16xi32>,
      %swap3A_1034 = arith.index_cast %scan3A_23 : i32 to index
      %swap3A_1035 = arith.constant 480 : index
      %swap3A_1036 = tpu.vector_load %arg12[%swap3A_1034, %swap3A_1035] {strides = array<i32>} : memref<20x512xi32, #tpu.memory_space<vmem>>, vector<1x16xi32>,
      %swap3A_1037 = vector.shape_cast %swap3A_1036 : vector<1x16xi32> to vector<16xi32>
      %swap3A_1038 = vector.shape_cast %select_n3A_1028 : vector<16xi32> to vector<1x16xi32>
      tpu.vector_store %arg12[%swap3A_1034, %swap3A_1035], %swap3A_1038 {strides = array<i32>} : memref<20x512xi32, #tpu.memory_space<vmem>>, vector<1x16xi32>,
      %mul3A_1039 = arith.constant 512 : i32
      %mul3A_1040 = arith.muli %scan3A_23, %mul3A_1039 : i32
      %add3A_1041 = arith.constant 496 : i32
      %add3A_1042 = arith.addi %mul3A_1040, %add3A_1041 : i32
      %get3A_1043 = arith.index_cast %add3A_1042 : i32 to index
      %get3A_1044 = tpu.vector_load %arg9[%get3A_1043] {strides = array<i32>} : memref<10240xi32, #tpu.memory_space<vmem>>, vector<16xi32>,
      %get3A_1045 = vector.shape_cast %get3A_1044 : vector<16xi32> to vector<16xi32>
      %get3A_1046 = arith.index_cast %add3A_1042 : i32 to index
      %get3A_1047 = tpu.vector_load %arg10[%get3A_1046] {strides = array<i32>} : memref<10240xi32, #tpu.memory_space<vmem>>, vector<16xi32>,
      %get3A_1048 = vector.shape_cast %get3A_1047 : vector<16xi32> to vector<16xi32>
      %add3A_1049 = vector.broadcast %add3A_1042 : i32 to vector<16xi32>
      %add3A_1050 = arith.addi %add3A_1049, %iota3A : vector<16xi32>
      %lt3A_1051 = arith.constant 10000 : i32
      %lt3A_1052 = vector.broadcast %lt3A_1051 : i32 to vector<16xi32>
      %lt3A_1053 = arith.cmpi slt, %add3A_1050, %lt3A_1052 : vector<16xi32>
      %ne3A_1054 = arith.cmpi ne, %get3A_1045, %get3A_1048 : vector<16xi32>
      %and3A_1055 = arith.andi %lt3A_1053, %ne3A_1054 : vector<16xi1>
      %jit3A_1056 = arith.constant 10000 : i32
      %broadcast_in_dim3A_1057 = vector.broadcast %jit3A_1056 : i32 to vector<16xi32>
      %select_n3A_1058 = arith.select %and3A_1055, %get3A_1045, %broadcast_in_dim3A_1057 : vector<16xi1>, vector<16xi32>
      %jit3A_1059 = arith.constant 10000 : i32
      %broadcast_in_dim3A_1060 = vector.broadcast %jit3A_1059 : i32 to vector<16xi32>
      %select_n3A_1061 = arith.select %lt3A_1053, %get3A_1048, %broadcast_in_dim3A_1060 : vector<16xi1>, vector<16xi32>
      %swap3A_1062 = arith.index_cast %scan3A_23 : i32 to index
      %swap3A_1063 = arith.constant 496 : index
      %swap3A_1064 = tpu.vector_load %arg11[%swap3A_1062, %swap3A_1063] {strides = array<i32>} : memref<20x512xi32, #tpu.memory_space<vmem>>, vector<1x16xi32>,
      %swap3A_1065 = vector.shape_cast %swap3A_1064 : vector<1x16xi32> to vector<16xi32>
      %swap3A_1066 = vector.shape_cast %select_n3A_1058 : vector<16xi32> to vector<1x16xi32>
      tpu.vector_store %arg11[%swap3A_1062, %swap3A_1063], %swap3A_1066 {strides = array<i32>} : memref<20x512xi32, #tpu.memory_space<vmem>>, vector<1x16xi32>,
      %swap3A_1067 = arith.index_cast %scan3A_23 : i32 to index
      %swap3A_1068 = arith.constant 496 : index
      %swap3A_1069 = tpu.vector_load %arg12[%swap3A_1067, %swap3A_1068] {strides = array<i32>} : memref<20x512xi32, #tpu.memory_space<vmem>>, vector<1x16xi32>,
      %swap3A_1070 = vector.shape_cast %swap3A_1069 : vector<1x16xi32> to vector<16xi32>
      %swap3A_1071 = vector.shape_cast %select_n3A_1061 : vector<16xi32> to vector<1x16xi32>
      tpu.vector_store %arg12[%swap3A_1067, %swap3A_1068], %swap3A_1071 {strides = array<i32>} : memref<20x512xi32, #tpu.memory_space<vmem>>, vector<1x16xi32>,
      %dma_start3A = arith.constant 0 : i32
      %dma_start3A_1072 = tpu.memref_slice %arg11[%scan3A_23, %dma_start3A] : memref<20x512xi32, #tpu.memory_space<vmem>> -> memref<1x512xi32, #tpu.memory_space<vmem>>
      %dma_start3A_1073 = tpu.memref_squeeze %dma_start3A_1072 : memref<1x512xi32, #tpu.memory_space<vmem>> -> memref<512xi32, #tpu.memory_space<vmem>>
      %dma_start3A_1074 = arith.constant 0 : i32
      %dma_start3A_1075 = arith.constant 0 : i32
      %dma_start3A_1076 = tpu.memref_slice %arg14[%dma_start3A_1074, %dma_start3A_1075] : memref<10240x8xf32, #tpu.memory_space<vmem_shared>> -> memref<10240x8xf32, #tpu.memory_space<vmem_shared>>
      tpu.enqueue_indirect_dma source(%arg13 : memref<512x8xf32, #tpu.memory_space<vmem>>) target(%dma_start3A_1076 : memref<10240x8xf32, #tpu.memory_space<vmem_shared>>) offsets(%dma_start3A_1073 : memref<512xi32, #tpu.memory_space<vmem>>) semaphore(%arg15 : memref<!tpu.dma_semaphore, #tpu.memory_space<semaphore_mem>>) {add = true}
    }
    %scan3A_11 = arith.constant 20 : i32
    "tpu.region"() ({
      %run_scoped3A = tpu.sem_alloc : memref<!tpu.dma_semaphore, #tpu.memory_space<semaphore_mem>>
      %dma_start3A = arith.constant 0 : i32
      %dma_start3A_23 = arith.constant 0 : i32
      %dma_start3A_24 = tpu.memref_slice %arg6[%add3A, %dma_start3A, %dma_start3A_23] : memref<32x20x512xi32, #tpu.memory_space<hbm>> -> memref<1x20x512xi32, #tpu.memory_space<hbm>>
      %dma_start3A_25 = tpu.memref_squeeze %dma_start3A_24 : memref<1x20x512xi32, #tpu.memory_space<hbm>> -> memref<20x512xi32, #tpu.memory_space<hbm>>
      %dma_start3A_26 = arith.constant 0 : i32
      %dma_start3A_27 = arith.constant 0 : i32
      %dma_start3A_28 = tpu.memref_slice %arg6[%add3A, %dma_start3A_26, %dma_start3A_27] : memref<32x20x512xi32, #tpu.memory_space<hbm>> -> memref<1x20x512xi32, #tpu.memory_space<hbm>>
      %dma_start3A_29 = tpu.memref_squeeze %dma_start3A_28 : memref<1x20x512xi32, #tpu.memory_space<hbm>> -> memref<20x512xi32, #tpu.memory_space<hbm>>
      tpu.enqueue_dma source(%arg11 : memref<20x512xi32, #tpu.memory_space<vmem>>) target(%dma_start3A_29 : memref<20x512xi32, #tpu.memory_space<hbm>>) target_semaphore(%run_scoped3A : memref<!tpu.dma_semaphore, #tpu.memory_space<semaphore_mem>>)
      %dma_wait3A = arith.constant 0 : i32
      %dma_wait3A_30 = arith.constant 0 : i32
      %dma_wait3A_31 = tpu.memref_slice %arg6[%add3A, %dma_wait3A, %dma_wait3A_30] : memref<32x20x512xi32, #tpu.memory_space<hbm>> -> memref<1x20x512xi32, #tpu.memory_space<hbm>>
      %dma_wait3A_32 = tpu.memref_squeeze %dma_wait3A_31 : memref<1x20x512xi32, #tpu.memory_space<hbm>> -> memref<20x512xi32, #tpu.memory_space<hbm>>
      %dma_wait3A_33 = arith.constant 0 : i32
      %dma_wait3A_34 = arith.constant 0 : i32
      %dma_wait3A_35 = tpu.memref_slice %arg6[%add3A, %dma_wait3A_33, %dma_wait3A_34] : memref<32x20x512xi32, #tpu.memory_space<hbm>> -> memref<1x20x512xi32, #tpu.memory_space<hbm>>
      %dma_wait3A_36 = tpu.memref_squeeze %dma_wait3A_35 : memref<1x20x512xi32, #tpu.memory_space<hbm>> -> memref<20x512xi32, #tpu.memory_space<hbm>>
      tpu.wait_dma2 semaphore(%run_scoped3A : memref<!tpu.dma_semaphore, #tpu.memory_space<semaphore_mem>>) src(%arg11 : memref<20x512xi32, #tpu.memory_space<vmem>>) dst(%dma_wait3A_36 : memref<20x512xi32, #tpu.memory_space<hbm>>)
      tpu.yield
    }) : () -> ()
    "tpu.region"() ({
      %run_scoped3A = tpu.sem_alloc : memref<!tpu.dma_semaphore, #tpu.memory_space<semaphore_mem>>
      %dma_start3A = arith.constant 0 : i32
      %dma_start3A_23 = arith.constant 0 : i32
      %dma_start3A_24 = tpu.memref_slice %arg7[%add3A, %dma_start3A, %dma_start3A_23] : memref<32x20x512xi32, #tpu.memory_space<hbm>> -> memref<1x20x512xi32, #tpu.memory_space<hbm>>
      %dma_start3A_25 = tpu.memref_squeeze %dma_start3A_24 : memref<1x20x512xi32, #tpu.memory_space<hbm>> -> memref<20x512xi32, #tpu.memory_space<hbm>>
      %dma_start3A_26 = arith.constant 0 : i32
      %dma_start3A_27 = arith.constant 0 : i32
      %dma_start3A_28 = tpu.memref_slice %arg7[%add3A, %dma_start3A_26, %dma_start3A_27] : memref<32x20x512xi32, #tpu.memory_space<hbm>> -> memref<1x20x512xi32, #tpu.memory_space<hbm>>
      %dma_start3A_29 = tpu.memref_squeeze %dma_start3A_28 : memref<1x20x512xi32, #tpu.memory_space<hbm>> -> memref<20x512xi32, #tpu.memory_space<hbm>>
      tpu.enqueue_dma source(%arg12 : memref<20x512xi32, #tpu.memory_space<vmem>>) target(%dma_start3A_29 : memref<20x512xi32, #tpu.memory_space<hbm>>) target_semaphore(%run_scoped3A : memref<!tpu.dma_semaphore, #tpu.memory_space<semaphore_mem>>)
      %dma_wait3A = arith.constant 0 : i32
      %dma_wait3A_30 = arith.constant 0 : i32
      %dma_wait3A_31 = tpu.memref_slice %arg7[%add3A, %dma_wait3A, %dma_wait3A_30] : memref<32x20x512xi32, #tpu.memory_space<hbm>> -> memref<1x20x512xi32, #tpu.memory_space<hbm>>
      %dma_wait3A_32 = tpu.memref_squeeze %dma_wait3A_31 : memref<1x20x512xi32, #tpu.memory_space<hbm>> -> memref<20x512xi32, #tpu.memory_space<hbm>>
      %dma_wait3A_33 = arith.constant 0 : i32
      %dma_wait3A_34 = arith.constant 0 : i32
      %dma_wait3A_35 = tpu.memref_slice %arg7[%add3A, %dma_wait3A_33, %dma_wait3A_34] : memref<32x20x512xi32, #tpu.memory_space<hbm>> -> memref<1x20x512xi32, #tpu.memory_space<hbm>>
      %dma_wait3A_36 = tpu.memref_squeeze %dma_wait3A_35 : memref<1x20x512xi32, #tpu.memory_space<hbm>> -> memref<20x512xi32, #tpu.memory_space<hbm>>
      tpu.wait_dma2 semaphore(%run_scoped3A : memref<!tpu.dma_semaphore, #tpu.memory_space<semaphore_mem>>) src(%arg12 : memref<20x512xi32, #tpu.memory_space<vmem>>) dst(%dma_wait3A_36 : memref<20x512xi32, #tpu.memory_space<hbm>>)
      tpu.yield
    }) : () -> ()
    %scan3A_12 = arith.constant 0 : i32
    %scan3A_13 = arith.constant 0 : i32
    %scan3A_14 = arith.constant 20 : i32
    %scan3A_15 = arith.addi %scan3A_13, %scan3A_14 : i32
    %scan3A_16 = arith.constant 1 : i32
    scf.for %scan3A_23 = %scan3A_13 to %scan3A_15 step %scan3A_16  : i32 {
      %dma_wait3A = arith.constant 0 : i32
      %dma_wait3A_24 = tpu.memref_slice %arg11[%scan3A_23, %dma_wait3A] : memref<20x512xi32, #tpu.memory_space<vmem>> -> memref<1x512xi32, #tpu.memory_space<vmem>>
      %dma_wait3A_25 = tpu.memref_squeeze %dma_wait3A_24 : memref<1x512xi32, #tpu.memory_space<vmem>> -> memref<512xi32, #tpu.memory_space<vmem>>
      %dma_wait3A_26 = arith.constant 0 : i32
      %dma_wait3A_27 = arith.constant 0 : i32
      %dma_wait3A_28 = tpu.memref_slice %arg14[%dma_wait3A_26, %dma_wait3A_27] : memref<10240x8xf32, #tpu.memory_space<vmem_shared>> -> memref<10240x8xf32, #tpu.memory_space<vmem_shared>>
      tpu.wait_indirect_dma semaphore(%arg15 : memref<!tpu.dma_semaphore, #tpu.memory_space<semaphore_mem>>) src(%arg13 : memref<512x8xf32, #tpu.memory_space<vmem>>) dst(%dma_wait3A_28 : memref<10240x8xf32, #tpu.memory_space<vmem_shared>>)
    }
    %scan3A_17 = arith.constant 20 : i32
    %barrier3A_18 = arith.constant 0 : index
    tpu.barrier barrier_id(%barrier3A_18)
    %mul3A_19 = arith.constant 640 : i32
    %mul3A_20 = arith.muli %arg1, %mul3A_19 : i32
    %mul3A_21 = arith.constant 640 : i32
    %mul3A_22 = arith.muli %arg1, %mul3A_21 : i32
    "tpu.region"() ({
      %run_scoped3A = tpu.sem_alloc : memref<!tpu.dma_semaphore, #tpu.memory_space<semaphore_mem>>
      %dma_start3A = arith.constant 0 : i32
      %dma_start3A_23 = tpu.memref_slice %arg8[%arg0, %mul3A_22, %dma_start3A] : memref<2x10240x8xf32, #tpu.memory_space<hbm>> -> memref<1x640x8xf32, #tpu.memory_space<hbm>>
      %dma_start3A_24 = tpu.memref_squeeze %dma_start3A_23 : memref<1x640x8xf32, #tpu.memory_space<hbm>> -> memref<640x8xf32, #tpu.memory_space<hbm>>
      %dma_start3A_25 = arith.constant 0 : i32
      %dma_start3A_26 = tpu.memref_slice %arg14[%mul3A_20, %dma_start3A_25] : memref<10240x8xf32, #tpu.memory_space<vmem_shared>> -> memref<640x8xf32, #tpu.memory_space<vmem_shared>>
      tpu.enqueue_dma source(%dma_start3A_26 : memref<640x8xf32, #tpu.memory_space<vmem_shared>>) target(%dma_start3A_24 : memref<640x8xf32, #tpu.memory_space<hbm>>) target_semaphore(%run_scoped3A : memref<!tpu.dma_semaphore, #tpu.memory_space<semaphore_mem>>)
      %dma_wait3A = arith.constant 0 : i32
      %dma_wait3A_27 = tpu.memref_slice %arg8[%arg0, %mul3A_22, %dma_wait3A] : memref<2x10240x8xf32, #tpu.memory_space<hbm>> -> memref<1x640x8xf32, #tpu.memory_space<hbm>>
      %dma_wait3A_28 = tpu.memref_squeeze %dma_wait3A_27 : memref<1x640x8xf32, #tpu.memory_space<hbm>> -> memref<640x8xf32, #tpu.memory_space<hbm>>
      %dma_wait3A_29 = arith.constant 0 : i32
      %dma_wait3A_30 = tpu.memref_slice %arg14[%mul3A_20, %dma_wait3A_29] : memref<10240x8xf32, #tpu.memory_space<vmem_shared>> -> memref<640x8xf32, #tpu.memory_space<vmem_shared>>
      tpu.wait_dma2 semaphore(%run_scoped3A : memref<!tpu.dma_semaphore, #tpu.memory_space<semaphore_mem>>) src(%dma_wait3A_30 : memref<640x8xf32, #tpu.memory_space<vmem_shared>>) dst(%dma_wait3A_28 : memref<640x8xf32, #tpu.memory_space<hbm>>)
      tpu.yield
    }) : () -> ()
    return
  }
}

#map = affine_map<(d0, d1) -> (0, 0, 0)>
#map1 = affine_map<(d0, d1) -> (0, 0)>
module attributes {stable_mosaic.version = 14 : i64} {
  func.func @body(%arg0: i32, %arg1: i32, %arg2: memref<32x20x512xi32, #tpu.memory_space<hbm>>, %arg3: memref<32x20x512xi32, #tpu.memory_space<hbm>>, %arg4: memref<10240x8xf32, #tpu.memory_space<hbm>>, %arg5: memref<10240x8xf32, #tpu.memory_space<hbm>>, %arg6: memref<2x10240x8xf32, #tpu.memory_space<hbm>>, %arg7: memref<20x512xi32, #tpu.memory_space<vmem>>, %arg8: memref<20x512xi32, #tpu.memory_space<vmem>>, %arg9: memref<512x8xf32, #tpu.memory_space<vmem>>, %arg10: memref<512x8xf32, #tpu.memory_space<vmem>>, %arg11: memref<512x8xf32, #tpu.memory_space<vmem>>, %arg12: memref<512x8xf32, #tpu.memory_space<vmem>>, %arg13: memref<10240x8xf32, #tpu.memory_space<vmem_shared>>, %arg14: memref<!tpu.dma_semaphore, #tpu.memory_space<semaphore_mem>>, %arg15: memref<!tpu.dma_semaphore, #tpu.memory_space<semaphore_mem>>, %arg16: memref<!tpu.dma_semaphore, #tpu.memory_space<semaphore_mem>>, %arg17: memref<!tpu.dma_semaphore, #tpu.memory_space<semaphore_mem>>, %arg18: memref<!tpu.dma_semaphore, #tpu.memory_space<semaphore_mem>>, %arg19: memref<!tpu.dma_semaphore, #tpu.memory_space<semaphore_mem>>, %arg20: memref<!tpu.dma_semaphore, #tpu.memory_space<semaphore_mem>>, %arg21: memref<!tpu.dma_semaphore, #tpu.memory_space<semaphore_mem>>) attributes {dimension_semantics = [#tpu.dimension_semantics<core_parallel>, #tpu.dimension_semantics<subcore_parallel>], iteration_bounds = array<i64: 2, 16>, scalar_prefetch = 0 : i64, scratch_operands = 15 : i64, tpu.core_type = #tpu.core_type<sc_vector_subcore>, window_params = [{transform_indices = #map}, {transform_indices = #map}, {transform_indices = #map1}, {transform_indices = #map1}, {transform_indices = #map}]} {
    %mul3A = arith.constant 16 : i32
    %mul3A_0 = arith.muli %arg0, %mul3A : i32
    %add3A = arith.addi %mul3A_0, %arg1 : i32
    %mul3A_1 = arith.constant 640 : i32
    %mul3A_2 = arith.muli %arg1, %mul3A_1 : i32
    %mul3A_3 = arith.constant 640 : i32
    %mul3A_4 = arith.muli %arg1, %mul3A_3 : i32
    "tpu.region"() ({
      %run_scoped3A = tpu.sem_alloc : memref<!tpu.dma_semaphore, #tpu.memory_space<semaphore_mem>>
      %dma_start3A_125 = arith.constant 0 : i32
      %dma_start3A_126 = tpu.memref_slice %arg13[%mul3A_4, %dma_start3A_125] : memref<10240x8xf32, #tpu.memory_space<vmem_shared>> -> memref<640x8xf32, #tpu.memory_space<vmem_shared>>
      %dma_start3A_127 = arith.constant 0 : i32
      %dma_start3A_128 = tpu.memref_slice %arg5[%mul3A_2, %dma_start3A_127] : memref<10240x8xf32, #tpu.memory_space<hbm>> -> memref<640x8xf32, #tpu.memory_space<hbm>>
      tpu.enqueue_dma source(%dma_start3A_128 : memref<640x8xf32, #tpu.memory_space<hbm>>) target(%dma_start3A_126 : memref<640x8xf32, #tpu.memory_space<vmem_shared>>) target_semaphore(%run_scoped3A : memref<!tpu.dma_semaphore, #tpu.memory_space<semaphore_mem>>)
      %dma_wait3A_129 = arith.constant 0 : i32
      %dma_wait3A_130 = tpu.memref_slice %arg13[%mul3A_4, %dma_wait3A_129] : memref<10240x8xf32, #tpu.memory_space<vmem_shared>> -> memref<640x8xf32, #tpu.memory_space<vmem_shared>>
      %dma_wait3A_131 = arith.constant 0 : i32
      %dma_wait3A_132 = tpu.memref_slice %arg5[%mul3A_2, %dma_wait3A_131] : memref<10240x8xf32, #tpu.memory_space<hbm>> -> memref<640x8xf32, #tpu.memory_space<hbm>>
      tpu.wait_dma2 semaphore(%run_scoped3A : memref<!tpu.dma_semaphore, #tpu.memory_space<semaphore_mem>>) src(%dma_wait3A_132 : memref<640x8xf32, #tpu.memory_space<hbm>>) dst(%dma_wait3A_130 : memref<640x8xf32, #tpu.memory_space<vmem_shared>>)
      tpu.yield
    }) : () -> ()
    "tpu.region"() ({
      %run_scoped3A = tpu.sem_alloc : memref<!tpu.dma_semaphore, #tpu.memory_space<semaphore_mem>>
      %dma_start3A_125 = arith.constant 0 : i32
      %dma_start3A_126 = arith.constant 0 : i32
      %dma_start3A_127 = tpu.memref_slice %arg2[%add3A, %dma_start3A_125, %dma_start3A_126] : memref<32x20x512xi32, #tpu.memory_space<hbm>> -> memref<1x20x512xi32, #tpu.memory_space<hbm>>
      %dma_start3A_128 = tpu.memref_squeeze %dma_start3A_127 : memref<1x20x512xi32, #tpu.memory_space<hbm>> -> memref<20x512xi32, #tpu.memory_space<hbm>>
      %dma_start3A_129 = arith.constant 0 : i32
      %dma_start3A_130 = arith.constant 0 : i32
      %dma_start3A_131 = tpu.memref_slice %arg2[%add3A, %dma_start3A_129, %dma_start3A_130] : memref<32x20x512xi32, #tpu.memory_space<hbm>> -> memref<1x20x512xi32, #tpu.memory_space<hbm>>
      %dma_start3A_132 = tpu.memref_squeeze %dma_start3A_131 : memref<1x20x512xi32, #tpu.memory_space<hbm>> -> memref<20x512xi32, #tpu.memory_space<hbm>>
      tpu.enqueue_dma source(%dma_start3A_132 : memref<20x512xi32, #tpu.memory_space<hbm>>) target(%arg7 : memref<20x512xi32, #tpu.memory_space<vmem>>) target_semaphore(%run_scoped3A : memref<!tpu.dma_semaphore, #tpu.memory_space<semaphore_mem>>)
      %dma_wait3A_133 = arith.constant 0 : i32
      %dma_wait3A_134 = arith.constant 0 : i32
      %dma_wait3A_135 = tpu.memref_slice %arg2[%add3A, %dma_wait3A_133, %dma_wait3A_134] : memref<32x20x512xi32, #tpu.memory_space<hbm>> -> memref<1x20x512xi32, #tpu.memory_space<hbm>>
      %dma_wait3A_136 = tpu.memref_squeeze %dma_wait3A_135 : memref<1x20x512xi32, #tpu.memory_space<hbm>> -> memref<20x512xi32, #tpu.memory_space<hbm>>
      %dma_wait3A_137 = arith.constant 0 : i32
      %dma_wait3A_138 = arith.constant 0 : i32
      %dma_wait3A_139 = tpu.memref_slice %arg2[%add3A, %dma_wait3A_137, %dma_wait3A_138] : memref<32x20x512xi32, #tpu.memory_space<hbm>> -> memref<1x20x512xi32, #tpu.memory_space<hbm>>
      %dma_wait3A_140 = tpu.memref_squeeze %dma_wait3A_139 : memref<1x20x512xi32, #tpu.memory_space<hbm>> -> memref<20x512xi32, #tpu.memory_space<hbm>>
      tpu.wait_dma2 semaphore(%run_scoped3A : memref<!tpu.dma_semaphore, #tpu.memory_space<semaphore_mem>>) src(%dma_wait3A_140 : memref<20x512xi32, #tpu.memory_space<hbm>>) dst(%arg7 : memref<20x512xi32, #tpu.memory_space<vmem>>)
      tpu.yield
    }) : () -> ()
    "tpu.region"() ({
      %run_scoped3A = tpu.sem_alloc : memref<!tpu.dma_semaphore, #tpu.memory_space<semaphore_mem>>
      %dma_start3A_125 = arith.constant 0 : i32
      %dma_start3A_126 = arith.constant 0 : i32
      %dma_start3A_127 = tpu.memref_slice %arg3[%add3A, %dma_start3A_125, %dma_start3A_126] : memref<32x20x512xi32, #tpu.memory_space<hbm>> -> memref<1x20x512xi32, #tpu.memory_space<hbm>>
      %dma_start3A_128 = tpu.memref_squeeze %dma_start3A_127 : memref<1x20x512xi32, #tpu.memory_space<hbm>> -> memref<20x512xi32, #tpu.memory_space<hbm>>
      %dma_start3A_129 = arith.constant 0 : i32
      %dma_start3A_130 = arith.constant 0 : i32
      %dma_start3A_131 = tpu.memref_slice %arg3[%add3A, %dma_start3A_129, %dma_start3A_130] : memref<32x20x512xi32, #tpu.memory_space<hbm>> -> memref<1x20x512xi32, #tpu.memory_space<hbm>>
      %dma_start3A_132 = tpu.memref_squeeze %dma_start3A_131 : memref<1x20x512xi32, #tpu.memory_space<hbm>> -> memref<20x512xi32, #tpu.memory_space<hbm>>
      tpu.enqueue_dma source(%dma_start3A_132 : memref<20x512xi32, #tpu.memory_space<hbm>>) target(%arg8 : memref<20x512xi32, #tpu.memory_space<vmem>>) target_semaphore(%run_scoped3A : memref<!tpu.dma_semaphore, #tpu.memory_space<semaphore_mem>>)
      %dma_wait3A_133 = arith.constant 0 : i32
      %dma_wait3A_134 = arith.constant 0 : i32
      %dma_wait3A_135 = tpu.memref_slice %arg3[%add3A, %dma_wait3A_133, %dma_wait3A_134] : memref<32x20x512xi32, #tpu.memory_space<hbm>> -> memref<1x20x512xi32, #tpu.memory_space<hbm>>
      %dma_wait3A_136 = tpu.memref_squeeze %dma_wait3A_135 : memref<1x20x512xi32, #tpu.memory_space<hbm>> -> memref<20x512xi32, #tpu.memory_space<hbm>>
      %dma_wait3A_137 = arith.constant 0 : i32
      %dma_wait3A_138 = arith.constant 0 : i32
      %dma_wait3A_139 = tpu.memref_slice %arg3[%add3A, %dma_wait3A_137, %dma_wait3A_138] : memref<32x20x512xi32, #tpu.memory_space<hbm>> -> memref<1x20x512xi32, #tpu.memory_space<hbm>>
      %dma_wait3A_140 = tpu.memref_squeeze %dma_wait3A_139 : memref<1x20x512xi32, #tpu.memory_space<hbm>> -> memref<20x512xi32, #tpu.memory_space<hbm>>
      tpu.wait_dma2 semaphore(%run_scoped3A : memref<!tpu.dma_semaphore, #tpu.memory_space<semaphore_mem>>) src(%dma_wait3A_140 : memref<20x512xi32, #tpu.memory_space<hbm>>) dst(%arg8 : memref<20x512xi32, #tpu.memory_space<vmem>>)
      tpu.yield
    }) : () -> ()
    %barrier3A = arith.constant 0 : index
    tpu.barrier barrier_id(%barrier3A)
    %dma_start3A = arith.constant 0 : i32
    %dma_start3A_5 = arith.constant 0 : i32
    %dma_start3A_6 = tpu.memref_slice %arg7[%dma_start3A, %dma_start3A_5] : memref<20x512xi32, #tpu.memory_space<vmem>> -> memref<1x512xi32, #tpu.memory_space<vmem>>
    %dma_start3A_7 = tpu.memref_squeeze %dma_start3A_6 : memref<1x512xi32, #tpu.memory_space<vmem>> -> memref<512xi32, #tpu.memory_space<vmem>>
    %dma_start3A_8 = arith.constant 0 : i32
    %dma_start3A_9 = arith.constant 0 : i32
    %dma_start3A_10 = tpu.memref_slice %arg4[%dma_start3A_8, %dma_start3A_9] : memref<10240x8xf32, #tpu.memory_space<hbm>> -> memref<10240x8xf32, #tpu.memory_space<hbm>>
    tpu.enqueue_indirect_dma source(%dma_start3A_10 : memref<10240x8xf32, #tpu.memory_space<hbm>>) target(%arg9 : memref<512x8xf32, #tpu.memory_space<vmem>>) offsets(%dma_start3A_7 : memref<512xi32, #tpu.memory_space<vmem>>) semaphore(%arg14 : memref<!tpu.dma_semaphore, #tpu.memory_space<semaphore_mem>>)
    %dma_start3A_11 = arith.constant 1 : i32
    %dma_start3A_12 = arith.constant 0 : i32
    %dma_start3A_13 = tpu.memref_slice %arg7[%dma_start3A_11, %dma_start3A_12] : memref<20x512xi32, #tpu.memory_space<vmem>> -> memref<1x512xi32, #tpu.memory_space<vmem>>
    %dma_start3A_14 = tpu.memref_squeeze %dma_start3A_13 : memref<1x512xi32, #tpu.memory_space<vmem>> -> memref<512xi32, #tpu.memory_space<vmem>>
    %dma_start3A_15 = arith.constant 0 : i32
    %dma_start3A_16 = arith.constant 0 : i32
    %dma_start3A_17 = tpu.memref_slice %arg4[%dma_start3A_15, %dma_start3A_16] : memref<10240x8xf32, #tpu.memory_space<hbm>> -> memref<10240x8xf32, #tpu.memory_space<hbm>>
    tpu.enqueue_indirect_dma source(%dma_start3A_17 : memref<10240x8xf32, #tpu.memory_space<hbm>>) target(%arg10 : memref<512x8xf32, #tpu.memory_space<vmem>>) offsets(%dma_start3A_14 : memref<512xi32, #tpu.memory_space<vmem>>) semaphore(%arg15 : memref<!tpu.dma_semaphore, #tpu.memory_space<semaphore_mem>>)
    %dma_start3A_18 = arith.constant 2 : i32
    %dma_start3A_19 = arith.constant 0 : i32
    %dma_start3A_20 = tpu.memref_slice %arg7[%dma_start3A_18, %dma_start3A_19] : memref<20x512xi32, #tpu.memory_space<vmem>> -> memref<1x512xi32, #tpu.memory_space<vmem>>
    %dma_start3A_21 = tpu.memref_squeeze %dma_start3A_20 : memref<1x512xi32, #tpu.memory_space<vmem>> -> memref<512xi32, #tpu.memory_space<vmem>>
    %dma_start3A_22 = arith.constant 0 : i32
    %dma_start3A_23 = arith.constant 0 : i32
    %dma_start3A_24 = tpu.memref_slice %arg4[%dma_start3A_22, %dma_start3A_23] : memref<10240x8xf32, #tpu.memory_space<hbm>> -> memref<10240x8xf32, #tpu.memory_space<hbm>>
    tpu.enqueue_indirect_dma source(%dma_start3A_24 : memref<10240x8xf32, #tpu.memory_space<hbm>>) target(%arg11 : memref<512x8xf32, #tpu.memory_space<vmem>>) offsets(%dma_start3A_21 : memref<512xi32, #tpu.memory_space<vmem>>) semaphore(%arg16 : memref<!tpu.dma_semaphore, #tpu.memory_space<semaphore_mem>>)
    %dma_start3A_25 = arith.constant 3 : i32
    %dma_start3A_26 = arith.constant 0 : i32
    %dma_start3A_27 = tpu.memref_slice %arg7[%dma_start3A_25, %dma_start3A_26] : memref<20x512xi32, #tpu.memory_space<vmem>> -> memref<1x512xi32, #tpu.memory_space<vmem>>
    %dma_start3A_28 = tpu.memref_squeeze %dma_start3A_27 : memref<1x512xi32, #tpu.memory_space<vmem>> -> memref<512xi32, #tpu.memory_space<vmem>>
    %dma_start3A_29 = arith.constant 0 : i32
    %dma_start3A_30 = arith.constant 0 : i32
    %dma_start3A_31 = tpu.memref_slice %arg4[%dma_start3A_29, %dma_start3A_30] : memref<10240x8xf32, #tpu.memory_space<hbm>> -> memref<10240x8xf32, #tpu.memory_space<hbm>>
    tpu.enqueue_indirect_dma source(%dma_start3A_31 : memref<10240x8xf32, #tpu.memory_space<hbm>>) target(%arg12 : memref<512x8xf32, #tpu.memory_space<vmem>>) offsets(%dma_start3A_28 : memref<512xi32, #tpu.memory_space<vmem>>) semaphore(%arg17 : memref<!tpu.dma_semaphore, #tpu.memory_space<semaphore_mem>>)
    %scan3A = arith.constant 0 : i32
    %scan3A_32 = arith.constant 0 : i32
    %scan3A_33 = arith.constant 4 : i32
    %scan3A_34 = arith.addi %scan3A_32, %scan3A_33 : i32
    %scan3A_35 = arith.constant 1 : i32
    scf.for %scan3A_125 = %scan3A_32 to %scan3A_34 step %scan3A_35  : i32 {
      %mul3A_126 = arith.constant 4 : i32
      %mul3A_127 = arith.muli %scan3A_125, %mul3A_126 : i32
      %add3A_128 = arith.constant 0 : i32
      %add3A_129 = arith.addi %mul3A_127, %add3A_128 : i32
      %dma_wait3A_130 = arith.constant 0 : i32
      %dma_wait3A_131 = tpu.memref_slice %arg7[%add3A_129, %dma_wait3A_130] : memref<20x512xi32, #tpu.memory_space<vmem>> -> memref<1x512xi32, #tpu.memory_space<vmem>>
      %dma_wait3A_132 = tpu.memref_squeeze %dma_wait3A_131 : memref<1x512xi32, #tpu.memory_space<vmem>> -> memref<512xi32, #tpu.memory_space<vmem>>
      %dma_wait3A_133 = arith.constant 0 : i32
      %dma_wait3A_134 = arith.constant 0 : i32
      %dma_wait3A_135 = tpu.memref_slice %arg4[%dma_wait3A_133, %dma_wait3A_134] : memref<10240x8xf32, #tpu.memory_space<hbm>> -> memref<10240x8xf32, #tpu.memory_space<hbm>>
      tpu.wait_indirect_dma semaphore(%arg14 : memref<!tpu.dma_semaphore, #tpu.memory_space<semaphore_mem>>) src(%dma_wait3A_135 : memref<10240x8xf32, #tpu.memory_space<hbm>>) dst(%arg9 : memref<512x8xf32, #tpu.memory_space<vmem>>)
      %dma_start3A_136 = arith.constant 0 : i32
      %dma_start3A_137 = tpu.memref_slice %arg8[%add3A_129, %dma_start3A_136] : memref<20x512xi32, #tpu.memory_space<vmem>> -> memref<1x512xi32, #tpu.memory_space<vmem>>
      %dma_start3A_138 = tpu.memref_squeeze %dma_start3A_137 : memref<1x512xi32, #tpu.memory_space<vmem>> -> memref<512xi32, #tpu.memory_space<vmem>>
      %dma_start3A_139 = arith.constant 0 : i32
      %dma_start3A_140 = arith.constant 0 : i32
      %dma_start3A_141 = tpu.memref_slice %arg13[%dma_start3A_139, %dma_start3A_140] : memref<10240x8xf32, #tpu.memory_space<vmem_shared>> -> memref<10240x8xf32, #tpu.memory_space<vmem_shared>>
      tpu.enqueue_indirect_dma source(%arg9 : memref<512x8xf32, #tpu.memory_space<vmem>>) target(%dma_start3A_141 : memref<10240x8xf32, #tpu.memory_space<vmem_shared>>) offsets(%dma_start3A_138 : memref<512xi32, #tpu.memory_space<vmem>>) semaphore(%arg18 : memref<!tpu.dma_semaphore, #tpu.memory_space<semaphore_mem>>) {add = true}
      %mul3A_142 = arith.constant 4 : i32
      %mul3A_143 = arith.muli %scan3A_125, %mul3A_142 : i32
      %add3A_144 = arith.constant 1 : i32
      %add3A_145 = arith.addi %mul3A_143, %add3A_144 : i32
      %dma_wait3A_146 = arith.constant 0 : i32
      %dma_wait3A_147 = tpu.memref_slice %arg7[%add3A_145, %dma_wait3A_146] : memref<20x512xi32, #tpu.memory_space<vmem>> -> memref<1x512xi32, #tpu.memory_space<vmem>>
      %dma_wait3A_148 = tpu.memref_squeeze %dma_wait3A_147 : memref<1x512xi32, #tpu.memory_space<vmem>> -> memref<512xi32, #tpu.memory_space<vmem>>
      %dma_wait3A_149 = arith.constant 0 : i32
      %dma_wait3A_150 = arith.constant 0 : i32
      %dma_wait3A_151 = tpu.memref_slice %arg4[%dma_wait3A_149, %dma_wait3A_150] : memref<10240x8xf32, #tpu.memory_space<hbm>> -> memref<10240x8xf32, #tpu.memory_space<hbm>>
      tpu.wait_indirect_dma semaphore(%arg15 : memref<!tpu.dma_semaphore, #tpu.memory_space<semaphore_mem>>) src(%dma_wait3A_151 : memref<10240x8xf32, #tpu.memory_space<hbm>>) dst(%arg10 : memref<512x8xf32, #tpu.memory_space<vmem>>)
      %dma_start3A_152 = arith.constant 0 : i32
      %dma_start3A_153 = tpu.memref_slice %arg8[%add3A_145, %dma_start3A_152] : memref<20x512xi32, #tpu.memory_space<vmem>> -> memref<1x512xi32, #tpu.memory_space<vmem>>
      %dma_start3A_154 = tpu.memref_squeeze %dma_start3A_153 : memref<1x512xi32, #tpu.memory_space<vmem>> -> memref<512xi32, #tpu.memory_space<vmem>>
      %dma_start3A_155 = arith.constant 0 : i32
      %dma_start3A_156 = arith.constant 0 : i32
      %dma_start3A_157 = tpu.memref_slice %arg13[%dma_start3A_155, %dma_start3A_156] : memref<10240x8xf32, #tpu.memory_space<vmem_shared>> -> memref<10240x8xf32, #tpu.memory_space<vmem_shared>>
      tpu.enqueue_indirect_dma source(%arg10 : memref<512x8xf32, #tpu.memory_space<vmem>>) target(%dma_start3A_157 : memref<10240x8xf32, #tpu.memory_space<vmem_shared>>) offsets(%dma_start3A_154 : memref<512xi32, #tpu.memory_space<vmem>>) semaphore(%arg19 : memref<!tpu.dma_semaphore, #tpu.memory_space<semaphore_mem>>) {add = true}
      %mul3A_158 = arith.constant 4 : i32
      %mul3A_159 = arith.muli %scan3A_125, %mul3A_158 : i32
      %add3A_160 = arith.constant 2 : i32
      %add3A_161 = arith.addi %mul3A_159, %add3A_160 : i32
      %dma_wait3A_162 = arith.constant 0 : i32
      %dma_wait3A_163 = tpu.memref_slice %arg7[%add3A_161, %dma_wait3A_162] : memref<20x512xi32, #tpu.memory_space<vmem>> -> memref<1x512xi32, #tpu.memory_space<vmem>>
      %dma_wait3A_164 = tpu.memref_squeeze %dma_wait3A_163 : memref<1x512xi32, #tpu.memory_space<vmem>> -> memref<512xi32, #tpu.memory_space<vmem>>
      %dma_wait3A_165 = arith.constant 0 : i32
      %dma_wait3A_166 = arith.constant 0 : i32
      %dma_wait3A_167 = tpu.memref_slice %arg4[%dma_wait3A_165, %dma_wait3A_166] : memref<10240x8xf32, #tpu.memory_space<hbm>> -> memref<10240x8xf32, #tpu.memory_space<hbm>>
      tpu.wait_indirect_dma semaphore(%arg16 : memref<!tpu.dma_semaphore, #tpu.memory_space<semaphore_mem>>) src(%dma_wait3A_167 : memref<10240x8xf32, #tpu.memory_space<hbm>>) dst(%arg11 : memref<512x8xf32, #tpu.memory_space<vmem>>)
      %dma_start3A_168 = arith.constant 0 : i32
      %dma_start3A_169 = tpu.memref_slice %arg8[%add3A_161, %dma_start3A_168] : memref<20x512xi32, #tpu.memory_space<vmem>> -> memref<1x512xi32, #tpu.memory_space<vmem>>
      %dma_start3A_170 = tpu.memref_squeeze %dma_start3A_169 : memref<1x512xi32, #tpu.memory_space<vmem>> -> memref<512xi32, #tpu.memory_space<vmem>>
      %dma_start3A_171 = arith.constant 0 : i32
      %dma_start3A_172 = arith.constant 0 : i32
      %dma_start3A_173 = tpu.memref_slice %arg13[%dma_start3A_171, %dma_start3A_172] : memref<10240x8xf32, #tpu.memory_space<vmem_shared>> -> memref<10240x8xf32, #tpu.memory_space<vmem_shared>>
      tpu.enqueue_indirect_dma source(%arg11 : memref<512x8xf32, #tpu.memory_space<vmem>>) target(%dma_start3A_173 : memref<10240x8xf32, #tpu.memory_space<vmem_shared>>) offsets(%dma_start3A_170 : memref<512xi32, #tpu.memory_space<vmem>>) semaphore(%arg20 : memref<!tpu.dma_semaphore, #tpu.memory_space<semaphore_mem>>) {add = true}
      %mul3A_174 = arith.constant 4 : i32
      %mul3A_175 = arith.muli %scan3A_125, %mul3A_174 : i32
      %add3A_176 = arith.constant 3 : i32
      %add3A_177 = arith.addi %mul3A_175, %add3A_176 : i32
      %dma_wait3A_178 = arith.constant 0 : i32
      %dma_wait3A_179 = tpu.memref_slice %arg7[%add3A_177, %dma_wait3A_178] : memref<20x512xi32, #tpu.memory_space<vmem>> -> memref<1x512xi32, #tpu.memory_space<vmem>>
      %dma_wait3A_180 = tpu.memref_squeeze %dma_wait3A_179 : memref<1x512xi32, #tpu.memory_space<vmem>> -> memref<512xi32, #tpu.memory_space<vmem>>
      %dma_wait3A_181 = arith.constant 0 : i32
      %dma_wait3A_182 = arith.constant 0 : i32
      %dma_wait3A_183 = tpu.memref_slice %arg4[%dma_wait3A_181, %dma_wait3A_182] : memref<10240x8xf32, #tpu.memory_space<hbm>> -> memref<10240x8xf32, #tpu.memory_space<hbm>>
      tpu.wait_indirect_dma semaphore(%arg17 : memref<!tpu.dma_semaphore, #tpu.memory_space<semaphore_mem>>) src(%dma_wait3A_183 : memref<10240x8xf32, #tpu.memory_space<hbm>>) dst(%arg12 : memref<512x8xf32, #tpu.memory_space<vmem>>)
      %dma_start3A_184 = arith.constant 0 : i32
      %dma_start3A_185 = tpu.memref_slice %arg8[%add3A_177, %dma_start3A_184] : memref<20x512xi32, #tpu.memory_space<vmem>> -> memref<1x512xi32, #tpu.memory_space<vmem>>
      %dma_start3A_186 = tpu.memref_squeeze %dma_start3A_185 : memref<1x512xi32, #tpu.memory_space<vmem>> -> memref<512xi32, #tpu.memory_space<vmem>>
      %dma_start3A_187 = arith.constant 0 : i32
      %dma_start3A_188 = arith.constant 0 : i32
      %dma_start3A_189 = tpu.memref_slice %arg13[%dma_start3A_187, %dma_start3A_188] : memref<10240x8xf32, #tpu.memory_space<vmem_shared>> -> memref<10240x8xf32, #tpu.memory_space<vmem_shared>>
      tpu.enqueue_indirect_dma source(%arg12 : memref<512x8xf32, #tpu.memory_space<vmem>>) target(%dma_start3A_189 : memref<10240x8xf32, #tpu.memory_space<vmem_shared>>) offsets(%dma_start3A_186 : memref<512xi32, #tpu.memory_space<vmem>>) semaphore(%arg21 : memref<!tpu.dma_semaphore, #tpu.memory_space<semaphore_mem>>) {add = true}
      %mul3A_190 = arith.constant 4 : i32
      %mul3A_191 = arith.muli %scan3A_125, %mul3A_190 : i32
      %add3A_192 = arith.constant 4 : i32
      %add3A_193 = arith.addi %mul3A_191, %add3A_192 : i32
      %add3A_194 = arith.constant 0 : i32
      %add3A_195 = arith.addi %add3A_193, %add3A_194 : i32
      %dma_wait3A_196 = arith.constant 0 : i32
      %dma_wait3A_197 = tpu.memref_slice %arg8[%add3A_195, %dma_wait3A_196] : memref<20x512xi32, #tpu.memory_space<vmem>> -> memref<1x512xi32, #tpu.memory_space<vmem>>
      %dma_wait3A_198 = tpu.memref_squeeze %dma_wait3A_197 : memref<1x512xi32, #tpu.memory_space<vmem>> -> memref<512xi32, #tpu.memory_space<vmem>>
      %dma_wait3A_199 = arith.constant 0 : i32
      %dma_wait3A_200 = arith.constant 0 : i32
      %dma_wait3A_201 = tpu.memref_slice %arg13[%dma_wait3A_199, %dma_wait3A_200] : memref<10240x8xf32, #tpu.memory_space<vmem_shared>> -> memref<10240x8xf32, #tpu.memory_space<vmem_shared>>
      tpu.wait_indirect_dma semaphore(%arg18 : memref<!tpu.dma_semaphore, #tpu.memory_space<semaphore_mem>>) src(%arg9 : memref<512x8xf32, #tpu.memory_space<vmem>>) dst(%dma_wait3A_201 : memref<10240x8xf32, #tpu.memory_space<vmem_shared>>)
      %dma_start3A_202 = arith.constant 0 : i32
      %dma_start3A_203 = tpu.memref_slice %arg7[%add3A_195, %dma_start3A_202] : memref<20x512xi32, #tpu.memory_space<vmem>> -> memref<1x512xi32, #tpu.memory_space<vmem>>
      %dma_start3A_204 = tpu.memref_squeeze %dma_start3A_203 : memref<1x512xi32, #tpu.memory_space<vmem>> -> memref<512xi32, #tpu.memory_space<vmem>>
      %dma_start3A_205 = arith.constant 0 : i32
      %dma_start3A_206 = arith.constant 0 : i32
      %dma_start3A_207 = tpu.memref_slice %arg4[%dma_start3A_205, %dma_start3A_206] : memref<10240x8xf32, #tpu.memory_space<hbm>> -> memref<10240x8xf32, #tpu.memory_space<hbm>>
      tpu.enqueue_indirect_dma source(%dma_start3A_207 : memref<10240x8xf32, #tpu.memory_space<hbm>>) target(%arg9 : memref<512x8xf32, #tpu.memory_space<vmem>>) offsets(%dma_start3A_204 : memref<512xi32, #tpu.memory_space<vmem>>) semaphore(%arg14 : memref<!tpu.dma_semaphore, #tpu.memory_space<semaphore_mem>>)
      %mul3A_208 = arith.constant 4 : i32
      %mul3A_209 = arith.muli %scan3A_125, %mul3A_208 : i32
      %add3A_210 = arith.constant 4 : i32
      %add3A_211 = arith.addi %mul3A_209, %add3A_210 : i32
      %add3A_212 = arith.constant 1 : i32
      %add3A_213 = arith.addi %add3A_211, %add3A_212 : i32
      %dma_wait3A_214 = arith.constant 0 : i32
      %dma_wait3A_215 = tpu.memref_slice %arg8[%add3A_213, %dma_wait3A_214] : memref<20x512xi32, #tpu.memory_space<vmem>> -> memref<1x512xi32, #tpu.memory_space<vmem>>
      %dma_wait3A_216 = tpu.memref_squeeze %dma_wait3A_215 : memref<1x512xi32, #tpu.memory_space<vmem>> -> memref<512xi32, #tpu.memory_space<vmem>>
      %dma_wait3A_217 = arith.constant 0 : i32
      %dma_wait3A_218 = arith.constant 0 : i32
      %dma_wait3A_219 = tpu.memref_slice %arg13[%dma_wait3A_217, %dma_wait3A_218] : memref<10240x8xf32, #tpu.memory_space<vmem_shared>> -> memref<10240x8xf32, #tpu.memory_space<vmem_shared>>
      tpu.wait_indirect_dma semaphore(%arg19 : memref<!tpu.dma_semaphore, #tpu.memory_space<semaphore_mem>>) src(%arg10 : memref<512x8xf32, #tpu.memory_space<vmem>>) dst(%dma_wait3A_219 : memref<10240x8xf32, #tpu.memory_space<vmem_shared>>)
      %dma_start3A_220 = arith.constant 0 : i32
      %dma_start3A_221 = tpu.memref_slice %arg7[%add3A_213, %dma_start3A_220] : memref<20x512xi32, #tpu.memory_space<vmem>> -> memref<1x512xi32, #tpu.memory_space<vmem>>
      %dma_start3A_222 = tpu.memref_squeeze %dma_start3A_221 : memref<1x512xi32, #tpu.memory_space<vmem>> -> memref<512xi32, #tpu.memory_space<vmem>>
      %dma_start3A_223 = arith.constant 0 : i32
      %dma_start3A_224 = arith.constant 0 : i32
      %dma_start3A_225 = tpu.memref_slice %arg4[%dma_start3A_223, %dma_start3A_224] : memref<10240x8xf32, #tpu.memory_space<hbm>> -> memref<10240x8xf32, #tpu.memory_space<hbm>>
      tpu.enqueue_indirect_dma source(%dma_start3A_225 : memref<10240x8xf32, #tpu.memory_space<hbm>>) target(%arg10 : memref<512x8xf32, #tpu.memory_space<vmem>>) offsets(%dma_start3A_222 : memref<512xi32, #tpu.memory_space<vmem>>) semaphore(%arg15 : memref<!tpu.dma_semaphore, #tpu.memory_space<semaphore_mem>>)
      %mul3A_226 = arith.constant 4 : i32
      %mul3A_227 = arith.muli %scan3A_125, %mul3A_226 : i32
      %add3A_228 = arith.constant 4 : i32
      %add3A_229 = arith.addi %mul3A_227, %add3A_228 : i32
      %add3A_230 = arith.constant 2 : i32
      %add3A_231 = arith.addi %add3A_229, %add3A_230 : i32
      %dma_wait3A_232 = arith.constant 0 : i32
      %dma_wait3A_233 = tpu.memref_slice %arg8[%add3A_231, %dma_wait3A_232] : memref<20x512xi32, #tpu.memory_space<vmem>> -> memref<1x512xi32, #tpu.memory_space<vmem>>
      %dma_wait3A_234 = tpu.memref_squeeze %dma_wait3A_233 : memref<1x512xi32, #tpu.memory_space<vmem>> -> memref<512xi32, #tpu.memory_space<vmem>>
      %dma_wait3A_235 = arith.constant 0 : i32
      %dma_wait3A_236 = arith.constant 0 : i32
      %dma_wait3A_237 = tpu.memref_slice %arg13[%dma_wait3A_235, %dma_wait3A_236] : memref<10240x8xf32, #tpu.memory_space<vmem_shared>> -> memref<10240x8xf32, #tpu.memory_space<vmem_shared>>
      tpu.wait_indirect_dma semaphore(%arg20 : memref<!tpu.dma_semaphore, #tpu.memory_space<semaphore_mem>>) src(%arg11 : memref<512x8xf32, #tpu.memory_space<vmem>>) dst(%dma_wait3A_237 : memref<10240x8xf32, #tpu.memory_space<vmem_shared>>)
      %dma_start3A_238 = arith.constant 0 : i32
      %dma_start3A_239 = tpu.memref_slice %arg7[%add3A_231, %dma_start3A_238] : memref<20x512xi32, #tpu.memory_space<vmem>> -> memref<1x512xi32, #tpu.memory_space<vmem>>
      %dma_start3A_240 = tpu.memref_squeeze %dma_start3A_239 : memref<1x512xi32, #tpu.memory_space<vmem>> -> memref<512xi32, #tpu.memory_space<vmem>>
      %dma_start3A_241 = arith.constant 0 : i32
      %dma_start3A_242 = arith.constant 0 : i32
      %dma_start3A_243 = tpu.memref_slice %arg4[%dma_start3A_241, %dma_start3A_242] : memref<10240x8xf32, #tpu.memory_space<hbm>> -> memref<10240x8xf32, #tpu.memory_space<hbm>>
      tpu.enqueue_indirect_dma source(%dma_start3A_243 : memref<10240x8xf32, #tpu.memory_space<hbm>>) target(%arg11 : memref<512x8xf32, #tpu.memory_space<vmem>>) offsets(%dma_start3A_240 : memref<512xi32, #tpu.memory_space<vmem>>) semaphore(%arg16 : memref<!tpu.dma_semaphore, #tpu.memory_space<semaphore_mem>>)
      %mul3A_244 = arith.constant 4 : i32
      %mul3A_245 = arith.muli %scan3A_125, %mul3A_244 : i32
      %add3A_246 = arith.constant 4 : i32
      %add3A_247 = arith.addi %mul3A_245, %add3A_246 : i32
      %add3A_248 = arith.constant 3 : i32
      %add3A_249 = arith.addi %add3A_247, %add3A_248 : i32
      %dma_wait3A_250 = arith.constant 0 : i32
      %dma_wait3A_251 = tpu.memref_slice %arg8[%add3A_249, %dma_wait3A_250] : memref<20x512xi32, #tpu.memory_space<vmem>> -> memref<1x512xi32, #tpu.memory_space<vmem>>
      %dma_wait3A_252 = tpu.memref_squeeze %dma_wait3A_251 : memref<1x512xi32, #tpu.memory_space<vmem>> -> memref<512xi32, #tpu.memory_space<vmem>>
      %dma_wait3A_253 = arith.constant 0 : i32
      %dma_wait3A_254 = arith.constant 0 : i32
      %dma_wait3A_255 = tpu.memref_slice %arg13[%dma_wait3A_253, %dma_wait3A_254] : memref<10240x8xf32, #tpu.memory_space<vmem_shared>> -> memref<10240x8xf32, #tpu.memory_space<vmem_shared>>
      tpu.wait_indirect_dma semaphore(%arg21 : memref<!tpu.dma_semaphore, #tpu.memory_space<semaphore_mem>>) src(%arg12 : memref<512x8xf32, #tpu.memory_space<vmem>>) dst(%dma_wait3A_255 : memref<10240x8xf32, #tpu.memory_space<vmem_shared>>)
      %dma_start3A_256 = arith.constant 0 : i32
      %dma_start3A_257 = tpu.memref_slice %arg7[%add3A_249, %dma_start3A_256] : memref<20x512xi32, #tpu.memory_space<vmem>> -> memref<1x512xi32, #tpu.memory_space<vmem>>
      %dma_start3A_258 = tpu.memref_squeeze %dma_start3A_257 : memref<1x512xi32, #tpu.memory_space<vmem>> -> memref<512xi32, #tpu.memory_space<vmem>>
      %dma_start3A_259 = arith.constant 0 : i32
      %dma_start3A_260 = arith.constant 0 : i32
      %dma_start3A_261 = tpu.memref_slice %arg4[%dma_start3A_259, %dma_start3A_260] : memref<10240x8xf32, #tpu.memory_space<hbm>> -> memref<10240x8xf32, #tpu.memory_space<hbm>>
      tpu.enqueue_indirect_dma source(%dma_start3A_261 : memref<10240x8xf32, #tpu.memory_space<hbm>>) target(%arg12 : memref<512x8xf32, #tpu.memory_space<vmem>>) offsets(%dma_start3A_258 : memref<512xi32, #tpu.memory_space<vmem>>) semaphore(%arg17 : memref<!tpu.dma_semaphore, #tpu.memory_space<semaphore_mem>>)
    }
    %scan3A_36 = arith.constant 4 : i32
    %dma_wait3A = arith.constant 16 : i32
    %dma_wait3A_37 = arith.constant 0 : i32
    %dma_wait3A_38 = tpu.memref_slice %arg7[%dma_wait3A, %dma_wait3A_37] : memref<20x512xi32, #tpu.memory_space<vmem>> -> memref<1x512xi32, #tpu.memory_space<vmem>>
    %dma_wait3A_39 = tpu.memref_squeeze %dma_wait3A_38 : memref<1x512xi32, #tpu.memory_space<vmem>> -> memref<512xi32, #tpu.memory_space<vmem>>
    %dma_wait3A_40 = arith.constant 0 : i32
    %dma_wait3A_41 = arith.constant 0 : i32
    %dma_wait3A_42 = tpu.memref_slice %arg4[%dma_wait3A_40, %dma_wait3A_41] : memref<10240x8xf32, #tpu.memory_space<hbm>> -> memref<10240x8xf32, #tpu.memory_space<hbm>>
    tpu.wait_indirect_dma semaphore(%arg14 : memref<!tpu.dma_semaphore, #tpu.memory_space<semaphore_mem>>) src(%dma_wait3A_42 : memref<10240x8xf32, #tpu.memory_space<hbm>>) dst(%arg9 : memref<512x8xf32, #tpu.memory_space<vmem>>)
    %dma_start3A_43 = arith.constant 16 : i32
    %dma_start3A_44 = arith.constant 0 : i32
    %dma_start3A_45 = tpu.memref_slice %arg8[%dma_start3A_43, %dma_start3A_44] : memref<20x512xi32, #tpu.memory_space<vmem>> -> memref<1x512xi32, #tpu.memory_space<vmem>>
    %dma_start3A_46 = tpu.memref_squeeze %dma_start3A_45 : memref<1x512xi32, #tpu.memory_space<vmem>> -> memref<512xi32, #tpu.memory_space<vmem>>
    %dma_start3A_47 = arith.constant 0 : i32
    %dma_start3A_48 = arith.constant 0 : i32
    %dma_start3A_49 = tpu.memref_slice %arg13[%dma_start3A_47, %dma_start3A_48] : memref<10240x8xf32, #tpu.memory_space<vmem_shared>> -> memref<10240x8xf32, #tpu.memory_space<vmem_shared>>
    tpu.enqueue_indirect_dma source(%arg9 : memref<512x8xf32, #tpu.memory_space<vmem>>) target(%dma_start3A_49 : memref<10240x8xf32, #tpu.memory_space<vmem_shared>>) offsets(%dma_start3A_46 : memref<512xi32, #tpu.memory_space<vmem>>) semaphore(%arg18 : memref<!tpu.dma_semaphore, #tpu.memory_space<semaphore_mem>>) {add = true}
    %dma_wait3A_50 = arith.constant 17 : i32
    %dma_wait3A_51 = arith.constant 0 : i32
    %dma_wait3A_52 = tpu.memref_slice %arg7[%dma_wait3A_50, %dma_wait3A_51] : memref<20x512xi32, #tpu.memory_space<vmem>> -> memref<1x512xi32, #tpu.memory_space<vmem>>
    %dma_wait3A_53 = tpu.memref_squeeze %dma_wait3A_52 : memref<1x512xi32, #tpu.memory_space<vmem>> -> memref<512xi32, #tpu.memory_space<vmem>>
    %dma_wait3A_54 = arith.constant 0 : i32
    %dma_wait3A_55 = arith.constant 0 : i32
    %dma_wait3A_56 = tpu.memref_slice %arg4[%dma_wait3A_54, %dma_wait3A_55] : memref<10240x8xf32, #tpu.memory_space<hbm>> -> memref<10240x8xf32, #tpu.memory_space<hbm>>
    tpu.wait_indirect_dma semaphore(%arg15 : memref<!tpu.dma_semaphore, #tpu.memory_space<semaphore_mem>>) src(%dma_wait3A_56 : memref<10240x8xf32, #tpu.memory_space<hbm>>) dst(%arg10 : memref<512x8xf32, #tpu.memory_space<vmem>>)
    %dma_start3A_57 = arith.constant 17 : i32
    %dma_start3A_58 = arith.constant 0 : i32
    %dma_start3A_59 = tpu.memref_slice %arg8[%dma_start3A_57, %dma_start3A_58] : memref<20x512xi32, #tpu.memory_space<vmem>> -> memref<1x512xi32, #tpu.memory_space<vmem>>
    %dma_start3A_60 = tpu.memref_squeeze %dma_start3A_59 : memref<1x512xi32, #tpu.memory_space<vmem>> -> memref<512xi32, #tpu.memory_space<vmem>>
    %dma_start3A_61 = arith.constant 0 : i32
    %dma_start3A_62 = arith.constant 0 : i32
    %dma_start3A_63 = tpu.memref_slice %arg13[%dma_start3A_61, %dma_start3A_62] : memref<10240x8xf32, #tpu.memory_space<vmem_shared>> -> memref<10240x8xf32, #tpu.memory_space<vmem_shared>>
    tpu.enqueue_indirect_dma source(%arg10 : memref<512x8xf32, #tpu.memory_space<vmem>>) target(%dma_start3A_63 : memref<10240x8xf32, #tpu.memory_space<vmem_shared>>) offsets(%dma_start3A_60 : memref<512xi32, #tpu.memory_space<vmem>>) semaphore(%arg19 : memref<!tpu.dma_semaphore, #tpu.memory_space<semaphore_mem>>) {add = true}
    %dma_wait3A_64 = arith.constant 18 : i32
    %dma_wait3A_65 = arith.constant 0 : i32
    %dma_wait3A_66 = tpu.memref_slice %arg7[%dma_wait3A_64, %dma_wait3A_65] : memref<20x512xi32, #tpu.memory_space<vmem>> -> memref<1x512xi32, #tpu.memory_space<vmem>>
    %dma_wait3A_67 = tpu.memref_squeeze %dma_wait3A_66 : memref<1x512xi32, #tpu.memory_space<vmem>> -> memref<512xi32, #tpu.memory_space<vmem>>
    %dma_wait3A_68 = arith.constant 0 : i32
    %dma_wait3A_69 = arith.constant 0 : i32
    %dma_wait3A_70 = tpu.memref_slice %arg4[%dma_wait3A_68, %dma_wait3A_69] : memref<10240x8xf32, #tpu.memory_space<hbm>> -> memref<10240x8xf32, #tpu.memory_space<hbm>>
    tpu.wait_indirect_dma semaphore(%arg16 : memref<!tpu.dma_semaphore, #tpu.memory_space<semaphore_mem>>) src(%dma_wait3A_70 : memref<10240x8xf32, #tpu.memory_space<hbm>>) dst(%arg11 : memref<512x8xf32, #tpu.memory_space<vmem>>)
    %dma_start3A_71 = arith.constant 18 : i32
    %dma_start3A_72 = arith.constant 0 : i32
    %dma_start3A_73 = tpu.memref_slice %arg8[%dma_start3A_71, %dma_start3A_72] : memref<20x512xi32, #tpu.memory_space<vmem>> -> memref<1x512xi32, #tpu.memory_space<vmem>>
    %dma_start3A_74 = tpu.memref_squeeze %dma_start3A_73 : memref<1x512xi32, #tpu.memory_space<vmem>> -> memref<512xi32, #tpu.memory_space<vmem>>
    %dma_start3A_75 = arith.constant 0 : i32
    %dma_start3A_76 = arith.constant 0 : i32
    %dma_start3A_77 = tpu.memref_slice %arg13[%dma_start3A_75, %dma_start3A_76] : memref<10240x8xf32, #tpu.memory_space<vmem_shared>> -> memref<10240x8xf32, #tpu.memory_space<vmem_shared>>
    tpu.enqueue_indirect_dma source(%arg11 : memref<512x8xf32, #tpu.memory_space<vmem>>) target(%dma_start3A_77 : memref<10240x8xf32, #tpu.memory_space<vmem_shared>>) offsets(%dma_start3A_74 : memref<512xi32, #tpu.memory_space<vmem>>) semaphore(%arg20 : memref<!tpu.dma_semaphore, #tpu.memory_space<semaphore_mem>>) {add = true}
    %dma_wait3A_78 = arith.constant 19 : i32
    %dma_wait3A_79 = arith.constant 0 : i32
    %dma_wait3A_80 = tpu.memref_slice %arg7[%dma_wait3A_78, %dma_wait3A_79] : memref<20x512xi32, #tpu.memory_space<vmem>> -> memref<1x512xi32, #tpu.memory_space<vmem>>
    %dma_wait3A_81 = tpu.memref_squeeze %dma_wait3A_80 : memref<1x512xi32, #tpu.memory_space<vmem>> -> memref<512xi32, #tpu.memory_space<vmem>>
    %dma_wait3A_82 = arith.constant 0 : i32
    %dma_wait3A_83 = arith.constant 0 : i32
    %dma_wait3A_84 = tpu.memref_slice %arg4[%dma_wait3A_82, %dma_wait3A_83] : memref<10240x8xf32, #tpu.memory_space<hbm>> -> memref<10240x8xf32, #tpu.memory_space<hbm>>
    tpu.wait_indirect_dma semaphore(%arg17 : memref<!tpu.dma_semaphore, #tpu.memory_space<semaphore_mem>>) src(%dma_wait3A_84 : memref<10240x8xf32, #tpu.memory_space<hbm>>) dst(%arg12 : memref<512x8xf32, #tpu.memory_space<vmem>>)
    %dma_start3A_85 = arith.constant 19 : i32
    %dma_start3A_86 = arith.constant 0 : i32
    %dma_start3A_87 = tpu.memref_slice %arg8[%dma_start3A_85, %dma_start3A_86] : memref<20x512xi32, #tpu.memory_space<vmem>> -> memref<1x512xi32, #tpu.memory_space<vmem>>
    %dma_start3A_88 = tpu.memref_squeeze %dma_start3A_87 : memref<1x512xi32, #tpu.memory_space<vmem>> -> memref<512xi32, #tpu.memory_space<vmem>>
    %dma_start3A_89 = arith.constant 0 : i32
    %dma_start3A_90 = arith.constant 0 : i32
    %dma_start3A_91 = tpu.memref_slice %arg13[%dma_start3A_89, %dma_start3A_90] : memref<10240x8xf32, #tpu.memory_space<vmem_shared>> -> memref<10240x8xf32, #tpu.memory_space<vmem_shared>>
    tpu.enqueue_indirect_dma source(%arg12 : memref<512x8xf32, #tpu.memory_space<vmem>>) target(%dma_start3A_91 : memref<10240x8xf32, #tpu.memory_space<vmem_shared>>) offsets(%dma_start3A_88 : memref<512xi32, #tpu.memory_space<vmem>>) semaphore(%arg21 : memref<!tpu.dma_semaphore, #tpu.memory_space<semaphore_mem>>) {add = true}
    %dma_wait3A_92 = arith.constant 0 : i32
    %dma_wait3A_93 = arith.constant 0 : i32
    %dma_wait3A_94 = tpu.memref_slice %arg8[%dma_wait3A_92, %dma_wait3A_93] : memref<20x512xi32, #tpu.memory_space<vmem>> -> memref<1x512xi32, #tpu.memory_space<vmem>>
    %dma_wait3A_95 = tpu.memref_squeeze %dma_wait3A_94 : memref<1x512xi32, #tpu.memory_space<vmem>> -> memref<512xi32, #tpu.memory_space<vmem>>
    %dma_wait3A_96 = arith.constant 0 : i32
    %dma_wait3A_97 = arith.constant 0 : i32
    %dma_wait3A_98 = tpu.memref_slice %arg13[%dma_wait3A_96, %dma_wait3A_97] : memref<10240x8xf32, #tpu.memory_space<vmem_shared>> -> memref<10240x8xf32, #tpu.memory_space<vmem_shared>>
    tpu.wait_indirect_dma semaphore(%arg18 : memref<!tpu.dma_semaphore, #tpu.memory_space<semaphore_mem>>) src(%arg9 : memref<512x8xf32, #tpu.memory_space<vmem>>) dst(%dma_wait3A_98 : memref<10240x8xf32, #tpu.memory_space<vmem_shared>>)
    %dma_wait3A_99 = arith.constant 1 : i32
    %dma_wait3A_100 = arith.constant 0 : i32
    %dma_wait3A_101 = tpu.memref_slice %arg8[%dma_wait3A_99, %dma_wait3A_100] : memref<20x512xi32, #tpu.memory_space<vmem>> -> memref<1x512xi32, #tpu.memory_space<vmem>>
    %dma_wait3A_102 = tpu.memref_squeeze %dma_wait3A_101 : memref<1x512xi32, #tpu.memory_space<vmem>> -> memref<512xi32, #tpu.memory_space<vmem>>
    %dma_wait3A_103 = arith.constant 0 : i32
    %dma_wait3A_104 = arith.constant 0 : i32
    %dma_wait3A_105 = tpu.memref_slice %arg13[%dma_wait3A_103, %dma_wait3A_104] : memref<10240x8xf32, #tpu.memory_space<vmem_shared>> -> memref<10240x8xf32, #tpu.memory_space<vmem_shared>>
    tpu.wait_indirect_dma semaphore(%arg19 : memref<!tpu.dma_semaphore, #tpu.memory_space<semaphore_mem>>) src(%arg10 : memref<512x8xf32, #tpu.memory_space<vmem>>) dst(%dma_wait3A_105 : memref<10240x8xf32, #tpu.memory_space<vmem_shared>>)
    %dma_wait3A_106 = arith.constant 2 : i32
    %dma_wait3A_107 = arith.constant 0 : i32
    %dma_wait3A_108 = tpu.memref_slice %arg8[%dma_wait3A_106, %dma_wait3A_107] : memref<20x512xi32, #tpu.memory_space<vmem>> -> memref<1x512xi32, #tpu.memory_space<vmem>>
    %dma_wait3A_109 = tpu.memref_squeeze %dma_wait3A_108 : memref<1x512xi32, #tpu.memory_space<vmem>> -> memref<512xi32, #tpu.memory_space<vmem>>
    %dma_wait3A_110 = arith.constant 0 : i32
    %dma_wait3A_111 = arith.constant 0 : i32
    %dma_wait3A_112 = tpu.memref_slice %arg13[%dma_wait3A_110, %dma_wait3A_111] : memref<10240x8xf32, #tpu.memory_space<vmem_shared>> -> memref<10240x8xf32, #tpu.memory_space<vmem_shared>>
    tpu.wait_indirect_dma semaphore(%arg20 : memref<!tpu.dma_semaphore, #tpu.memory_space<semaphore_mem>>) src(%arg11 : memref<512x8xf32, #tpu.memory_space<vmem>>) dst(%dma_wait3A_112 : memref<10240x8xf32, #tpu.memory_space<vmem_shared>>)
    %dma_wait3A_113 = arith.constant 3 : i32
    %dma_wait3A_114 = arith.constant 0 : i32
    %dma_wait3A_115 = tpu.memref_slice %arg8[%dma_wait3A_113, %dma_wait3A_114] : memref<20x512xi32, #tpu.memory_space<vmem>> -> memref<1x512xi32, #tpu.memory_space<vmem>>
    %dma_wait3A_116 = tpu.memref_squeeze %dma_wait3A_115 : memref<1x512xi32, #tpu.memory_space<vmem>> -> memref<512xi32, #tpu.memory_space<vmem>>
    %dma_wait3A_117 = arith.constant 0 : i32
    %dma_wait3A_118 = arith.constant 0 : i32
    %dma_wait3A_119 = tpu.memref_slice %arg13[%dma_wait3A_117, %dma_wait3A_118] : memref<10240x8xf32, #tpu.memory_space<vmem_shared>> -> memref<10240x8xf32, #tpu.memory_space<vmem_shared>>
    tpu.wait_indirect_dma semaphore(%arg21 : memref<!tpu.dma_semaphore, #tpu.memory_space<semaphore_mem>>) src(%arg12 : memref<512x8xf32, #tpu.memory_space<vmem>>) dst(%dma_wait3A_119 : memref<10240x8xf32, #tpu.memory_space<vmem_shared>>)
    %barrier3A_120 = arith.constant 0 : index
    tpu.barrier barrier_id(%barrier3A_120)
    %mul3A_121 = arith.constant 640 : i32
    %mul3A_122 = arith.muli %arg1, %mul3A_121 : i32
    %mul3A_123 = arith.constant 640 : i32
    %mul3A_124 = arith.muli %arg1, %mul3A_123 : i32
    "tpu.region"() ({
      %run_scoped3A = tpu.sem_alloc : memref<!tpu.dma_semaphore, #tpu.memory_space<semaphore_mem>>
      %dma_start3A_125 = arith.constant 0 : i32
      %dma_start3A_126 = tpu.memref_slice %arg6[%arg0, %mul3A_124, %dma_start3A_125] : memref<2x10240x8xf32, #tpu.memory_space<hbm>> -> memref<1x640x8xf32, #tpu.memory_space<hbm>>
      %dma_start3A_127 = tpu.memref_squeeze %dma_start3A_126 : memref<1x640x8xf32, #tpu.memory_space<hbm>> -> memref<640x8xf32, #tpu.memory_space<hbm>>
      %dma_start3A_128 = arith.constant 0 : i32
      %dma_start3A_129 = tpu.memref_slice %arg13[%mul3A_122, %dma_start3A_128] : memref<10240x8xf32, #tpu.memory_space<vmem_shared>> -> memref<640x8xf32, #tpu.memory_space<vmem_shared>>
      tpu.enqueue_dma source(%dma_start3A_129 : memref<640x8xf32, #tpu.memory_space<vmem_shared>>) target(%dma_start3A_127 : memref<640x8xf32, #tpu.memory_space<hbm>>) target_semaphore(%run_scoped3A : memref<!tpu.dma_semaphore, #tpu.memory_space<semaphore_mem>>)
      %dma_wait3A_130 = arith.constant 0 : i32
      %dma_wait3A_131 = tpu.memref_slice %arg6[%arg0, %mul3A_124, %dma_wait3A_130] : memref<2x10240x8xf32, #tpu.memory_space<hbm>> -> memref<1x640x8xf32, #tpu.memory_space<hbm>>
      %dma_wait3A_132 = tpu.memref_squeeze %dma_wait3A_131 : memref<1x640x8xf32, #tpu.memory_space<hbm>> -> memref<640x8xf32, #tpu.memory_space<hbm>>
      %dma_wait3A_133 = arith.constant 0 : i32
      %dma_wait3A_134 = tpu.memref_slice %arg13[%mul3A_122, %dma_wait3A_133] : memref<10240x8xf32, #tpu.memory_space<vmem_shared>> -> memref<640x8xf32, #tpu.memory_space<vmem_shared>>
      tpu.wait_dma2 semaphore(%run_scoped3A : memref<!tpu.dma_semaphore, #tpu.memory_space<semaphore_mem>>) src(%dma_wait3A_134 : memref<640x8xf32, #tpu.memory_space<vmem_shared>>) dst(%dma_wait3A_132 : memref<640x8xf32, #tpu.memory_space<hbm>>)
      tpu.yield
    }) : () -> ()
    return
  }
}

module attributes {stable_mosaic.version = 14 : i64} {
  func.func @_tca_body(%arg0: i32, %arg1: memref<1024x128xf32, #tpu.memory_space<vmem>>, %arg2: memref<2x1024x8xf32, #tpu.memory_space<vmem>>, %arg3: memref<128x16xf32, #tpu.memory_space<vmem>>, %arg4: memref<1x16xf32, #tpu.memory_space<vmem>>, %arg5: memref<1024x8xf32, #tpu.memory_space<vmem>>, %arg6: memref<1024x8xf32, #tpu.memory_space<vmem>>, %arg7: memref<1024x8xf32, #tpu.memory_space<vmem>>) attributes {dimension_semantics = [#tpu.dimension_semantics<arbitrary>], iteration_bounds = array<i64: 10>, scalar_prefetch = 0 : i64, scratch_operands = 0 : i64, tpu.core_type = #tpu.core_type<tc>, window_params = [{transform_indices = @transform_0, window_bounds = array<i64: 1024, 128>}, {transform_indices = @transform_1, window_bounds = array<i64: 2, 1024, 8>}, {pipeline_mode = #tpu.pipeline_mode<synchronous>, transform_indices = @transform_2, window_bounds = array<i64: 128, 16>}, {pipeline_mode = #tpu.pipeline_mode<synchronous>, transform_indices = @transform_3, window_bounds = array<i64: 1, 16>}, {transform_indices = @transform_4, window_bounds = array<i64: 1024, 8>}, {transform_indices = @transform_5, window_bounds = array<i64: 1024, 8>}, {transform_indices = @transform_6, window_bounds = array<i64: 1024, 8>}]} {
    %get3A = arith.constant 0 : index
    %get3A_0 = arith.constant 0 : index
    %get3A_1 = arith.constant 0 : index
    %get3A_2 = vector.load %arg2[%get3A, %get3A_0, %get3A_1] : memref<2x1024x8xf32, #tpu.memory_space<vmem>>, vector<1x1024x1xf32>
    %get3A_3 = vector.shape_cast %get3A_2 : vector<1x1024x1xf32> to vector<1024xf32>
    %get3A_4 = arith.constant 1 : index
    %get3A_5 = arith.constant 0 : index
    %get3A_6 = arith.constant 0 : index
    %get3A_7 = vector.load %arg2[%get3A_4, %get3A_5, %get3A_6] : memref<2x1024x8xf32, #tpu.memory_space<vmem>>, vector<1x1024x1xf32>
    %get3A_8 = vector.shape_cast %get3A_7 : vector<1x1024x1xf32> to vector<1024xf32>
    %add3A = arith.addf %get3A_3, %get3A_8 : vector<1024xf32>
    %gt3A = arith.constant 0.000000e+00 : f32
    %gt3A_9 = vector.broadcast %gt3A : f32 to vector<1024xf32>
    %gt3A_10 = arith.cmpf ogt, %add3A, %gt3A_9 : vector<1024xf32>
    %rsqrt3A = math.rsqrt %add3A : vector<1024xf32>
    %jit3A = arith.constant 0.000000e+00 : f32
    %broadcast_in_dim3A = vector.broadcast %jit3A : f32 to vector<1024xf32>
    %select_n3A = arith.select %gt3A_10, %rsqrt3A, %broadcast_in_dim3A : vector<1024xi1>, vector<1024xf32>
    %get3A_11 = arith.constant 0 : index
    %get3A_12 = arith.constant 0 : index
    %get3A_13 = vector.load %arg1[%get3A_11, %get3A_12] : memref<1024x128xf32, #tpu.memory_space<vmem>>, vector<1024x128xf32>
    %get3A_14 = arith.constant 0 : index
    %get3A_15 = arith.constant 0 : index
    %get3A_16 = vector.load %arg3[%get3A_14, %get3A_15] : memref<128x16xf32, #tpu.memory_space<vmem>>, vector<128x16xf32>
    %dot_general3A = arith.constant dense<0.000000e+00> : vector<1024x16xf32>
    %dot_general3A_17 = tpu.matmul %get3A_13, %get3A_16, %dot_general3A {dimension_numbers = #tpu.dot_dimension_numbers<[1], [0], [0], [1], [0, 0, 1, 1], [], []>, transpose_lhs_hint = false} : vector<1024x128xf32>, vector<128x16xf32>, vector<1024x16xf32> -> vector<1024x16xf32>
    %get3A_18 = arith.constant 0 : index
    %get3A_19 = arith.constant 0 : index
    %get3A_20 = vector.load %arg4[%get3A_18, %get3A_19] : memref<1x16xf32, #tpu.memory_space<vmem>>, vector<1x16xf32>
    %add3A_21 = vector.broadcast %get3A_20 : vector<1x16xf32> to vector<1024x16xf32>
    %add3A_22 = arith.addf %dot_general3A_17, %add3A_21 : vector<1024x16xf32>
    %slice3A = vector.extract_strided_slice %add3A_22 {offsets = [0, 0], sizes = [1024, 8], strides = [1, 1]} : vector<1024x16xf32> to vector<1024x8xf32>
    %swap3A = arith.constant 0 : index
    %swap3A_23 = arith.constant 0 : index
    %swap3A_24 = vector.load %arg5[%swap3A, %swap3A_23] : memref<1024x8xf32, #tpu.memory_space<vmem>>, vector<1024x8xf32>
    tpu.vector_store %arg5[%swap3A, %swap3A_23], %slice3A {strides = array<i32>} : memref<1024x8xf32, #tpu.memory_space<vmem>>, vector<1024x8xf32>,
    %slice3A_25 = vector.extract_strided_slice %add3A_22 {offsets = [0, 8], sizes = [1024, 8], strides = [1, 1]} : vector<1024x16xf32> to vector<1024x8xf32>
    %broadcast_in_dim3A_26 = vector.shape_cast %select_n3A : vector<1024xf32> to vector<1024x1xf32>
    %mul3A = vector.broadcast %broadcast_in_dim3A_26 : vector<1024x1xf32> to vector<1024x8xf32>
    %mul3A_27 = arith.mulf %slice3A_25, %mul3A : vector<1024x8xf32>
    %swap3A_28 = arith.constant 0 : index
    %swap3A_29 = arith.constant 0 : index
    %swap3A_30 = vector.load %arg6[%swap3A_28, %swap3A_29] : memref<1024x8xf32, #tpu.memory_space<vmem>>, vector<1024x8xf32>
    tpu.vector_store %arg6[%swap3A_28, %swap3A_29], %mul3A_27 {strides = array<i32>} : memref<1024x8xf32, #tpu.memory_space<vmem>>, vector<1024x8xf32>,
    %broadcast_in_dim3A_31 = vector.shape_cast %select_n3A : vector<1024xf32> to vector<1024x1xf32>
    %broadcast_in_dim3A_32 = vector.shape_cast %broadcast_in_dim3A_31 : vector<1024x1xf32> to vector<1024x1xf32>
    %broadcast_in_dim3A_33 = vector.broadcast %broadcast_in_dim3A_32 : vector<1024x1xf32> to vector<1024x8xf32>
    %swap3A_34 = arith.constant 0 : index
    %swap3A_35 = arith.constant 0 : index
    %swap3A_36 = vector.load %arg7[%swap3A_34, %swap3A_35] : memref<1024x8xf32, #tpu.memory_space<vmem>>, vector<1024x8xf32>
    tpu.vector_store %arg7[%swap3A_34, %swap3A_35], %broadcast_in_dim3A_33 {strides = array<i32>} : memref<1024x8xf32, #tpu.memory_space<vmem>>, vector<1024x8xf32>,
    return
  }
  func.func @transform_0(%arg0: i32) -> (i32, i32) {
    %c0_i32 = arith.constant 0 : i32
    %c0_i32_0 = arith.constant 0 : i32
    return %arg0, %c0_i32 : i32, i32
  }
  func.func @transform_1(%arg0: i32) -> (i32, i32, i32) {
    %c0_i32 = arith.constant 0 : i32
    %c0_i32_0 = arith.constant 0 : i32
    %c0_i32_1 = arith.constant 0 : i32
    return %c0_i32, %arg0, %c0_i32_0 : i32, i32, i32
  }
  func.func @transform_2(%arg0: i32) -> (i32, i32) {
    %c0_i32 = arith.constant 0 : i32
    %c0_i32_0 = arith.constant 0 : i32
    %c0_i32_1 = arith.constant 0 : i32
    return %c0_i32, %c0_i32_0 : i32, i32
  }
  func.func @transform_3(%arg0: i32) -> (i32, i32) {
    %c0_i32 = arith.constant 0 : i32
    %c0_i32_0 = arith.constant 0 : i32
    %c0_i32_1 = arith.constant 0 : i32
    return %c0_i32, %c0_i32_0 : i32, i32
  }
  func.func @transform_4(%arg0: i32) -> (i32, i32) {
    %c0_i32 = arith.constant 0 : i32
    %c0_i32_0 = arith.constant 0 : i32
    return %arg0, %c0_i32 : i32, i32
  }
  func.func @transform_5(%arg0: i32) -> (i32, i32) {
    %c0_i32 = arith.constant 0 : i32
    %c0_i32_0 = arith.constant 0 : i32
    return %arg0, %c0_i32 : i32, i32
  }
  func.func @transform_6(%arg0: i32) -> (i32, i32) {
    %c0_i32 = arith.constant 0 : i32
    %c0_i32_0 = arith.constant 0 : i32
    return %arg0, %c0_i32 : i32, i32
  }
}

module attributes {stable_mosaic.version = 14 : i64} {
  func.func @_tcb_body(%arg0: i32, %arg1: memref<1024x8xf32, #tpu.memory_space<vmem>>, %arg2: memref<2x1024x8xf32, #tpu.memory_space<vmem>>, %arg3: memref<1024x8xf32, #tpu.memory_space<vmem>>, %arg4: memref<1024x8xf32, #tpu.memory_space<vmem>>, %arg5: memref<1024x8xf32, #tpu.memory_space<vmem>>) attributes {dimension_semantics = [#tpu.dimension_semantics<arbitrary>], iteration_bounds = array<i64: 10>, scalar_prefetch = 0 : i64, scratch_operands = 0 : i64, tpu.core_type = #tpu.core_type<tc>, window_params = [{transform_indices = @transform_0, window_bounds = array<i64: 1024, 8>}, {transform_indices = @transform_1, window_bounds = array<i64: 2, 1024, 8>}, {transform_indices = @transform_2, window_bounds = array<i64: 1024, 8>}, {transform_indices = @transform_3, window_bounds = array<i64: 1024, 8>}, {transform_indices = @transform_4, window_bounds = array<i64: 1024, 8>}]} {
    %get3A = arith.constant 0 : index
    %get3A_0 = arith.constant 0 : index
    %get3A_1 = vector.load %arg3[%get3A, %get3A_0] : memref<1024x8xf32, #tpu.memory_space<vmem>>, vector<1024x8xf32>
    %neg3A = arith.constant 0.000000e+00 : f32
    %neg3A_2 = vector.broadcast %neg3A : f32 to vector<1024x8xf32>
    %neg3A_3 = arith.subf %neg3A_2, %get3A_1 : vector<1024x8xf32>
    %get3A_4 = arith.constant 0 : index
    %get3A_5 = arith.constant 0 : index
    %get3A_6 = arith.constant 0 : index
    %get3A_7 = vector.load %arg2[%get3A_4, %get3A_5, %get3A_6] : memref<2x1024x8xf32, #tpu.memory_space<vmem>>, vector<1x1024x8xf32>
    %get3A_8 = vector.shape_cast %get3A_7 : vector<1x1024x8xf32> to vector<1024x8xf32>
    %get3A_9 = arith.constant 1 : index
    %get3A_10 = arith.constant 0 : index
    %get3A_11 = arith.constant 0 : index
    %get3A_12 = vector.load %arg2[%get3A_9, %get3A_10, %get3A_11] : memref<2x1024x8xf32, #tpu.memory_space<vmem>>, vector<1x1024x8xf32>
    %get3A_13 = vector.shape_cast %get3A_12 : vector<1x1024x8xf32> to vector<1024x8xf32>
    %add3A = arith.addf %get3A_8, %get3A_13 : vector<1024x8xf32>
    %mul3A = arith.mulf %neg3A_3, %add3A : vector<1024x8xf32>
    %get3A_14 = arith.constant 0 : index
    %get3A_15 = arith.constant 0 : index
    %get3A_16 = vector.load %arg1[%get3A_14, %get3A_15] : memref<1024x8xf32, #tpu.memory_space<vmem>>, vector<1024x8xf32>
    %add3A_17 = arith.addf %get3A_16, %mul3A : vector<1024x8xf32>
    %max3A = arith.constant 0.000000e+00 : f32
    %max3A_18 = vector.broadcast %max3A : f32 to vector<1024x8xf32>
    %max3A_19 = arith.maximumf %add3A_17, %max3A_18 : vector<1024x8xf32>
    %swap3A = arith.constant 0 : index
    %swap3A_20 = arith.constant 0 : index
    %swap3A_21 = vector.load %arg4[%swap3A, %swap3A_20] : memref<1024x8xf32, #tpu.memory_space<vmem>>, vector<1024x8xf32>
    tpu.vector_store %arg4[%swap3A, %swap3A_20], %max3A_19 {strides = array<i32>} : memref<1024x8xf32, #tpu.memory_space<vmem>>, vector<1024x8xf32>,
    %mul3A_22 = arith.constant 1024 : i32
    %mul3A_23 = arith.muli %arg0, %mul3A_22 : i32
    %iota3A = tpu.iota {dimensions = array<i32: 0>} : vector<1024x8xi32>
    %add3A_24 = vector.broadcast %mul3A_23 : i32 to vector<1024x8xi32>
    %add3A_25 = arith.addi %add3A_24, %iota3A : vector<1024x8xi32>
    %lt3A = arith.constant 10000 : i32
    %lt3A_26 = vector.broadcast %lt3A : i32 to vector<1024x8xi32>
    %lt3A_27 = arith.cmpi slt, %add3A_25, %lt3A_26 : vector<1024x8xi32>
    %mul3A_28 = arith.mulf %get3A_1, %max3A_19 : vector<1024x8xf32>
    %jit3A = arith.constant 0.000000e+00 : f32
    %broadcast_in_dim3A = vector.broadcast %jit3A : f32 to vector<1024x8xf32>
    %select_n3A = arith.select %lt3A_27, %mul3A_28, %broadcast_in_dim3A : vector<1024x8xi1>, vector<1024x8xf32>
    %swap3A_29 = arith.constant 0 : index
    %swap3A_30 = arith.constant 0 : index
    %swap3A_31 = vector.load %arg5[%swap3A_29, %swap3A_30] : memref<1024x8xf32, #tpu.memory_space<vmem>>, vector<1024x8xf32>
    tpu.vector_store %arg5[%swap3A_29, %swap3A_30], %select_n3A {strides = array<i32>} : memref<1024x8xf32, #tpu.memory_space<vmem>>, vector<1024x8xf32>,
    return
  }
  func.func @transform_0(%arg0: i32) -> (i32, i32) {
    %c0_i32 = arith.constant 0 : i32
    %c0_i32_0 = arith.constant 0 : i32
    return %arg0, %c0_i32 : i32, i32
  }
  func.func @transform_1(%arg0: i32) -> (i32, i32, i32) {
    %c0_i32 = arith.constant 0 : i32
    %c0_i32_0 = arith.constant 0 : i32
    %c0_i32_1 = arith.constant 0 : i32
    return %c0_i32, %arg0, %c0_i32_0 : i32, i32, i32
  }
  func.func @transform_2(%arg0: i32) -> (i32, i32) {
    %c0_i32 = arith.constant 0 : i32
    %c0_i32_0 = arith.constant 0 : i32
    return %arg0, %c0_i32 : i32, i32
  }
  func.func @transform_3(%arg0: i32) -> (i32, i32) {
    %c0_i32 = arith.constant 0 : i32
    %c0_i32_0 = arith.constant 0 : i32
    return %arg0, %c0_i32 : i32, i32
  }
  func.func @transform_4(%arg0: i32) -> (i32, i32) {
    %c0_i32 = arith.constant 0 : i32
    %c0_i32_0 = arith.constant 0 : i32
    return %arg0, %c0_i32 : i32, i32
  }
}

module attributes {stable_mosaic.version = 14 : i64} {
  func.func @_tcc_body(%arg0: i32, %arg1: memref<1024x8xf32, #tpu.memory_space<vmem>>, %arg2: memref<2x1024x8xf32, #tpu.memory_space<vmem>>, %arg3: memref<1024x8xf32, #tpu.memory_space<vmem>>, %arg4: memref<16x128xf32, #tpu.memory_space<vmem>>, %arg5: memref<1x128xf32, #tpu.memory_space<vmem>>, %arg6: memref<128x128xf32, #tpu.memory_space<vmem>>, %arg7: memref<1x128xf32, #tpu.memory_space<vmem>>, %arg8: memref<1024x128xf32, #tpu.memory_space<vmem>>) attributes {dimension_semantics = [#tpu.dimension_semantics<arbitrary>], iteration_bounds = array<i64: 10>, scalar_prefetch = 0 : i64, scratch_operands = 0 : i64, tpu.core_type = #tpu.core_type<tc>, window_params = [{transform_indices = @transform_0, window_bounds = array<i64: 1024, 8>}, {transform_indices = @transform_1, window_bounds = array<i64: 2, 1024, 8>}, {transform_indices = @transform_2, window_bounds = array<i64: 1024, 8>}, {pipeline_mode = #tpu.pipeline_mode<synchronous>, transform_indices = @transform_3, window_bounds = array<i64: 16, 128>}, {pipeline_mode = #tpu.pipeline_mode<synchronous>, transform_indices = @transform_4, window_bounds = array<i64: 1, 128>}, {pipeline_mode = #tpu.pipeline_mode<synchronous>, transform_indices = @transform_5, window_bounds = array<i64: 128, 128>}, {pipeline_mode = #tpu.pipeline_mode<synchronous>, transform_indices = @transform_6, window_bounds = array<i64: 1, 128>}, {transform_indices = @transform_7, window_bounds = array<i64: 1024, 128>}]} {
    %get3A = arith.constant 0 : index
    %get3A_0 = arith.constant 0 : index
    %get3A_1 = vector.load %arg3[%get3A, %get3A_0] : memref<1024x8xf32, #tpu.memory_space<vmem>>, vector<1024x8xf32>
    %neg3A = arith.constant 0.000000e+00 : f32
    %neg3A_2 = vector.broadcast %neg3A : f32 to vector<1024x8xf32>
    %neg3A_3 = arith.subf %neg3A_2, %get3A_1 : vector<1024x8xf32>
    %get3A_4 = arith.constant 0 : index
    %get3A_5 = arith.constant 0 : index
    %get3A_6 = arith.constant 0 : index
    %get3A_7 = vector.load %arg2[%get3A_4, %get3A_5, %get3A_6] : memref<2x1024x8xf32, #tpu.memory_space<vmem>>, vector<1x1024x8xf32>
    %get3A_8 = vector.shape_cast %get3A_7 : vector<1x1024x8xf32> to vector<1024x8xf32>
    %get3A_9 = arith.constant 1 : index
    %get3A_10 = arith.constant 0 : index
    %get3A_11 = arith.constant 0 : index
    %get3A_12 = vector.load %arg2[%get3A_9, %get3A_10, %get3A_11] : memref<2x1024x8xf32, #tpu.memory_space<vmem>>, vector<1x1024x8xf32>
    %get3A_13 = vector.shape_cast %get3A_12 : vector<1x1024x8xf32> to vector<1024x8xf32>
    %add3A = arith.addf %get3A_8, %get3A_13 : vector<1024x8xf32>
    %mul3A = arith.mulf %neg3A_3, %add3A : vector<1024x8xf32>
    %get3A_14 = arith.constant 0 : index
    %get3A_15 = arith.constant 0 : index
    %get3A_16 = vector.load %arg1[%get3A_14, %get3A_15] : memref<1024x8xf32, #tpu.memory_space<vmem>>, vector<1024x8xf32>
    %concatenate3A = tpu.concatenate %get3A_16, %mul3A in 1 : vector<1024x8xf32>, vector<1024x8xf32> -> vector<1024x16xf32>
    %get3A_17 = arith.constant 0 : index
    %get3A_18 = arith.constant 0 : index
    %get3A_19 = vector.load %arg4[%get3A_17, %get3A_18] : memref<16x128xf32, #tpu.memory_space<vmem>>, vector<16x128xf32>
    %dot_general3A = arith.constant dense<0.000000e+00> : vector<1024x128xf32>
    %dot_general3A_20 = tpu.matmul %concatenate3A, %get3A_19, %dot_general3A {dimension_numbers = #tpu.dot_dimension_numbers<[1], [0], [0], [1], [0, 0, 1, 1], [], []>, transpose_lhs_hint = false} : vector<1024x16xf32>, vector<16x128xf32>, vector<1024x128xf32> -> vector<1024x128xf32>
    %get3A_21 = arith.constant 0 : index
    %get3A_22 = arith.constant 0 : index
    %get3A_23 = vector.load %arg5[%get3A_21, %get3A_22] : memref<1x128xf32, #tpu.memory_space<vmem>>, vector<1x128xf32>
    %add3A_24 = vector.broadcast %get3A_23 : vector<1x128xf32> to vector<1024x128xf32>
    %add3A_25 = arith.addf %dot_general3A_20, %add3A_24 : vector<1024x128xf32>
    %max3A = arith.constant 0.000000e+00 : f32
    %max3A_26 = vector.broadcast %max3A : f32 to vector<1024x128xf32>
    %max3A_27 = arith.maximumf %add3A_25, %max3A_26 : vector<1024x128xf32>
    %get3A_28 = arith.constant 0 : index
    %get3A_29 = arith.constant 0 : index
    %get3A_30 = vector.load %arg6[%get3A_28, %get3A_29] : memref<128x128xf32, #tpu.memory_space<vmem>>, vector<128x128xf32>
    %dot_general3A_31 = arith.constant dense<0.000000e+00> : vector<1024x128xf32>
    %dot_general3A_32 = tpu.matmul %max3A_27, %get3A_30, %dot_general3A_31 {dimension_numbers = #tpu.dot_dimension_numbers<[1], [0], [0], [1], [0, 0, 1, 1], [], []>, transpose_lhs_hint = false} : vector<1024x128xf32>, vector<128x128xf32>, vector<1024x128xf32> -> vector<1024x128xf32>
    %get3A_33 = arith.constant 0 : index
    %get3A_34 = arith.constant 0 : index
    %get3A_35 = vector.load %arg7[%get3A_33, %get3A_34] : memref<1x128xf32, #tpu.memory_space<vmem>>, vector<1x128xf32>
    %add3A_36 = vector.broadcast %get3A_35 : vector<1x128xf32> to vector<1024x128xf32>
    %add3A_37 = arith.addf %dot_general3A_32, %add3A_36 : vector<1024x128xf32>
    %swap3A = arith.constant 0 : index
    %swap3A_38 = arith.constant 0 : index
    %swap3A_39 = vector.load %arg8[%swap3A, %swap3A_38] : memref<1024x128xf32, #tpu.memory_space<vmem>>, vector<1024x128xf32>
    tpu.vector_store %arg8[%swap3A, %swap3A_38], %add3A_37 {strides = array<i32>} : memref<1024x128xf32, #tpu.memory_space<vmem>>, vector<1024x128xf32>,
    return
  }
  func.func @transform_0(%arg0: i32) -> (i32, i32) {
    %c0_i32 = arith.constant 0 : i32
    %c0_i32_0 = arith.constant 0 : i32
    return %arg0, %c0_i32 : i32, i32
  }
  func.func @transform_1(%arg0: i32) -> (i32, i32, i32) {
    %c0_i32 = arith.constant 0 : i32
    %c0_i32_0 = arith.constant 0 : i32
    %c0_i32_1 = arith.constant 0 : i32
    return %c0_i32, %arg0, %c0_i32_0 : i32, i32, i32
  }
  func.func @transform_2(%arg0: i32) -> (i32, i32) {
    %c0_i32 = arith.constant 0 : i32
    %c0_i32_0 = arith.constant 0 : i32
    return %arg0, %c0_i32 : i32, i32
  }
  func.func @transform_3(%arg0: i32) -> (i32, i32) {
    %c0_i32 = arith.constant 0 : i32
    %c0_i32_0 = arith.constant 0 : i32
    %c0_i32_1 = arith.constant 0 : i32
    return %c0_i32, %c0_i32_0 : i32, i32
  }
  func.func @transform_4(%arg0: i32) -> (i32, i32) {
    %c0_i32 = arith.constant 0 : i32
    %c0_i32_0 = arith.constant 0 : i32
    %c0_i32_1 = arith.constant 0 : i32
    return %c0_i32, %c0_i32_0 : i32, i32
  }
  func.func @transform_5(%arg0: i32) -> (i32, i32) {
    %c0_i32 = arith.constant 0 : i32
    %c0_i32_0 = arith.constant 0 : i32
    %c0_i32_1 = arith.constant 0 : i32
    return %c0_i32, %c0_i32_0 : i32, i32
  }
  func.func @transform_6(%arg0: i32) -> (i32, i32) {
    %c0_i32 = arith.constant 0 : i32
    %c0_i32_0 = arith.constant 0 : i32
    %c0_i32_1 = arith.constant 0 : i32
    return %c0_i32, %c0_i32_0 : i32, i32
  }
  func.func @transform_7(%arg0: i32) -> (i32, i32) {
    %c0_i32 = arith.constant 0 : i32
    %c0_i32_0 = arith.constant 0 : i32
    return %arg0, %c0_i32 : i32, i32
  }
}

</mosaic_0001>

<sc_bundles>
// kernel: kernel.11.cloned.1.call-start
scs
__scs_entry_jumppad:
0x0: {  	(pc) =	sbr.rel $0x88, $3  }
0x1: {  	(tag) =	ssettag $0x0;
	lr =	simm.s32 $0x1  }
0x2: {  	[smem:$0x3F97] =	sst lr;
	_ =	strace $0xD0000000  }
0x3: {  	_ = 	snop  }
0x4: {  	_ = 	snop  }
0x5: {  	_ = 	snop  }
0x6: {  	_ = 	snop  }
0x7: {  	_ = 	snop  }
__scs_overlays_trampoline_lowered:
0x8: {  	[smem:$0x3FA6] =	sst s0  }
0x9: {  	[smem:$0x3FA7] =	sst s1  }
0xa: {  	[smem:$0x3FA8] =	sst s2  }
0xb: {  	[smem:$0x3FA9] =	sst s3  }
0xc: {  	[smem:$0x3FAA] =	sst s4  }
0xd: {  	[smem:$0x3FAB] =	sst s5  }
0xe: {  	[smem:$0x3FAC] =	sst s6  }
0xf: {  	[smem:$0x3FAD] =	sst s7  }
0x10: {  	[smem:$0x3FAE] =	sst s8  }
0x11: {  	[smem:$0x3FAF] =	sst s9;
	s0 =	simm.s32 @!p0 $0x0  }
0x12: {  	s1 =	sld [smem:$0x3F95];
	s0 =	simm.s32 @p0 $0x1  }
0x13: {  	[smem:$0x3FB0] =	sst s0;
	s0 =	simm.s32 @!p1 $0x0  }
0x14: {  	s2 =	sld [smem:$0x3F94];
	s0 =	simm.s32 @p1 $0x1  }
0x15: {  	[smem:$0x3FB1] =	sst s0;
	s0 =	simm.s32 @!p2 $0x0  }
0x16: {  	s3 =	sld [smem:$0x3FDB];
	s0 =	simm.s32 @p2 $0x1  }
0x17: {  	s4 =	simm.s32 $0x1BF5;
	[smem:$0x3FB3] =	sst s0  }
0x18: {  	s0 =	sld [smem:$0x3F96];
	_ =	swait.ge [sflag:s4], $0x0  }
0x19: {  	s7 =	sld [smem:$0x3F97]  }
0x1a: {  	s8 =	sadd.s32 $0xFFFFE003, lr  }
0x1b: {  	s9 =	sadd.s32 $0xFFFFFEF7, lr;
	s5 =	simm.s32 $0xFFFFFFFF;
	p2 =	slt.u32 s8, $0xFFFFF086  }
0x1c: {  	p1 =	slt.u32 s9, $0xF7A;
	s5 =	simm.s32 @!p2 $0x0  }
0x1d: {  	s5 =	simm.s32 @p1 $0x1;
	p0 =	seq.s32 s7, s2  }
0x1e: {  	s7 =	smul.u32 @!p0 $0xF7A, s2;
	p2 =	seq.s32 @!p0 s5, $0x0  }
0x1f: {  	s9 =	smul.u32 $0xF7A, s1;
	s8 =	simm.s32 @!p0 $0x1BF5;
	p2 =	por !p2, p0  }
0x20: {  	[sflag:s8] =	ssyncset.s32 @!p0 $0xFFFFF086;
	s6 =	sadd.s32 @!p0 s3, s7;
	s7 =	simm.s32 @!p0 $0x108  }
0x21: {  	s3 =	sadd.s32 s3, s9;
	s6 =	sadd.s32 @!p0 $0x88, s6;
	s7 =	simm.s32 @p2 $0x1082  }
0x22: {  	[simem:s7], [sflag:s8] =	dma.local @!p0 [hbm:s6], $0xF7A  }
0x23: {  	s9 =	sor.u32 $0xD0000000, s2;
	s6 =	simm.s32 $0x108;
	_ =	swait.ge @!p0 [sflag:s8], $0x0  }
0x24: {  	s3 =	sadd.s32 $0x88, s3;
	s6 =	simm.s32 @!p1 $0x1082;
	[sflag:s4] =	ssyncset.s32 $0xFFFFF086  }
0x25: {  	[simem:s6], [sflag:s4] =	dma.local [hbm:s3], $0xF7A  }
0x26: {  	[smem:$0x3F97] =	sst s1;
	(tag) =	ssettag s2;
	_ =	strace s9  }
0x27: {  	s1 =	sld [smem:$0x3FA7]  }
0x28: {  	s2 =	sld [smem:$0x3FA8]  }
0x29: {  	s4 =	sld [smem:$0x3FAA]  }
0x2a: {  	p0 =	seq.s32 s5, $0x0;
	s5 =	sld [smem:$0x3FAB]  }
0x2b: {  	s6 =	sld [smem:$0x3FAC]  }
0x2c: {  	s7 =	sld [smem:$0x3FAD]  }
0x2d: {  	s3 =	simm.s32 $0x108;
	s8 =	sld [smem:$0x3FAE]  }
0x2e: {  	s3 =	simm.s32 @!p0 $0x1082;
	s9 =	sld [smem:$0x3FAF]  }
0x2f: {  	lr =	sadd.s32 s0, s3;
	s0 =	sld [smem:$0x3FA6]  }
0x30: {  	s3 =	sld [smem:$0x3FA9]  }
0x31: {  	[smem:$0x3FB2] =	sst s10  }
0x32: {  	s10 =	sld [smem:$0x3FB0];
	_ =	sdelay $0x3  }
0x33: {  	p0 =	seq.s32 s10, $0x1;
	s10 =	sld [smem:$0x3FB2];
	_ =	sdelay $0x3  }
0x34: {  	[smem:$0x3FB2] =	sst s10  }
0x35: {  	s10 =	sld [smem:$0x3FB1];
	_ =	sdelay $0x3  }
0x36: {  	p1 =	seq.s32 s10, $0x1;
	s10 =	sld [smem:$0x3FB2];
	_ =	sdelay $0x3  }
0x37: {  	[smem:$0x3FB2] =	sst s10  }
0x38: {  	s10 =	sld [smem:$0x3FB3]  }
0x39: {  	_ = 	snop;
	(pc) =	sbr.ind lr, $3  }
0x3a: {  	_ = 	snop  }
0x3b: {  	_ = 	snop  }
0x3c: {  	p2 =	seq.s32 s10, $0x1;
	s10 =	sld [smem:$0x3FB2]  }
0x3d: {  	_ =	shalt  }
0x3e: {  	_ =	shalt  }
0x3f: {  	_ =	shalt  }
0x40: {  	_ =	shalt  }
0x41: {  	_ =	shalt  }
0x42: {  	_ =	shalt  }
0x43: {  	_ =	shalt  }
0x44: {  	_ =	shalt  }
0x45: {  	_ =	shalt  }
0x46: {  	_ =	shalt  }
0x47: {  	_ =	shalt  }
0x48: {  	_ =	shalt  }
0x49: {  	_ =	shalt  }
0x4a: {  	_ =	shalt  }
0x4b: {  	_ =	shalt  }
0x4c: {  	_ =	shalt  }
0x4d: {  	_ =	shalt  }
0x4e: {  	_ =	shalt  }
0x4f: {  	_ =	shalt  }
0x50: {  	_ =	shalt  }
0x51: {  	_ =	shalt  }
0x52: {  	_ =	shalt  }
0x53: {  	_ =	shalt  }
0x54: {  	_ =	shalt  }
0x55: {  	_ =	shalt  }
0x56: {  	_ =	shalt  }
0x57: {  	_ =	shalt  }
0x58: {  	_ =	shalt  }
0x59: {  	_ =	shalt  }
0x5a: {  	_ =	shalt  }
0x5b: {  	_ =	shalt  }
0x5c: {  	_ =	shalt  }
0x5d: {  	_ =	shalt  }
0x5e: {  	_ =	shalt  }
0x5f: {  	_ =	shalt  }
0x60: {  	_ =	shalt  }
0x61: {  	_ =	shalt  }
0x62: {  	_ =	shalt  }
0x63: {  	_ =	shalt  }
0x64: {  	_ =	shalt  }
0x65: {  	_ =	shalt  }
0x66: {  	_ =	shalt  }
0x67: {  	_ =	shalt  }
0x68: {  	_ =	shalt  }
0x69: {  	_ =	shalt  }
0x6a: {  	_ =	shalt  }
0x6b: {  	_ =	shalt  }
0x6c: {  	_ =	shalt  }
0x6d: {  	_ =	shalt  }
0x6e: {  	_ =	shalt  }
0x6f: {  	_ =	shalt  }
0x70: {  	_ =	shalt  }
0x71: {  	_ =	shalt  }
0x72: {  	_ =	shalt  }
0x73: {  	_ =	shalt  }
0x74: {  	_ =	shalt  }
0x75: {  	_ =	shalt  }
0x76: {  	_ =	shalt  }
0x77: {  	_ =	shalt  }
0x78: {  	_ =	shalt  }
0x79: {  	_ =	shalt  }
0x7a: {  	_ =	shalt  }
0x7b: {  	_ =	shalt  }
0x7c: {  	_ =	shalt  }
0x7d: {  	_ =	shalt  }
0x7e: {  	_ =	shalt  }
0x7f: {  	_ =	shalt  }
0x80: {  	_ =	shalt  }
0x81: {  	_ =	shalt  }
0x82: {  	_ =	shalt  }
0x83: {  	_ =	shalt  }
0x84: {  	_ =	shalt  }
0x85: {  	_ =	shalt  }
0x86: {  	_ =	shalt  }
0x87: {  	_ =	shalt  }
.Lfunc_end0:
.L_simem_size_0:
called_computation.1_lowered:
.L_overlay_start_0:
0x88: {  	s2 =	sld [smem:$0x3FD9]  }
0x89: {  	s3 =	sld [smem:$0x3FFE];
	_ =	sdelay $0x1  }
0x8a: {  	s1 =	srdreg.scid  }
0x8b: {  	s0 =	sand.u32 $0x1, s1  }
0x8c: {  	s17 =	sshll.u32 s0, $0xA;
	s2 =	sadd.s32 s3, s2  }
0x8d: {  	s2 =	sadd.s32 s2, s17  }
0x8e: {  	[smem:$0x3FBE] =	sst s2  }
0x8f: {  	_ = 	snop  }
0x90: {  	s2 =	sld [smem:$0x3FD0];
	(tm) =	ssettm $0x1  }
0x91: {  	s18 =	sld [smem:$0x3FFB];
	_ =	sdelay $0x3  }
0x92: {  	_ =	strace s18  }
0x93: {  	s3 =	sld [smem:$0x3FFC];
	_ =	sdelay $0x3  }
0x94: {  	_ =	strace s3  }
0x95: {  	s3 =	sld [smem:$0x3FFD];
	_ =	sdelay $0x3  }
0x96: {  	_ =	strace s3  }
0x97: {  	_ =	strace $0x8FFFFFFF  }
0x98: {  	s19 =	sld [smem:$0x3FDB];
	_ =	sdelay $0x1  }
0x99: {  	s4 =	simm.s32 $_scs_section_size  }
0x9a: {  	s5 =	simm.s32 $_size__tile_overlayer_lowered;
	s6 =	simm.s32 $_tile_overlayer_lowered  }
0x9b: {  	s22 =	simm.s32 $0x1BFF;
	s21 =	sshll.u32 s6, $0x1;
	s3 =	sadd.s32 s4, s19  }
0x9c: {  	s7 =	simm.s32 $0x0;
	s20 =	sshll.u32 s5, $0x1;
	s5 =	sadd.s32 s21, s3  }
0x9d: {  	[timem:s7], [sflag:s22] =	dma.local [hbm:s5], s20  }
0x9e: {  	_ =	swait.ge [sflag:s22], s20  }
0x9f: {  	s4 =	ssub.s32 $0x0, s20;
	[sflag:s22] =	ssyncset.done $0x0  }
0xa0: {  	[sflag:s22] =	ssyncadd.s32 s4;
	_ =	sdelay $0x1  }
0xa1: {  	s23 =	simm.s32 $0x1B8B  }
0xa2: {  	_ =	swait.ge [sflag:s23], $0x1  }
0xa3: {  	[sflag:s23] =	ssyncset.done $0x0  }
0xa4: {  	s25 =	simm.s32 $0x1B8E;
	s24 =	sld [smem:$0x3FFE];
	[sflag:s23] =	ssyncadd.s32 $0xFFFFFFFF  }
0xa5: {  	s26 =	simm.s32 $execute0_lowered;
	[smem:$0x3FD2] =	sst s25  }
0xa6: {  	s5 =	sshll.u32 s26, $0x1;
	_ =	strace $0x80000049;
	[dreg:$0x1] =	wrdreg $0xFFFFFFFF  }
0xa7: {  	s28 =	simm.s32 $_size_execute0_lowered;
	s3 =	sadd.s32 s3, s5;
	[dreg:$0x0] =	wrdreg $0x0  }
0xa8: {  	s5 =	sshll.u32 s28, $0x1;
	[dreg:$0x2] =	wrdreg s3  }
0xa9: {  	[dreg:$0x3] =	wrdreg s5  }
0xaa: {  	[dreg:$0x4] =	wrdreg $0xC0  }
0xab: {  	_ =	task [dreg:s7], $0x5FFFF  }
0xac: {  	[dreg:$0x1] =	wrdreg $0xFFFFFFFF  }
0xad: {  	[dreg:$0x0] =	wrdreg $0x60  }
0xae: {  	[dreg:$0x2] =	wrdreg s2  }
0xaf: {  	[dreg:$0x3] =	wrdreg s24  }
0xb0: {  	[dreg:$0x4] =	wrdreg $0x90000  }
0xb1: {  	[dreg:$0x5] =	wrdreg $0x9  }
0xb2: {  	_ =	task.clear_ibuf [dreg:s7], $0x6FFFF;
	_ =	strace $0x90000049  }
0xb3: {  	s29 =	simm.s32 $0x9;
	_ =	strace $0x8000004B  }
0xb4: {  	_ =	swait.ge [sflag:s29], $0x1  }
0xb5: {  	[sflag:s29] =	ssyncadd.s32 $0xFFFFFFFF  }
0xb6: {  	_ =	strace $0x9000004B  }
0xb7: {  	_ =	sfence  }
0xb8: {  	s30 =	sld [smem:$0x0];
	_ =	sdelay $0x2  }
0xb9: {  	s31 =	sshll.u32 s1, $0xD;
	s1 =	sshrl.u32 s1, $0x2  }
0xba: {  	s3 =	sand.u32 $0x4000, s31;
	s1 =	sadd.s32 s1, s30  }
0xbb: {  	s0 =	sor.u32 s3, s0;
	s1 =	sshll.u32 s1, $0x11  }
0xbc: {  	s0 =	sor.u32 s1, s0  }
0xbd: {  	s0 =	sadd.s32 $0x8F2B, s0  }
0xbe: {  	[sflag:s0] =	ssyncadd.remote.s32 $0x1  }
0xbf: {  	_ =	sfence.sel $0xFFFF  }
0xc0: {  	[dreg:$0x0] =	wrdreg $0xFFFFFFFF;
	(pc) =	sbr.abs _section_cstart, $3  }
0xc1: {  	[dreg:$0x1] =	wrdreg $0xFFFFFFFF  }
0xc2: {  	_ =	task.clear_ibuf [dreg:s7], $0x2FFFF;
	_ =	strace $0x9FFFFFFF  }
0xc3: {  	(tm) =	ssettm $0x7FFFFFFF  }
tec
execute0_lowered:
.L_overlay_start_1:
0x0: {  	(tag) =	ssettag $0x1  }
0x1: {  	s1 =	rddreg [dreg:$0x0]  }
0x2: {  	s3 =	rddreg [dreg:$0x1]  }
0x3: {  	s2 =	rddreg [dreg:$0x2];
	s30 =	simm.s32 $0x0  }
0x4: {  	s0 =	srdreg.scid;
	s13 =	simm.s32 $0x400;
	[smem:$0x7FF] =	sst s30  }
0x5: {  	s14 =	simm.s32 $0x600;
	_ =	strace $0x8000004A;
	[dreg:$0x8] =	wrdreg s13  }
0x6: {  	s20 =	stileid.u32;
	s15 =	simm.s32 $0x2A00;
	[dreg:$0x9] =	wrdreg s14  }
0x7: {  	s16 =	simm.s32 $0x2C00;
	s17 =	simm.s32 $0x2E00;
	[dreg:$0xa] =	wrdreg s15  }
0x8: {  	s18 =	simm.s32 $0x800;
	s19 =	simm.s32 $0xA00;
	[dreg:$0xb] =	wrdreg s16  }
0x9: {  	s22 =	simm.s32 $0xC00;
	s23 =	simm.s32 $0xE00;
	[dreg:$0xc] =	wrdreg s17  }
0xa: {  	s25 =	simm.s32 $0x3000;
	s9 =	simm.s32 $0x1000;
	[dreg:$0xd] =	wrdreg s18  }
0xb: {  	s31 =	simm.s32 $0x2800;
	s29 =	simm.s32 $0x2000;
	[dreg:$0xe] =	wrdreg s19  }
0xc: {  	p0 =	por $0x0, $0x0;
	s28 =	simm.s32 $0x2400;
	[dreg:$0xf] =	wrdreg s22  }
0xd: {  	s0 =	sand.u32 $0x1, s0;
	s5 =	smul.u32 $0x1400, s20;
	[dreg:$0x10] =	wrdreg s23  }
0xe: {  	s26 =	sshll.u32 s20, $0x6;
	s4 =	sshll.u32 s0, $0x4;
	[dreg:$0x11] =	wrdreg s25  }
0xf: {  	s7 =	smul.u32 $0x14000, s0;
	s0 =	ssub.s32 $0x2, s0;
	[dreg:$0x15] =	wrdreg s9  }
0x10: {  	s13 =	simm.s32 $0x3800;
	s14 =	simm.s32 $0x3A00;
	s9 =	simm.s32 $0x7000  }
0x11: {  	s15 =	simm.s32 $0x3C00;
	s16 =	simm.s32 $0x3E00;
	[dreg:$0x19] =	wrdreg s13  }
0x12: {  	s19 =	simm.s32 $0x1;
	s17 =	simm.s32 $0x1800;
	[dreg:$0x1a] =	wrdreg s14  }
0x13: {  	s18 =	simm.s32 $0x2;
	s22 =	simm.s32 $0x1C00;
	[dreg:$0x1b] =	wrdreg s15  }
0x14: {  	s23 =	simm.s32 $0x1E00;
	s25 =	simm.s32 $0x4200;
	[dreg:$0x1c] =	wrdreg s16  }
0x15: {  	s4 =	sor.u32 s20, s4;
	s6 =	sshrl.u32 s5, $0x3;
	[dreg:$0x1d] =	wrdreg s17  }
0x16: {  	s21 =	sshrl.u32 s0, $0x1;
	s24 =	sadd.s32 s5, s2;
	[dreg:$0x1f] =	wrdreg s22  }
0x17: {  	s17 =	simm.s32 $0x3;
	s16 =	simm.s32 $0x4;
	[smem:$0x7FA] =	sst s23  }
0x18: {  	s13 =	simm.s32 $0x6;
	s14 =	simm.s32 $0x7;
	[smem:$0x7FC] =	sst s25  }
0x19: {  	s15 =	simm.s32 $0x8;
	s25 =	simm.s32 $0x2600;
	s23 =	simm.s32 $0x4A00  }
0x1a: {  	s22 =	simm.s32 $0x4C00;
	s4 =	smul.u32 $0x500, s4;
	s6 =	sadd.s32 s6, s3  }
0x1b: {  	s7 =	sadd.s32 s5, s7;
	s0 =	ssub.s32 s0, s21;
	s5 =	simm.s32 $0x3200  }
0x1c: {  	s21 =	simm.s32 $0x1A00;
	s6 =	sadd.s32 $0x15400, s6;
	s7 =	sshrl.u32 s7, $0x3  }
0x1d: {  	[dreg:$0x12] =	wrdreg s5;
	s0 =	smax.u32 s0, $0x1;
	s5 =	simm.s32 $0x9  }
0x1e: {  	[dreg:$0x1e] =	wrdreg s21;
	s21 =	simm.s32 $0x4E00;
	s8 =	sadd.s32 s4, s3  }
0x1f: {  	[dreg:$0x4] =	wrdreg s6;
	s1 =	sadd.s32 s1, s4;
	s10 =	sadd.s32 s7, s3  }
0x20: {  	s6 =	sadd.s32 $0x17C00, s3;
	s7 =	simm.s32 $0x3400;
	[dreg:$0x5] =	wrdreg s1  }
0x21: {  	s4 =	sshrl.u32 s24, $0x3;
	s24 =	simm.s32 $0x4000;
	[dreg:$0x13] =	wrdreg s7  }
0x22: {  	s3 =	sor.u32 $0x1C09, s26;
	s26 =	simm.s32 $0x4400;
	[smem:$0x7FB] =	sst s24  }
0x23: {  	p1 =	sne.s32 s0, $0x1;
	s11 =	sadd.s32 $0x1CE00, s8;
	[smem:$0x7FD] =	sst s26  }
0x24: {  	s12 =	sadd.s32 $0x1800, s10;
	s1 =	sadd.s32 $0xFFFFFFFF, s0;
	s0 =	rddreg [dreg:$0x4]  }
0x25: {  	s8 =	simm.s32 $0x3600;
	s10 =	simm.s32 $0x1200;
	[dreg:$0x6] =	wrdreg s11  }
.Ltmp0:
0x26: {  	s7 =	simm.s32 $0x200;
	[dreg:$0x7] =	wrdreg s12;
	(pc) =	sbr.rel @!p1 .LBB2_1-.Ltmp0, $4  }
0x27: {  	s26 =	simm.s32 $0x4600;
	s24 =	simm.s32 $0x4800;
	[dreg:$0x14] =	wrdreg s8  }
0x28: {  	[dreg:$0x16] =	wrdreg s10;
	s11 =	simm.s32 $0x1400;
	s12 =	simm.s32 $0x1600  }
0x29: {  	s10 =	simm.s32 $0x6000;
	s8 =	simm.s32 $0x8000;
	[dreg:$0x17] =	wrdreg s11  }
0x2a: {  	s11 =	simm.s32 $0x5000;
	[dreg:$0x18] =	wrdreg s12;
	s12 =	simm.s32 $0x5  }
0x2b: {  	[spmem:s4], [sflag:s3] =	dma.local [hbm:s0], $0x280  }
0x2c: {  	_ =	swait.ge [sflag:s5], $0x280  }
0x2d: {  	[sflag:s5] =	ssyncset.done $0x0  }
0x2e: {  	s20 =	rddreg [dreg:$0x5];
	[sflag:s5] =	ssyncadd.s32 $0xFFFFFD80  }
0x2f: {  	[tilespmem:s30], [sflag:$0x9] =	stream.linear.gather [hbm4b:s20+s30], $0x2800, $0x38;
	[tilespmem:$0xA400] =	vst v63  }
0x30: {  	_ =	swait.ge [sflag:s5], $0x2800  }
0x31: {  	[sflag:s5] =	ssyncset.done $0x0  }
0x32: {  	s20 =	rddreg [dreg:$0x6];
	[sflag:s5] =	ssyncadd.s32 $0xFFFFD800  }
0x33: {  	[tilespmem:s31], [sflag:$0x9] =	stream.linear.gather [hbm4b:s20+s30], $0x2800, $0x38;
	[tilespmem:$0xA400] =	vst v63  }
0x34: {  	_ =	swait.ge [sflag:s5], $0x2800  }
0x35: {  	[sflag:s5] =	ssyncset.done $0x0  }
0x36: {  	[sflag:s5] =	ssyncadd.s32 $0xFFFFD800  }
0x37: {  	[bflag:$0x0] =	sbarrier.arrive $0xFFFF  }
0x38: {  	[tilespmem:s11], [sflag:$0x1] =	stream.indirect.gather [hbm4b:s6+s7], $0x8, s30, s7, $0xb8;
	[tilespmem:$0xA400] =	vst v63  }
0x39: {  	_ = 	snop  }
0x3a: {  	[tilespmem:s10], [sflag:$0x2] =	stream.indirect.gather [hbm4b:s6+s7], $0x8, s7, s7, $0xb8;
	[tilespmem:$0xA400] =	vst v63  }
0x3b: {  	s0 =	rddreg [dreg:$0x8]  }
0x3c: {  	[tilespmem:s9], [sflag:$0x3] =	stream.indirect.gather [hbm4b:s6+s7], $0x8, s0, s7, $0xb8;
	[tilespmem:$0xA400] =	vst v63  }
0x3d: {  	s20 =	smov.u32 s1;
	s1 =	rddreg [dreg:$0x9]  }
0x3e: {  	[tilespmem:s8], [sflag:$0x4] =	stream.indirect.gather [hbm4b:s6+s7], $0x8, s1, s7, $0xb8;
	[tilespmem:$0xA400] =	vst v63  }
0x3f: {  	_ =	swait.ge [sflag:s19], $0x1000  }
0x40: {  	[sflag:s19] =	ssyncset.done $0x0  }
0x41: {  	[sflag:s19] =	ssyncadd.s32 $0xFFFFF000  }
0x42: {  	[spmem:s2] =	stream.indirect.scatter.add.f32 [tilespmem:s11], [sflag:$0x5], $0x8, s31, s7, $0xb8;
	[tilespmem:$0xA400] =	vst v63  }
0x43: {  	_ =	swait.ge [sflag:s18], $0x1000  }
0x44: {  	[sflag:s18] =	ssyncset.done $0x0  }
0x45: {  	s1 =	rddreg [dreg:$0xa];
	[sflag:s18] =	ssyncadd.s32 $0xFFFFF000  }
0x46: {  	[spmem:s2] =	stream.indirect.scatter.add.f32 [tilespmem:s10], [sflag:$0x6], $0x8, s1, s7, $0xb8;
	[tilespmem:$0xA400] =	vst v63  }
0x47: {  	_ =	swait.ge [sflag:s17], $0x1000  }
0x48: {  	[sflag:s17] =	ssyncset.done $0x0  }
0x49: {  	s1 =	rddreg [dreg:$0xb];
	[sflag:s17] =	ssyncadd.s32 $0xFFFFF000  }
0x4a: {  	[spmem:s2] =	stream.indirect.scatter.add.f32 [tilespmem:s9], [sflag:$0x7], $0x8, s1, s7, $0xb8;
	[tilespmem:$0xA400] =	vst v63  }
0x4b: {  	_ =	swait.ge [sflag:s16], $0x1000  }
0x4c: {  	[sflag:s16] =	ssyncset.done $0x0  }
0x4d: {  	s1 =	rddreg [dreg:$0xc];
	[sflag:s16] =	ssyncadd.s32 $0xFFFFF000  }
0x4e: {  	[spmem:s2] =	stream.indirect.scatter.add.f32 [tilespmem:s8], [sflag:$0x8], $0x8, s1, s7, $0xb8;
	[tilespmem:$0xA400] =	vst v63  }
0x4f: {  	_ =	swait.ge [sflag:s12], $0x1000  }
0x50: {  	[sflag:s12] =	ssyncset.done $0x0  }
0x51: {  	s1 =	rddreg [dreg:$0xd];
	[sflag:s12] =	ssyncadd.s32 $0xFFFFF000  }
0x52: {  	[tilespmem:s11], [sflag:$0x1] =	stream.indirect.gather [hbm4b:s6+s7], $0x8, s1, s7, $0xb8;
	[tilespmem:$0xA400] =	vst v63  }
0x53: {  	_ =	swait.ge [sflag:s13], $0x1000  }
0x54: {  	[sflag:s13] =	ssyncset.done $0x0  }
0x55: {  	s1 =	rddreg [dreg:$0xe];
	[sflag:s13] =	ssyncadd.s32 $0xFFFFF000  }
0x56: {  	[tilespmem:s10], [sflag:$0x2] =	stream.indirect.gather [hbm4b:s6+s7], $0x8, s1, s7, $0xb8;
	[tilespmem:$0xA400] =	vst v63  }
0x57: {  	_ =	swait.ge [sflag:s14], $0x1000  }
0x58: {  	[sflag:s14] =	ssyncset.done $0x0  }
0x59: {  	s1 =	rddreg [dreg:$0xf];
	[sflag:s14] =	ssyncadd.s32 $0xFFFFF000  }
0x5a: {  	[tilespmem:s9], [sflag:$0x3] =	stream.indirect.gather [hbm4b:s6+s7], $0x8, s1, s7, $0xb8;
	[tilespmem:$0xA400] =	vst v63  }
0x5b: {  	_ =	swait.ge [sflag:s15], $0x1000  }
0x5c: {  	[sflag:s15] =	ssyncset.done $0x0  }
0x5d: {  	s1 =	rddreg [dreg:$0x10];
	[sflag:s15] =	ssyncadd.s32 $0xFFFFF000  }
0x5e: {  	[tilespmem:s8], [sflag:$0x4] =	stream.indirect.gather [hbm4b:s6+s7], $0x8, s1, s7, $0xb8;
	[tilespmem:$0xA400] =	vst v63  }
0x5f: {  	_ =	swait.ge [sflag:s19], $0x1000  }
0x60: {  	[sflag:s19] =	ssyncset.done $0x0  }
0x61: {  	s1 =	rddreg [dreg:$0x11];
	[sflag:s19] =	ssyncadd.s32 $0xFFFFF000  }
0x62: {  	[spmem:s2] =	stream.indirect.scatter.add.f32 [tilespmem:s11], [sflag:$0x5], $0x8, s1, s7, $0xb8;
	[tilespmem:$0xA400] =	vst v63  }
0x63: {  	_ =	swait.ge [sflag:s18], $0x1000  }
0x64: {  	[sflag:s18] =	ssyncset.done $0x0  }
0x65: {  	s1 =	rddreg [dreg:$0x12];
	[sflag:s18] =	ssyncadd.s32 $0xFFFFF000  }
0x66: {  	[spmem:s2] =	stream.indirect.scatter.add.f32 [tilespmem:s10], [sflag:$0x6], $0x8, s1, s7, $0xb8;
	[tilespmem:$0xA400] =	vst v63  }
0x67: {  	_ =	swait.ge [sflag:s17], $0x1000  }
0x68: {  	[sflag:s17] =	ssyncset.done $0x0  }
0x69: {  	s1 =	rddreg [dreg:$0x13];
	[sflag:s17] =	ssyncadd.s32 $0xFFFFF000  }
0x6a: {  	[spmem:s2] =	stream.indirect.scatter.add.f32 [tilespmem:s9], [sflag:$0x7], $0x8, s1, s7, $0xb8;
	[tilespmem:$0xA400] =	vst v63  }
0x6b: {  	_ =	swait.ge [sflag:s16], $0x1000  }
0x6c: {  	[sflag:s16] =	ssyncset.done $0x0  }
0x6d: {  	s1 =	rddreg [dreg:$0x14];
	[sflag:s16] =	ssyncadd.s32 $0xFFFFF000  }
0x6e: {  	[spmem:s2] =	stream.indirect.scatter.add.f32 [tilespmem:s8], [sflag:$0x8], $0x8, s1, s7, $0xb8;
	[tilespmem:$0xA400] =	vst v63  }
0x6f: {  	_ =	swait.ge [sflag:s12], $0x1000  }
0x70: {  	[sflag:s12] =	ssyncset.done $0x0  }
0x71: {  	s1 =	rddreg [dreg:$0x15];
	[sflag:s12] =	ssyncadd.s32 $0xFFFFF000  }
0x72: {  	[tilespmem:s11], [sflag:$0x1] =	stream.indirect.gather [hbm4b:s6+s7], $0x8, s1, s7, $0xb8;
	[tilespmem:$0xA400] =	vst v63  }
0x73: {  	_ =	swait.ge [sflag:s13], $0x1000  }
0x74: {  	[sflag:s13] =	ssyncset.done $0x0  }
0x75: {  	s1 =	rddreg [dreg:$0x16];
	[sflag:s13] =	ssyncadd.s32 $0xFFFFF000  }
0x76: {  	[tilespmem:s10], [sflag:$0x2] =	stream.indirect.gather [hbm4b:s6+s7], $0x8, s1, s7, $0xb8;
	[tilespmem:$0xA400] =	vst v63  }
0x77: {  	_ =	swait.ge [sflag:s14], $0x1000  }
0x78: {  	[sflag:s14] =	ssyncset.done $0x0  }
0x79: {  	s1 =	rddreg [dreg:$0x17];
	[sflag:s14] =	ssyncadd.s32 $0xFFFFF000  }
0x7a: {  	[tilespmem:s9], [sflag:$0x3] =	stream.indirect.gather [hbm4b:s6+s7], $0x8, s1, s7, $0xb8;
	[tilespmem:$0xA400] =	vst v63  }
0x7b: {  	_ =	swait.ge [sflag:s15], $0x1000  }
0x7c: {  	[sflag:s15] =	ssyncset.done $0x0  }
0x7d: {  	s1 =	rddreg [dreg:$0x18];
	[sflag:s15] =	ssyncadd.s32 $0xFFFFF000  }
0x7e: {  	[tilespmem:s8], [sflag:$0x4] =	stream.indirect.gather [hbm4b:s6+s7], $0x8, s1, s7, $0xb8;
	[tilespmem:$0xA400] =	vst v63  }
0x7f: {  	_ =	swait.ge [sflag:s19], $0x1000  }
0x80: {  	[sflag:s19] =	ssyncset.done $0x0  }
0x81: {  	s1 =	rddreg [dreg:$0x19];
	[sflag:s19] =	ssyncadd.s32 $0xFFFFF000  }
0x82: {  	[spmem:s2] =	stream.indirect.scatter.add.f32 [tilespmem:s11], [sflag:$0x5], $0x8, s1, s7, $0xb8;
	[tilespmem:$0xA400] =	vst v63  }
0x83: {  	_ =	swait.ge [sflag:s18], $0x1000  }
0x84: {  	[sflag:s18] =	ssyncset.done $0x0  }
0x85: {  	s1 =	rddreg [dreg:$0x1a];
	[sflag:s18] =	ssyncadd.s32 $0xFFFFF000  }
0x86: {  	[spmem:s2] =	stream.indirect.scatter.add.f32 [tilespmem:s10], [sflag:$0x6], $0x8, s1, s7, $0xb8;
	[tilespmem:$0xA400] =	vst v63  }
0x87: {  	_ =	swait.ge [sflag:s17], $0x1000  }
0x88: {  	[sflag:s17] =	ssyncset.done $0x0  }
0x89: {  	s1 =	rddreg [dreg:$0x1b];
	[sflag:s17] =	ssyncadd.s32 $0xFFFFF000  }
0x8a: {  	[spmem:s2] =	stream.indirect.scatter.add.f32 [tilespmem:s9], [sflag:$0x7], $0x8, s1, s7, $0xb8;
	[tilespmem:$0xA400] =	vst v63  }
0x8b: {  	_ =	swait.ge [sflag:s16], $0x1000  }
0x8c: {  	[sflag:s16] =	ssyncset.done $0x0  }
0x8d: {  	s1 =	rddreg [dreg:$0x1c];
	[sflag:s16] =	ssyncadd.s32 $0xFFFFF000  }
0x8e: {  	[spmem:s2] =	stream.indirect.scatter.add.f32 [tilespmem:s8], [sflag:$0x8], $0x8, s1, s7, $0xb8;
	[tilespmem:$0xA400] =	vst v63  }
0x8f: {  	_ =	swait.ge [sflag:s12], $0x1000  }
0x90: {  	[sflag:s12] =	ssyncset.done $0x0  }
0x91: {  	s1 =	rddreg [dreg:$0x1d];
	[sflag:s12] =	ssyncadd.s32 $0xFFFFF000  }
0x92: {  	[tilespmem:s11], [sflag:$0x1] =	stream.indirect.gather [hbm4b:s6+s7], $0x8, s1, s7, $0xb8;
	[tilespmem:$0xA400] =	vst v63  }
0x93: {  	_ =	swait.ge [sflag:s13], $0x1000  }
0x94: {  	[sflag:s13] =	ssyncset.done $0x0  }
0x95: {  	s1 =	rddreg [dreg:$0x1e];
	[sflag:s13] =	ssyncadd.s32 $0xFFFFF000  }
0x96: {  	[tilespmem:s10], [sflag:$0x2] =	stream.indirect.gather [hbm4b:s6+s7], $0x8, s1, s7, $0xb8;
	[tilespmem:$0xA400] =	vst v63  }
0x97: {  	_ =	swait.ge [sflag:s14], $0x1000  }
0x98: {  	[sflag:s14] =	ssyncset.done $0x0  }
0x99: {  	s1 =	rddreg [dreg:$0x1f];
	[sflag:s14] =	ssyncadd.s32 $0xFFFFF000  }
0x9a: {  	[tilespmem:s9], [sflag:$0x3] =	stream.indirect.gather [hbm4b:s6+s7], $0x8, s1, s7, $0xb8;
	[tilespmem:$0xA400] =	vst v63  }
0x9b: {  	_ =	swait.ge [sflag:s15], $0x1000  }
0x9c: {  	s1 =	sld [smem:$0x7FA]  }
0x9d: {  	[sflag:s15] =	ssyncset.done $0x0  }
0x9e: {  	[sflag:s15] =	ssyncadd.s32 $0xFFFFF000  }
0x9f: {  	[tilespmem:s8], [sflag:$0x4] =	stream.indirect.gather [hbm4b:s6+s7], $0x8, s1, s7, $0xb8;
	[tilespmem:$0xA400] =	vst v63  }
0xa0: {  	_ =	swait.ge [sflag:s19], $0x1000  }
0xa1: {  	s1 =	sld [smem:$0x7FB]  }
0xa2: {  	[sflag:s19] =	ssyncset.done $0x0  }
0xa3: {  	[sflag:s19] =	ssyncadd.s32 $0xFFFFF000  }
0xa4: {  	[spmem:s2] =	stream.indirect.scatter.add.f32 [tilespmem:s11], [sflag:$0x5], $0x8, s1, s7, $0xb8;
	[tilespmem:$0xA400] =	vst v63  }
0xa5: {  	_ =	swait.ge [sflag:s18], $0x1000  }
0xa6: {  	s1 =	sld [smem:$0x7FC]  }
0xa7: {  	[sflag:s18] =	ssyncset.done $0x0  }
0xa8: {  	[sflag:s18] =	ssyncadd.s32 $0xFFFFF000  }
0xa9: {  	[spmem:s2] =	stream.indirect.scatter.add.f32 [tilespmem:s10], [sflag:$0x6], $0x8, s1, s7, $0xb8;
	[tilespmem:$0xA400] =	vst v63  }
0xaa: {  	_ =	swait.ge [sflag:s17], $0x1000  }
0xab: {  	s1 =	sld [smem:$0x7FD]  }
0xac: {  	[sflag:s17] =	ssyncset.done $0x0  }
0xad: {  	[sflag:s17] =	ssyncadd.s32 $0xFFFFF000  }
0xae: {  	[spmem:s2] =	stream.indirect.scatter.add.f32 [tilespmem:s9], [sflag:$0x7], $0x8, s1, s7, $0xb8;
	[tilespmem:$0xA400] =	vst v63  }
0xaf: {  	_ =	swait.ge [sflag:s16], $0x1000  }
0xb0: {  	[sflag:s16] =	ssyncset.done $0x0  }
0xb1: {  	[sflag:s16] =	ssyncadd.s32 $0xFFFFF000  }
0xb2: {  	[spmem:s2] =	stream.indirect.scatter.add.f32 [tilespmem:s8], [sflag:$0x8], $0x8, s26, s7, $0xb8;
	[tilespmem:$0xA400] =	vst v63  }
0xb3: {  	_ =	swait.ge [sflag:s12], $0x1000  }
0xb4: {  	[sflag:s12] =	ssyncset.done $0x0  }
0xb5: {  	[sflag:s12] =	ssyncadd.s32 $0xFFFFF000  }
0xb6: {  	[tilespmem:s11], [sflag:$0x1] =	stream.indirect.gather [hbm4b:s6+s7], $0x8, s29, s7, $0xb8;
	[tilespmem:$0xA400] =	vst v63  }
0xb7: {  	_ =	swait.ge [sflag:s13], $0x1000  }
0xb8: {  	[sflag:s13] =	ssyncset.done $0x0  }
0xb9: {  	s1 =	simm.s32 $0x2200;
	[sflag:s13] =	ssyncadd.s32 $0xFFFFF000  }
0xba: {  	[tilespmem:s10], [sflag:$0x2] =	stream.indirect.gather [hbm4b:s6+s7], $0x8, s1, s7, $0xb8;
	[tilespmem:$0xA400] =	vst v63  }
0xbb: {  	_ =	swait.ge [sflag:s14], $0x1000  }
0xbc: {  	[sflag:s14] =	ssyncset.done $0x0  }
0xbd: {  	[sflag:s14] =	ssyncadd.s32 $0xFFFFF000  }
0xbe: {  	[tilespmem:s9], [sflag:$0x3] =	stream.indirect.gather [hbm4b:s6+s7], $0x8, s28, s7, $0xb8;
	[tilespmem:$0xA400] =	vst v63  }
0xbf: {  	_ =	swait.ge [sflag:s15], $0x1000  }
0xc0: {  	[sflag:s15] =	ssyncset.done $0x0  }
0xc1: {  	[sflag:s15] =	ssyncadd.s32 $0xFFFFF000  }
0xc2: {  	[tilespmem:s8], [sflag:$0x4] =	stream.indirect.gather [hbm4b:s6+s7], $0x8, s25, s7, $0xb8;
	[tilespmem:$0xA400] =	vst v63  }
0xc3: {  	_ =	swait.ge [sflag:s19], $0x1000  }
0xc4: {  	[sflag:s19] =	ssyncset.done $0x0  }
0xc5: {  	[sflag:s19] =	ssyncadd.s32 $0xFFFFF000  }
0xc6: {  	[spmem:s2] =	stream.indirect.scatter.add.f32 [tilespmem:s11], [sflag:$0x5], $0x8, s24, s7, $0xb8;
	[tilespmem:$0xA400] =	vst v63  }
0xc7: {  	_ =	swait.ge [sflag:s18], $0x1000  }
0xc8: {  	[sflag:s18] =	ssyncset.done $0x0  }
0xc9: {  	[sflag:s18] =	ssyncadd.s32 $0xFFFFF000  }
0xca: {  	[spmem:s2] =	stream.indirect.scatter.add.f32 [tilespmem:s10], [sflag:$0x6], $0x8, s23, s7, $0xb8;
	[tilespmem:$0xA400] =	vst v63  }
0xcb: {  	_ =	swait.ge [sflag:s17], $0x1000  }
0xcc: {  	[sflag:s17] =	ssyncset.done $0x0  }
0xcd: {  	[sflag:s17] =	ssyncadd.s32 $0xFFFFF000  }
0xce: {  	[spmem:s2] =	stream.indirect.scatter.add.f32 [tilespmem:s9], [sflag:$0x7], $0x8, s22, s7, $0xb8;
	[tilespmem:$0xA400] =	vst v63  }
0xcf: {  	_ =	swait.ge [sflag:s16], $0x1000  }
0xd0: {  	[sflag:s16] =	ssyncset.done $0x0  }
0xd1: {  	[sflag:s16] =	ssyncadd.s32 $0xFFFFF000  }
0xd2: {  	[spmem:s2] =	stream.indirect.scatter.add.f32 [tilespmem:s8], [sflag:$0x8], $0x8, s21, s7, $0xb8;
	[tilespmem:$0xA400] =	vst v63  }
0xd3: {  	_ =	swait.ge [sflag:s12], $0x1000  }
0xd4: {  	[sflag:s12] =	ssyncset.done $0x0  }
0xd5: {  	[sflag:s12] =	ssyncadd.s32 $0xFFFFF000  }
0xd6: {  	_ =	swait.ge [sflag:s13], $0x1000  }
0xd7: {  	[sflag:s13] =	ssyncset.done $0x0  }
0xd8: {  	[sflag:s13] =	ssyncadd.s32 $0xFFFFF000  }
0xd9: {  	_ =	swait.ge [sflag:s14], $0x1000  }
0xda: {  	[sflag:s14] =	ssyncset.done $0x0  }
0xdb: {  	[sflag:s14] =	ssyncadd.s32 $0xFFFFF000  }
0xdc: {  	_ =	swait.ge [sflag:s15], $0x1000  }
0xdd: {  	[sflag:s15] =	ssyncset.done $0x0  }
0xde: {  	p1 =	sne.s32 s20, $0x1;
	[sflag:s15] =	ssyncadd.s32 $0xFFFFF000  }
.Ltmp1:
0xdf: {  	[bflag:$0x0] =	sbarrier.arrive $0xFFFF;
	(pc) =	sbr.rel @!p1 .LBB2_3-.Ltmp1, $4  }
0xe0: {  	s1 =	rddreg [dreg:$0x7]  }
0xe1: {  	[hbm:s1], [sflag:s3] =	dma.local [spmem:s4], $0x280  }
0xe2: {  	p0 =	por $0x1, $0x1;
	_ =	swait.ge [sflag:s5], $0x280  }
0xe3: {  	s1 =	sadd.s32 $0xFFFFFFFF, s20;
	s0 =	rddreg [dreg:$0x4];
	[sflag:s5] =	ssyncset.done $0x0  }
.LBB2_4:
0xe4: {  	[sflag:s5] =	ssyncadd.s32 $0xFFFFFD80  }
0xe5: {  	[spmem:s4], [sflag:s3] =	dma.local [hbm:s0], $0x280  }
0xe6: {  	_ =	swait.ge [sflag:s5], $0x280  }
0xe7: {  	[sflag:s5] =	ssyncset.done $0x0  }
0xe8: {  	s20 =	rddreg [dreg:$0x5];
	[sflag:s5] =	ssyncadd.s32 $0xFFFFFD80  }
0xe9: {  	[tilespmem:s30], [sflag:$0x9] =	stream.linear.gather [hbm4b:s20+s30], $0x2800, $0x38;
	[tilespmem:$0xA400] =	vst v63  }
0xea: {  	_ =	swait.ge [sflag:s5], $0x2800  }
0xeb: {  	[sflag:s5] =	ssyncset.done $0x0  }
0xec: {  	s20 =	rddreg [dreg:$0x6];
	[sflag:s5] =	ssyncadd.s32 $0xFFFFD800  }
0xed: {  	[tilespmem:s31], [sflag:$0x9] =	stream.linear.gather [hbm4b:s20+s30], $0x2800, $0x38;
	[tilespmem:$0xA400] =	vst v63  }
0xee: {  	_ =	swait.ge [sflag:s5], $0x2800  }
0xef: {  	[sflag:s5] =	ssyncset.done $0x0  }
0xf0: {  	[sflag:s5] =	ssyncadd.s32 $0xFFFFD800  }
0xf1: {  	[bflag:$0x0] =	sbarrier.arrive $0xFFFF  }
0xf2: {  	[tilespmem:s11], [sflag:$0x1] =	stream.indirect.gather [hbm4b:s6+s7], $0x8, s30, s7, $0xb8;
	[tilespmem:$0xA400] =	vst v63  }
0xf3: {  	_ = 	snop  }
0xf4: {  	[tilespmem:s10], [sflag:$0x2] =	stream.indirect.gather [hbm4b:s6+s7], $0x8, s7, s7, $0xb8;
	[tilespmem:$0xA400] =	vst v63  }
0xf5: {  	s0 =	rddreg [dreg:$0x8]  }
0xf6: {  	[tilespmem:s9], [sflag:$0x3] =	stream.indirect.gather [hbm4b:s6+s7], $0x8, s0, s7, $0xb8;
	[tilespmem:$0xA400] =	vst v63  }
0xf7: {  	s20 =	rddreg [dreg:$0x9]  }
0xf8: {  	[tilespmem:s8], [sflag:$0x4] =	stream.indirect.gather [hbm4b:s6+s7], $0x8, s20, s7, $0xb8;
	[tilespmem:$0xA400] =	vst v63  }
0xf9: {  	_ =	swait.ge [sflag:s19], $0x1000  }
0xfa: {  	[sflag:s19] =	ssyncset.done $0x0  }
0xfb: {  	[sflag:s19] =	ssyncadd.s32 $0xFFFFF000  }
0xfc: {  	[spmem:s2] =	stream.indirect.scatter.add.f32 [tilespmem:s11], [sflag:$0x5], $0x8, s31, s7, $0xb8;
	[tilespmem:$0xA400] =	vst v63  }
0xfd: {  	_ =	swait.ge [sflag:s18], $0x1000  }
0xfe: {  	[sflag:s18] =	ssyncset.done $0x0  }
0xff: {  	s20 =	rddreg [dreg:$0xa];
	[sflag:s18] =	ssyncadd.s32 $0xFFFFF000  }
0x100: {  	[spmem:s2] =	stream.indirect.scatter.add.f32 [tilespmem:s10], [sflag:$0x6], $0x8, s20, s7, $0xb8;
	[tilespmem:$0xA400] =	vst v63  }
0x101: {  	_ =	swait.ge [sflag:s17], $0x1000  }
0x102: {  	[sflag:s17] =	ssyncset.done $0x0  }
0x103: {  	s20 =	rddreg [dreg:$0xb];
	[sflag:s17] =	ssyncadd.s32 $0xFFFFF000  }
0x104: {  	[spmem:s2] =	stream.indirect.scatter.add.f32 [tilespmem:s9], [sflag:$0x7], $0x8, s20, s7, $0xb8;
	[tilespmem:$0xA400] =	vst v63  }
0x105: {  	_ =	swait.ge [sflag:s16], $0x1000  }
0x106: {  	[sflag:s16] =	ssyncset.done $0x0  }
0x107: {  	s20 =	rddreg [dreg:$0xc];
	[sflag:s16] =	ssyncadd.s32 $0xFFFFF000  }
0x108: {  	[spmem:s2] =	stream.indirect.scatter.add.f32 [tilespmem:s8], [sflag:$0x8], $0x8, s20, s7, $0xb8;
	[tilespmem:$0xA400] =	vst v63  }
0x109: {  	_ =	swait.ge [sflag:s12], $0x1000  }
0x10a: {  	[sflag:s12] =	ssyncset.done $0x0  }
0x10b: {  	s20 =	rddreg [dreg:$0xd];
	[sflag:s12] =	ssyncadd.s32 $0xFFFFF000  }
0x10c: {  	[tilespmem:s11], [sflag:$0x1] =	stream.indirect.gather [hbm4b:s6+s7], $0x8, s20, s7, $0xb8;
	[tilespmem:$0xA400] =	vst v63  }
0x10d: {  	_ =	swait.ge [sflag:s13], $0x1000  }
0x10e: {  	[sflag:s13] =	ssyncset.done $0x0  }
0x10f: {  	s20 =	rddreg [dreg:$0xe];
	[sflag:s13] =	ssyncadd.s32 $0xFFFFF000  }
0x110: {  	[tilespmem:s10], [sflag:$0x2] =	stream.indirect.gather [hbm4b:s6+s7], $0x8, s20, s7, $0xb8;
	[tilespmem:$0xA400] =	vst v63  }
0x111: {  	_ =	swait.ge [sflag:s14], $0x1000  }
0x112: {  	[sflag:s14] =	ssyncset.done $0x0  }
0x113: {  	s20 =	rddreg [dreg:$0xf];
	[sflag:s14] =	ssyncadd.s32 $0xFFFFF000  }
0x114: {  	[tilespmem:s9], [sflag:$0x3] =	stream.indirect.gather [hbm4b:s6+s7], $0x8, s20, s7, $0xb8;
	[tilespmem:$0xA400] =	vst v63  }
0x115: {  	_ =	swait.ge [sflag:s15], $0x1000  }
0x116: {  	[sflag:s15] =	ssyncset.done $0x0  }
0x117: {  	s20 =	rddreg [dreg:$0x10];
	[sflag:s15] =	ssyncadd.s32 $0xFFFFF000  }
0x118: {  	[tilespmem:s8], [sflag:$0x4] =	stream.indirect.gather [hbm4b:s6+s7], $0x8, s20, s7, $0xb8;
	[tilespmem:$0xA400] =	vst v63  }
0x119: {  	_ =	swait.ge [sflag:s19], $0x1000  }
0x11a: {  	[sflag:s19] =	ssyncset.done $0x0  }
0x11b: {  	s20 =	rddreg [dreg:$0x11];
	[sflag:s19] =	ssyncadd.s32 $0xFFFFF000  }
0x11c: {  	[spmem:s2] =	stream.indirect.scatter.add.f32 [tilespmem:s11], [sflag:$0x5], $0x8, s20, s7, $0xb8;
	[tilespmem:$0xA400] =	vst v63  }
0x11d: {  	_ =	swait.ge [sflag:s18], $0x1000  }
0x11e: {  	[sflag:s18] =	ssyncset.done $0x0  }
0x11f: {  	s20 =	rddreg [dreg:$0x12];
	[sflag:s18] =	ssyncadd.s32 $0xFFFFF000  }
0x120: {  	[spmem:s2] =	stream.indirect.scatter.add.f32 [tilespmem:s10], [sflag:$0x6], $0x8, s20, s7, $0xb8;
	[tilespmem:$0xA400] =	vst v63  }
0x121: {  	_ =	swait.ge [sflag:s17], $0x1000  }
0x122: {  	[sflag:s17] =	ssyncset.done $0x0  }
0x123: {  	s20 =	rddreg [dreg:$0x13];
	[sflag:s17] =	ssyncadd.s32 $0xFFFFF000  }
0x124: {  	[spmem:s2] =	stream.indirect.scatter.add.f32 [tilespmem:s9], [sflag:$0x7], $0x8, s20, s7, $0xb8;
	[tilespmem:$0xA400] =	vst v63  }
0x125: {  	_ =	swait.ge [sflag:s16], $0x1000  }
0x126: {  	[sflag:s16] =	ssyncset.done $0x0  }
0x127: {  	s20 =	rddreg [dreg:$0x14];
	[sflag:s16] =	ssyncadd.s32 $0xFFFFF000  }
0x128: {  	[spmem:s2] =	stream.indirect.scatter.add.f32 [tilespmem:s8], [sflag:$0x8], $0x8, s20, s7, $0xb8;
	[tilespmem:$0xA400] =	vst v63  }
0x129: {  	_ =	swait.ge [sflag:s12], $0x1000  }
0x12a: {  	[sflag:s12] =	ssyncset.done $0x0  }
0x12b: {  	s20 =	rddreg [dreg:$0x15];
	[sflag:s12] =	ssyncadd.s32 $0xFFFFF000  }
0x12c: {  	[tilespmem:s11], [sflag:$0x1] =	stream.indirect.gather [hbm4b:s6+s7], $0x8, s20, s7, $0xb8;
	[tilespmem:$0xA400] =	vst v63  }
0x12d: {  	_ =	swait.ge [sflag:s13], $0x1000  }
0x12e: {  	[sflag:s13] =	ssyncset.done $0x0  }
0x12f: {  	s20 =	rddreg [dreg:$0x16];
	[sflag:s13] =	ssyncadd.s32 $0xFFFFF000  }
0x130: {  	[tilespmem:s10], [sflag:$0x2] =	stream.indirect.gather [hbm4b:s6+s7], $0x8, s20, s7, $0xb8;
	[tilespmem:$0xA400] =	vst v63  }
0x131: {  	_ =	swait.ge [sflag:s14], $0x1000  }
0x132: {  	[sflag:s14] =	ssyncset.done $0x0  }
0x133: {  	s20 =	rddreg [dreg:$0x17];
	[sflag:s14] =	ssyncadd.s32 $0xFFFFF000  }
0x134: {  	[tilespmem:s9], [sflag:$0x3] =	stream.indirect.gather [hbm4b:s6+s7], $0x8, s20, s7, $0xb8;
	[tilespmem:$0xA400] =	vst v63  }
0x135: {  	_ =	swait.ge [sflag:s15], $0x1000  }
0x136: {  	[sflag:s15] =	ssyncset.done $0x0  }
0x137: {  	s20 =	rddreg [dreg:$0x18];
	[sflag:s15] =	ssyncadd.s32 $0xFFFFF000  }
0x138: {  	[tilespmem:s8], [sflag:$0x4] =	stream.indirect.gather [hbm4b:s6+s7], $0x8, s20, s7, $0xb8;
	[tilespmem:$0xA400] =	vst v63  }
0x139: {  	_ =	swait.ge [sflag:s19], $0x1000  }
0x13a: {  	[sflag:s19] =	ssyncset.done $0x0  }
0x13b: {  	s20 =	rddreg [dreg:$0x19];
	[sflag:s19] =	ssyncadd.s32 $0xFFFFF000  }
0x13c: {  	[spmem:s2] =	stream.indirect.scatter.add.f32 [tilespmem:s11], [sflag:$0x5], $0x8, s20, s7, $0xb8;
	[tilespmem:$0xA400] =	vst v63  }
0x13d: {  	_ =	swait.ge [sflag:s18], $0x1000  }
0x13e: {  	[sflag:s18] =	ssyncset.done $0x0  }
0x13f: {  	s20 =	rddreg [dreg:$0x1a];
	[sflag:s18] =	ssyncadd.s32 $0xFFFFF000  }
0x140: {  	[spmem:s2] =	stream.indirect.scatter.add.f32 [tilespmem:s10], [sflag:$0x6], $0x8, s20, s7, $0xb8;
	[tilespmem:$0xA400] =	vst v63  }
0x141: {  	_ =	swait.ge [sflag:s17], $0x1000  }
0x142: {  	[sflag:s17] =	ssyncset.done $0x0  }
0x143: {  	s20 =	rddreg [dreg:$0x1b];
	[sflag:s17] =	ssyncadd.s32 $0xFFFFF000  }
0x144: {  	[spmem:s2] =	stream.indirect.scatter.add.f32 [tilespmem:s9], [sflag:$0x7], $0x8, s20, s7, $0xb8;
	[tilespmem:$0xA400] =	vst v63  }
0x145: {  	_ =	swait.ge [sflag:s16], $0x1000  }
0x146: {  	[sflag:s16] =	ssyncset.done $0x0  }
0x147: {  	s20 =	rddreg [dreg:$0x1c];
	[sflag:s16] =	ssyncadd.s32 $0xFFFFF000  }
0x148: {  	[spmem:s2] =	stream.indirect.scatter.add.f32 [tilespmem:s8], [sflag:$0x8], $0x8, s20, s7, $0xb8;
	[tilespmem:$0xA400] =	vst v63  }
0x149: {  	_ =	swait.ge [sflag:s12], $0x1000  }
0x14a: {  	[sflag:s12] =	ssyncset.done $0x0  }
0x14b: {  	s20 =	rddreg [dreg:$0x1d];
	[sflag:s12] =	ssyncadd.s32 $0xFFFFF000  }
0x14c: {  	[tilespmem:s11], [sflag:$0x1] =	stream.indirect.gather [hbm4b:s6+s7], $0x8, s20, s7, $0xb8;
	[tilespmem:$0xA400] =	vst v63  }
0x14d: {  	_ =	swait.ge [sflag:s13], $0x1000  }
0x14e: {  	[sflag:s13] =	ssyncset.done $0x0  }
0x14f: {  	s20 =	rddreg [dreg:$0x1e];
	[sflag:s13] =	ssyncadd.s32 $0xFFFFF000  }
0x150: {  	[tilespmem:s10], [sflag:$0x2] =	stream.indirect.gather [hbm4b:s6+s7], $0x8, s20, s7, $0xb8;
	[tilespmem:$0xA400] =	vst v63  }
0x151: {  	_ =	swait.ge [sflag:s14], $0x1000  }
0x152: {  	[sflag:s14] =	ssyncset.done $0x0  }
0x153: {  	s20 =	rddreg [dreg:$0x1f];
	[sflag:s14] =	ssyncadd.s32 $0xFFFFF000  }
0x154: {  	[tilespmem:s9], [sflag:$0x3] =	stream.indirect.gather [hbm4b:s6+s7], $0x8, s20, s7, $0xb8;
	[tilespmem:$0xA400] =	vst v63  }
0x155: {  	_ =	swait.ge [sflag:s15], $0x1000  }
0x156: {  	s20 =	sld [smem:$0x7FA]  }
0x157: {  	[sflag:s15] =	ssyncset.done $0x0  }
0x158: {  	[sflag:s15] =	ssyncadd.s32 $0xFFFFF000  }
0x159: {  	[tilespmem:s8], [sflag:$0x4] =	stream.indirect.gather [hbm4b:s6+s7], $0x8, s20, s7, $0xb8;
	[tilespmem:$0xA400] =	vst v63  }
0x15a: {  	_ =	swait.ge [sflag:s19], $0x1000  }
0x15b: {  	s20 =	sld [smem:$0x7FB]  }
0x15c: {  	[sflag:s19] =	ssyncset.done $0x0  }
0x15d: {  	[sflag:s19] =	ssyncadd.s32 $0xFFFFF000  }
0x15e: {  	[spmem:s2] =	stream.indirect.scatter.add.f32 [tilespmem:s11], [sflag:$0x5], $0x8, s20, s7, $0xb8;
	[tilespmem:$0xA400] =	vst v63  }
0x15f: {  	_ =	swait.ge [sflag:s18], $0x1000  }
0x160: {  	s20 =	sld [smem:$0x7FC]  }
0x161: {  	[sflag:s18] =	ssyncset.done $0x0  }
0x162: {  	[sflag:s18] =	ssyncadd.s32 $0xFFFFF000  }
0x163: {  	[spmem:s2] =	stream.indirect.scatter.add.f32 [tilespmem:s10], [sflag:$0x6], $0x8, s20, s7, $0xb8;
	[tilespmem:$0xA400] =	vst v63  }
0x164: {  	_ =	swait.ge [sflag:s17], $0x1000  }
0x165: {  	s20 =	sld [smem:$0x7FD]  }
0x166: {  	[sflag:s17] =	ssyncset.done $0x0  }
0x167: {  	[sflag:s17] =	ssyncadd.s32 $0xFFFFF000  }
0x168: {  	[spmem:s2] =	stream.indirect.scatter.add.f32 [tilespmem:s9], [sflag:$0x7], $0x8, s20, s7, $0xb8;
	[tilespmem:$0xA400] =	vst v63  }
0x169: {  	_ =	swait.ge [sflag:s16], $0x1000  }
0x16a: {  	[sflag:s16] =	ssyncset.done $0x0  }
0x16b: {  	[sflag:s16] =	ssyncadd.s32 $0xFFFFF000  }
0x16c: {  	[spmem:s2] =	stream.indirect.scatter.add.f32 [tilespmem:s8], [sflag:$0x8], $0x8, s26, s7, $0xb8;
	[tilespmem:$0xA400] =	vst v63  }
0x16d: {  	_ =	swait.ge [sflag:s12], $0x1000  }
0x16e: {  	[sflag:s12] =	ssyncset.done $0x0  }
0x16f: {  	[sflag:s12] =	ssyncadd.s32 $0xFFFFF000  }
0x170: {  	[tilespmem:s11], [sflag:$0x1] =	stream.indirect.gather [hbm4b:s6+s7], $0x8, s29, s7, $0xb8;
	[tilespmem:$0xA400] =	vst v63  }
0x171: {  	_ =	swait.ge [sflag:s13], $0x1000  }
0x172: {  	[sflag:s13] =	ssyncset.done $0x0  }
0x173: {  	s20 =	simm.s32 $0x2200;
	[sflag:s13] =	ssyncadd.s32 $0xFFFFF000  }
0x174: {  	[tilespmem:s10], [sflag:$0x2] =	stream.indirect.gather [hbm4b:s6+s7], $0x8, s20, s7, $0xb8;
	[tilespmem:$0xA400] =	vst v63  }
0x175: {  	_ =	swait.ge [sflag:s14], $0x1000  }
0x176: {  	[sflag:s14] =	ssyncset.done $0x0  }
0x177: {  	[sflag:s14] =	ssyncadd.s32 $0xFFFFF000  }
0x178: {  	[tilespmem:s9], [sflag:$0x3] =	stream.indirect.gather [hbm4b:s6+s7], $0x8, s28, s7, $0xb8;
	[tilespmem:$0xA400] =	vst v63  }
0x179: {  	_ =	swait.ge [sflag:s15], $0x1000  }
0x17a: {  	[sflag:s15] =	ssyncset.done $0x0  }
0x17b: {  	[sflag:s15] =	ssyncadd.s32 $0xFFFFF000  }
0x17c: {  	[tilespmem:s8], [sflag:$0x4] =	stream.indirect.gather [hbm4b:s6+s7], $0x8, s25, s7, $0xb8;
	[tilespmem:$0xA400] =	vst v63  }
0x17d: {  	_ =	swait.ge [sflag:s19], $0x1000  }
0x17e: {  	[sflag:s19] =	ssyncset.done $0x0  }
0x17f: {  	[sflag:s19] =	ssyncadd.s32 $0xFFFFF000  }
0x180: {  	[spmem:s2] =	stream.indirect.scatter.add.f32 [tilespmem:s11], [sflag:$0x5], $0x8, s24, s7, $0xb8;
	[tilespmem:$0xA400] =	vst v63  }
0x181: {  	_ =	swait.ge [sflag:s18], $0x1000  }
0x182: {  	[sflag:s18] =	ssyncset.done $0x0  }
0x183: {  	[sflag:s18] =	ssyncadd.s32 $0xFFFFF000  }
0x184: {  	[spmem:s2] =	stream.indirect.scatter.add.f32 [tilespmem:s10], [sflag:$0x6], $0x8, s23, s7, $0xb8;
	[tilespmem:$0xA400] =	vst v63  }
0x185: {  	_ =	swait.ge [sflag:s17], $0x1000  }
0x186: {  	[sflag:s17] =	ssyncset.done $0x0  }
0x187: {  	[sflag:s17] =	ssyncadd.s32 $0xFFFFF000  }
0x188: {  	[spmem:s2] =	stream.indirect.scatter.add.f32 [tilespmem:s9], [sflag:$0x7], $0x8, s22, s7, $0xb8;
	[tilespmem:$0xA400] =	vst v63  }
0x189: {  	_ =	swait.ge [sflag:s16], $0x1000  }
0x18a: {  	[sflag:s16] =	ssyncset.done $0x0  }
0x18b: {  	[sflag:s16] =	ssyncadd.s32 $0xFFFFF000  }
0x18c: {  	[spmem:s2] =	stream.indirect.scatter.add.f32 [tilespmem:s8], [sflag:$0x8], $0x8, s21, s7, $0xb8;
	[tilespmem:$0xA400] =	vst v63  }
0x18d: {  	_ =	swait.ge [sflag:s12], $0x1000  }
0x18e: {  	[sflag:s12] =	ssyncset.done $0x0  }
0x18f: {  	[sflag:s12] =	ssyncadd.s32 $0xFFFFF000  }
0x190: {  	_ =	swait.ge [sflag:s13], $0x1000  }
0x191: {  	[sflag:s13] =	ssyncset.done $0x0  }
0x192: {  	[sflag:s13] =	ssyncadd.s32 $0xFFFFF000  }
0x193: {  	_ =	swait.ge [sflag:s14], $0x1000  }
0x194: {  	[sflag:s14] =	ssyncset.done $0x0  }
0x195: {  	[sflag:s14] =	ssyncadd.s32 $0xFFFFF000  }
0x196: {  	_ =	swait.ge [sflag:s15], $0x1000  }
0x197: {  	[sflag:s15] =	ssyncset.done $0x0  }
0x198: {  	p1 =	sne.s32 s1, $0x1;
	[sflag:s15] =	ssyncadd.s32 $0xFFFFF000  }
.Ltmp2:
0x199: {  	[bflag:$0x0] =	sbarrier.arrive $0xFFFF;
	(pc) =	sbr.rel @p1 .LBB2_4-.Ltmp2, $4  }
0x19a: {  	s20 =	rddreg [dreg:$0x7]  }
0x19b: {  	[hbm:s20], [sflag:s3] =	dma.local [spmem:s4], $0x280  }
0x19c: {  	_ =	swait.ge [sflag:s5], $0x280  }
0x19d: {  	s1 =	sadd.s32 $0xFFFFFFFF, s1;
	s0 =	rddreg [dreg:$0x4];
	[sflag:s5] =	ssyncset.done $0x0  }
0x19e: {  	s21 =	simm.s32 $0x4600;
	s29 =	simm.s32 $0x2000;
	s28 =	simm.s32 $0x2400  }
0x19f: {  	s26 =	simm.s32 $0x2200;
	s25 =	simm.s32 $0x2600;
	s24 =	simm.s32 $0x4800  }
0x1a0: {  	s23 =	simm.s32 $0x4A00;
	s22 =	simm.s32 $0x4C00;
	s20 =	stileid.u32  }
.LBB2_6:
0x1a1: {  	[sflag:s5] =	ssyncadd.s32 @p0 $0xFFFFFD80  }
0x1a2: {  	[spmem:s4], [sflag:s3] =	dma.local [hbm:s0], $0x280  }
0x1a3: {  	_ =	swait.ge [sflag:s5], $0x280  }
0x1a4: {  	[sflag:s5] =	ssyncset.done $0x0  }
0x1a5: {  	s1 =	rddreg [dreg:$0x5];
	[sflag:s5] =	ssyncadd.s32 $0xFFFFFD80  }
0x1a6: {  	[tilespmem:s30], [sflag:$0x9] =	stream.linear.gather [hbm4b:s1+s30], $0x2800, $0x38;
	[tilespmem:$0xA400] =	vst v63  }
0x1a7: {  	_ =	swait.ge [sflag:s5], $0x2800  }
0x1a8: {  	[sflag:s5] =	ssyncset.done $0x0  }
0x1a9: {  	s1 =	rddreg [dreg:$0x6];
	[sflag:s5] =	ssyncadd.s32 $0xFFFFD800  }
0x1aa: {  	[tilespmem:s31], [sflag:$0x9] =	stream.linear.gather [hbm4b:s1+s30], $0x2800, $0x38;
	[tilespmem:$0xA400] =	vst v63  }
0x1ab: {  	_ =	swait.ge [sflag:s5], $0x2800  }
0x1ac: {  	[sflag:s5] =	ssyncset.done $0x0  }
0x1ad: {  	[sflag:s5] =	ssyncadd.s32 $0xFFFFD800  }
0x1ae: {  	[bflag:$0x0] =	sbarrier.arrive $0xFFFF  }
0x1af: {  	[tilespmem:s11], [sflag:$0x1] =	stream.indirect.gather [hbm4b:s6+s7], $0x8, s30, s7, $0xb8;
	[tilespmem:$0xA400] =	vst v63  }
0x1b0: {  	_ = 	snop  }
0x1b1: {  	[tilespmem:s10], [sflag:$0x2] =	stream.indirect.gather [hbm4b:s6+s7], $0x8, s7, s7, $0xb8;
	[tilespmem:$0xA400] =	vst v63  }
0x1b2: {  	s30 =	rddreg [dreg:$0x8]  }
0x1b3: {  	[tilespmem:s9], [sflag:$0x3] =	stream.indirect.gather [hbm4b:s6+s7], $0x8, s30, s7, $0xb8;
	[tilespmem:$0xA400] =	vst v63  }
0x1b4: {  	s1 =	rddreg [dreg:$0x9]  }
0x1b5: {  	[tilespmem:s8], [sflag:$0x4] =	stream.indirect.gather [hbm4b:s6+s7], $0x8, s1, s7, $0xb8;
	[tilespmem:$0xA400] =	vst v63  }
0x1b6: {  	_ =	swait.ge [sflag:s19], $0x1000  }
0x1b7: {  	[sflag:s19] =	ssyncset.done $0x0  }
0x1b8: {  	[sflag:s19] =	ssyncadd.s32 $0xFFFFF000  }
0x1b9: {  	[spmem:s2] =	stream.indirect.scatter.add.f32 [tilespmem:s11], [sflag:$0x5], $0x8, s31, s7, $0xb8;
	[tilespmem:$0xA400] =	vst v63  }
0x1ba: {  	_ =	swait.ge [sflag:s18], $0x1000  }
0x1bb: {  	[sflag:s18] =	ssyncset.done $0x0  }
0x1bc: {  	s31 =	rddreg [dreg:$0xa];
	[sflag:s18] =	ssyncadd.s32 $0xFFFFF000  }
0x1bd: {  	[spmem:s2] =	stream.indirect.scatter.add.f32 [tilespmem:s10], [sflag:$0x6], $0x8, s31, s7, $0xb8;
	[tilespmem:$0xA400] =	vst v63  }
0x1be: {  	_ =	swait.ge [sflag:s17], $0x1000  }
0x1bf: {  	[sflag:s17] =	ssyncset.done $0x0  }
0x1c0: {  	s1 =	rddreg [dreg:$0xb];
	[sflag:s17] =	ssyncadd.s32 $0xFFFFF000  }
0x1c1: {  	[spmem:s2] =	stream.indirect.scatter.add.f32 [tilespmem:s9], [sflag:$0x7], $0x8, s1, s7, $0xb8;
	[tilespmem:$0xA400] =	vst v63  }
0x1c2: {  	_ =	swait.ge [sflag:s16], $0x1000  }
0x1c3: {  	[sflag:s16] =	ssyncset.done $0x0  }
0x1c4: {  	s30 =	rddreg [dreg:$0xc];
	[sflag:s16] =	ssyncadd.s32 $0xFFFFF000  }
0x1c5: {  	[spmem:s2] =	stream.indirect.scatter.add.f32 [tilespmem:s8], [sflag:$0x8], $0x8, s30, s7, $0xb8;
	[tilespmem:$0xA400] =	vst v63  }
0x1c6: {  	_ =	swait.ge [sflag:s12], $0x1000  }
0x1c7: {  	[sflag:s12] =	ssyncset.done $0x0  }
0x1c8: {  	s31 =	rddreg [dreg:$0xd];
	[sflag:s12] =	ssyncadd.s32 $0xFFFFF000  }
0x1c9: {  	[tilespmem:s11], [sflag:$0x1] =	stream.indirect.gather [hbm4b:s6+s7], $0x8, s31, s7, $0xb8;
	[tilespmem:$0xA400] =	vst v63  }
0x1ca: {  	_ =	swait.ge [sflag:s13], $0x1000  }
0x1cb: {  	[sflag:s13] =	ssyncset.done $0x0  }
0x1cc: {  	s1 =	rddreg [dreg:$0xe];
	[sflag:s13] =	ssyncadd.s32 $0xFFFFF000  }
0x1cd: {  	[tilespmem:s10], [sflag:$0x2] =	stream.indirect.gather [hbm4b:s6+s7], $0x8, s1, s7, $0xb8;
	[tilespmem:$0xA400] =	vst v63  }
0x1ce: {  	_ =	swait.ge [sflag:s14], $0x1000  }
0x1cf: {  	[sflag:s14] =	ssyncset.done $0x0  }
0x1d0: {  	s30 =	rddreg [dreg:$0xf];
	[sflag:s14] =	ssyncadd.s32 $0xFFFFF000  }
0x1d1: {  	[tilespmem:s9], [sflag:$0x3] =	stream.indirect.gather [hbm4b:s6+s7], $0x8, s30, s7, $0xb8;
	[tilespmem:$0xA400] =	vst v63  }
0x1d2: {  	_ =	swait.ge [sflag:s15], $0x1000  }
0x1d3: {  	[sflag:s15] =	ssyncset.done $0x0  }
0x1d4: {  	s31 =	rddreg [dreg:$0x10];
	[sflag:s15] =	ssyncadd.s32 $0xFFFFF000  }
0x1d5: {  	[tilespmem:s8], [sflag:$0x4] =	stream.indirect.gather [hbm4b:s6+s7], $0x8, s31, s7, $0xb8;
	[tilespmem:$0xA400] =	vst v63  }
0x1d6: {  	_ =	swait.ge [sflag:s19], $0x1000  }
0x1d7: {  	[sflag:s19] =	ssyncset.done $0x0  }
0x1d8: {  	s1 =	rddreg [dreg:$0x11];
	[sflag:s19] =	ssyncadd.s32 $0xFFFFF000  }
0x1d9: {  	[spmem:s2] =	stream.indirect.scatter.add.f32 [tilespmem:s11], [sflag:$0x5], $0x8, s1, s7, $0xb8;
	[tilespmem:$0xA400] =	vst v63  }
0x1da: {  	_ =	swait.ge [sflag:s18], $0x1000  }
0x1db: {  	[sflag:s18] =	ssyncset.done $0x0  }
0x1dc: {  	s30 =	rddreg [dreg:$0x12];
	[sflag:s18] =	ssyncadd.s32 $0xFFFFF000  }
0x1dd: {  	[spmem:s2] =	stream.indirect.scatter.add.f32 [tilespmem:s10], [sflag:$0x6], $0x8, s30, s7, $0xb8;
	[tilespmem:$0xA400] =	vst v63  }
0x1de: {  	_ =	swait.ge [sflag:s17], $0x1000  }
0x1df: {  	[sflag:s17] =	ssyncset.done $0x0  }
0x1e0: {  	s31 =	rddreg [dreg:$0x13];
	[sflag:s17] =	ssyncadd.s32 $0xFFFFF000  }
0x1e1: {  	[spmem:s2] =	stream.indirect.scatter.add.f32 [tilespmem:s9], [sflag:$0x7], $0x8, s31, s7, $0xb8;
	[tilespmem:$0xA400] =	vst v63  }
0x1e2: {  	_ =	swait.ge [sflag:s16], $0x1000  }
0x1e3: {  	[sflag:s16] =	ssyncset.done $0x0  }
0x1e4: {  	s1 =	rddreg [dreg:$0x14];
	[sflag:s16] =	ssyncadd.s32 $0xFFFFF000  }
0x1e5: {  	[spmem:s2] =	stream.indirect.scatter.add.f32 [tilespmem:s8], [sflag:$0x8], $0x8, s1, s7, $0xb8;
	[tilespmem:$0xA400] =	vst v63  }
0x1e6: {  	_ =	swait.ge [sflag:s12], $0x1000  }
0x1e7: {  	[sflag:s12] =	ssyncset.done $0x0  }
0x1e8: {  	s30 =	rddreg [dreg:$0x15];
	[sflag:s12] =	ssyncadd.s32 $0xFFFFF000  }
0x1e9: {  	[tilespmem:s11], [sflag:$0x1] =	stream.indirect.gather [hbm4b:s6+s7], $0x8, s30, s7, $0xb8;
	[tilespmem:$0xA400] =	vst v63  }
0x1ea: {  	_ =	swait.ge [sflag:s13], $0x1000  }
0x1eb: {  	[sflag:s13] =	ssyncset.done $0x0  }
0x1ec: {  	s31 =	rddreg [dreg:$0x16];
	[sflag:s13] =	ssyncadd.s32 $0xFFFFF000  }
0x1ed: {  	[tilespmem:s10], [sflag:$0x2] =	stream.indirect.gather [hbm4b:s6+s7], $0x8, s31, s7, $0xb8;
	[tilespmem:$0xA400] =	vst v63  }
0x1ee: {  	_ =	swait.ge [sflag:s14], $0x1000  }
0x1ef: {  	[sflag:s14] =	ssyncset.done $0x0  }
0x1f0: {  	s1 =	rddreg [dreg:$0x17];
	[sflag:s14] =	ssyncadd.s32 $0xFFFFF000  }
0x1f1: {  	[tilespmem:s9], [sflag:$0x3] =	stream.indirect.gather [hbm4b:s6+s7], $0x8, s1, s7, $0xb8;
	[tilespmem:$0xA400] =	vst v63  }
0x1f2: {  	_ =	swait.ge [sflag:s15], $0x1000  }
0x1f3: {  	[sflag:s15] =	ssyncset.done $0x0  }
0x1f4: {  	s30 =	rddreg [dreg:$0x18];
	[sflag:s15] =	ssyncadd.s32 $0xFFFFF000  }
0x1f5: {  	[tilespmem:s8], [sflag:$0x4] =	stream.indirect.gather [hbm4b:s6+s7], $0x8, s30, s7, $0xb8;
	[tilespmem:$0xA400] =	vst v63  }
0x1f6: {  	_ =	swait.ge [sflag:s19], $0x1000  }
0x1f7: {  	[sflag:s19] =	ssyncset.done $0x0  }
0x1f8: {  	s31 =	rddreg [dreg:$0x19];
	[sflag:s19] =	ssyncadd.s32 $0xFFFFF000  }
0x1f9: {  	[spmem:s2] =	stream.indirect.scatter.add.f32 [tilespmem:s11], [sflag:$0x5], $0x8, s31, s7, $0xb8;
	[tilespmem:$0xA400] =	vst v63  }
0x1fa: {  	_ =	swait.ge [sflag:s18], $0x1000  }
0x1fb: {  	[sflag:s18] =	ssyncset.done $0x0  }
0x1fc: {  	s1 =	rddreg [dreg:$0x1a];
	[sflag:s18] =	ssyncadd.s32 $0xFFFFF000  }
0x1fd: {  	[spmem:s2] =	stream.indirect.scatter.add.f32 [tilespmem:s10], [sflag:$0x6], $0x8, s1, s7, $0xb8;
	[tilespmem:$0xA400] =	vst v63  }
0x1fe: {  	_ =	swait.ge [sflag:s17], $0x1000  }
0x1ff: {  	[sflag:s17] =	ssyncset.done $0x0  }
0x200: {  	s30 =	rddreg [dreg:$0x1b];
	[sflag:s17] =	ssyncadd.s32 $0xFFFFF000  }
0x201: {  	[spmem:s2] =	stream.indirect.scatter.add.f32 [tilespmem:s9], [sflag:$0x7], $0x8, s30, s7, $0xb8;
	[tilespmem:$0xA400] =	vst v63  }
0x202: {  	_ =	swait.ge [sflag:s16], $0x1000  }
0x203: {  	[sflag:s16] =	ssyncset.done $0x0  }
0x204: {  	s31 =	rddreg [dreg:$0x1c];
	[sflag:s16] =	ssyncadd.s32 $0xFFFFF000  }
0x205: {  	[spmem:s2] =	stream.indirect.scatter.add.f32 [tilespmem:s8], [sflag:$0x8], $0x8, s31, s7, $0xb8;
	[tilespmem:$0xA400] =	vst v63  }
0x206: {  	_ =	swait.ge [sflag:s12], $0x1000  }
0x207: {  	[sflag:s12] =	ssyncset.done $0x0  }
0x208: {  	s1 =	rddreg [dreg:$0x1d];
	[sflag:s12] =	ssyncadd.s32 $0xFFFFF000  }
0x209: {  	[tilespmem:s11], [sflag:$0x1] =	stream.indirect.gather [hbm4b:s6+s7], $0x8, s1, s7, $0xb8;
	[tilespmem:$0xA400] =	vst v63  }
0x20a: {  	_ =	swait.ge [sflag:s13], $0x1000  }
0x20b: {  	[sflag:s13] =	ssyncset.done $0x0  }
0x20c: {  	s30 =	rddreg [dreg:$0x1e];
	[sflag:s13] =	ssyncadd.s32 $0xFFFFF000  }
0x20d: {  	[tilespmem:s10], [sflag:$0x2] =	stream.indirect.gather [hbm4b:s6+s7], $0x8, s30, s7, $0xb8;
	[tilespmem:$0xA400] =	vst v63  }
0x20e: {  	_ =	swait.ge [sflag:s14], $0x1000  }
0x20f: {  	[sflag:s14] =	ssyncset.done $0x0  }
0x210: {  	s31 =	rddreg [dreg:$0x1f];
	[sflag:s14] =	ssyncadd.s32 $0xFFFFF000  }
0x211: {  	[tilespmem:s9], [sflag:$0x3] =	stream.indirect.gather [hbm4b:s6+s7], $0x8, s31, s7, $0xb8;
	[tilespmem:$0xA400] =	vst v63  }
0x212: {  	_ =	swait.ge [sflag:s15], $0x1000  }
0x213: {  	s1 =	sld [smem:$0x7FA]  }
0x214: {  	[sflag:s15] =	ssyncset.done $0x0  }
0x215: {  	[sflag:s15] =	ssyncadd.s32 $0xFFFFF000  }
0x216: {  	[tilespmem:s8], [sflag:$0x4] =	stream.indirect.gather [hbm4b:s6+s7], $0x8, s1, s7, $0xb8;
	[tilespmem:$0xA400] =	vst v63  }
0x217: {  	_ =	swait.ge [sflag:s19], $0x1000  }
0x218: {  	s30 =	sld [smem:$0x7FB]  }
0x219: {  	[sflag:s19] =	ssyncset.done $0x0  }
0x21a: {  	[sflag:s19] =	ssyncadd.s32 $0xFFFFF000  }
0x21b: {  	[spmem:s2] =	stream.indirect.scatter.add.f32 [tilespmem:s11], [sflag:$0x5], $0x8, s30, s7, $0xb8;
	[tilespmem:$0xA400] =	vst v63  }
0x21c: {  	_ =	swait.ge [sflag:s18], $0x1000  }
0x21d: {  	s31 =	sld [smem:$0x7FC]  }
0x21e: {  	[sflag:s18] =	ssyncset.done $0x0  }
0x21f: {  	[sflag:s18] =	ssyncadd.s32 $0xFFFFF000  }
0x220: {  	[spmem:s2] =	stream.indirect.scatter.add.f32 [tilespmem:s10], [sflag:$0x6], $0x8, s31, s7, $0xb8;
	[tilespmem:$0xA400] =	vst v63  }
0x221: {  	_ =	swait.ge [sflag:s17], $0x1000  }
0x222: {  	s1 =	sld [smem:$0x7FD]  }
0x223: {  	[sflag:s17] =	ssyncset.done $0x0  }
0x224: {  	[sflag:s17] =	ssyncadd.s32 $0xFFFFF000  }
0x225: {  	[spmem:s2] =	stream.indirect.scatter.add.f32 [tilespmem:s9], [sflag:$0x7], $0x8, s1, s7, $0xb8;
	[tilespmem:$0xA400] =	vst v63  }
0x226: {  	_ =	swait.ge [sflag:s16], $0x1000  }
0x227: {  	[sflag:s16] =	ssyncset.done $0x0  }
0x228: {  	[sflag:s16] =	ssyncadd.s32 $0xFFFFF000  }
0x229: {  	[spmem:s2] =	stream.indirect.scatter.add.f32 [tilespmem:s8], [sflag:$0x8], $0x8, s21, s7, $0xb8;
	[tilespmem:$0xA400] =	vst v63  }
0x22a: {  	_ =	swait.ge [sflag:s12], $0x1000  }
0x22b: {  	[sflag:s12] =	ssyncset.done $0x0  }
0x22c: {  	[sflag:s12] =	ssyncadd.s32 $0xFFFFF000  }
0x22d: {  	[tilespmem:s11], [sflag:$0x1] =	stream.indirect.gather [hbm4b:s6+s7], $0x8, s29, s7, $0xb8;
	[tilespmem:$0xA400] =	vst v63  }
0x22e: {  	_ =	swait.ge [sflag:s13], $0x1000  }
0x22f: {  	[sflag:s13] =	ssyncset.done $0x0  }
0x230: {  	[sflag:s13] =	ssyncadd.s32 $0xFFFFF000  }
0x231: {  	[tilespmem:s10], [sflag:$0x2] =	stream.indirect.gather [hbm4b:s6+s7], $0x8, s26, s7, $0xb8;
	[tilespmem:$0xA400] =	vst v63  }
0x232: {  	_ =	swait.ge [sflag:s14], $0x1000  }
0x233: {  	[sflag:s14] =	ssyncset.done $0x0  }
0x234: {  	[sflag:s14] =	ssyncadd.s32 $0xFFFFF000  }
0x235: {  	[tilespmem:s9], [sflag:$0x3] =	stream.indirect.gather [hbm4b:s6+s7], $0x8, s28, s7, $0xb8;
	[tilespmem:$0xA400] =	vst v63  }
0x236: {  	_ =	swait.ge [sflag:s15], $0x1000  }
0x237: {  	[sflag:s15] =	ssyncset.done $0x0  }
0x238: {  	[sflag:s15] =	ssyncadd.s32 $0xFFFFF000  }
0x239: {  	[tilespmem:s8], [sflag:$0x4] =	stream.indirect.gather [hbm4b:s6+s7], $0x8, s25, s7, $0xb8;
	[tilespmem:$0xA400] =	vst v63  }
0x23a: {  	_ =	swait.ge [sflag:s19], $0x1000  }
0x23b: {  	[sflag:s19] =	ssyncset.done $0x0  }
0x23c: {  	[sflag:s19] =	ssyncadd.s32 $0xFFFFF000  }
0x23d: {  	[spmem:s2] =	stream.indirect.scatter.add.f32 [tilespmem:s11], [sflag:$0x5], $0x8, s24, s7, $0xb8;
	[tilespmem:$0xA400] =	vst v63  }
0x23e: {  	_ =	swait.ge [sflag:s18], $0x1000  }
0x23f: {  	[sflag:s18] =	ssyncset.done $0x0  }
0x240: {  	[sflag:s18] =	ssyncadd.s32 $0xFFFFF000  }
0x241: {  	[spmem:s2] =	stream.indirect.scatter.add.f32 [tilespmem:s10], [sflag:$0x6], $0x8, s23, s7, $0xb8;
	[tilespmem:$0xA400] =	vst v63  }
0x242: {  	_ =	swait.ge [sflag:s17], $0x1000  }
0x243: {  	[sflag:s17] =	ssyncset.done $0x0  }
0x244: {  	[sflag:s17] =	ssyncadd.s32 $0xFFFFF000  }
0x245: {  	[spmem:s2] =	stream.indirect.scatter.add.f32 [tilespmem:s9], [sflag:$0x7], $0x8, s22, s7, $0xb8;
	[tilespmem:$0xA400] =	vst v63  }
0x246: {  	_ =	swait.ge [sflag:s16], $0x1000  }
0x247: {  	[sflag:s16] =	ssyncset.done $0x0  }
0x248: {  	s30 =	simm.s32 $0x4E00;
	[sflag:s16] =	ssyncadd.s32 $0xFFFFF000  }
0x249: {  	[spmem:s2] =	stream.indirect.scatter.add.f32 [tilespmem:s8], [sflag:$0x8], $0x8, s30, s7, $0xb8;
	[tilespmem:$0xA400] =	vst v63  }
0x24a: {  	_ =	swait.ge [sflag:s12], $0x1000  }
0x24b: {  	[sflag:s12] =	ssyncset.done $0x0  }
0x24c: {  	[sflag:s12] =	ssyncadd.s32 $0xFFFFF000  }
0x24d: {  	_ =	swait.ge [sflag:s13], $0x1000  }
0x24e: {  	[sflag:s13] =	ssyncset.done $0x0  }
0x24f: {  	[sflag:s13] =	ssyncadd.s32 $0xFFFFF000  }
0x250: {  	_ =	swait.ge [sflag:s14], $0x1000  }
0x251: {  	[sflag:s14] =	ssyncset.done $0x0  }
0x252: {  	[sflag:s14] =	ssyncadd.s32 $0xFFFFF000  }
0x253: {  	_ =	swait.ge [sflag:s15], $0x1000  }
0x254: {  	[sflag:s15] =	ssyncset.done $0x0  }
0x255: {  	[sflag:s15] =	ssyncadd.s32 $0xFFFFF000  }
0x256: {  	[bflag:$0x0] =	sbarrier.arrive $0xFFFF  }
0x257: {  	s31 =	rddreg [dreg:$0x7]  }
0x258: {  	[hbm:s31], [sflag:s3] =	dma.local [spmem:s4], $0x280  }
0x259: {  	_ =	swait.ge [sflag:s5], $0x280  }
0x25a: {  	[sflag:s5] =	ssyncset.done $0x0  }
0x25b: {  	[sflag:s5] =	ssyncadd.s32 $0xFFFFFD80  }
0x25c: {  	_ =	sfence.sel $0x180000  }
0x25d: {  	[bflag:$0x0] =	sbarrier.arrive $0xFFFF  }
0x25e: {  	_ =	strace $0x9000004A  }
0x25f: {  	[bflag:$0x2] =	sbarrier.arrive $0xFFFF  }
0x260: {  	p0 =	sne.s32 s20, $0x0;
	s0 =	rddreg [dreg:$0x3]  }
0x261: {  	s0 =	sadd.s32 @!p0 $0x100000, s0  }
0x262: {  	[sflag:s0] =	ssyncadd.tile.s32 @!p0 $0x1;
	_ =	shalt  }
.LBB2_1:
.Ltmp3:
0x263: {  	(pc) =	sbr.rel .LBB2_6-.Ltmp3, $4  }
0x264: {  	_ = 	snop  }
0x265: {  	s21 =	simm.s32 $0x4600;
	s29 =	simm.s32 $0x2000  }
0x266: {  	s28 =	simm.s32 $0x2400;
	s26 =	simm.s32 $0x2200;
	s25 =	simm.s32 $0x2600  }
0x267: {  	s24 =	simm.s32 $0x4800;
	s23 =	simm.s32 $0x4A00;
	s22 =	simm.s32 $0x4C00  }
.LBB2_3:
.Ltmp4:
0x268: {  	(pc) =	sbr.rel .LBB2_6-.Ltmp4, $4  }
0x269: {  	_ = 	snop  }
0x26a: {  	s21 =	simm.s32 $0x4600;
	s29 =	simm.s32 $0x2000;
	s28 =	simm.s32 $0x2400  }
0x26b: {  	s26 =	simm.s32 $0x2200;
	s25 =	simm.s32 $0x2600;
	s24 =	simm.s32 $0x4800  }
0x26c: {  	s23 =	simm.s32 $0x4A00;
	s22 =	simm.s32 $0x4C00;
	s20 =	stileid.u32  }
.Lfunc_end2:
_tile_overlayer_lowered:
.L_overlay_start_2:
0x26d: {  	(tag) =	ssettag $0x2  }
0x26e: {  	s0 =	rddreg [dreg:$0x0];
	s2 =	stileid.u32  }
0x26f: {  	s1 =	rddreg [dreg:$0x1];
	p0 =	sne.s32 s2, $0x0  }
0x270: {  	s3 =	rddreg [dreg:$0x2];
	[bflag:$0x3] =	sbarrier.arrive $0xFFFF;
	s2 =	simm.s32 @!p0 $0x1C09  }
0x271: {  	[timem:s3], [sflag:s2] =	dma.local @!p0 [hbm:s0], s1  }
0x272: {  	s0 =	simm.s32 @!p0 $0x9  }
0x273: {  	_ =	swait.ge @!p0 [sflag:s0], s1  }
0x274: {  	s1 =	ssub.s32 @!p0 $0x0, s1;
	[sflag:s0] =	ssyncset.done @!p0 $0x0  }
0x275: {  	[sflag:s0] =	ssyncadd.s32 @!p0 s1  }
0x276: {  	[bflag:$0x3] =	sbarrier.arrive $0xFFFF  }
0x277: {  	_ =	shalt  }

// kernel: kernel.14.cloned.1.call-start
scs
__scs_entry_jumppad:
0x0: {  	(pc) =	sbr.rel $0x88, $3  }
0x1: {  	(tag) =	ssettag $0x0;
	lr =	simm.s32 $0x1  }
0x2: {  	[smem:$0x3F97] =	sst lr;
	_ =	strace $0xD0000000  }
0x3: {  	_ = 	snop  }
0x4: {  	_ = 	snop  }
0x5: {  	_ = 	snop  }
0x6: {  	_ = 	snop  }
0x7: {  	_ = 	snop  }
__scs_overlays_trampoline_lowered:
0x8: {  	[smem:$0x3FA6] =	sst s0  }
0x9: {  	[smem:$0x3FA7] =	sst s1  }
0xa: {  	[smem:$0x3FA8] =	sst s2  }
0xb: {  	[smem:$0x3FA9] =	sst s3  }
0xc: {  	[smem:$0x3FAA] =	sst s4  }
0xd: {  	[smem:$0x3FAB] =	sst s5  }
0xe: {  	[smem:$0x3FAC] =	sst s6  }
0xf: {  	[smem:$0x3FAD] =	sst s7  }
0x10: {  	[smem:$0x3FAE] =	sst s8  }
0x11: {  	[smem:$0x3FAF] =	sst s9;
	s0 =	simm.s32 @!p0 $0x0  }
0x12: {  	s1 =	sld [smem:$0x3F95];
	s0 =	simm.s32 @p0 $0x1  }
0x13: {  	[smem:$0x3FB0] =	sst s0;
	s0 =	simm.s32 @!p1 $0x0  }
0x14: {  	s2 =	sld [smem:$0x3F94];
	s0 =	simm.s32 @p1 $0x1  }
0x15: {  	[smem:$0x3FB1] =	sst s0;
	s0 =	simm.s32 @!p2 $0x0  }
0x16: {  	s3 =	sld [smem:$0x3FDB];
	s0 =	simm.s32 @p2 $0x1  }
0x17: {  	s4 =	simm.s32 $0x1BF5;
	[smem:$0x3FB3] =	sst s0  }
0x18: {  	s0 =	sld [smem:$0x3F96];
	_ =	swait.ge [sflag:s4], $0x0  }
0x19: {  	s7 =	sld [smem:$0x3F97]  }
0x1a: {  	s8 =	sadd.s32 $0xFFFFE003, lr  }
0x1b: {  	s9 =	sadd.s32 $0xFFFFFEF7, lr;
	s5 =	simm.s32 $0xFFFFFFFF;
	p2 =	slt.u32 s8, $0xFFFFF086  }
0x1c: {  	p1 =	slt.u32 s9, $0xF7A;
	s5 =	simm.s32 @!p2 $0x0  }
0x1d: {  	s5 =	simm.s32 @p1 $0x1;
	p0 =	seq.s32 s7, s2  }
0x1e: {  	s7 =	smul.u32 @!p0 $0xF7A, s2;
	p2 =	seq.s32 @!p0 s5, $0x0  }
0x1f: {  	s9 =	smul.u32 $0xF7A, s1;
	s8 =	simm.s32 @!p0 $0x1BF5;
	p2 =	por !p2, p0  }
0x20: {  	[sflag:s8] =	ssyncset.s32 @!p0 $0xFFFFF086;
	s6 =	sadd.s32 @!p0 s3, s7;
	s7 =	simm.s32 @!p0 $0x108  }
0x21: {  	s3 =	sadd.s32 s3, s9;
	s6 =	sadd.s32 @!p0 $0x88, s6;
	s7 =	simm.s32 @p2 $0x1082  }
0x22: {  	[simem:s7], [sflag:s8] =	dma.local @!p0 [hbm:s6], $0xF7A  }
0x23: {  	s9 =	sor.u32 $0xD0000000, s2;
	s6 =	simm.s32 $0x108;
	_ =	swait.ge @!p0 [sflag:s8], $0x0  }
0x24: {  	s3 =	sadd.s32 $0x88, s3;
	s6 =	simm.s32 @!p1 $0x1082;
	[sflag:s4] =	ssyncset.s32 $0xFFFFF086  }
0x25: {  	[simem:s6], [sflag:s4] =	dma.local [hbm:s3], $0xF7A  }
0x26: {  	[smem:$0x3F97] =	sst s1;
	(tag) =	ssettag s2;
	_ =	strace s9  }
0x27: {  	s1 =	sld [smem:$0x3FA7]  }
0x28: {  	s2 =	sld [smem:$0x3FA8]  }
0x29: {  	s4 =	sld [smem:$0x3FAA]  }
0x2a: {  	p0 =	seq.s32 s5, $0x0;
	s5 =	sld [smem:$0x3FAB]  }
0x2b: {  	s6 =	sld [smem:$0x3FAC]  }
0x2c: {  	s7 =	sld [smem:$0x3FAD]  }
0x2d: {  	s3 =	simm.s32 $0x108;
	s8 =	sld [smem:$0x3FAE]  }
0x2e: {  	s3 =	simm.s32 @!p0 $0x1082;
	s9 =	sld [smem:$0x3FAF]  }
0x2f: {  	lr =	sadd.s32 s0, s3;
	s0 =	sld [smem:$0x3FA6]  }
0x30: {  	s3 =	sld [smem:$0x3FA9]  }
0x31: {  	[smem:$0x3FB2] =	sst s10  }
0x32: {  	s10 =	sld [smem:$0x3FB0];
	_ =	sdelay $0x3  }
0x33: {  	p0 =	seq.s32 s10, $0x1;
	s10 =	sld [smem:$0x3FB2];
	_ =	sdelay $0x3  }
0x34: {  	[smem:$0x3FB2] =	sst s10  }
0x35: {  	s10 =	sld [smem:$0x3FB1];
	_ =	sdelay $0x3  }
0x36: {  	p1 =	seq.s32 s10, $0x1;
	s10 =	sld [smem:$0x3FB2];
	_ =	sdelay $0x3  }
0x37: {  	[smem:$0x3FB2] =	sst s10  }
0x38: {  	s10 =	sld [smem:$0x3FB3]  }
0x39: {  	_ = 	snop;
	(pc) =	sbr.ind lr, $3  }
0x3a: {  	_ = 	snop  }
0x3b: {  	_ = 	snop  }
0x3c: {  	p2 =	seq.s32 s10, $0x1;
	s10 =	sld [smem:$0x3FB2]  }
0x3d: {  	_ =	shalt  }
0x3e: {  	_ =	shalt  }
0x3f: {  	_ =	shalt  }
0x40: {  	_ =	shalt  }
0x41: {  	_ =	shalt  }
0x42: {  	_ =	shalt  }
0x43: {  	_ =	shalt  }
0x44: {  	_ =	shalt  }
0x45: {  	_ =	shalt  }
0x46: {  	_ =	shalt  }
0x47: {  	_ =	shalt  }
0x48: {  	_ =	shalt  }
0x49: {  	_ =	shalt  }
0x4a: {  	_ =	shalt  }
0x4b: {  	_ =	shalt  }
0x4c: {  	_ =	shalt  }
0x4d: {  	_ =	shalt  }
0x4e: {  	_ =	shalt  }
0x4f: {  	_ =	shalt  }
0x50: {  	_ =	shalt  }
0x51: {  	_ =	shalt  }
0x52: {  	_ =	shalt  }
0x53: {  	_ =	shalt  }
0x54: {  	_ =	shalt  }
0x55: {  	_ =	shalt  }
0x56: {  	_ =	shalt  }
0x57: {  	_ =	shalt  }
0x58: {  	_ =	shalt  }
0x59: {  	_ =	shalt  }
0x5a: {  	_ =	shalt  }
0x5b: {  	_ =	shalt  }
0x5c: {  	_ =	shalt  }
0x5d: {  	_ =	shalt  }
0x5e: {  	_ =	shalt  }
0x5f: {  	_ =	shalt  }
0x60: {  	_ =	shalt  }
0x61: {  	_ =	shalt  }
0x62: {  	_ =	shalt  }
0x63: {  	_ =	shalt  }
0x64: {  	_ =	shalt  }
0x65: {  	_ =	shalt  }
0x66: {  	_ =	shalt  }
0x67: {  	_ =	shalt  }
0x68: {  	_ =	shalt  }
0x69: {  	_ =	shalt  }
0x6a: {  	_ =	shalt  }
0x6b: {  	_ =	shalt  }
0x6c: {  	_ =	shalt  }
0x6d: {  	_ =	shalt  }
0x6e: {  	_ =	shalt  }
0x6f: {  	_ =	shalt  }
0x70: {  	_ =	shalt  }
0x71: {  	_ =	shalt  }
0x72: {  	_ =	shalt  }
0x73: {  	_ =	shalt  }
0x74: {  	_ =	shalt  }
0x75: {  	_ =	shalt  }
0x76: {  	_ =	shalt  }
0x77: {  	_ =	shalt  }
0x78: {  	_ =	shalt  }
0x79: {  	_ =	shalt  }
0x7a: {  	_ =	shalt  }
0x7b: {  	_ =	shalt  }
0x7c: {  	_ =	shalt  }
0x7d: {  	_ =	shalt  }
0x7e: {  	_ =	shalt  }
0x7f: {  	_ =	shalt  }
0x80: {  	_ =	shalt  }
0x81: {  	_ =	shalt  }
0x82: {  	_ =	shalt  }
0x83: {  	_ =	shalt  }
0x84: {  	_ =	shalt  }
0x85: {  	_ =	shalt  }
0x86: {  	_ =	shalt  }
0x87: {  	_ =	shalt  }
.Lfunc_end0:
.L_simem_size_0:
called_computation.2_lowered:
.L_overlay_start_0:
0x88: {  	s2 =	sld [smem:$0x3FD9]  }
0x89: {  	s3 =	sld [smem:$0x3FFE];
	_ =	sdelay $0x1  }
0x8a: {  	s1 =	srdreg.scid  }
0x8b: {  	s0 =	sand.u32 $0x1, s1  }
0x8c: {  	s17 =	sshll.u32 s0, $0xA;
	s2 =	sadd.s32 s3, s2  }
0x8d: {  	s2 =	sadd.s32 s2, s17  }
0x8e: {  	[smem:$0x3FBE] =	sst s2  }
0x8f: {  	_ = 	snop  }
0x90: {  	s2 =	sld [smem:$0x3FD0];
	(tm) =	ssettm $0x1  }
0x91: {  	s18 =	sld [smem:$0x3FFB];
	_ =	sdelay $0x3  }
0x92: {  	_ =	strace s18  }
0x93: {  	s3 =	sld [smem:$0x3FFC];
	_ =	sdelay $0x3  }
0x94: {  	_ =	strace s3  }
0x95: {  	s3 =	sld [smem:$0x3FFD];
	_ =	sdelay $0x3  }
0x96: {  	_ =	strace s3  }
0x97: {  	_ =	strace $0x8FFFFFFF  }
0x98: {  	s19 =	sld [smem:$0x3FDB];
	_ =	sdelay $0x1  }
0x99: {  	s4 =	simm.s32 $_scs_section_size  }
0x9a: {  	s5 =	simm.s32 $_size__tile_overlayer_lowered;
	s6 =	simm.s32 $_tile_overlayer_lowered  }
0x9b: {  	s22 =	simm.s32 $0x1BFF;
	s21 =	sshll.u32 s6, $0x1;
	s3 =	sadd.s32 s4, s19  }
0x9c: {  	s7 =	simm.s32 $0x0;
	s20 =	sshll.u32 s5, $0x1;
	s5 =	sadd.s32 s21, s3  }
0x9d: {  	[timem:s7], [sflag:s22] =	dma.local [hbm:s5], s20  }
0x9e: {  	_ =	swait.ge [sflag:s22], s20  }
0x9f: {  	s4 =	ssub.s32 $0x0, s20;
	[sflag:s22] =	ssyncset.done $0x0  }
0xa0: {  	[sflag:s22] =	ssyncadd.s32 s4;
	_ =	sdelay $0x1  }
0xa1: {  	s23 =	simm.s32 $0x1B8B  }
0xa2: {  	_ =	swait.ge [sflag:s23], $0x1  }
0xa3: {  	[sflag:s23] =	ssyncset.done $0x0  }
0xa4: {  	s25 =	simm.s32 $0x1B8E;
	s24 =	sld [smem:$0x3FFE];
	[sflag:s23] =	ssyncadd.s32 $0xFFFFFFFF  }
0xa5: {  	s26 =	simm.s32 $execute0_lowered;
	[smem:$0x3FD2] =	sst s25  }
0xa6: {  	s5 =	sshll.u32 s26, $0x1;
	_ =	strace $0x8000004C;
	[dreg:$0x1] =	wrdreg $0xFFFFFFFF  }
0xa7: {  	s28 =	simm.s32 $_size_execute0_lowered;
	s3 =	sadd.s32 s3, s5;
	[dreg:$0x0] =	wrdreg $0x0  }
0xa8: {  	s5 =	sshll.u32 s28, $0x1;
	[dreg:$0x2] =	wrdreg s3  }
0xa9: {  	[dreg:$0x3] =	wrdreg s5  }
0xaa: {  	[dreg:$0x4] =	wrdreg $0xC0  }
0xab: {  	_ =	task [dreg:s7], $0x5FFFF  }
0xac: {  	[dreg:$0x1] =	wrdreg $0xFFFFFFFF  }
0xad: {  	[dreg:$0x0] =	wrdreg $0x60  }
0xae: {  	[dreg:$0x2] =	wrdreg s2  }
0xaf: {  	[dreg:$0x3] =	wrdreg s24  }
0xb0: {  	[dreg:$0x4] =	wrdreg $0x90000  }
0xb1: {  	[dreg:$0x5] =	wrdreg $0x9  }
0xb2: {  	_ =	task.clear_ibuf [dreg:s7], $0x6FFFF;
	_ =	strace $0x9000004C  }
0xb3: {  	s29 =	simm.s32 $0x9;
	_ =	strace $0x8000004E  }
0xb4: {  	_ =	swait.ge [sflag:s29], $0x1  }
0xb5: {  	[sflag:s29] =	ssyncadd.s32 $0xFFFFFFFF  }
0xb6: {  	_ =	strace $0x9000004E  }
0xb7: {  	_ =	sfence  }
0xb8: {  	s30 =	sld [smem:$0x0];
	_ =	sdelay $0x2  }
0xb9: {  	s31 =	sshll.u32 s1, $0xD;
	s1 =	sshrl.u32 s1, $0x2  }
0xba: {  	s3 =	sand.u32 $0x4000, s31;
	s1 =	sadd.s32 s1, s30  }
0xbb: {  	s0 =	sor.u32 s3, s0;
	s1 =	sshll.u32 s1, $0x11  }
0xbc: {  	s0 =	sor.u32 s1, s0  }
0xbd: {  	s0 =	sadd.s32 $0x8F2B, s0  }
0xbe: {  	[sflag:s0] =	ssyncadd.remote.s32 $0x1  }
0xbf: {  	_ =	sfence.sel $0xFFFF  }
0xc0: {  	[dreg:$0x0] =	wrdreg $0xFFFFFFFF;
	(pc) =	sbr.abs _section_cstart, $3  }
0xc1: {  	[dreg:$0x1] =	wrdreg $0xFFFFFFFF  }
0xc2: {  	_ =	task.clear_ibuf [dreg:s7], $0x2FFFF;
	_ =	strace $0x9FFFFFFF  }
0xc3: {  	(tm) =	ssettm $0x7FFFFFFF  }
tec
execute0_lowered:
.L_overlay_start_1:
0x0: {  	(tag) =	ssettag $0x1  }
0x1: {  	s1 =	rddreg [dreg:$0x0]  }
0x2: {  	s3 =	rddreg [dreg:$0x1]  }
0x3: {  	s2 =	rddreg [dreg:$0x2];
	s30 =	simm.s32 $0x0  }
0x4: {  	s0 =	srdreg.scid;
	s13 =	simm.s32 $0x400;
	[smem:$0x7FF] =	sst s30  }
0x5: {  	s14 =	simm.s32 $0x600;
	_ =	strace $0x8000004D;
	[dreg:$0x8] =	wrdreg s13  }
0x6: {  	s20 =	stileid.u32;
	s15 =	simm.s32 $0x2A00;
	[dreg:$0x9] =	wrdreg s14  }
0x7: {  	s16 =	simm.s32 $0x2C00;
	s17 =	simm.s32 $0x2E00;
	[dreg:$0xa] =	wrdreg s15  }
0x8: {  	s18 =	simm.s32 $0x800;
	s19 =	simm.s32 $0xA00;
	[dreg:$0xb] =	wrdreg s16  }
0x9: {  	s22 =	simm.s32 $0xC00;
	s23 =	simm.s32 $0xE00;
	[dreg:$0xc] =	wrdreg s17  }
0xa: {  	s25 =	simm.s32 $0x3000;
	s9 =	simm.s32 $0x1000;
	[dreg:$0xd] =	wrdreg s18  }
0xb: {  	s31 =	simm.s32 $0x2800;
	s29 =	simm.s32 $0x2000;
	[dreg:$0xe] =	wrdreg s19  }
0xc: {  	p0 =	por $0x0, $0x0;
	s28 =	simm.s32 $0x2400;
	[dreg:$0xf] =	wrdreg s22  }
0xd: {  	s0 =	sand.u32 $0x1, s0;
	s5 =	smul.u32 $0x1400, s20;
	[dreg:$0x10] =	wrdreg s23  }
0xe: {  	s26 =	sshll.u32 s20, $0x6;
	s4 =	sshll.u32 s0, $0x4;
	[dreg:$0x11] =	wrdreg s25  }
0xf: {  	s7 =	smul.u32 $0x14000, s0;
	s0 =	ssub.s32 $0x2, s0;
	[dreg:$0x15] =	wrdreg s9  }
0x10: {  	s13 =	simm.s32 $0x3800;
	s14 =	simm.s32 $0x3A00;
	s9 =	simm.s32 $0x7000  }
0x11: {  	s15 =	simm.s32 $0x3C00;
	s16 =	simm.s32 $0x3E00;
	[dreg:$0x19] =	wrdreg s13  }
0x12: {  	s19 =	simm.s32 $0x1;
	s17 =	simm.s32 $0x1800;
	[dreg:$0x1a] =	wrdreg s14  }
0x13: {  	s18 =	simm.s32 $0x2;
	s22 =	simm.s32 $0x1C00;
	[dreg:$0x1b] =	wrdreg s15  }
0x14: {  	s23 =	simm.s32 $0x1E00;
	s25 =	simm.s32 $0x4200;
	[dreg:$0x1c] =	wrdreg s16  }
0x15: {  	s4 =	sor.u32 s20, s4;
	s6 =	sshrl.u32 s5, $0x3;
	[dreg:$0x1d] =	wrdreg s17  }
0x16: {  	s21 =	sshrl.u32 s0, $0x1;
	s24 =	sadd.s32 s5, s2;
	[dreg:$0x1f] =	wrdreg s22  }
0x17: {  	s17 =	simm.s32 $0x3;
	s16 =	simm.s32 $0x4;
	[smem:$0x7FA] =	sst s23  }
0x18: {  	s13 =	simm.s32 $0x6;
	s14 =	simm.s32 $0x7;
	[smem:$0x7FC] =	sst s25  }
0x19: {  	s15 =	simm.s32 $0x8;
	s25 =	simm.s32 $0x2600;
	s23 =	simm.s32 $0x4A00  }
0x1a: {  	s22 =	simm.s32 $0x4C00;
	s4 =	smul.u32 $0x500, s4;
	s6 =	sadd.s32 s6, s3  }
0x1b: {  	s7 =	sadd.s32 s5, s7;
	s0 =	ssub.s32 s0, s21;
	s5 =	simm.s32 $0x3200  }
0x1c: {  	s21 =	simm.s32 $0x1A00;
	s6 =	sadd.s32 $0x15400, s6;
	s7 =	sshrl.u32 s7, $0x3  }
0x1d: {  	[dreg:$0x12] =	wrdreg s5;
	s0 =	smax.u32 s0, $0x1;
	s5 =	simm.s32 $0x9  }
0x1e: {  	[dreg:$0x1e] =	wrdreg s21;
	s21 =	simm.s32 $0x4E00;
	s8 =	sadd.s32 s4, s3  }
0x1f: {  	[dreg:$0x4] =	wrdreg s6;
	s1 =	sadd.s32 s1, s4;
	s10 =	sadd.s32 s7, s3  }
0x20: {  	s6 =	sadd.s32 $0x17C00, s3;
	s7 =	simm.s32 $0x3400;
	[dreg:$0x5] =	wrdreg s1  }
0x21: {  	s4 =	sshrl.u32 s24, $0x3;
	s24 =	simm.s32 $0x4000;
	[dreg:$0x13] =	wrdreg s7  }
0x22: {  	s3 =	sor.u32 $0x1C09, s26;
	s26 =	simm.s32 $0x4400;
	[smem:$0x7FB] =	sst s24  }
0x23: {  	p1 =	sne.s32 s0, $0x1;
	s11 =	sadd.s32 $0x1CE00, s8;
	[smem:$0x7FD] =	sst s26  }
0x24: {  	s12 =	sadd.s32 $0x1800, s10;
	s1 =	sadd.s32 $0xFFFFFFFF, s0;
	s0 =	rddreg [dreg:$0x4]  }
0x25: {  	s8 =	simm.s32 $0x3600;
	s10 =	simm.s32 $0x1200;
	[dreg:$0x6] =	wrdreg s11  }
.Ltmp0:
0x26: {  	s7 =	simm.s32 $0x200;
	[dreg:$0x7] =	wrdreg s12;
	(pc) =	sbr.rel @!p1 .LBB2_1-.Ltmp0, $4  }
0x27: {  	s26 =	simm.s32 $0x4600;
	s24 =	simm.s32 $0x4800;
	[dreg:$0x14] =	wrdreg s8  }
0x28: {  	[dreg:$0x16] =	wrdreg s10;
	s11 =	simm.s32 $0x1400;
	s12 =	simm.s32 $0x1600  }
0x29: {  	s10 =	simm.s32 $0x6000;
	s8 =	simm.s32 $0x8000;
	[dreg:$0x17] =	wrdreg s11  }
0x2a: {  	s11 =	simm.s32 $0x5000;
	[dreg:$0x18] =	wrdreg s12;
	s12 =	simm.s32 $0x5  }
0x2b: {  	[spmem:s4], [sflag:s3] =	dma.local [hbm:s0], $0x280  }
0x2c: {  	_ =	swait.ge [sflag:s5], $0x280  }
0x2d: {  	[sflag:s5] =	ssyncset.done $0x0  }
0x2e: {  	s20 =	rddreg [dreg:$0x5];
	[sflag:s5] =	ssyncadd.s32 $0xFFFFFD80  }
0x2f: {  	[tilespmem:s30], [sflag:$0x9] =	stream.linear.gather [hbm4b:s20+s30], $0x2800, $0x38;
	[tilespmem:$0xA400] =	vst v63  }
0x30: {  	_ =	swait.ge [sflag:s5], $0x2800  }
0x31: {  	[sflag:s5] =	ssyncset.done $0x0  }
0x32: {  	s20 =	rddreg [dreg:$0x6];
	[sflag:s5] =	ssyncadd.s32 $0xFFFFD800  }
0x33: {  	[tilespmem:s31], [sflag:$0x9] =	stream.linear.gather [hbm4b:s20+s30], $0x2800, $0x38;
	[tilespmem:$0xA400] =	vst v63  }
0x34: {  	_ =	swait.ge [sflag:s5], $0x2800  }
0x35: {  	[sflag:s5] =	ssyncset.done $0x0  }
0x36: {  	[sflag:s5] =	ssyncadd.s32 $0xFFFFD800  }
0x37: {  	[bflag:$0x0] =	sbarrier.arrive $0xFFFF  }
0x38: {  	[tilespmem:s11], [sflag:$0x1] =	stream.indirect.gather [hbm4b:s6+s7], $0x8, s30, s7, $0xb8;
	[tilespmem:$0xA400] =	vst v63  }
0x39: {  	_ = 	snop  }
0x3a: {  	[tilespmem:s10], [sflag:$0x2] =	stream.indirect.gather [hbm4b:s6+s7], $0x8, s7, s7, $0xb8;
	[tilespmem:$0xA400] =	vst v63  }
0x3b: {  	s0 =	rddreg [dreg:$0x8]  }
0x3c: {  	[tilespmem:s9], [sflag:$0x3] =	stream.indirect.gather [hbm4b:s6+s7], $0x8, s0, s7, $0xb8;
	[tilespmem:$0xA400] =	vst v63  }
0x3d: {  	s20 =	smov.u32 s1;
	s1 =	rddreg [dreg:$0x9]  }
0x3e: {  	[tilespmem:s8], [sflag:$0x4] =	stream.indirect.gather [hbm4b:s6+s7], $0x8, s1, s7, $0xb8;
	[tilespmem:$0xA400] =	vst v63  }
0x3f: {  	_ =	swait.ge [sflag:s19], $0x1000  }
0x40: {  	[sflag:s19] =	ssyncset.done $0x0  }
0x41: {  	[sflag:s19] =	ssyncadd.s32 $0xFFFFF000  }
0x42: {  	[spmem:s2] =	stream.indirect.scatter.add.f32 [tilespmem:s11], [sflag:$0x5], $0x8, s31, s7, $0xb8;
	[tilespmem:$0xA400] =	vst v63  }
0x43: {  	_ =	swait.ge [sflag:s18], $0x1000  }
0x44: {  	[sflag:s18] =	ssyncset.done $0x0  }
0x45: {  	s1 =	rddreg [dreg:$0xa];
	[sflag:s18] =	ssyncadd.s32 $0xFFFFF000  }
0x46: {  	[spmem:s2] =	stream.indirect.scatter.add.f32 [tilespmem:s10], [sflag:$0x6], $0x8, s1, s7, $0xb8;
	[tilespmem:$0xA400] =	vst v63  }
0x47: {  	_ =	swait.ge [sflag:s17], $0x1000  }
0x48: {  	[sflag:s17] =	ssyncset.done $0x0  }
0x49: {  	s1 =	rddreg [dreg:$0xb];
	[sflag:s17] =	ssyncadd.s32 $0xFFFFF000  }
0x4a: {  	[spmem:s2] =	stream.indirect.scatter.add.f32 [tilespmem:s9], [sflag:$0x7], $0x8, s1, s7, $0xb8;
	[tilespmem:$0xA400] =	vst v63  }
0x4b: {  	_ =	swait.ge [sflag:s16], $0x1000  }
0x4c: {  	[sflag:s16] =	ssyncset.done $0x0  }
0x4d: {  	s1 =	rddreg [dreg:$0xc];
	[sflag:s16] =	ssyncadd.s32 $0xFFFFF000  }
0x4e: {  	[spmem:s2] =	stream.indirect.scatter.add.f32 [tilespmem:s8], [sflag:$0x8], $0x8, s1, s7, $0xb8;
	[tilespmem:$0xA400] =	vst v63  }
0x4f: {  	_ =	swait.ge [sflag:s12], $0x1000  }
0x50: {  	[sflag:s12] =	ssyncset.done $0x0  }
0x51: {  	s1 =	rddreg [dreg:$0xd];
	[sflag:s12] =	ssyncadd.s32 $0xFFFFF000  }
0x52: {  	[tilespmem:s11], [sflag:$0x1] =	stream.indirect.gather [hbm4b:s6+s7], $0x8, s1, s7, $0xb8;
	[tilespmem:$0xA400] =	vst v63  }
0x53: {  	_ =	swait.ge [sflag:s13], $0x1000  }
0x54: {  	[sflag:s13] =	ssyncset.done $0x0  }
0x55: {  	s1 =	rddreg [dreg:$0xe];
	[sflag:s13] =	ssyncadd.s32 $0xFFFFF000  }
0x56: {  	[tilespmem:s10], [sflag:$0x2] =	stream.indirect.gather [hbm4b:s6+s7], $0x8, s1, s7, $0xb8;
	[tilespmem:$0xA400] =	vst v63  }
0x57: {  	_ =	swait.ge [sflag:s14], $0x1000  }
0x58: {  	[sflag:s14] =	ssyncset.done $0x0  }
0x59: {  	s1 =	rddreg [dreg:$0xf];
	[sflag:s14] =	ssyncadd.s32 $0xFFFFF000  }
0x5a: {  	[tilespmem:s9], [sflag:$0x3] =	stream.indirect.gather [hbm4b:s6+s7], $0x8, s1, s7, $0xb8;
	[tilespmem:$0xA400] =	vst v63  }
0x5b: {  	_ =	swait.ge [sflag:s15], $0x1000  }
0x5c: {  	[sflag:s15] =	ssyncset.done $0x0  }
0x5d: {  	s1 =	rddreg [dreg:$0x10];
	[sflag:s15] =	ssyncadd.s32 $0xFFFFF000  }
0x5e: {  	[tilespmem:s8], [sflag:$0x4] =	stream.indirect.gather [hbm4b:s6+s7], $0x8, s1, s7, $0xb8;
	[tilespmem:$0xA400] =	vst v63  }
0x5f: {  	_ =	swait.ge [sflag:s19], $0x1000  }
0x60: {  	[sflag:s19] =	ssyncset.done $0x0  }
0x61: {  	s1 =	rddreg [dreg:$0x11];
	[sflag:s19] =	ssyncadd.s32 $0xFFFFF000  }
0x62: {  	[spmem:s2] =	stream.indirect.scatter.add.f32 [tilespmem:s11], [sflag:$0x5], $0x8, s1, s7, $0xb8;
	[tilespmem:$0xA400] =	vst v63  }
0x63: {  	_ =	swait.ge [sflag:s18], $0x1000  }
0x64: {  	[sflag:s18] =	ssyncset.done $0x0  }
0x65: {  	s1 =	rddreg [dreg:$0x12];
	[sflag:s18] =	ssyncadd.s32 $0xFFFFF000  }
0x66: {  	[spmem:s2] =	stream.indirect.scatter.add.f32 [tilespmem:s10], [sflag:$0x6], $0x8, s1, s7, $0xb8;
	[tilespmem:$0xA400] =	vst v63  }
0x67: {  	_ =	swait.ge [sflag:s17], $0x1000  }
0x68: {  	[sflag:s17] =	ssyncset.done $0x0  }
0x69: {  	s1 =	rddreg [dreg:$0x13];
	[sflag:s17] =	ssyncadd.s32 $0xFFFFF000  }
0x6a: {  	[spmem:s2] =	stream.indirect.scatter.add.f32 [tilespmem:s9], [sflag:$0x7], $0x8, s1, s7, $0xb8;
	[tilespmem:$0xA400] =	vst v63  }
0x6b: {  	_ =	swait.ge [sflag:s16], $0x1000  }
0x6c: {  	[sflag:s16] =	ssyncset.done $0x0  }
0x6d: {  	s1 =	rddreg [dreg:$0x14];
	[sflag:s16] =	ssyncadd.s32 $0xFFFFF000  }
0x6e: {  	[spmem:s2] =	stream.indirect.scatter.add.f32 [tilespmem:s8], [sflag:$0x8], $0x8, s1, s7, $0xb8;
	[tilespmem:$0xA400] =	vst v63  }
0x6f: {  	_ =	swait.ge [sflag:s12], $0x1000  }
0x70: {  	[sflag:s12] =	ssyncset.done $0x0  }
0x71: {  	s1 =	rddreg [dreg:$0x15];
	[sflag:s12] =	ssyncadd.s32 $0xFFFFF000  }
0x72: {  	[tilespmem:s11], [sflag:$0x1] =	stream.indirect.gather [hbm4b:s6+s7], $0x8, s1, s7, $0xb8;
	[tilespmem:$0xA400] =	vst v63  }
0x73: {  	_ =	swait.ge [sflag:s13], $0x1000  }
0x74: {  	[sflag:s13] =	ssyncset.done $0x0  }
0x75: {  	s1 =	rddreg [dreg:$0x16];
	[sflag:s13] =	ssyncadd.s32 $0xFFFFF000  }
0x76: {  	[tilespmem:s10], [sflag:$0x2] =	stream.indirect.gather [hbm4b:s6+s7], $0x8, s1, s7, $0xb8;
	[tilespmem:$0xA400] =	vst v63  }
0x77: {  	_ =	swait.ge [sflag:s14], $0x1000  }
0x78: {  	[sflag:s14] =	ssyncset.done $0x0  }
0x79: {  	s1 =	rddreg [dreg:$0x17];
	[sflag:s14] =	ssyncadd.s32 $0xFFFFF000  }
0x7a: {  	[tilespmem:s9], [sflag:$0x3] =	stream.indirect.gather [hbm4b:s6+s7], $0x8, s1, s7, $0xb8;
	[tilespmem:$0xA400] =	vst v63  }
0x7b: {  	_ =	swait.ge [sflag:s15], $0x1000  }
0x7c: {  	[sflag:s15] =	ssyncset.done $0x0  }
0x7d: {  	s1 =	rddreg [dreg:$0x18];
	[sflag:s15] =	ssyncadd.s32 $0xFFFFF000  }
0x7e: {  	[tilespmem:s8], [sflag:$0x4] =	stream.indirect.gather [hbm4b:s6+s7], $0x8, s1, s7, $0xb8;
	[tilespmem:$0xA400] =	vst v63  }
0x7f: {  	_ =	swait.ge [sflag:s19], $0x1000  }
0x80: {  	[sflag:s19] =	ssyncset.done $0x0  }
0x81: {  	s1 =	rddreg [dreg:$0x19];
	[sflag:s19] =	ssyncadd.s32 $0xFFFFF000  }
0x82: {  	[spmem:s2] =	stream.indirect.scatter.add.f32 [tilespmem:s11], [sflag:$0x5], $0x8, s1, s7, $0xb8;
	[tilespmem:$0xA400] =	vst v63  }
0x83: {  	_ =	swait.ge [sflag:s18], $0x1000  }
0x84: {  	[sflag:s18] =	ssyncset.done $0x0  }
0x85: {  	s1 =	rddreg [dreg:$0x1a];
	[sflag:s18] =	ssyncadd.s32 $0xFFFFF000  }
0x86: {  	[spmem:s2] =	stream.indirect.scatter.add.f32 [tilespmem:s10], [sflag:$0x6], $0x8, s1, s7, $0xb8;
	[tilespmem:$0xA400] =	vst v63  }
0x87: {  	_ =	swait.ge [sflag:s17], $0x1000  }
0x88: {  	[sflag:s17] =	ssyncset.done $0x0  }
0x89: {  	s1 =	rddreg [dreg:$0x1b];
	[sflag:s17] =	ssyncadd.s32 $0xFFFFF000  }
0x8a: {  	[spmem:s2] =	stream.indirect.scatter.add.f32 [tilespmem:s9], [sflag:$0x7], $0x8, s1, s7, $0xb8;
	[tilespmem:$0xA400] =	vst v63  }
0x8b: {  	_ =	swait.ge [sflag:s16], $0x1000  }
0x8c: {  	[sflag:s16] =	ssyncset.done $0x0  }
0x8d: {  	s1 =	rddreg [dreg:$0x1c];
	[sflag:s16] =	ssyncadd.s32 $0xFFFFF000  }
0x8e: {  	[spmem:s2] =	stream.indirect.scatter.add.f32 [tilespmem:s8], [sflag:$0x8], $0x8, s1, s7, $0xb8;
	[tilespmem:$0xA400] =	vst v63  }
0x8f: {  	_ =	swait.ge [sflag:s12], $0x1000  }
0x90: {  	[sflag:s12] =	ssyncset.done $0x0  }
0x91: {  	s1 =	rddreg [dreg:$0x1d];
	[sflag:s12] =	ssyncadd.s32 $0xFFFFF000  }
0x92: {  	[tilespmem:s11], [sflag:$0x1] =	stream.indirect.gather [hbm4b:s6+s7], $0x8, s1, s7, $0xb8;
	[tilespmem:$0xA400] =	vst v63  }
0x93: {  	_ =	swait.ge [sflag:s13], $0x1000  }
0x94: {  	[sflag:s13] =	ssyncset.done $0x0  }
0x95: {  	s1 =	rddreg [dreg:$0x1e];
	[sflag:s13] =	ssyncadd.s32 $0xFFFFF000  }
0x96: {  	[tilespmem:s10], [sflag:$0x2] =	stream.indirect.gather [hbm4b:s6+s7], $0x8, s1, s7, $0xb8;
	[tilespmem:$0xA400] =	vst v63  }
0x97: {  	_ =	swait.ge [sflag:s14], $0x1000  }
0x98: {  	[sflag:s14] =	ssyncset.done $0x0  }
0x99: {  	s1 =	rddreg [dreg:$0x1f];
	[sflag:s14] =	ssyncadd.s32 $0xFFFFF000  }
0x9a: {  	[tilespmem:s9], [sflag:$0x3] =	stream.indirect.gather [hbm4b:s6+s7], $0x8, s1, s7, $0xb8;
	[tilespmem:$0xA400] =	vst v63  }
0x9b: {  	_ =	swait.ge [sflag:s15], $0x1000  }
0x9c: {  	s1 =	sld [smem:$0x7FA]  }
0x9d: {  	[sflag:s15] =	ssyncset.done $0x0  }
0x9e: {  	[sflag:s15] =	ssyncadd.s32 $0xFFFFF000  }
0x9f: {  	[tilespmem:s8], [sflag:$0x4] =	stream.indirect.gather [hbm4b:s6+s7], $0x8, s1, s7, $0xb8;
	[tilespmem:$0xA400] =	vst v63  }
0xa0: {  	_ =	swait.ge [sflag:s19], $0x1000  }
0xa1: {  	s1 =	sld [smem:$0x7FB]  }
0xa2: {  	[sflag:s19] =	ssyncset.done $0x0  }
0xa3: {  	[sflag:s19] =	ssyncadd.s32 $0xFFFFF000  }
0xa4: {  	[spmem:s2] =	stream.indirect.scatter.add.f32 [tilespmem:s11], [sflag:$0x5], $0x8, s1, s7, $0xb8;
	[tilespmem:$0xA400] =	vst v63  }
0xa5: {  	_ =	swait.ge [sflag:s18], $0x1000  }
0xa6: {  	s1 =	sld [smem:$0x7FC]  }
0xa7: {  	[sflag:s18] =	ssyncset.done $0x0  }
0xa8: {  	[sflag:s18] =	ssyncadd.s32 $0xFFFFF000  }
0xa9: {  	[spmem:s2] =	stream.indirect.scatter.add.f32 [tilespmem:s10], [sflag:$0x6], $0x8, s1, s7, $0xb8;
	[tilespmem:$0xA400] =	vst v63  }
0xaa: {  	_ =	swait.ge [sflag:s17], $0x1000  }
0xab: {  	s1 =	sld [smem:$0x7FD]  }
0xac: {  	[sflag:s17] =	ssyncset.done $0x0  }
0xad: {  	[sflag:s17] =	ssyncadd.s32 $0xFFFFF000  }
0xae: {  	[spmem:s2] =	stream.indirect.scatter.add.f32 [tilespmem:s9], [sflag:$0x7], $0x8, s1, s7, $0xb8;
	[tilespmem:$0xA400] =	vst v63  }
0xaf: {  	_ =	swait.ge [sflag:s16], $0x1000  }
0xb0: {  	[sflag:s16] =	ssyncset.done $0x0  }
0xb1: {  	[sflag:s16] =	ssyncadd.s32 $0xFFFFF000  }
0xb2: {  	[spmem:s2] =	stream.indirect.scatter.add.f32 [tilespmem:s8], [sflag:$0x8], $0x8, s26, s7, $0xb8;
	[tilespmem:$0xA400] =	vst v63  }
0xb3: {  	_ =	swait.ge [sflag:s12], $0x1000  }
0xb4: {  	[sflag:s12] =	ssyncset.done $0x0  }
0xb5: {  	[sflag:s12] =	ssyncadd.s32 $0xFFFFF000  }
0xb6: {  	[tilespmem:s11], [sflag:$0x1] =	stream.indirect.gather [hbm4b:s6+s7], $0x8, s29, s7, $0xb8;
	[tilespmem:$0xA400] =	vst v63  }
0xb7: {  	_ =	swait.ge [sflag:s13], $0x1000  }
0xb8: {  	[sflag:s13] =	ssyncset.done $0x0  }
0xb9: {  	s1 =	simm.s32 $0x2200;
	[sflag:s13] =	ssyncadd.s32 $0xFFFFF000  }
0xba: {  	[tilespmem:s10], [sflag:$0x2] =	stream.indirect.gather [hbm4b:s6+s7], $0x8, s1, s7, $0xb8;
	[tilespmem:$0xA400] =	vst v63  }
0xbb: {  	_ =	swait.ge [sflag:s14], $0x1000  }
0xbc: {  	[sflag:s14] =	ssyncset.done $0x0  }
0xbd: {  	[sflag:s14] =	ssyncadd.s32 $0xFFFFF000  }
0xbe: {  	[tilespmem:s9], [sflag:$0x3] =	stream.indirect.gather [hbm4b:s6+s7], $0x8, s28, s7, $0xb8;
	[tilespmem:$0xA400] =	vst v63  }
0xbf: {  	_ =	swait.ge [sflag:s15], $0x1000  }
0xc0: {  	[sflag:s15] =	ssyncset.done $0x0  }
0xc1: {  	[sflag:s15] =	ssyncadd.s32 $0xFFFFF000  }
0xc2: {  	[tilespmem:s8], [sflag:$0x4] =	stream.indirect.gather [hbm4b:s6+s7], $0x8, s25, s7, $0xb8;
	[tilespmem:$0xA400] =	vst v63  }
0xc3: {  	_ =	swait.ge [sflag:s19], $0x1000  }
0xc4: {  	[sflag:s19] =	ssyncset.done $0x0  }
0xc5: {  	[sflag:s19] =	ssyncadd.s32 $0xFFFFF000  }
0xc6: {  	[spmem:s2] =	stream.indirect.scatter.add.f32 [tilespmem:s11], [sflag:$0x5], $0x8, s24, s7, $0xb8;
	[tilespmem:$0xA400] =	vst v63  }
0xc7: {  	_ =	swait.ge [sflag:s18], $0x1000  }
0xc8: {  	[sflag:s18] =	ssyncset.done $0x0  }
0xc9: {  	[sflag:s18] =	ssyncadd.s32 $0xFFFFF000  }
0xca: {  	[spmem:s2] =	stream.indirect.scatter.add.f32 [tilespmem:s10], [sflag:$0x6], $0x8, s23, s7, $0xb8;
	[tilespmem:$0xA400] =	vst v63  }
0xcb: {  	_ =	swait.ge [sflag:s17], $0x1000  }
0xcc: {  	[sflag:s17] =	ssyncset.done $0x0  }
0xcd: {  	[sflag:s17] =	ssyncadd.s32 $0xFFFFF000  }
0xce: {  	[spmem:s2] =	stream.indirect.scatter.add.f32 [tilespmem:s9], [sflag:$0x7], $0x8, s22, s7, $0xb8;
	[tilespmem:$0xA400] =	vst v63  }
0xcf: {  	_ =	swait.ge [sflag:s16], $0x1000  }
0xd0: {  	[sflag:s16] =	ssyncset.done $0x0  }
0xd1: {  	[sflag:s16] =	ssyncadd.s32 $0xFFFFF000  }
0xd2: {  	[spmem:s2] =	stream.indirect.scatter.add.f32 [tilespmem:s8], [sflag:$0x8], $0x8, s21, s7, $0xb8;
	[tilespmem:$0xA400] =	vst v63  }
0xd3: {  	_ =	swait.ge [sflag:s12], $0x1000  }
0xd4: {  	[sflag:s12] =	ssyncset.done $0x0  }
0xd5: {  	[sflag:s12] =	ssyncadd.s32 $0xFFFFF000  }
0xd6: {  	_ =	swait.ge [sflag:s13], $0x1000  }
0xd7: {  	[sflag:s13] =	ssyncset.done $0x0  }
0xd8: {  	[sflag:s13] =	ssyncadd.s32 $0xFFFFF000  }
0xd9: {  	_ =	swait.ge [sflag:s14], $0x1000  }
0xda: {  	[sflag:s14] =	ssyncset.done $0x0  }
0xdb: {  	[sflag:s14] =	ssyncadd.s32 $0xFFFFF000  }
0xdc: {  	_ =	swait.ge [sflag:s15], $0x1000  }
0xdd: {  	[sflag:s15] =	ssyncset.done $0x0  }
0xde: {  	p1 =	sne.s32 s20, $0x1;
	[sflag:s15] =	ssyncadd.s32 $0xFFFFF000  }
.Ltmp1:
0xdf: {  	[bflag:$0x0] =	sbarrier.arrive $0xFFFF;
	(pc) =	sbr.rel @!p1 .LBB2_3-.Ltmp1, $4  }
0xe0: {  	s1 =	rddreg [dreg:$0x7]  }
0xe1: {  	[hbm:s1], [sflag:s3] =	dma.local [spmem:s4], $0x280  }
0xe2: {  	p0 =	por $0x1, $0x1;
	_ =	swait.ge [sflag:s5], $0x280  }
0xe3: {  	s1 =	sadd.s32 $0xFFFFFFFF, s20;
	s0 =	rddreg [dreg:$0x4];
	[sflag:s5] =	ssyncset.done $0x0  }
.LBB2_4:
0xe4: {  	[sflag:s5] =	ssyncadd.s32 $0xFFFFFD80  }
0xe5: {  	[spmem:s4], [sflag:s3] =	dma.local [hbm:s0], $0x280  }
0xe6: {  	_ =	swait.ge [sflag:s5], $0x280  }
0xe7: {  	[sflag:s5] =	ssyncset.done $0x0  }
0xe8: {  	s20 =	rddreg [dreg:$0x5];
	[sflag:s5] =	ssyncadd.s32 $0xFFFFFD80  }
0xe9: {  	[tilespmem:s30], [sflag:$0x9] =	stream.linear.gather [hbm4b:s20+s30], $0x2800, $0x38;
	[tilespmem:$0xA400] =	vst v63  }
0xea: {  	_ =	swait.ge [sflag:s5], $0x2800  }
0xeb: {  	[sflag:s5] =	ssyncset.done $0x0  }
0xec: {  	s20 =	rddreg [dreg:$0x6];
	[sflag:s5] =	ssyncadd.s32 $0xFFFFD800  }
0xed: {  	[tilespmem:s31], [sflag:$0x9] =	stream.linear.gather [hbm4b:s20+s30], $0x2800, $0x38;
	[tilespmem:$0xA400] =	vst v63  }
0xee: {  	_ =	swait.ge [sflag:s5], $0x2800  }
0xef: {  	[sflag:s5] =	ssyncset.done $0x0  }
0xf0: {  	[sflag:s5] =	ssyncadd.s32 $0xFFFFD800  }
0xf1: {  	[bflag:$0x0] =	sbarrier.arrive $0xFFFF  }
0xf2: {  	[tilespmem:s11], [sflag:$0x1] =	stream.indirect.gather [hbm4b:s6+s7], $0x8, s30, s7, $0xb8;
	[tilespmem:$0xA400] =	vst v63  }
0xf3: {  	_ = 	snop  }
0xf4: {  	[tilespmem:s10], [sflag:$0x2] =	stream.indirect.gather [hbm4b:s6+s7], $0x8, s7, s7, $0xb8;
	[tilespmem:$0xA400] =	vst v63  }
0xf5: {  	s0 =	rddreg [dreg:$0x8]  }
0xf6: {  	[tilespmem:s9], [sflag:$0x3] =	stream.indirect.gather [hbm4b:s6+s7], $0x8, s0, s7, $0xb8;
	[tilespmem:$0xA400] =	vst v63  }
0xf7: {  	s20 =	rddreg [dreg:$0x9]  }
0xf8: {  	[tilespmem:s8], [sflag:$0x4] =	stream.indirect.gather [hbm4b:s6+s7], $0x8, s20, s7, $0xb8;
	[tilespmem:$0xA400] =	vst v63  }
0xf9: {  	_ =	swait.ge [sflag:s19], $0x1000  }
0xfa: {  	[sflag:s19] =	ssyncset.done $0x0  }
0xfb: {  	[sflag:s19] =	ssyncadd.s32 $0xFFFFF000  }
0xfc: {  	[spmem:s2] =	stream.indirect.scatter.add.f32 [tilespmem:s11], [sflag:$0x5], $0x8, s31, s7, $0xb8;
	[tilespmem:$0xA400] =	vst v63  }
0xfd: {  	_ =	swait.ge [sflag:s18], $0x1000  }
0xfe: {  	[sflag:s18] =	ssyncset.done $0x0  }
0xff: {  	s20 =	rddreg [dreg:$0xa];
	[sflag:s18] =	ssyncadd.s32 $0xFFFFF000  }
0x100: {  	[spmem:s2] =	stream.indirect.scatter.add.f32 [tilespmem:s10], [sflag:$0x6], $0x8, s20, s7, $0xb8;
	[tilespmem:$0xA400] =	vst v63  }
0x101: {  	_ =	swait.ge [sflag:s17], $0x1000  }
0x102: {  	[sflag:s17] =	ssyncset.done $0x0  }
0x103: {  	s20 =	rddreg [dreg:$0xb];
	[sflag:s17] =	ssyncadd.s32 $0xFFFFF000  }
0x104: {  	[spmem:s2] =	stream.indirect.scatter.add.f32 [tilespmem:s9], [sflag:$0x7], $0x8, s20, s7, $0xb8;
	[tilespmem:$0xA400] =	vst v63  }
0x105: {  	_ =	swait.ge [sflag:s16], $0x1000  }
0x106: {  	[sflag:s16] =	ssyncset.done $0x0  }
0x107: {  	s20 =	rddreg [dreg:$0xc];
	[sflag:s16] =	ssyncadd.s32 $0xFFFFF000  }
0x108: {  	[spmem:s2] =	stream.indirect.scatter.add.f32 [tilespmem:s8], [sflag:$0x8], $0x8, s20, s7, $0xb8;
	[tilespmem:$0xA400] =	vst v63  }
0x109: {  	_ =	swait.ge [sflag:s12], $0x1000  }
0x10a: {  	[sflag:s12] =	ssyncset.done $0x0  }
0x10b: {  	s20 =	rddreg [dreg:$0xd];
	[sflag:s12] =	ssyncadd.s32 $0xFFFFF000  }
0x10c: {  	[tilespmem:s11], [sflag:$0x1] =	stream.indirect.gather [hbm4b:s6+s7], $0x8, s20, s7, $0xb8;
	[tilespmem:$0xA400] =	vst v63  }
0x10d: {  	_ =	swait.ge [sflag:s13], $0x1000  }
0x10e: {  	[sflag:s13] =	ssyncset.done $0x0  }
0x10f: {  	s20 =	rddreg [dreg:$0xe];
	[sflag:s13] =	ssyncadd.s32 $0xFFFFF000  }
0x110: {  	[tilespmem:s10], [sflag:$0x2] =	stream.indirect.gather [hbm4b:s6+s7], $0x8, s20, s7, $0xb8;
	[tilespmem:$0xA400] =	vst v63  }
0x111: {  	_ =	swait.ge [sflag:s14], $0x1000  }
0x112: {  	[sflag:s14] =	ssyncset.done $0x0  }
0x113: {  	s20 =	rddreg [dreg:$0xf];
	[sflag:s14] =	ssyncadd.s32 $0xFFFFF000  }
0x114: {  	[tilespmem:s9], [sflag:$0x3] =	stream.indirect.gather [hbm4b:s6+s7], $0x8, s20, s7, $0xb8;
	[tilespmem:$0xA400] =	vst v63  }
0x115: {  	_ =	swait.ge [sflag:s15], $0x1000  }
0x116: {  	[sflag:s15] =	ssyncset.done $0x0  }
0x117: {  	s20 =	rddreg [dreg:$0x10];
	[sflag:s15] =	ssyncadd.s32 $0xFFFFF000  }
0x118: {  	[tilespmem:s8], [sflag:$0x4] =	stream.indirect.gather [hbm4b:s6+s7], $0x8, s20, s7, $0xb8;
	[tilespmem:$0xA400] =	vst v63  }
0x119: {  	_ =	swait.ge [sflag:s19], $0x1000  }
0x11a: {  	[sflag:s19] =	ssyncset.done $0x0  }
0x11b: {  	s20 =	rddreg [dreg:$0x11];
	[sflag:s19] =	ssyncadd.s32 $0xFFFFF000  }
0x11c: {  	[spmem:s2] =	stream.indirect.scatter.add.f32 [tilespmem:s11], [sflag:$0x5], $0x8, s20, s7, $0xb8;
	[tilespmem:$0xA400] =	vst v63  }
0x11d: {  	_ =	swait.ge [sflag:s18], $0x1000  }
0x11e: {  	[sflag:s18] =	ssyncset.done $0x0  }
0x11f: {  	s20 =	rddreg [dreg:$0x12];
	[sflag:s18] =	ssyncadd.s32 $0xFFFFF000  }
0x120: {  	[spmem:s2] =	stream.indirect.scatter.add.f32 [tilespmem:s10], [sflag:$0x6], $0x8, s20, s7, $0xb8;
	[tilespmem:$0xA400] =	vst v63  }
0x121: {  	_ =	swait.ge [sflag:s17], $0x1000  }
0x122: {  	[sflag:s17] =	ssyncset.done $0x0  }
0x123: {  	s20 =	rddreg [dreg:$0x13];
	[sflag:s17] =	ssyncadd.s32 $0xFFFFF000  }
0x124: {  	[spmem:s2] =	stream.indirect.scatter.add.f32 [tilespmem:s9], [sflag:$0x7], $0x8, s20, s7, $0xb8;
	[tilespmem:$0xA400] =	vst v63  }
0x125: {  	_ =	swait.ge [sflag:s16], $0x1000  }
0x126: {  	[sflag:s16] =	ssyncset.done $0x0  }
0x127: {  	s20 =	rddreg [dreg:$0x14];
	[sflag:s16] =	ssyncadd.s32 $0xFFFFF000  }
0x128: {  	[spmem:s2] =	stream.indirect.scatter.add.f32 [tilespmem:s8], [sflag:$0x8], $0x8, s20, s7, $0xb8;
	[tilespmem:$0xA400] =	vst v63  }
0x129: {  	_ =	swait.ge [sflag:s12], $0x1000  }
0x12a: {  	[sflag:s12] =	ssyncset.done $0x0  }
0x12b: {  	s20 =	rddreg [dreg:$0x15];
	[sflag:s12] =	ssyncadd.s32 $0xFFFFF000  }
0x12c: {  	[tilespmem:s11], [sflag:$0x1] =	stream.indirect.gather [hbm4b:s6+s7], $0x8, s20, s7, $0xb8;
	[tilespmem:$0xA400] =	vst v63  }
0x12d: {  	_ =	swait.ge [sflag:s13], $0x1000  }
0x12e: {  	[sflag:s13] =	ssyncset.done $0x0  }
0x12f: {  	s20 =	rddreg [dreg:$0x16];
	[sflag:s13] =	ssyncadd.s32 $0xFFFFF000  }
0x130: {  	[tilespmem:s10], [sflag:$0x2] =	stream.indirect.gather [hbm4b:s6+s7], $0x8, s20, s7, $0xb8;
	[tilespmem:$0xA400] =	vst v63  }
0x131: {  	_ =	swait.ge [sflag:s14], $0x1000  }
0x132: {  	[sflag:s14] =	ssyncset.done $0x0  }
0x133: {  	s20 =	rddreg [dreg:$0x17];
	[sflag:s14] =	ssyncadd.s32 $0xFFFFF000  }
0x134: {  	[tilespmem:s9], [sflag:$0x3] =	stream.indirect.gather [hbm4b:s6+s7], $0x8, s20, s7, $0xb8;
	[tilespmem:$0xA400] =	vst v63  }
0x135: {  	_ =	swait.ge [sflag:s15], $0x1000  }
0x136: {  	[sflag:s15] =	ssyncset.done $0x0  }
0x137: {  	s20 =	rddreg [dreg:$0x18];
	[sflag:s15] =	ssyncadd.s32 $0xFFFFF000  }
0x138: {  	[tilespmem:s8], [sflag:$0x4] =	stream.indirect.gather [hbm4b:s6+s7], $0x8, s20, s7, $0xb8;
	[tilespmem:$0xA400] =	vst v63  }
0x139: {  	_ =	swait.ge [sflag:s19], $0x1000  }
0x13a: {  	[sflag:s19] =	ssyncset.done $0x0  }
0x13b: {  	s20 =	rddreg [dreg:$0x19];
	[sflag:s19] =	ssyncadd.s32 $0xFFFFF000  }
0x13c: {  	[spmem:s2] =	stream.indirect.scatter.add.f32 [tilespmem:s11], [sflag:$0x5], $0x8, s20, s7, $0xb8;
	[tilespmem:$0xA400] =	vst v63  }
0x13d: {  	_ =	swait.ge [sflag:s18], $0x1000  }
0x13e: {  	[sflag:s18] =	ssyncset.done $0x0  }
0x13f: {  	s20 =	rddreg [dreg:$0x1a];
	[sflag:s18] =	ssyncadd.s32 $0xFFFFF000  }
0x140: {  	[spmem:s2] =	stream.indirect.scatter.add.f32 [tilespmem:s10], [sflag:$0x6], $0x8, s20, s7, $0xb8;
	[tilespmem:$0xA400] =	vst v63  }
0x141: {  	_ =	swait.ge [sflag:s17], $0x1000  }
0x142: {  	[sflag:s17] =	ssyncset.done $0x0  }
0x143: {  	s20 =	rddreg [dreg:$0x1b];
	[sflag:s17] =	ssyncadd.s32 $0xFFFFF000  }
0x144: {  	[spmem:s2] =	stream.indirect.scatter.add.f32 [tilespmem:s9], [sflag:$0x7], $0x8, s20, s7, $0xb8;
	[tilespmem:$0xA400] =	vst v63  }
0x145: {  	_ =	swait.ge [sflag:s16], $0x1000  }
0x146: {  	[sflag:s16] =	ssyncset.done $0x0  }
0x147: {  	s20 =	rddreg [dreg:$0x1c];
	[sflag:s16] =	ssyncadd.s32 $0xFFFFF000  }
0x148: {  	[spmem:s2] =	stream.indirect.scatter.add.f32 [tilespmem:s8], [sflag:$0x8], $0x8, s20, s7, $0xb8;
	[tilespmem:$0xA400] =	vst v63  }
0x149: {  	_ =	swait.ge [sflag:s12], $0x1000  }
0x14a: {  	[sflag:s12] =	ssyncset.done $0x0  }
0x14b: {  	s20 =	rddreg [dreg:$0x1d];
	[sflag:s12] =	ssyncadd.s32 $0xFFFFF000  }
0x14c: {  	[tilespmem:s11], [sflag:$0x1] =	stream.indirect.gather [hbm4b:s6+s7], $0x8, s20, s7, $0xb8;
	[tilespmem:$0xA400] =	vst v63  }
0x14d: {  	_ =	swait.ge [sflag:s13], $0x1000  }
0x14e: {  	[sflag:s13] =	ssyncset.done $0x0  }
0x14f: {  	s20 =	rddreg [dreg:$0x1e];
	[sflag:s13] =	ssyncadd.s32 $0xFFFFF000  }
0x150: {  	[tilespmem:s10], [sflag:$0x2] =	stream.indirect.gather [hbm4b:s6+s7], $0x8, s20, s7, $0xb8;
	[tilespmem:$0xA400] =	vst v63  }
0x151: {  	_ =	swait.ge [sflag:s14], $0x1000  }
0x152: {  	[sflag:s14] =	ssyncset.done $0x0  }
0x153: {  	s20 =	rddreg [dreg:$0x1f];
	[sflag:s14] =	ssyncadd.s32 $0xFFFFF000  }
0x154: {  	[tilespmem:s9], [sflag:$0x3] =	stream.indirect.gather [hbm4b:s6+s7], $0x8, s20, s7, $0xb8;
	[tilespmem:$0xA400] =	vst v63  }
0x155: {  	_ =	swait.ge [sflag:s15], $0x1000  }
0x156: {  	s20 =	sld [smem:$0x7FA]  }
0x157: {  	[sflag:s15] =	ssyncset.done $0x0  }
0x158: {  	[sflag:s15] =	ssyncadd.s32 $0xFFFFF000  }
0x159: {  	[tilespmem:s8], [sflag:$0x4] =	stream.indirect.gather [hbm4b:s6+s7], $0x8, s20, s7, $0xb8;
	[tilespmem:$0xA400] =	vst v63  }
0x15a: {  	_ =	swait.ge [sflag:s19], $0x1000  }
0x15b: {  	s20 =	sld [smem:$0x7FB]  }
0x15c: {  	[sflag:s19] =	ssyncset.done $0x0  }
0x15d: {  	[sflag:s19] =	ssyncadd.s32 $0xFFFFF000  }
0x15e: {  	[spmem:s2] =	stream.indirect.scatter.add.f32 [tilespmem:s11], [sflag:$0x5], $0x8, s20, s7, $0xb8;
	[tilespmem:$0xA400] =	vst v63  }
0x15f: {  	_ =	swait.ge [sflag:s18], $0x1000  }
0x160: {  	s20 =	sld [smem:$0x7FC]  }
0x161: {  	[sflag:s18] =	ssyncset.done $0x0  }
0x162: {  	[sflag:s18] =	ssyncadd.s32 $0xFFFFF000  }
0x163: {  	[spmem:s2] =	stream.indirect.scatter.add.f32 [tilespmem:s10], [sflag:$0x6], $0x8, s20, s7, $0xb8;
	[tilespmem:$0xA400] =	vst v63  }
0x164: {  	_ =	swait.ge [sflag:s17], $0x1000  }
0x165: {  	s20 =	sld [smem:$0x7FD]  }
0x166: {  	[sflag:s17] =	ssyncset.done $0x0  }
0x167: {  	[sflag:s17] =	ssyncadd.s32 $0xFFFFF000  }
0x168: {  	[spmem:s2] =	stream.indirect.scatter.add.f32 [tilespmem:s9], [sflag:$0x7], $0x8, s20, s7, $0xb8;
	[tilespmem:$0xA400] =	vst v63  }
0x169: {  	_ =	swait.ge [sflag:s16], $0x1000  }
0x16a: {  	[sflag:s16] =	ssyncset.done $0x0  }
0x16b: {  	[sflag:s16] =	ssyncadd.s32 $0xFFFFF000  }
0x16c: {  	[spmem:s2] =	stream.indirect.scatter.add.f32 [tilespmem:s8], [sflag:$0x8], $0x8, s26, s7, $0xb8;
	[tilespmem:$0xA400] =	vst v63  }
0x16d: {  	_ =	swait.ge [sflag:s12], $0x1000  }
0x16e: {  	[sflag:s12] =	ssyncset.done $0x0  }
0x16f: {  	[sflag:s12] =	ssyncadd.s32 $0xFFFFF000  }
0x170: {  	[tilespmem:s11], [sflag:$0x1] =	stream.indirect.gather [hbm4b:s6+s7], $0x8, s29, s7, $0xb8;
	[tilespmem:$0xA400] =	vst v63  }
0x171: {  	_ =	swait.ge [sflag:s13], $0x1000  }
0x172: {  	[sflag:s13] =	ssyncset.done $0x0  }
0x173: {  	s20 =	simm.s32 $0x2200;
	[sflag:s13] =	ssyncadd.s32 $0xFFFFF000  }
0x174: {  	[tilespmem:s10], [sflag:$0x2] =	stream.indirect.gather [hbm4b:s6+s7], $0x8, s20, s7, $0xb8;
	[tilespmem:$0xA400] =	vst v63  }
0x175: {  	_ =	swait.ge [sflag:s14], $0x1000  }
0x176: {  	[sflag:s14] =	ssyncset.done $0x0  }
0x177: {  	[sflag:s14] =	ssyncadd.s32 $0xFFFFF000  }
0x178: {  	[tilespmem:s9], [sflag:$0x3] =	stream.indirect.gather [hbm4b:s6+s7], $0x8, s28, s7, $0xb8;
	[tilespmem:$0xA400] =	vst v63  }
0x179: {  	_ =	swait.ge [sflag:s15], $0x1000  }
0x17a: {  	[sflag:s15] =	ssyncset.done $0x0  }
0x17b: {  	[sflag:s15] =	ssyncadd.s32 $0xFFFFF000  }
0x17c: {  	[tilespmem:s8], [sflag:$0x4] =	stream.indirect.gather [hbm4b:s6+s7], $0x8, s25, s7, $0xb8;
	[tilespmem:$0xA400] =	vst v63  }
0x17d: {  	_ =	swait.ge [sflag:s19], $0x1000  }
0x17e: {  	[sflag:s19] =	ssyncset.done $0x0  }
0x17f: {  	[sflag:s19] =	ssyncadd.s32 $0xFFFFF000  }
0x180: {  	[spmem:s2] =	stream.indirect.scatter.add.f32 [tilespmem:s11], [sflag:$0x5], $0x8, s24, s7, $0xb8;
	[tilespmem:$0xA400] =	vst v63  }
0x181: {  	_ =	swait.ge [sflag:s18], $0x1000  }
0x182: {  	[sflag:s18] =	ssyncset.done $0x0  }
0x183: {  	[sflag:s18] =	ssyncadd.s32 $0xFFFFF000  }
0x184: {  	[spmem:s2] =	stream.indirect.scatter.add.f32 [tilespmem:s10], [sflag:$0x6], $0x8, s23, s7, $0xb8;
	[tilespmem:$0xA400] =	vst v63  }
0x185: {  	_ =	swait.ge [sflag:s17], $0x1000  }
0x186: {  	[sflag:s17] =	ssyncset.done $0x0  }
0x187: {  	[sflag:s17] =	ssyncadd.s32 $0xFFFFF000  }
0x188: {  	[spmem:s2] =	stream.indirect.scatter.add.f32 [tilespmem:s9], [sflag:$0x7], $0x8, s22, s7, $0xb8;
	[tilespmem:$0xA400] =	vst v63  }
0x189: {  	_ =	swait.ge [sflag:s16], $0x1000  }
0x18a: {  	[sflag:s16] =	ssyncset.done $0x0  }
0x18b: {  	[sflag:s16] =	ssyncadd.s32 $0xFFFFF000  }
0x18c: {  	[spmem:s2] =	stream.indirect.scatter.add.f32 [tilespmem:s8], [sflag:$0x8], $0x8, s21, s7, $0xb8;
	[tilespmem:$0xA400] =	vst v63  }
0x18d: {  	_ =	swait.ge [sflag:s12], $0x1000  }
0x18e: {  	[sflag:s12] =	ssyncset.done $0x0  }
0x18f: {  	[sflag:s12] =	ssyncadd.s32 $0xFFFFF000  }
0x190: {  	_ =	swait.ge [sflag:s13], $0x1000  }
0x191: {  	[sflag:s13] =	ssyncset.done $0x0  }
0x192: {  	[sflag:s13] =	ssyncadd.s32 $0xFFFFF000  }
0x193: {  	_ =	swait.ge [sflag:s14], $0x1000  }
0x194: {  	[sflag:s14] =	ssyncset.done $0x0  }
0x195: {  	[sflag:s14] =	ssyncadd.s32 $0xFFFFF000  }
0x196: {  	_ =	swait.ge [sflag:s15], $0x1000  }
0x197: {  	[sflag:s15] =	ssyncset.done $0x0  }
0x198: {  	p1 =	sne.s32 s1, $0x1;
	[sflag:s15] =	ssyncadd.s32 $0xFFFFF000  }
.Ltmp2:
0x199: {  	[bflag:$0x0] =	sbarrier.arrive $0xFFFF;
	(pc) =	sbr.rel @p1 .LBB2_4-.Ltmp2, $4  }
0x19a: {  	s20 =	rddreg [dreg:$0x7]  }
0x19b: {  	[hbm:s20], [sflag:s3] =	dma.local [spmem:s4], $0x280  }
0x19c: {  	_ =	swait.ge [sflag:s5], $0x280  }
0x19d: {  	s1 =	sadd.s32 $0xFFFFFFFF, s1;
	s0 =	rddreg [dreg:$0x4];
	[sflag:s5] =	ssyncset.done $0x0  }
0x19e: {  	s21 =	simm.s32 $0x4600;
	s29 =	simm.s32 $0x2000;
	s28 =	simm.s32 $0x2400  }
0x19f: {  	s26 =	simm.s32 $0x2200;
	s25 =	simm.s32 $0x2600;
	s24 =	simm.s32 $0x4800  }
0x1a0: {  	s23 =	simm.s32 $0x4A00;
	s22 =	simm.s32 $0x4C00;
	s20 =	stileid.u32  }
.LBB2_6:
0x1a1: {  	[sflag:s5] =	ssyncadd.s32 @p0 $0xFFFFFD80  }
0x1a2: {  	[spmem:s4], [sflag:s3] =	dma.local [hbm:s0], $0x280  }
0x1a3: {  	_ =	swait.ge [sflag:s5], $0x280  }
0x1a4: {  	[sflag:s5] =	ssyncset.done $0x0  }
0x1a5: {  	s1 =	rddreg [dreg:$0x5];
	[sflag:s5] =	ssyncadd.s32 $0xFFFFFD80  }
0x1a6: {  	[tilespmem:s30], [sflag:$0x9] =	stream.linear.gather [hbm4b:s1+s30], $0x2800, $0x38;
	[tilespmem:$0xA400] =	vst v63  }
0x1a7: {  	_ =	swait.ge [sflag:s5], $0x2800  }
0x1a8: {  	[sflag:s5] =	ssyncset.done $0x0  }
0x1a9: {  	s1 =	rddreg [dreg:$0x6];
	[sflag:s5] =	ssyncadd.s32 $0xFFFFD800  }
0x1aa: {  	[tilespmem:s31], [sflag:$0x9] =	stream.linear.gather [hbm4b:s1+s30], $0x2800, $0x38;
	[tilespmem:$0xA400] =	vst v63  }
0x1ab: {  	_ =	swait.ge [sflag:s5], $0x2800  }
0x1ac: {  	[sflag:s5] =	ssyncset.done $0x0  }
0x1ad: {  	[sflag:s5] =	ssyncadd.s32 $0xFFFFD800  }
0x1ae: {  	[bflag:$0x0] =	sbarrier.arrive $0xFFFF  }
0x1af: {  	[tilespmem:s11], [sflag:$0x1] =	stream.indirect.gather [hbm4b:s6+s7], $0x8, s30, s7, $0xb8;
	[tilespmem:$0xA400] =	vst v63  }
0x1b0: {  	_ = 	snop  }
0x1b1: {  	[tilespmem:s10], [sflag:$0x2] =	stream.indirect.gather [hbm4b:s6+s7], $0x8, s7, s7, $0xb8;
	[tilespmem:$0xA400] =	vst v63  }
0x1b2: {  	s30 =	rddreg [dreg:$0x8]  }
0x1b3: {  	[tilespmem:s9], [sflag:$0x3] =	stream.indirect.gather [hbm4b:s6+s7], $0x8, s30, s7, $0xb8;
	[tilespmem:$0xA400] =	vst v63  }
0x1b4: {  	s1 =	rddreg [dreg:$0x9]  }
0x1b5: {  	[tilespmem:s8], [sflag:$0x4] =	stream.indirect.gather [hbm4b:s6+s7], $0x8, s1, s7, $0xb8;
	[tilespmem:$0xA400] =	vst v63  }
0x1b6: {  	_ =	swait.ge [sflag:s19], $0x1000  }
0x1b7: {  	[sflag:s19] =	ssyncset.done $0x0  }
0x1b8: {  	[sflag:s19] =	ssyncadd.s32 $0xFFFFF000  }
0x1b9: {  	[spmem:s2] =	stream.indirect.scatter.add.f32 [tilespmem:s11], [sflag:$0x5], $0x8, s31, s7, $0xb8;
	[tilespmem:$0xA400] =	vst v63  }
0x1ba: {  	_ =	swait.ge [sflag:s18], $0x1000  }
0x1bb: {  	[sflag:s18] =	ssyncset.done $0x0  }
0x1bc: {  	s31 =	rddreg [dreg:$0xa];
	[sflag:s18] =	ssyncadd.s32 $0xFFFFF000  }
0x1bd: {  	[spmem:s2] =	stream.indirect.scatter.add.f32 [tilespmem:s10], [sflag:$0x6], $0x8, s31, s7, $0xb8;
	[tilespmem:$0xA400] =	vst v63  }
0x1be: {  	_ =	swait.ge [sflag:s17], $0x1000  }
0x1bf: {  	[sflag:s17] =	ssyncset.done $0x0  }
0x1c0: {  	s1 =	rddreg [dreg:$0xb];
	[sflag:s17] =	ssyncadd.s32 $0xFFFFF000  }
0x1c1: {  	[spmem:s2] =	stream.indirect.scatter.add.f32 [tilespmem:s9], [sflag:$0x7], $0x8, s1, s7, $0xb8;
	[tilespmem:$0xA400] =	vst v63  }
0x1c2: {  	_ =	swait.ge [sflag:s16], $0x1000  }
0x1c3: {  	[sflag:s16] =	ssyncset.done $0x0  }
0x1c4: {  	s30 =	rddreg [dreg:$0xc];
	[sflag:s16] =	ssyncadd.s32 $0xFFFFF000  }
0x1c5: {  	[spmem:s2] =	stream.indirect.scatter.add.f32 [tilespmem:s8], [sflag:$0x8], $0x8, s30, s7, $0xb8;
	[tilespmem:$0xA400] =	vst v63  }
0x1c6: {  	_ =	swait.ge [sflag:s12], $0x1000  }
0x1c7: {  	[sflag:s12] =	ssyncset.done $0x0  }
0x1c8: {  	s31 =	rddreg [dreg:$0xd];
	[sflag:s12] =	ssyncadd.s32 $0xFFFFF000  }
0x1c9: {  	[tilespmem:s11], [sflag:$0x1] =	stream.indirect.gather [hbm4b:s6+s7], $0x8, s31, s7, $0xb8;
	[tilespmem:$0xA400] =	vst v63  }
0x1ca: {  	_ =	swait.ge [sflag:s13], $0x1000  }
0x1cb: {  	[sflag:s13] =	ssyncset.done $0x0  }
0x1cc: {  	s1 =	rddreg [dreg:$0xe];
	[sflag:s13] =	ssyncadd.s32 $0xFFFFF000  }
0x1cd: {  	[tilespmem:s10], [sflag:$0x2] =	stream.indirect.gather [hbm4b:s6+s7], $0x8, s1, s7, $0xb8;
	[tilespmem:$0xA400] =	vst v63  }
0x1ce: {  	_ =	swait.ge [sflag:s14], $0x1000  }
0x1cf: {  	[sflag:s14] =	ssyncset.done $0x0  }
0x1d0: {  	s30 =	rddreg [dreg:$0xf];
	[sflag:s14] =	ssyncadd.s32 $0xFFFFF000  }
0x1d1: {  	[tilespmem:s9], [sflag:$0x3] =	stream.indirect.gather [hbm4b:s6+s7], $0x8, s30, s7, $0xb8;
	[tilespmem:$0xA400] =	vst v63  }
0x1d2: {  	_ =	swait.ge [sflag:s15], $0x1000  }
0x1d3: {  	[sflag:s15] =	ssyncset.done $0x0  }
0x1d4: {  	s31 =	rddreg [dreg:$0x10];
	[sflag:s15] =	ssyncadd.s32 $0xFFFFF000  }
0x1d5: {  	[tilespmem:s8], [sflag:$0x4] =	stream.indirect.gather [hbm4b:s6+s7], $0x8, s31, s7, $0xb8;
	[tilespmem:$0xA400] =	vst v63  }
0x1d6: {  	_ =	swait.ge [sflag:s19], $0x1000  }
0x1d7: {  	[sflag:s19] =	ssyncset.done $0x0  }
0x1d8: {  	s1 =	rddreg [dreg:$0x11];
	[sflag:s19] =	ssyncadd.s32 $0xFFFFF000  }
0x1d9: {  	[spmem:s2] =	stream.indirect.scatter.add.f32 [tilespmem:s11], [sflag:$0x5], $0x8, s1, s7, $0xb8;
	[tilespmem:$0xA400] =	vst v63  }
0x1da: {  	_ =	swait.ge [sflag:s18], $0x1000  }
0x1db: {  	[sflag:s18] =	ssyncset.done $0x0  }
0x1dc: {  	s30 =	rddreg [dreg:$0x12];
	[sflag:s18] =	ssyncadd.s32 $0xFFFFF000  }
0x1dd: {  	[spmem:s2] =	stream.indirect.scatter.add.f32 [tilespmem:s10], [sflag:$0x6], $0x8, s30, s7, $0xb8;
	[tilespmem:$0xA400] =	vst v63  }
0x1de: {  	_ =	swait.ge [sflag:s17], $0x1000  }
0x1df: {  	[sflag:s17] =	ssyncset.done $0x0  }
0x1e0: {  	s31 =	rddreg [dreg:$0x13];
	[sflag:s17] =	ssyncadd.s32 $0xFFFFF000  }
0x1e1: {  	[spmem:s2] =	stream.indirect.scatter.add.f32 [tilespmem:s9], [sflag:$0x7], $0x8, s31, s7, $0xb8;
	[tilespmem:$0xA400] =	vst v63  }
0x1e2: {  	_ =	swait.ge [sflag:s16], $0x1000  }
0x1e3: {  	[sflag:s16] =	ssyncset.done $0x0  }
0x1e4: {  	s1 =	rddreg [dreg:$0x14];
	[sflag:s16] =	ssyncadd.s32 $0xFFFFF000  }
0x1e5: {  	[spmem:s2] =	stream.indirect.scatter.add.f32 [tilespmem:s8], [sflag:$0x8], $0x8, s1, s7, $0xb8;
	[tilespmem:$0xA400] =	vst v63  }
0x1e6: {  	_ =	swait.ge [sflag:s12], $0x1000  }
0x1e7: {  	[sflag:s12] =	ssyncset.done $0x0  }
0x1e8: {  	s30 =	rddreg [dreg:$0x15];
	[sflag:s12] =	ssyncadd.s32 $0xFFFFF000  }
0x1e9: {  	[tilespmem:s11], [sflag:$0x1] =	stream.indirect.gather [hbm4b:s6+s7], $0x8, s30, s7, $0xb8;
	[tilespmem:$0xA400] =	vst v63  }
0x1ea: {  	_ =	swait.ge [sflag:s13], $0x1000  }
0x1eb: {  	[sflag:s13] =	ssyncset.done $0x0  }
0x1ec: {  	s31 =	rddreg [dreg:$0x16];
	[sflag:s13] =	ssyncadd.s32 $0xFFFFF000  }
0x1ed: {  	[tilespmem:s10], [sflag:$0x2] =	stream.indirect.gather [hbm4b:s6+s7], $0x8, s31, s7, $0xb8;
	[tilespmem:$0xA400] =	vst v63  }
0x1ee: {  	_ =	swait.ge [sflag:s14], $0x1000  }
0x1ef: {  	[sflag:s14] =	ssyncset.done $0x0  }
0x1f0: {  	s1 =	rddreg [dreg:$0x17];
	[sflag:s14] =	ssyncadd.s32 $0xFFFFF000  }
0x1f1: {  	[tilespmem:s9], [sflag:$0x3] =	stream.indirect.gather [hbm4b:s6+s7], $0x8, s1, s7, $0xb8;
	[tilespmem:$0xA400] =	vst v63  }
0x1f2: {  	_ =	swait.ge [sflag:s15], $0x1000  }
0x1f3: {  	[sflag:s15] =	ssyncset.done $0x0  }
0x1f4: {  	s30 =	rddreg [dreg:$0x18];
	[sflag:s15] =	ssyncadd.s32 $0xFFFFF000  }
0x1f5: {  	[tilespmem:s8], [sflag:$0x4] =	stream.indirect.gather [hbm4b:s6+s7], $0x8, s30, s7, $0xb8;
	[tilespmem:$0xA400] =	vst v63  }
0x1f6: {  	_ =	swait.ge [sflag:s19], $0x1000  }
0x1f7: {  	[sflag:s19] =	ssyncset.done $0x0  }
0x1f8: {  	s31 =	rddreg [dreg:$0x19];
	[sflag:s19] =	ssyncadd.s32 $0xFFFFF000  }
0x1f9: {  	[spmem:s2] =	stream.indirect.scatter.add.f32 [tilespmem:s11], [sflag:$0x5], $0x8, s31, s7, $0xb8;
	[tilespmem:$0xA400] =	vst v63  }
0x1fa: {  	_ =	swait.ge [sflag:s18], $0x1000  }
0x1fb: {  	[sflag:s18] =	ssyncset.done $0x0  }
0x1fc: {  	s1 =	rddreg [dreg:$0x1a];
	[sflag:s18] =	ssyncadd.s32 $0xFFFFF000  }
0x1fd: {  	[spmem:s2] =	stream.indirect.scatter.add.f32 [tilespmem:s10], [sflag:$0x6], $0x8, s1, s7, $0xb8;
	[tilespmem:$0xA400] =	vst v63  }
0x1fe: {  	_ =	swait.ge [sflag:s17], $0x1000  }
0x1ff: {  	[sflag:s17] =	ssyncset.done $0x0  }
0x200: {  	s30 =	rddreg [dreg:$0x1b];
	[sflag:s17] =	ssyncadd.s32 $0xFFFFF000  }
0x201: {  	[spmem:s2] =	stream.indirect.scatter.add.f32 [tilespmem:s9], [sflag:$0x7], $0x8, s30, s7, $0xb8;
	[tilespmem:$0xA400] =	vst v63  }
0x202: {  	_ =	swait.ge [sflag:s16], $0x1000  }
0x203: {  	[sflag:s16] =	ssyncset.done $0x0  }
0x204: {  	s31 =	rddreg [dreg:$0x1c];
	[sflag:s16] =	ssyncadd.s32 $0xFFFFF000  }
0x205: {  	[spmem:s2] =	stream.indirect.scatter.add.f32 [tilespmem:s8], [sflag:$0x8], $0x8, s31, s7, $0xb8;
	[tilespmem:$0xA400] =	vst v63  }
0x206: {  	_ =	swait.ge [sflag:s12], $0x1000  }
0x207: {  	[sflag:s12] =	ssyncset.done $0x0  }
0x208: {  	s1 =	rddreg [dreg:$0x1d];
	[sflag:s12] =	ssyncadd.s32 $0xFFFFF000  }
0x209: {  	[tilespmem:s11], [sflag:$0x1] =	stream.indirect.gather [hbm4b:s6+s7], $0x8, s1, s7, $0xb8;
	[tilespmem:$0xA400] =	vst v63  }
0x20a: {  	_ =	swait.ge [sflag:s13], $0x1000  }
0x20b: {  	[sflag:s13] =	ssyncset.done $0x0  }
0x20c: {  	s30 =	rddreg [dreg:$0x1e];
	[sflag:s13] =	ssyncadd.s32 $0xFFFFF000  }
0x20d: {  	[tilespmem:s10], [sflag:$0x2] =	stream.indirect.gather [hbm4b:s6+s7], $0x8, s30, s7, $0xb8;
	[tilespmem:$0xA400] =	vst v63  }
0x20e: {  	_ =	swait.ge [sflag:s14], $0x1000  }
0x20f: {  	[sflag:s14] =	ssyncset.done $0x0  }
0x210: {  	s31 =	rddreg [dreg:$0x1f];
	[sflag:s14] =	ssyncadd.s32 $0xFFFFF000  }
0x211: {  	[tilespmem:s9], [sflag:$0x3] =	stream.indirect.gather [hbm4b:s6+s7], $0x8, s31, s7, $0xb8;
	[tilespmem:$0xA400] =	vst v63  }
0x212: {  	_ =	swait.ge [sflag:s15], $0x1000  }
0x213: {  	s1 =	sld [smem:$0x7FA]  }
0x214: {  	[sflag:s15] =	ssyncset.done $0x0  }
0x215: {  	[sflag:s15] =	ssyncadd.s32 $0xFFFFF000  }
0x216: {  	[tilespmem:s8], [sflag:$0x4] =	stream.indirect.gather [hbm4b:s6+s7], $0x8, s1, s7, $0xb8;
	[tilespmem:$0xA400] =	vst v63  }
0x217: {  	_ =	swait.ge [sflag:s19], $0x1000  }
0x218: {  	s30 =	sld [smem:$0x7FB]  }
0x219: {  	[sflag:s19] =	ssyncset.done $0x0  }
0x21a: {  	[sflag:s19] =	ssyncadd.s32 $0xFFFFF000  }
0x21b: {  	[spmem:s2] =	stream.indirect.scatter.add.f32 [tilespmem:s11], [sflag:$0x5], $0x8, s30, s7, $0xb8;
	[tilespmem:$0xA400] =	vst v63  }
0x21c: {  	_ =	swait.ge [sflag:s18], $0x1000  }
0x21d: {  	s31 =	sld [smem:$0x7FC]  }
0x21e: {  	[sflag:s18] =	ssyncset.done $0x0  }
0x21f: {  	[sflag:s18] =	ssyncadd.s32 $0xFFFFF000  }
0x220: {  	[spmem:s2] =	stream.indirect.scatter.add.f32 [tilespmem:s10], [sflag:$0x6], $0x8, s31, s7, $0xb8;
	[tilespmem:$0xA400] =	vst v63  }
0x221: {  	_ =	swait.ge [sflag:s17], $0x1000  }
0x222: {  	s1 =	sld [smem:$0x7FD]  }
0x223: {  	[sflag:s17] =	ssyncset.done $0x0  }
0x224: {  	[sflag:s17] =	ssyncadd.s32 $0xFFFFF000  }
0x225: {  	[spmem:s2] =	stream.indirect.scatter.add.f32 [tilespmem:s9], [sflag:$0x7], $0x8, s1, s7, $0xb8;
	[tilespmem:$0xA400] =	vst v63  }
0x226: {  	_ =	swait.ge [sflag:s16], $0x1000  }
0x227: {  	[sflag:s16] =	ssyncset.done $0x0  }
0x228: {  	[sflag:s16] =	ssyncadd.s32 $0xFFFFF000  }
0x229: {  	[spmem:s2] =	stream.indirect.scatter.add.f32 [tilespmem:s8], [sflag:$0x8], $0x8, s21, s7, $0xb8;
	[tilespmem:$0xA400] =	vst v63  }
0x22a: {  	_ =	swait.ge [sflag:s12], $0x1000  }
0x22b: {  	[sflag:s12] =	ssyncset.done $0x0  }
0x22c: {  	[sflag:s12] =	ssyncadd.s32 $0xFFFFF000  }
0x22d: {  	[tilespmem:s11], [sflag:$0x1] =	stream.indirect.gather [hbm4b:s6+s7], $0x8, s29, s7, $0xb8;
	[tilespmem:$0xA400] =	vst v63  }
0x22e: {  	_ =	swait.ge [sflag:s13], $0x1000  }
0x22f: {  	[sflag:s13] =	ssyncset.done $0x0  }
0x230: {  	[sflag:s13] =	ssyncadd.s32 $0xFFFFF000  }
0x231: {  	[tilespmem:s10], [sflag:$0x2] =	stream.indirect.gather [hbm4b:s6+s7], $0x8, s26, s7, $0xb8;
	[tilespmem:$0xA400] =	vst v63  }
0x232: {  	_ =	swait.ge [sflag:s14], $0x1000  }
0x233: {  	[sflag:s14] =	ssyncset.done $0x0  }
0x234: {  	[sflag:s14] =	ssyncadd.s32 $0xFFFFF000  }
0x235: {  	[tilespmem:s9], [sflag:$0x3] =	stream.indirect.gather [hbm4b:s6+s7], $0x8, s28, s7, $0xb8;
	[tilespmem:$0xA400] =	vst v63  }
0x236: {  	_ =	swait.ge [sflag:s15], $0x1000  }
0x237: {  	[sflag:s15] =	ssyncset.done $0x0  }
0x238: {  	[sflag:s15] =	ssyncadd.s32 $0xFFFFF000  }
0x239: {  	[tilespmem:s8], [sflag:$0x4] =	stream.indirect.gather [hbm4b:s6+s7], $0x8, s25, s7, $0xb8;
	[tilespmem:$0xA400] =	vst v63  }
0x23a: {  	_ =	swait.ge [sflag:s19], $0x1000  }
0x23b: {  	[sflag:s19] =	ssyncset.done $0x0  }
0x23c: {  	[sflag:s19] =	ssyncadd.s32 $0xFFFFF000  }
0x23d: {  	[spmem:s2] =	stream.indirect.scatter.add.f32 [tilespmem:s11], [sflag:$0x5], $0x8, s24, s7, $0xb8;
	[tilespmem:$0xA400] =	vst v63  }
0x23e: {  	_ =	swait.ge [sflag:s18], $0x1000  }
0x23f: {  	[sflag:s18] =	ssyncset.done $0x0  }
0x240: {  	[sflag:s18] =	ssyncadd.s32 $0xFFFFF000  }
0x241: {  	[spmem:s2] =	stream.indirect.scatter.add.f32 [tilespmem:s10], [sflag:$0x6], $0x8, s23, s7, $0xb8;
	[tilespmem:$0xA400] =	vst v63  }
0x242: {  	_ =	swait.ge [sflag:s17], $0x1000  }
0x243: {  	[sflag:s17] =	ssyncset.done $0x0  }
0x244: {  	[sflag:s17] =	ssyncadd.s32 $0xFFFFF000  }
0x245: {  	[spmem:s2] =	stream.indirect.scatter.add.f32 [tilespmem:s9], [sflag:$0x7], $0x8, s22, s7, $0xb8;
	[tilespmem:$0xA400] =	vst v63  }
0x246: {  	_ =	swait.ge [sflag:s16], $0x1000  }
0x247: {  	[sflag:s16] =	ssyncset.done $0x0  }
0x248: {  	s30 =	simm.s32 $0x4E00;
	[sflag:s16] =	ssyncadd.s32 $0xFFFFF000  }
0x249: {  	[spmem:s2] =	stream.indirect.scatter.add.f32 [tilespmem:s8], [sflag:$0x8], $0x8, s30, s7, $0xb8;
	[tilespmem:$0xA400] =	vst v63  }
0x24a: {  	_ =	swait.ge [sflag:s12], $0x1000  }
0x24b: {  	[sflag:s12] =	ssyncset.done $0x0  }
0x24c: {  	[sflag:s12] =	ssyncadd.s32 $0xFFFFF000  }
0x24d: {  	_ =	swait.ge [sflag:s13], $0x1000  }
0x24e: {  	[sflag:s13] =	ssyncset.done $0x0  }
0x24f: {  	[sflag:s13] =	ssyncadd.s32 $0xFFFFF000  }
0x250: {  	_ =	swait.ge [sflag:s14], $0x1000  }
0x251: {  	[sflag:s14] =	ssyncset.done $0x0  }
0x252: {  	[sflag:s14] =	ssyncadd.s32 $0xFFFFF000  }
0x253: {  	_ =	swait.ge [sflag:s15], $0x1000  }
0x254: {  	[sflag:s15] =	ssyncset.done $0x0  }
0x255: {  	[sflag:s15] =	ssyncadd.s32 $0xFFFFF000  }
0x256: {  	[bflag:$0x0] =	sbarrier.arrive $0xFFFF  }
0x257: {  	s31 =	rddreg [dreg:$0x7]  }
0x258: {  	[hbm:s31], [sflag:s3] =	dma.local [spmem:s4], $0x280  }
0x259: {  	_ =	swait.ge [sflag:s5], $0x280  }
0x25a: {  	[sflag:s5] =	ssyncset.done $0x0  }
0x25b: {  	[sflag:s5] =	ssyncadd.s32 $0xFFFFFD80  }
0x25c: {  	_ =	sfence.sel $0x180000  }
0x25d: {  	[bflag:$0x0] =	sbarrier.arrive $0xFFFF  }
0x25e: {  	_ =	strace $0x9000004D  }
0x25f: {  	[bflag:$0x2] =	sbarrier.arrive $0xFFFF  }
0x260: {  	p0 =	sne.s32 s20, $0x0;
	s0 =	rddreg [dreg:$0x3]  }
0x261: {  	s0 =	sadd.s32 @!p0 $0x100000, s0  }
0x262: {  	[sflag:s0] =	ssyncadd.tile.s32 @!p0 $0x1;
	_ =	shalt  }
.LBB2_1:
.Ltmp3:
0x263: {  	(pc) =	sbr.rel .LBB2_6-.Ltmp3, $4  }
0x264: {  	_ = 	snop  }
0x265: {  	s21 =	simm.s32 $0x4600;
	s29 =	simm.s32 $0x2000  }
0x266: {  	s28 =	simm.s32 $0x2400;
	s26 =	simm.s32 $0x2200;
	s25 =	simm.s32 $0x2600  }
0x267: {  	s24 =	simm.s32 $0x4800;
	s23 =	simm.s32 $0x4A00;
	s22 =	simm.s32 $0x4C00  }
.LBB2_3:
.Ltmp4:
0x268: {  	(pc) =	sbr.rel .LBB2_6-.Ltmp4, $4  }
0x269: {  	_ = 	snop  }
0x26a: {  	s21 =	simm.s32 $0x4600;
	s29 =	simm.s32 $0x2000;
	s28 =	simm.s32 $0x2400  }
0x26b: {  	s26 =	simm.s32 $0x2200;
	s25 =	simm.s32 $0x2600;
	s24 =	simm.s32 $0x4800  }
0x26c: {  	s23 =	simm.s32 $0x4A00;
	s22 =	simm.s32 $0x4C00;
	s20 =	stileid.u32  }
.Lfunc_end2:
_tile_overlayer_lowered:
.L_overlay_start_2:
0x26d: {  	(tag) =	ssettag $0x2  }
0x26e: {  	s0 =	rddreg [dreg:$0x0];
	s2 =	stileid.u32  }
0x26f: {  	s1 =	rddreg [dreg:$0x1];
	p0 =	sne.s32 s2, $0x0  }
0x270: {  	s3 =	rddreg [dreg:$0x2];
	[bflag:$0x3] =	sbarrier.arrive $0xFFFF;
	s2 =	simm.s32 @!p0 $0x1C09  }
0x271: {  	[timem:s3], [sflag:s2] =	dma.local @!p0 [hbm:s0], s1  }
0x272: {  	s0 =	simm.s32 @!p0 $0x9  }
0x273: {  	_ =	swait.ge @!p0 [sflag:s0], s1  }
0x274: {  	s1 =	ssub.s32 @!p0 $0x0, s1;
	[sflag:s0] =	ssyncset.done @!p0 $0x0  }
0x275: {  	[sflag:s0] =	ssyncadd.s32 @!p0 s1  }
0x276: {  	[bflag:$0x3] =	sbarrier.arrive $0xFFFF  }
0x277: {  	_ =	shalt  }

// kernel: kernel.8.cloned.1.call-start
scs
__scs_entry_jumppad:
0x0: {  	(pc) =	sbr.rel $0x88, $3  }
0x1: {  	(tag) =	ssettag $0x0;
	lr =	simm.s32 $0x1  }
0x2: {  	[smem:$0x3F97] =	sst lr;
	_ =	strace $0xD0000000  }
0x3: {  	_ = 	snop  }
0x4: {  	_ = 	snop  }
0x5: {  	_ = 	snop  }
0x6: {  	_ = 	snop  }
0x7: {  	_ = 	snop  }
__scs_overlays_trampoline_lowered:
0x8: {  	[smem:$0x3FA6] =	sst s0  }
0x9: {  	[smem:$0x3FA7] =	sst s1  }
0xa: {  	[smem:$0x3FA8] =	sst s2  }
0xb: {  	[smem:$0x3FA9] =	sst s3  }
0xc: {  	[smem:$0x3FAA] =	sst s4  }
0xd: {  	[smem:$0x3FAB] =	sst s5  }
0xe: {  	[smem:$0x3FAC] =	sst s6  }
0xf: {  	[smem:$0x3FAD] =	sst s7  }
0x10: {  	[smem:$0x3FAE] =	sst s8  }
0x11: {  	[smem:$0x3FAF] =	sst s9;
	s0 =	simm.s32 @!p0 $0x0  }
0x12: {  	s1 =	sld [smem:$0x3F95];
	s0 =	simm.s32 @p0 $0x1  }
0x13: {  	[smem:$0x3FB0] =	sst s0;
	s0 =	simm.s32 @!p1 $0x0  }
0x14: {  	s2 =	sld [smem:$0x3F94];
	s0 =	simm.s32 @p1 $0x1  }
0x15: {  	[smem:$0x3FB1] =	sst s0;
	s0 =	simm.s32 @!p2 $0x0  }
0x16: {  	s3 =	sld [smem:$0x3FDB];
	s0 =	simm.s32 @p2 $0x1  }
0x17: {  	s4 =	simm.s32 $0x1BF5;
	[smem:$0x3FB3] =	sst s0  }
0x18: {  	s0 =	sld [smem:$0x3F96];
	_ =	swait.ge [sflag:s4], $0x0  }
0x19: {  	s7 =	sld [smem:$0x3F97]  }
0x1a: {  	s8 =	sadd.s32 $0xFFFFE003, lr  }
0x1b: {  	s9 =	sadd.s32 $0xFFFFFEF7, lr;
	s5 =	simm.s32 $0xFFFFFFFF;
	p2 =	slt.u32 s8, $0xFFFFF086  }
0x1c: {  	p1 =	slt.u32 s9, $0xF7A;
	s5 =	simm.s32 @!p2 $0x0  }
0x1d: {  	s5 =	simm.s32 @p1 $0x1;
	p0 =	seq.s32 s7, s2  }
0x1e: {  	s7 =	smul.u32 @!p0 $0xF7A, s2;
	p2 =	seq.s32 @!p0 s5, $0x0  }
0x1f: {  	s9 =	smul.u32 $0xF7A, s1;
	s8 =	simm.s32 @!p0 $0x1BF5;
	p2 =	por !p2, p0  }
0x20: {  	[sflag:s8] =	ssyncset.s32 @!p0 $0xFFFFF086;
	s6 =	sadd.s32 @!p0 s3, s7;
	s7 =	simm.s32 @!p0 $0x108  }
0x21: {  	s3 =	sadd.s32 s3, s9;
	s6 =	sadd.s32 @!p0 $0x88, s6;
	s7 =	simm.s32 @p2 $0x1082  }
0x22: {  	[simem:s7], [sflag:s8] =	dma.local @!p0 [hbm:s6], $0xF7A  }
0x23: {  	s9 =	sor.u32 $0xD0000000, s2;
	s6 =	simm.s32 $0x108;
	_ =	swait.ge @!p0 [sflag:s8], $0x0  }
0x24: {  	s3 =	sadd.s32 $0x88, s3;
	s6 =	simm.s32 @!p1 $0x1082;
	[sflag:s4] =	ssyncset.s32 $0xFFFFF086  }
0x25: {  	[simem:s6], [sflag:s4] =	dma.local [hbm:s3], $0xF7A  }
0x26: {  	[smem:$0x3F97] =	sst s1;
	(tag) =	ssettag s2;
	_ =	strace s9  }
0x27: {  	s1 =	sld [smem:$0x3FA7]  }
0x28: {  	s2 =	sld [smem:$0x3FA8]  }
0x29: {  	s4 =	sld [smem:$0x3FAA]  }
0x2a: {  	p0 =	seq.s32 s5, $0x0;
	s5 =	sld [smem:$0x3FAB]  }
0x2b: {  	s6 =	sld [smem:$0x3FAC]  }
0x2c: {  	s7 =	sld [smem:$0x3FAD]  }
0x2d: {  	s3 =	simm.s32 $0x108;
	s8 =	sld [smem:$0x3FAE]  }
0x2e: {  	s3 =	simm.s32 @!p0 $0x1082;
	s9 =	sld [smem:$0x3FAF]  }
0x2f: {  	lr =	sadd.s32 s0, s3;
	s0 =	sld [smem:$0x3FA6]  }
0x30: {  	s3 =	sld [smem:$0x3FA9]  }
0x31: {  	[smem:$0x3FB2] =	sst s10  }
0x32: {  	s10 =	sld [smem:$0x3FB0];
	_ =	sdelay $0x3  }
0x33: {  	p0 =	seq.s32 s10, $0x1;
	s10 =	sld [smem:$0x3FB2];
	_ =	sdelay $0x3  }
0x34: {  	[smem:$0x3FB2] =	sst s10  }
0x35: {  	s10 =	sld [smem:$0x3FB1];
	_ =	sdelay $0x3  }
0x36: {  	p1 =	seq.s32 s10, $0x1;
	s10 =	sld [smem:$0x3FB2];
	_ =	sdelay $0x3  }
0x37: {  	[smem:$0x3FB2] =	sst s10  }
0x38: {  	s10 =	sld [smem:$0x3FB3]  }
0x39: {  	_ = 	snop;
	(pc) =	sbr.ind lr, $3  }
0x3a: {  	_ = 	snop  }
0x3b: {  	_ = 	snop  }
0x3c: {  	p2 =	seq.s32 s10, $0x1;
	s10 =	sld [smem:$0x3FB2]  }
0x3d: {  	_ =	shalt  }
0x3e: {  	_ =	shalt  }
0x3f: {  	_ =	shalt  }
0x40: {  	_ =	shalt  }
0x41: {  	_ =	shalt  }
0x42: {  	_ =	shalt  }
0x43: {  	_ =	shalt  }
0x44: {  	_ =	shalt  }
0x45: {  	_ =	shalt  }
0x46: {  	_ =	shalt  }
0x47: {  	_ =	shalt  }
0x48: {  	_ =	shalt  }
0x49: {  	_ =	shalt  }
0x4a: {  	_ =	shalt  }
0x4b: {  	_ =	shalt  }
0x4c: {  	_ =	shalt  }
0x4d: {  	_ =	shalt  }
0x4e: {  	_ =	shalt  }
0x4f: {  	_ =	shalt  }
0x50: {  	_ =	shalt  }
0x51: {  	_ =	shalt  }
0x52: {  	_ =	shalt  }
0x53: {  	_ =	shalt  }
0x54: {  	_ =	shalt  }
0x55: {  	_ =	shalt  }
0x56: {  	_ =	shalt  }
0x57: {  	_ =	shalt  }
0x58: {  	_ =	shalt  }
0x59: {  	_ =	shalt  }
0x5a: {  	_ =	shalt  }
0x5b: {  	_ =	shalt  }
0x5c: {  	_ =	shalt  }
0x5d: {  	_ =	shalt  }
0x5e: {  	_ =	shalt  }
0x5f: {  	_ =	shalt  }
0x60: {  	_ =	shalt  }
0x61: {  	_ =	shalt  }
0x62: {  	_ =	shalt  }
0x63: {  	_ =	shalt  }
0x64: {  	_ =	shalt  }
0x65: {  	_ =	shalt  }
0x66: {  	_ =	shalt  }
0x67: {  	_ =	shalt  }
0x68: {  	_ =	shalt  }
0x69: {  	_ =	shalt  }
0x6a: {  	_ =	shalt  }
0x6b: {  	_ =	shalt  }
0x6c: {  	_ =	shalt  }
0x6d: {  	_ =	shalt  }
0x6e: {  	_ =	shalt  }
0x6f: {  	_ =	shalt  }
0x70: {  	_ =	shalt  }
0x71: {  	_ =	shalt  }
0x72: {  	_ =	shalt  }
0x73: {  	_ =	shalt  }
0x74: {  	_ =	shalt  }
0x75: {  	_ =	shalt  }
0x76: {  	_ =	shalt  }
0x77: {  	_ =	shalt  }
0x78: {  	_ =	shalt  }
0x79: {  	_ =	shalt  }
0x7a: {  	_ =	shalt  }
0x7b: {  	_ =	shalt  }
0x7c: {  	_ =	shalt  }
0x7d: {  	_ =	shalt  }
0x7e: {  	_ =	shalt  }
0x7f: {  	_ =	shalt  }
0x80: {  	_ =	shalt  }
0x81: {  	_ =	shalt  }
0x82: {  	_ =	shalt  }
0x83: {  	_ =	shalt  }
0x84: {  	_ =	shalt  }
0x85: {  	_ =	shalt  }
0x86: {  	_ =	shalt  }
0x87: {  	_ =	shalt  }
.Lfunc_end0:
.L_simem_size_0:
called_computation_lowered:
.L_overlay_start_0:
0x88: {  	s2 =	sld [smem:$0x3FD9]  }
0x89: {  	s3 =	sld [smem:$0x3FFE];
	_ =	sdelay $0x1  }
0x8a: {  	s1 =	srdreg.scid  }
0x8b: {  	s0 =	sand.u32 $0x1, s1  }
0x8c: {  	s17 =	sshll.u32 s0, $0xA;
	s2 =	sadd.s32 s3, s2  }
0x8d: {  	s2 =	sadd.s32 s2, s17  }
0x8e: {  	[smem:$0x3FBE] =	sst s2  }
0x8f: {  	_ = 	snop  }
0x90: {  	s2 =	sld [smem:$0x3FD0];
	(tm) =	ssettm $0x1  }
0x91: {  	s18 =	sld [smem:$0x3FFB];
	_ =	sdelay $0x3  }
0x92: {  	_ =	strace s18  }
0x93: {  	s3 =	sld [smem:$0x3FFC];
	_ =	sdelay $0x3  }
0x94: {  	_ =	strace s3  }
0x95: {  	s3 =	sld [smem:$0x3FFD];
	_ =	sdelay $0x3  }
0x96: {  	_ =	strace s3  }
0x97: {  	_ =	strace $0x8FFFFFFF  }
0x98: {  	s19 =	sld [smem:$0x3FDB];
	_ =	sdelay $0x1  }
0x99: {  	s4 =	simm.s32 $_scs_section_size  }
0x9a: {  	s5 =	simm.s32 $_size__tile_overlayer_lowered;
	s6 =	simm.s32 $_tile_overlayer_lowered  }
0x9b: {  	s22 =	simm.s32 $0x1BFF;
	s21 =	sshll.u32 s6, $0x1;
	s3 =	sadd.s32 s4, s19  }
0x9c: {  	s7 =	simm.s32 $0x0;
	s20 =	sshll.u32 s5, $0x1;
	s5 =	sadd.s32 s21, s3  }
0x9d: {  	[timem:s7], [sflag:s22] =	dma.local [hbm:s5], s20  }
0x9e: {  	_ =	swait.ge [sflag:s22], s20  }
0x9f: {  	s4 =	ssub.s32 $0x0, s20;
	[sflag:s22] =	ssyncset.done $0x0  }
0xa0: {  	[sflag:s22] =	ssyncadd.s32 s4;
	_ =	sdelay $0x1  }
0xa1: {  	s23 =	simm.s32 $0x1B8B  }
0xa2: {  	_ =	swait.ge [sflag:s23], $0x1  }
0xa3: {  	[sflag:s23] =	ssyncset.done $0x0  }
0xa4: {  	s25 =	simm.s32 $0x1B8E;
	s24 =	sld [smem:$0x3FFE];
	[sflag:s23] =	ssyncadd.s32 $0xFFFFFFFF  }
0xa5: {  	s26 =	simm.s32 $execute0_lowered;
	[smem:$0x3FD2] =	sst s25  }
0xa6: {  	s5 =	sshll.u32 s26, $0x1;
	_ =	strace $0x80000046;
	[dreg:$0x1] =	wrdreg $0xFFFFFFFF  }
0xa7: {  	s28 =	simm.s32 $_size_execute0_lowered;
	s3 =	sadd.s32 s3, s5;
	[dreg:$0x0] =	wrdreg $0x0  }
0xa8: {  	s5 =	sshll.u32 s28, $0x1;
	[dreg:$0x2] =	wrdreg s3  }
0xa9: {  	[dreg:$0x3] =	wrdreg s5  }
0xaa: {  	[dreg:$0x4] =	wrdreg $0xC0  }
0xab: {  	_ =	task [dreg:s7], $0x5FFFF  }
0xac: {  	[dreg:$0x1] =	wrdreg $0xFFFFFFFF  }
0xad: {  	[dreg:$0x0] =	wrdreg $0x60  }
0xae: {  	[dreg:$0x2] =	wrdreg s24  }
0xaf: {  	[dreg:$0x3] =	wrdreg s2  }
0xb0: {  	[dreg:$0x4] =	wrdreg $0xB0000  }
0xb1: {  	[dreg:$0x5] =	wrdreg $0x9  }
0xb2: {  	_ =	task.clear_ibuf [dreg:s7], $0x6FFFF;
	_ =	strace $0x90000046  }
0xb3: {  	s29 =	simm.s32 $0x9;
	_ =	strace $0x80000048  }
0xb4: {  	_ =	swait.ge [sflag:s29], $0x1  }
0xb5: {  	[sflag:s29] =	ssyncadd.s32 $0xFFFFFFFF  }
0xb6: {  	_ =	strace $0x90000048  }
0xb7: {  	_ =	sfence  }
0xb8: {  	s30 =	sld [smem:$0x0];
	_ =	sdelay $0x2  }
0xb9: {  	s31 =	sshll.u32 s1, $0xD;
	s1 =	sshrl.u32 s1, $0x2  }
0xba: {  	s3 =	sand.u32 $0x4000, s31;
	s1 =	sadd.s32 s1, s30  }
0xbb: {  	s0 =	sor.u32 s3, s0;
	s1 =	sshll.u32 s1, $0x11  }
0xbc: {  	s0 =	sor.u32 s1, s0  }
0xbd: {  	s0 =	sadd.s32 $0x8F2B, s0  }
0xbe: {  	[sflag:s0] =	ssyncadd.remote.s32 $0x1  }
0xbf: {  	_ =	sfence.sel $0xFFFF  }
0xc0: {  	[dreg:$0x0] =	wrdreg $0xFFFFFFFF;
	(pc) =	sbr.abs _section_cstart, $3  }
0xc1: {  	[dreg:$0x1] =	wrdreg $0xFFFFFFFF  }
0xc2: {  	_ =	task.clear_ibuf [dreg:s7], $0x2FFFF;
	_ =	strace $0x9FFFFFFF  }
0xc3: {  	(tm) =	ssettm $0x7FFFFFFF  }
tec
execute0_lowered:
.L_overlay_start_1:
0x0: {  	(tag) =	ssettag $0x1  }
0x1: {  	s5 =	rddreg [dreg:$0x0]  }
0x2: {  	s9 =	rddreg [dreg:$0x1]  }
0x3: {  	s0 =	srdreg.scid;
	s2 =	rddreg [dreg:$0x2]  }
0x4: {  	s1 =	stileid.u32;
	s3 =	simm.s32 $0x0;
	s16 =	simm.s32 $0x2800  }
0x5: {  	s17 =	simm.s32 $0x200;
	s18 =	simm.s32 $0x5000;
	s19 =	simm.s32 $0x7800  }
0x6: {  	s20 =	simm.s32 $0x1;
	s6 =	sand.u32 $0x1, s0;
	s0 =	rddreg [dreg:$0x3]  }
0x7: {  	s21 =	simm.s32 $0x0;
	s7 =	smul.u32 $0x1400, s1;
	[smem:$0x7FF] =	sst s3  }
0x8: {  	s31 =	sshll.u32 s1, $0x6;
	s4 =	sshll.u32 s6, $0x4;
	_ =	strace $0x80000047  }
0x9: {  	s11 =	smul.u32 $0x14000, s6;
	s6 =	ssub.s32 $0x2, s6;
	s4 =	sor.u32 s1, s4  }
0xa: {  	s10 =	sshrl.u32 s7, $0x3;
	s14 =	sshrl.u32 s6, $0x1;
	s8 =	smul.u32 $0x4E2, s4  }
0xb: {  	s15 =	sadd.s32 s7, s2;
	s10 =	sadd.s32 s10, s5;
	s12 =	smul.u32 $0x500, s4  }
0xc: {  	s4 =	sadd.s32 $0x17C00, s5;
	s11 =	sadd.s32 s7, s11;
	s14 =	ssub.s32 s6, s14  }
0xd: {  	s6 =	sor.u32 $0x1C02, s31;
	s11 =	sshrl.u32 s11, $0x3;
	s8 =	sadd.s32 s8, s5  }
0xe: {  	s13 =	sadd.s32 s12, s5;
	s11 =	sadd.s32 s11, s5;
	s5 =	sadd.s32 $0x15400, s10  }
0xf: {  	s9 =	sadd.s32 s9, s12;
	s12 =	smax.u32 s14, $0x1;
	s14 =	simm.s32 $0x2  }
0x10: {  	s7 =	sadd.s32 $0xB600, s8;
	s8 =	sadd.s32 $0x1800, s8;
	s10 =	sadd.s32 $0x1CE00, s13  }
0x11: {  	vm0 =	vmxor vm0, vm0;
	s11 =	sadd.s32 $0x17E00, s11;
	s13 =	sshrl.u32 s15, $0x3;
	s15 =	simm.s32 $0xA000  }
.LBB2_1:
0x12: {  	[spmem:s13], [sflag:s6] =	dma.local [hbm:s5], $0x280  }
0x13: {  	_ =	swait.ge [sflag:s14], $0x280  }
0x14: {  	[sflag:s14] =	ssyncset.done $0x0  }
0x15: {  	[sflag:s14] =	ssyncadd.s32 $0xFFFFFD80  }
0x16: {  	[tilespmem:s15], [sflag:$0x2] =	stream.linear.gather [hbm4b:s4+s3], $0x1000, $0x38;
	[tilespmem:$0xC400] =	vst v63  }
0x17: {  	_ =	swait.ge [sflag:s14], $0x1000  }
0x18: {  	[sflag:s14] =	ssyncset.done $0x0  }
0x19: {  	[sflag:s14] =	ssyncadd.s32 $0xFFFFF000  }
0x1a: {  	[bflag:$0x0] =	sbarrier.arrive $0xFFFF  }
0x1b: {  	[tilespmem:s3], [sflag:$0x2] =	stream.linear.gather [hbm4b:s7+s3], $0x2710, $0x38;
	[tilespmem:$0xC400] =	vst v63  }
0x1c: {  	_ =	swait.ge [sflag:s14], $0x2710  }
0x1d: {  	[sflag:s14] =	ssyncset.done $0x0  }
0x1e: {  	[sflag:s14] =	ssyncadd.s32 $0xFFFFD8F0  }
0x1f: {  	[tilespmem:s16], [sflag:$0x2] =	stream.linear.gather [hbm4b:s8+s3], $0x2710, $0x38;
	[tilespmem:$0xC400] =	vst v63  }
0x20: {  	s22 =	simm.s32 $0x1F0;
	_ =	swait.ge [sflag:s14], $0x2710  }
0x21: {  	s23 =	simm.s32 $0x7900;
	s24 =	simm.s32 $0x2900;
	[sflag:s14] =	ssyncset.done $0x0  }
0x22: {  	s25 =	simm.s32 $0x100;
	s26 =	simm.s32 $0x5000;
	[sflag:s14] =	ssyncadd.s32 $0xFFFFD8F0  }
.LBB2_2:
0x23: {  	v0 =	vld [tilespmem:s25+$0xFFFFFF00]  }
0x24: {  	v1 =	vld [tilespmem:s24+$0xFFFFFF00];
	_ =	sdelay $0x4  }
0x25: {  	vm1 =	veq.s32 v0, v1  }
0x26: {  	v0 =	vsel vm1, $0x2710, v0  }
0x27: {  	[tilespmem:s26+$0x0] =	vst v0  }
0x28: {  	[tilespmem:s23+$0xFFFFFF00] =	vst v1  }
0x29: {  	v0 =	vld [tilespmem:s25+$0xFFFFFF10]  }
0x2a: {  	v1 =	vld [tilespmem:s24+$0xFFFFFF10];
	_ =	sdelay $0x4  }
0x2b: {  	vm1 =	veq.s32 v0, v1  }
0x2c: {  	v0 =	vsel vm1, $0x2710, v0  }
0x2d: {  	[tilespmem:s26+$0x10] =	vst v0  }
0x2e: {  	[tilespmem:s23+$0xFFFFFF10] =	vst v1  }
0x2f: {  	v0 =	vld [tilespmem:s25+$0xFFFFFF20]  }
0x30: {  	v1 =	vld [tilespmem:s24+$0xFFFFFF20];
	_ =	sdelay $0x4  }
0x31: {  	vm1 =	veq.s32 v0, v1  }
0x32: {  	v0 =	vsel vm1, $0x2710, v0  }
0x33: {  	[tilespmem:s26+$0x20] =	vst v0  }
0x34: {  	[tilespmem:s23+$0xFFFFFF20] =	vst v1  }
0x35: {  	v0 =	vld [tilespmem:s25+$0xFFFFFF30]  }
0x36: {  	v1 =	vld [tilespmem:s24+$0xFFFFFF30];
	_ =	sdelay $0x4  }
0x37: {  	vm1 =	veq.s32 v0, v1  }
0x38: {  	v0 =	vsel vm1, $0x2710, v0  }
0x39: {  	[tilespmem:s26+$0x30] =	vst v0  }
0x3a: {  	[tilespmem:s23+$0xFFFFFF30] =	vst v1  }
0x3b: {  	v0 =	vld [tilespmem:s25+$0xFFFFFF40]  }
0x3c: {  	v1 =	vld [tilespmem:s24+$0xFFFFFF40];
	_ =	sdelay $0x4  }
0x3d: {  	vm1 =	veq.s32 v0, v1  }
0x3e: {  	v0 =	vsel vm1, $0x2710, v0  }
0x3f: {  	[tilespmem:s26+$0x40] =	vst v0  }
0x40: {  	[tilespmem:s23+$0xFFFFFF40] =	vst v1  }
0x41: {  	v0 =	vld [tilespmem:s25+$0xFFFFFF50]  }
0x42: {  	v1 =	vld [tilespmem:s24+$0xFFFFFF50];
	_ =	sdelay $0x4  }
0x43: {  	vm1 =	veq.s32 v0, v1  }
0x44: {  	v0 =	vsel vm1, $0x2710, v0  }
0x45: {  	[tilespmem:s26+$0x50] =	vst v0  }
0x46: {  	[tilespmem:s23+$0xFFFFFF50] =	vst v1  }
0x47: {  	v0 =	vld [tilespmem:s25+$0xFFFFFF60]  }
0x48: {  	v1 =	vld [tilespmem:s24+$0xFFFFFF60];
	_ =	sdelay $0x4  }
0x49: {  	vm1 =	veq.s32 v0, v1  }
0x4a: {  	v0 =	vsel vm1, $0x2710, v0  }
0x4b: {  	[tilespmem:s26+$0x60] =	vst v0  }
0x4c: {  	[tilespmem:s23+$0xFFFFFF60] =	vst v1  }
0x4d: {  	v0 =	vld [tilespmem:s25+$0xFFFFFF70]  }
0x4e: {  	v1 =	vld [tilespmem:s24+$0xFFFFFF70];
	_ =	sdelay $0x4  }
0x4f: {  	vm1 =	veq.s32 v0, v1  }
0x50: {  	v0 =	vsel vm1, $0x2710, v0  }
0x51: {  	[tilespmem:s26+$0x70] =	vst v0  }
0x52: {  	[tilespmem:s23+$0xFFFFFF70] =	vst v1  }
0x53: {  	v0 =	vld [tilespmem:s25+$0xFFFFFF80]  }
0x54: {  	v1 =	vld [tilespmem:s24+$0xFFFFFF80];
	_ =	sdelay $0x4  }
0x55: {  	vm1 =	veq.s32 v0, v1  }
0x56: {  	v0 =	vsel vm1, $0x2710, v0  }
0x57: {  	[tilespmem:s26+$0x80] =	vst v0  }
0x58: {  	[tilespmem:s23+$0xFFFFFF80] =	vst v1  }
0x59: {  	v0 =	vld [tilespmem:s25+$0xFFFFFF90]  }
0x5a: {  	v1 =	vld [tilespmem:s24+$0xFFFFFF90];
	_ =	sdelay $0x4  }
0x5b: {  	vm1 =	veq.s32 v0, v1  }
0x5c: {  	v0 =	vsel vm1, $0x2710, v0  }
0x5d: {  	[tilespmem:s26+$0x90] =	vst v0  }
0x5e: {  	[tilespmem:s23+$0xFFFFFF90] =	vst v1  }
0x5f: {  	v0 =	vld [tilespmem:s25+$0xFFFFFFA0]  }
0x60: {  	v1 =	vld [tilespmem:s24+$0xFFFFFFA0];
	_ =	sdelay $0x4  }
0x61: {  	vm1 =	veq.s32 v0, v1  }
0x62: {  	v0 =	vsel vm1, $0x2710, v0  }
0x63: {  	[tilespmem:s26+$0xA0] =	vst v0  }
0x64: {  	[tilespmem:s23+$0xFFFFFFA0] =	vst v1  }
0x65: {  	v0 =	vld [tilespmem:s25+$0xFFFFFFB0]  }
0x66: {  	v1 =	vld [tilespmem:s24+$0xFFFFFFB0];
	_ =	sdelay $0x4  }
0x67: {  	vm1 =	veq.s32 v0, v1  }
0x68: {  	v0 =	vsel vm1, $0x2710, v0  }
0x69: {  	[tilespmem:s26+$0xB0] =	vst v0  }
0x6a: {  	[tilespmem:s23+$0xFFFFFFB0] =	vst v1  }
0x6b: {  	v0 =	vld [tilespmem:s25+$0xFFFFFFC0]  }
0x6c: {  	v1 =	vld [tilespmem:s24+$0xFFFFFFC0];
	_ =	sdelay $0x4  }
0x6d: {  	vm1 =	veq.s32 v0, v1  }
0x6e: {  	v0 =	vsel vm1, $0x2710, v0  }
0x6f: {  	[tilespmem:s26+$0xC0] =	vst v0  }
0x70: {  	[tilespmem:s23+$0xFFFFFFC0] =	vst v1  }
0x71: {  	v0 =	vld [tilespmem:s25+$0xFFFFFFD0]  }
0x72: {  	v1 =	vld [tilespmem:s24+$0xFFFFFFD0];
	_ =	sdelay $0x4  }
0x73: {  	vm1 =	veq.s32 v0, v1  }
0x74: {  	v0 =	vsel vm1, $0x2710, v0  }
0x75: {  	[tilespmem:s26+$0xD0] =	vst v0  }
0x76: {  	[tilespmem:s23+$0xFFFFFFD0] =	vst v1  }
0x77: {  	v0 =	vld [tilespmem:s25+$0xFFFFFFE0]  }
0x78: {  	v1 =	vld [tilespmem:s24+$0xFFFFFFE0];
	_ =	sdelay $0x4  }
0x79: {  	vm1 =	veq.s32 v0, v1  }
0x7a: {  	v0 =	vsel vm1, $0x2710, v0  }
0x7b: {  	[tilespmem:s26+$0xE0] =	vst v0  }
0x7c: {  	[tilespmem:s23+$0xFFFFFFE0] =	vst v1  }
0x7d: {  	v0 =	vld [tilespmem:s25+$0xFFFFFFF0]  }
0x7e: {  	v1 =	vld [tilespmem:s24+$0xFFFFFFF0];
	_ =	sdelay $0x4  }
0x7f: {  	vm1 =	veq.s32 v0, v1  }
0x80: {  	v0 =	vsel vm1, $0x2710, v0  }
0x81: {  	[tilespmem:s26+$0xF0] =	vst v0  }
0x82: {  	[tilespmem:s23+$0xFFFFFFF0] =	vst v1  }
0x83: {  	v0 =	vld [tilespmem:s25+$0x0]  }
0x84: {  	v1 =	vld [tilespmem:s24+$0x0];
	_ =	sdelay $0x2  }
0x85: {  	s28 =	sadd.s32 $0xFFFFFF10, s22  }
0x86: {  	p0 =	slt.u32 s28, $0x2710;
	vm1 =	vmmov vm0  }
0x87: {  	vm1 =	vmneg @p0 vm1;
	vm2 =	vne.s32 v0, v1  }
0x88: {  	vm1 =	vmand vm1, vm2  }
0x89: {  	v0 =	vnsel vm1, $0x2710, v0  }
0x8a: {  	v1 =	vpsel !p0, $0x2710, v1;
	[tilespmem:s26+$0x100] =	vst v0  }
0x8b: {  	[tilespmem:s23+$0x0] =	vst v1  }
0x8c: {  	v0 =	vld [tilespmem:s25+$0x10]  }
0x8d: {  	v1 =	vld [tilespmem:s24+$0x10];
	_ =	sdelay $0x2  }
0x8e: {  	s30 =	sadd.s32 $0xFFFFFF20, s22  }
0x8f: {  	p0 =	slt.u32 s30, $0x2710;
	vm1 =	vmmov vm0  }
0x90: {  	vm1 =	vmneg @p0 vm1;
	vm2 =	vne.s32 v0, v1  }
0x91: {  	vm1 =	vmand vm1, vm2  }
0x92: {  	v0 =	vnsel vm1, $0x2710, v0  }
0x93: {  	v1 =	vpsel !p0, $0x2710, v1;
	[tilespmem:s26+$0x110] =	vst v0  }
0x94: {  	[tilespmem:s23+$0x10] =	vst v1  }
0x95: {  	v0 =	vld [tilespmem:s25+$0x20]  }
0x96: {  	v1 =	vld [tilespmem:s24+$0x20];
	_ =	sdelay $0x2  }
0x97: {  	s31 =	sadd.s32 $0xFFFFFF30, s22  }
0x98: {  	p0 =	slt.u32 s31, $0x2710;
	vm1 =	vmmov vm0  }
0x99: {  	vm1 =	vmneg @p0 vm1;
	vm2 =	vne.s32 v0, v1  }
0x9a: {  	vm1 =	vmand vm1, vm2  }
0x9b: {  	v0 =	vnsel vm1, $0x2710, v0  }
0x9c: {  	v1 =	vpsel !p0, $0x2710, v1;
	[tilespmem:s26+$0x120] =	vst v0  }
0x9d: {  	[tilespmem:s23+$0x20] =	vst v1  }
0x9e: {  	v0 =	vld [tilespmem:s25+$0x30]  }
0x9f: {  	v1 =	vld [tilespmem:s24+$0x30];
	_ =	sdelay $0x2  }
0xa0: {  	s29 =	sadd.s32 $0xFFFFFF40, s22  }
0xa1: {  	p0 =	slt.u32 s29, $0x2710;
	vm1 =	vmmov vm0  }
0xa2: {  	vm1 =	vmneg @p0 vm1;
	vm2 =	vne.s32 v0, v1  }
0xa3: {  	vm1 =	vmand vm1, vm2  }
0xa4: {  	v0 =	vnsel vm1, $0x2710, v0  }
0xa5: {  	v1 =	vpsel !p0, $0x2710, v1;
	[tilespmem:s26+$0x130] =	vst v0  }
0xa6: {  	[tilespmem:s23+$0x30] =	vst v1  }
0xa7: {  	v0 =	vld [tilespmem:s25+$0x40]  }
0xa8: {  	v1 =	vld [tilespmem:s24+$0x40];
	_ =	sdelay $0x2  }
0xa9: {  	s30 =	sadd.s32 $0xFFFFFF50, s22  }
0xaa: {  	p0 =	slt.u32 s30, $0x2710;
	vm1 =	vmmov vm0  }
0xab: {  	vm1 =	vmneg @p0 vm1;
	vm2 =	vne.s32 v0, v1  }
0xac: {  	vm1 =	vmand vm1, vm2  }
0xad: {  	v0 =	vnsel vm1, $0x2710, v0  }
0xae: {  	v1 =	vpsel !p0, $0x2710, v1;
	[tilespmem:s26+$0x140] =	vst v0  }
0xaf: {  	[tilespmem:s23+$0x40] =	vst v1  }
0xb0: {  	v0 =	vld [tilespmem:s25+$0x50]  }
0xb1: {  	v1 =	vld [tilespmem:s24+$0x50];
	_ =	sdelay $0x2  }
0xb2: {  	s31 =	sadd.s32 $0xFFFFFF60, s22  }
0xb3: {  	p0 =	slt.u32 s31, $0x2710;
	vm1 =	vmmov vm0  }
0xb4: {  	vm1 =	vmneg @p0 vm1;
	vm2 =	vne.s32 v0, v1  }
0xb5: {  	vm1 =	vmand vm1, vm2  }
0xb6: {  	v0 =	vnsel vm1, $0x2710, v0  }
0xb7: {  	v1 =	vpsel !p0, $0x2710, v1;
	[tilespmem:s26+$0x150] =	vst v0  }
0xb8: {  	[tilespmem:s23+$0x50] =	vst v1  }
0xb9: {  	v0 =	vld [tilespmem:s25+$0x60]  }
0xba: {  	v1 =	vld [tilespmem:s24+$0x60];
	_ =	sdelay $0x2  }
0xbb: {  	s29 =	sadd.s32 $0xFFFFFF70, s22  }
0xbc: {  	p0 =	slt.u32 s29, $0x2710;
	vm1 =	vmmov vm0  }
0xbd: {  	vm1 =	vmneg @p0 vm1;
	vm2 =	vne.s32 v0, v1  }
0xbe: {  	vm1 =	vmand vm1, vm2  }
0xbf: {  	v0 =	vnsel vm1, $0x2710, v0  }
0xc0: {  	v1 =	vpsel !p0, $0x2710, v1;
	[tilespmem:s26+$0x160] =	vst v0  }
0xc1: {  	[tilespmem:s23+$0x60] =	vst v1  }
0xc2: {  	v0 =	vld [tilespmem:s25+$0x70]  }
0xc3: {  	v1 =	vld [tilespmem:s24+$0x70];
	_ =	sdelay $0x2  }
0xc4: {  	s30 =	sadd.s32 $0xFFFFFF80, s22  }
0xc5: {  	p0 =	slt.u32 s30, $0x2710;
	vm1 =	vmmov vm0  }
0xc6: {  	vm1 =	vmneg @p0 vm1;
	vm2 =	vne.s32 v0, v1  }
0xc7: {  	vm1 =	vmand vm1, vm2  }
0xc8: {  	v0 =	vnsel vm1, $0x2710, v0  }
0xc9: {  	v1 =	vpsel !p0, $0x2710, v1;
	[tilespmem:s26+$0x170] =	vst v0  }
0xca: {  	[tilespmem:s23+$0x70] =	vst v1  }
0xcb: {  	v0 =	vld [tilespmem:s25+$0x80]  }
0xcc: {  	v1 =	vld [tilespmem:s24+$0x80];
	_ =	sdelay $0x2  }
0xcd: {  	s31 =	sadd.s32 $0xFFFFFF90, s22  }
0xce: {  	p0 =	slt.u32 s31, $0x2710;
	vm1 =	vmmov vm0  }
0xcf: {  	vm1 =	vmneg @p0 vm1;
	vm2 =	vne.s32 v0, v1  }
0xd0: {  	vm1 =	vmand vm1, vm2  }
0xd1: {  	v0 =	vnsel vm1, $0x2710, v0  }
0xd2: {  	v1 =	vpsel !p0, $0x2710, v1;
	[tilespmem:s26+$0x180] =	vst v0  }
0xd3: {  	[tilespmem:s23+$0x80] =	vst v1  }
0xd4: {  	v0 =	vld [tilespmem:s25+$0x90]  }
0xd5: {  	v1 =	vld [tilespmem:s24+$0x90];
	_ =	sdelay $0x2  }
0xd6: {  	s29 =	sadd.s32 $0xFFFFFFA0, s22  }
0xd7: {  	p0 =	slt.u32 s29, $0x2710;
	vm1 =	vmmov vm0  }
0xd8: {  	vm1 =	vmneg @p0 vm1;
	vm2 =	vne.s32 v0, v1  }
0xd9: {  	vm1 =	vmand vm1, vm2  }
0xda: {  	v0 =	vnsel vm1, $0x2710, v0  }
0xdb: {  	v1 =	vpsel !p0, $0x2710, v1;
	[tilespmem:s26+$0x190] =	vst v0  }
0xdc: {  	[tilespmem:s23+$0x90] =	vst v1  }
0xdd: {  	v0 =	vld [tilespmem:s25+$0xA0]  }
0xde: {  	v1 =	vld [tilespmem:s24+$0xA0];
	_ =	sdelay $0x2  }
0xdf: {  	s30 =	sadd.s32 $0xFFFFFFB0, s22  }
0xe0: {  	p0 =	slt.u32 s30, $0x2710;
	vm1 =	vmmov vm0  }
0xe1: {  	vm1 =	vmneg @p0 vm1;
	vm2 =	vne.s32 v0, v1  }
0xe2: {  	vm1 =	vmand vm1, vm2  }
0xe3: {  	v0 =	vnsel vm1, $0x2710, v0  }
0xe4: {  	v1 =	vpsel !p0, $0x2710, v1;
	[tilespmem:s26+$0x1A0] =	vst v0  }
0xe5: {  	[tilespmem:s23+$0xA0] =	vst v1  }
0xe6: {  	v0 =	vld [tilespmem:s25+$0xB0]  }
0xe7: {  	v1 =	vld [tilespmem:s24+$0xB0];
	_ =	sdelay $0x2  }
0xe8: {  	s31 =	sadd.s32 $0xFFFFFFC0, s22  }
0xe9: {  	p0 =	slt.u32 s31, $0x2710;
	vm1 =	vmmov vm0  }
0xea: {  	vm1 =	vmneg @p0 vm1;
	vm2 =	vne.s32 v0, v1  }
0xeb: {  	vm1 =	vmand vm1, vm2  }
0xec: {  	v0 =	vnsel vm1, $0x2710, v0  }
0xed: {  	v1 =	vpsel !p0, $0x2710, v1;
	[tilespmem:s26+$0x1B0] =	vst v0  }
0xee: {  	[tilespmem:s23+$0xB0] =	vst v1  }
0xef: {  	v0 =	vld [tilespmem:s25+$0xC0]  }
0xf0: {  	v1 =	vld [tilespmem:s24+$0xC0];
	_ =	sdelay $0x2  }
0xf1: {  	s29 =	sadd.s32 $0xFFFFFFD0, s22  }
0xf2: {  	p0 =	slt.u32 s29, $0x2710;
	vm1 =	vmmov vm0  }
0xf3: {  	vm1 =	vmneg @p0 vm1;
	vm2 =	vne.s32 v0, v1  }
0xf4: {  	vm1 =	vmand vm1, vm2  }
0xf5: {  	v0 =	vnsel vm1, $0x2710, v0  }
0xf6: {  	v1 =	vpsel !p0, $0x2710, v1;
	[tilespmem:s26+$0x1C0] =	vst v0  }
0xf7: {  	[tilespmem:s23+$0xC0] =	vst v1  }
0xf8: {  	v0 =	vld [tilespmem:s25+$0xD0]  }
0xf9: {  	v1 =	vld [tilespmem:s24+$0xD0];
	_ =	sdelay $0x2  }
0xfa: {  	s30 =	sadd.s32 $0xFFFFFFE0, s22  }
0xfb: {  	p0 =	slt.u32 s30, $0x2710;
	vm1 =	vmmov vm0  }
0xfc: {  	vm1 =	vmneg @p0 vm1;
	vm2 =	vne.s32 v0, v1  }
0xfd: {  	vm1 =	vmand vm1, vm2  }
0xfe: {  	v0 =	vnsel vm1, $0x2710, v0  }
0xff: {  	v1 =	vpsel !p0, $0x2710, v1;
	[tilespmem:s26+$0x1D0] =	vst v0  }
0x100: {  	[tilespmem:s23+$0xD0] =	vst v1  }
0x101: {  	v0 =	vld [tilespmem:s25+$0xE0]  }
0x102: {  	v1 =	vld [tilespmem:s24+$0xE0];
	_ =	sdelay $0x2  }
0x103: {  	s31 =	sadd.s32 $0xFFFFFFF0, s22  }
0x104: {  	p0 =	slt.u32 s31, $0x2710;
	vm1 =	vmmov vm0  }
0x105: {  	vm1 =	vmneg @p0 vm1;
	vm2 =	vne.s32 v0, v1  }
0x106: {  	vm1 =	vmand vm1, vm2  }
0x107: {  	v0 =	vnsel vm1, $0x2710, v0  }
0x108: {  	v1 =	vpsel !p0, $0x2710, v1;
	[tilespmem:s26+$0x1E0] =	vst v0  }
0x109: {  	[tilespmem:s23+$0xE0] =	vst v1  }
0x10a: {  	v0 =	vld [tilespmem:s25+$0xF0]  }
0x10b: {  	v1 =	vld [tilespmem:s24+$0xF0];
	_ =	sdelay $0x3  }
0x10c: {  	p0 =	slt.u32 s22, $0x2710;
	vm1 =	vmmov vm0  }
0x10d: {  	vm1 =	vmneg @p0 vm1;
	vm2 =	vne.s32 v0, v1  }
0x10e: {  	v1 =	vpsel !p0, $0x2710, v1;
	p0 =	sne.s32 s22, $0x27F0;
	vm1 =	vmand vm1, vm2  }
.Ltmp0:
0x10f: {  	v0 =	vnsel vm1, $0x2710, v0;
	(pc) =	sbr.rel @p0 .LBB2_2-.Ltmp0, $4  }
0x110: {  	[tilespmem:s26+$0x1F0] =	vst v0  }
0x111: {  	s24 =	sadd.s32 $0x200, s24;
	s25 =	sadd.s32 $0x200, s25;
	[tilespmem:s23+$0xF0] =	vst v1  }
0x112: {  	[spmem:s2] =	stream.indirect.scatter.add.f32 [tilespmem:s15], [sflag:$0x1], $0x8, s26, s17, $0xb8;
	[tilespmem:$0xC400] =	vst v63  }
0x113: {  	s22 =	sadd.s32 $0x200, s22;
	s23 =	sadd.s32 $0x200, s23;
	s26 =	sadd.s32 $0x200, s26  }
0x114: {  	[hbm4b:s9+s3] =	stream.linear.scatter [tilespmem:s18], [sflag:$0x2], $0x2800, $0x38;
	[tilespmem:$0xC400] =	vst v63  }
0x115: {  	_ =	swait.ge [sflag:s14], $0x2800  }
0x116: {  	[sflag:s14] =	ssyncset.done $0x0  }
0x117: {  	[sflag:s14] =	ssyncadd.s32 $0xFFFFD800  }
0x118: {  	[hbm4b:s10+s3] =	stream.linear.scatter [tilespmem:s19], [sflag:$0x2], $0x2800, $0x38;
	[tilespmem:$0xC400] =	vst v63  }
0x119: {  	_ =	swait.ge [sflag:s14], $0x2800  }
0x11a: {  	[sflag:s14] =	ssyncset.done $0x0  }
0x11b: {  	[sflag:s14] =	ssyncadd.s32 $0xFFFFD800  }
0x11c: {  	_ =	swait.ge [sflag:s20], $0x1000  }
0x11d: {  	[sflag:s20] =	ssyncset.done $0x0  }
0x11e: {  	[sflag:s20] =	ssyncadd.s32 $0xFFFFF000  }
0x11f: {  	_ =	swait.ge [sflag:s20], $0x1000  }
0x120: {  	[sflag:s20] =	ssyncset.done $0x0  }
0x121: {  	[sflag:s20] =	ssyncadd.s32 $0xFFFFF000  }
0x122: {  	_ =	swait.ge [sflag:s20], $0x1000  }
0x123: {  	[sflag:s20] =	ssyncset.done $0x0  }
0x124: {  	[sflag:s20] =	ssyncadd.s32 $0xFFFFF000  }
0x125: {  	_ =	swait.ge [sflag:s20], $0x1000  }
0x126: {  	[sflag:s20] =	ssyncset.done $0x0  }
0x127: {  	[sflag:s20] =	ssyncadd.s32 $0xFFFFF000  }
0x128: {  	_ =	swait.ge [sflag:s20], $0x1000  }
0x129: {  	[sflag:s20] =	ssyncset.done $0x0  }
0x12a: {  	[sflag:s20] =	ssyncadd.s32 $0xFFFFF000  }
0x12b: {  	_ =	swait.ge [sflag:s20], $0x1000  }
0x12c: {  	[sflag:s20] =	ssyncset.done $0x0  }
0x12d: {  	[sflag:s20] =	ssyncadd.s32 $0xFFFFF000  }
0x12e: {  	_ =	swait.ge [sflag:s20], $0x1000  }
0x12f: {  	[sflag:s20] =	ssyncset.done $0x0  }
0x130: {  	[sflag:s20] =	ssyncadd.s32 $0xFFFFF000  }
0x131: {  	_ =	swait.ge [sflag:s20], $0x1000  }
0x132: {  	[sflag:s20] =	ssyncset.done $0x0  }
0x133: {  	[sflag:s20] =	ssyncadd.s32 $0xFFFFF000  }
0x134: {  	_ =	swait.ge [sflag:s20], $0x1000  }
0x135: {  	[sflag:s20] =	ssyncset.done $0x0  }
0x136: {  	[sflag:s20] =	ssyncadd.s32 $0xFFFFF000  }
0x137: {  	_ =	swait.ge [sflag:s20], $0x1000  }
0x138: {  	[sflag:s20] =	ssyncset.done $0x0  }
0x139: {  	[sflag:s20] =	ssyncadd.s32 $0xFFFFF000  }
0x13a: {  	_ =	swait.ge [sflag:s20], $0x1000  }
0x13b: {  	[sflag:s20] =	ssyncset.done $0x0  }
0x13c: {  	[sflag:s20] =	ssyncadd.s32 $0xFFFFF000  }
0x13d: {  	_ =	swait.ge [sflag:s20], $0x1000  }
0x13e: {  	[sflag:s20] =	ssyncset.done $0x0  }
0x13f: {  	[sflag:s20] =	ssyncadd.s32 $0xFFFFF000  }
0x140: {  	_ =	swait.ge [sflag:s20], $0x1000  }
0x141: {  	[sflag:s20] =	ssyncset.done $0x0  }
0x142: {  	[sflag:s20] =	ssyncadd.s32 $0xFFFFF000  }
0x143: {  	_ =	swait.ge [sflag:s20], $0x1000  }
0x144: {  	[sflag:s20] =	ssyncset.done $0x0  }
0x145: {  	[sflag:s20] =	ssyncadd.s32 $0xFFFFF000  }
0x146: {  	_ =	swait.ge [sflag:s20], $0x1000  }
0x147: {  	[sflag:s20] =	ssyncset.done $0x0  }
0x148: {  	[sflag:s20] =	ssyncadd.s32 $0xFFFFF000  }
0x149: {  	_ =	swait.ge [sflag:s20], $0x1000  }
0x14a: {  	[sflag:s20] =	ssyncset.done $0x0  }
0x14b: {  	[sflag:s20] =	ssyncadd.s32 $0xFFFFF000  }
0x14c: {  	_ =	swait.ge [sflag:s20], $0x1000  }
0x14d: {  	[sflag:s20] =	ssyncset.done $0x0  }
0x14e: {  	[sflag:s20] =	ssyncadd.s32 $0xFFFFF000  }
0x14f: {  	_ =	swait.ge [sflag:s20], $0x1000  }
0x150: {  	[sflag:s20] =	ssyncset.done $0x0  }
0x151: {  	[sflag:s20] =	ssyncadd.s32 $0xFFFFF000  }
0x152: {  	_ =	swait.ge [sflag:s20], $0x1000  }
0x153: {  	[sflag:s20] =	ssyncset.done $0x0  }
0x154: {  	[sflag:s20] =	ssyncadd.s32 $0xFFFFF000  }
0x155: {  	_ =	swait.ge [sflag:s20], $0x1000  }
0x156: {  	s21 =	sadd.s32 $0x1, s21;
	[sflag:s20] =	ssyncset.done $0x0  }
0x157: {  	p0 =	sne.s32 s21, s12;
	[sflag:s20] =	ssyncadd.s32 $0xFFFFF000  }
.Ltmp1:
0x158: {  	[bflag:$0x0] =	sbarrier.arrive $0xFFFF;
	(pc) =	sbr.rel @p0 .LBB2_1-.Ltmp1, $4  }
0x159: {  	[hbm:s11], [sflag:s6] =	dma.local [spmem:s13], $0x280  }
0x15a: {  	_ =	swait.ge [sflag:s14], $0x280  }
0x15b: {  	[sflag:s14] =	ssyncset.done $0x0  }
0x15c: {  	[sflag:s14] =	ssyncadd.s32 $0xFFFFFD80  }
0x15d: {  	_ =	sfence.sel $0x180000  }
0x15e: {  	[bflag:$0x0] =	sbarrier.arrive $0xFFFF  }
0x15f: {  	p0 =	sne.s32 s1, $0x0;
	_ =	strace $0x90000047  }
0x160: {  	s0 =	sadd.s32 @!p0 $0x100000, s0;
	[bflag:$0x2] =	sbarrier.arrive $0xFFFF  }
0x161: {  	[sflag:s0] =	ssyncadd.tile.s32 @!p0 $0x1;
	_ =	shalt  }
.Lfunc_end2:
_tile_overlayer_lowered:
.L_overlay_start_2:
0x162: {  	(tag) =	ssettag $0x2  }
0x163: {  	s0 =	rddreg [dreg:$0x0];
	s2 =	stileid.u32  }
0x164: {  	s1 =	rddreg [dreg:$0x1];
	p0 =	sne.s32 s2, $0x0  }
0x165: {  	s3 =	rddreg [dreg:$0x2];
	[bflag:$0x3] =	sbarrier.arrive $0xFFFF;
	s2 =	simm.s32 @!p0 $0x1C02  }
0x166: {  	[timem:s3], [sflag:s2] =	dma.local @!p0 [hbm:s0], s1  }
0x167: {  	s0 =	simm.s32 @!p0 $0x2  }
0x168: {  	_ =	swait.ge @!p0 [sflag:s0], s1  }
0x169: {  	s1 =	ssub.s32 @!p0 $0x0, s1;
	[sflag:s0] =	ssyncset.done @!p0 $0x0  }
0x16a: {  	[sflag:s0] =	ssyncadd.s32 @!p0 s1  }
0x16b: {  	[bflag:$0x3] =	sbarrier.arrive $0xFFFF  }
0x16c: {  	_ =	shalt  }

</sc_bundles>
